<compile_context>
chip_gen: v7x
topology: tpu7x:2x2x1
jax: 0.10.2.dev20260603
libtpu: 0.0.44.dev20260713+nightly
codegen_flags: <defaults>
</compile_context>

<pallas_src>
import functools

import jax
import jax.numpy as jnp
from jax import lax
from jax.experimental import pallas as pl
from jax.experimental.pallas import tpu as pltpu
from jax.experimental.pallas import tpu_sc as plsc

N_NODES = 10000
HIDDEN = 128
N_EDGES = 320000

NC = 2
NS = 16
NW = NC * NS
CHUNK = 128
K = 80
SB = 5
KSB = K // SB
E_PAD = NW * K * CHUNK
ACC = 10240
ROWS_PER_TILE = ACC // NS
DUMMY_DST = N_NODES

_mesh = plsc.VectorSubcoreMesh(core_axis_name="c", subcore_axis_name="s")


def _make_sc_agg():
    out_type = (jax.ShapeDtypeStruct((NC, ACC, HIDDEN), jnp.float32),
                jax.ShapeDtypeStruct((NC, ACC), jnp.float32))

    scratch = [
        pltpu.VMEM((KSB, CHUNK), jnp.int32),
        pltpu.VMEM((KSB, CHUNK), jnp.int32),
        pltpu.VMEM((2, CHUNK, HIDDEN), jnp.float32),
        pltpu.VMEM((CHUNK,), jnp.float32),
        pltpu.VMEM_SHARED((ACC, HIDDEN), jnp.float32),
        pltpu.VMEM_SHARED((ACC,), jnp.float32),
        pltpu.SemaphoreType.DMA,
        pltpu.SemaphoreType.DMA,
        pltpu.SemaphoreType.DMA,
        pltpu.SemaphoreType.DMA,
        pltpu.SemaphoreType.DMA,
    ]

    @functools.partial(
        pl.kernel,
        out_type=out_type,
        mesh=_mesh,
        scratch_types=scratch,
    )
    def sc_agg(y_hbm, src_hbm, dst_hbm, out_hbm, deg_hbm,
               src_v, dst_v, rows_v, ones_v, acc_s, deg_s,
               semg0, semg1, sems0, sems1, semd):

        c = lax.axis_index("c")
        s = lax.axis_index("s")
        wid = s * NC + c

        zeros16 = jnp.zeros((16,), jnp.float32)
        ones16 = jnp.ones((16,), jnp.float32)

        def zrow(r, carry):
            for q in range(HIDDEN // 16):
                rows_v[0, r, pl.ds(q * 16, 16)] = zeros16
            return carry

        lax.fori_loop(0, CHUNK, zrow, 0)
        for q in range(CHUNK // 16):
            ones_v[pl.ds(q * 16, 16)] = ones16

        base = s * ROWS_PER_TILE
        for k5 in range(ROWS_PER_TILE // CHUNK):
            pltpu.sync_copy(rows_v.at[0],
                            acc_s.at[pl.ds(base + k5 * CHUNK, CHUNK)])
            pltpu.sync_copy(rows_v.at[0, 0],
                            deg_s.at[pl.ds(base + k5 * CHUNK, CHUNK)])

        plsc.subcore_barrier()

        def _wait_gather(j, b, sem):
            pltpu.make_async_copy(
                y_hbm.at[src_v.at[j]], rows_v.at[b], sem).wait()

        def _wait_scatter(j, b, sem):
            pltpu.make_async_copy(
                rows_v.at[b], acc_s.at[dst_v.at[j]], sem).wait()

        def _wait_deg(j):
            pltpu.make_async_copy(
                ones_v, deg_s.at[dst_v.at[j]], semd).wait()

        def sb_body(sb, carry):
            pltpu.sync_copy(src_hbm.at[wid, pl.ds(sb * KSB, KSB)], src_v)
            pltpu.sync_copy(dst_hbm.at[wid, pl.ds(sb * KSB, KSB)], dst_v)

            pltpu.async_copy(y_hbm.at[src_v.at[0]], rows_v.at[0], semg0)

            def pair(p, c2):
                j0 = p * 2
                _wait_gather(j0, 0, semg0)
                pltpu.async_copy(rows_v.at[0], acc_s.at[dst_v.at[j0]], sems0,
                                 add=True)
                pltpu.async_copy(ones_v, deg_s.at[dst_v.at[j0]], semd,
                                 add=True)

                @pl.when(p > 0)
                def _():
                    _wait_scatter(j0 - 1, 1, sems1)
                    _wait_deg(j0 - 1)

                pltpu.async_copy(y_hbm.at[src_v.at[j0 + 1]], rows_v.at[1],
                                 semg1)

                _wait_gather(j0 + 1, 1, semg1)
                pltpu.async_copy(rows_v.at[1], acc_s.at[dst_v.at[j0 + 1]],
                                 sems1, add=True)
                pltpu.async_copy(ones_v, deg_s.at[dst_v.at[j0 + 1]], semd,
                                 add=True)
                _wait_scatter(j0, 0, sems0)
                _wait_deg(j0)

                @pl.when(p < KSB // 2 - 1)
                def _():
                    pltpu.async_copy(y_hbm.at[src_v.at[j0 + 2]], rows_v.at[0],
                                     semg0)

                return c2

            lax.fori_loop(0, KSB // 2, pair, 0)
            _wait_scatter(KSB - 1, 1, sems1)
            _wait_deg(KSB - 1)
            return carry

        lax.fori_loop(0, SB, sb_body, 0)

        plsc.subcore_barrier()

        pltpu.sync_copy(acc_s.at[pl.ds(base, ROWS_PER_TILE)],
                        out_hbm.at[c, pl.ds(base, ROWS_PER_TILE)])
        pltpu.sync_copy(deg_s.at[pl.ds(base, ROWS_PER_TILE)],
                        deg_hbm.at[c, pl.ds(base, ROWS_PER_TILE)])

    return sc_agg


_sc_agg = _make_sc_agg()

BLK = 2000
_DN = (((1,), (1,)), ((), ()))


def _mm2_body(x_ref, wl_ref, wr_ref, y_ref, z_ref):
    x = x_ref[...]
    y_ref[...] = lax.dot_general(x, wl_ref[...], _DN,
                                 preferred_element_type=jnp.float32)
    z_ref[...] = lax.dot_general(x, wr_ref[...], _DN,
                                 preferred_element_type=jnp.float32)


def _mid_body(aggp_ref, degp_ref, z1_ref, b1_ref, wl2_ref, wr2_ref,
              y2_ref, z2_ref):
    p = aggp_ref[0] + aggp_ref[1]
    deg = degp_ref[0, :, 0] + degp_ref[1, :, 0]
    rdeg = 1.0 / jnp.maximum(deg, 1.0)
    x1 = jnp.maximum(p * rdeg[:, None] + b1_ref[...][None, :] + z1_ref[...],
                     0.0)
    y2_ref[...] = lax.dot_general(x1, wl2_ref[...], _DN,
                                  preferred_element_type=jnp.float32)
    z2_ref[...] = lax.dot_general(x1, wr2_ref[...], _DN,
                                  preferred_element_type=jnp.float32)


def _fin_body(aggp_ref, degp_ref, z2_ref, b2_ref, out_ref):
    p = aggp_ref[0] + aggp_ref[1]
    deg = degp_ref[0, :, 0] + degp_ref[1, :, 0]
    rdeg = 1.0 / jnp.maximum(deg, 1.0)
    out_ref[...] = p * rdeg[:, None] + b2_ref[...][None, :] + z2_ref[...]


_w_spec = pl.BlockSpec((HIDDEN, HIDDEN), lambda i: (0, 0))
_b_spec = pl.BlockSpec((HIDDEN,), lambda i: (0,))
_row_spec = pl.BlockSpec((BLK, HIDDEN), lambda i: (i, 0))
_aggp_spec = pl.BlockSpec((NC, BLK, HIDDEN), lambda i: (0, i, 0))
_degp_spec = pl.BlockSpec((NC, BLK, 1), lambda i: (0, i, 0))
_row_shape = jax.ShapeDtypeStruct((N_NODES, HIDDEN), jnp.float32)

_mm2 = pl.pallas_call(
    _mm2_body,
    grid=(N_NODES // BLK,),
    in_specs=[_row_spec, _w_spec, _w_spec],
    out_specs=[_row_spec, _row_spec],
    out_shape=[_row_shape, _row_shape],
)

_mid = pl.pallas_call(
    _mid_body,
    grid=(N_NODES // BLK,),
    in_specs=[_aggp_spec, _degp_spec, _row_spec, _b_spec, _w_spec, _w_spec],
    out_specs=[_row_spec, _row_spec],
    out_shape=[_row_shape, _row_shape],
)

_fin = pl.pallas_call(
    _fin_body,
    grid=(N_NODES // BLK,),
    in_specs=[_aggp_spec, _degp_spec, _row_spec, _b_spec],
    out_specs=_row_spec,
    out_shape=_row_shape,
)


def kernel(edge_index, node_emb, Wl1, Wr1, b1, Wl2, Wr2, b2):
    pad = E_PAD - N_EDGES
    src = jnp.concatenate(
        [edge_index[0], jnp.zeros((pad,), jnp.int32)]).reshape(NW, K, CHUNK)
    dst = jnp.concatenate(
        [edge_index[1],
         jnp.full((pad,), DUMMY_DST, jnp.int32)]).reshape(NW, K, CHUNK)

    y1, z1 = _mm2(node_emb, Wl1, Wr1)
    aggp1, degp = _sc_agg(y1, src, dst)
    degp = degp.reshape(NC, ACC, 1)
    y2, z2 = _mid(aggp1, degp, z1, b1, Wl2, Wr2)
    aggp2, _unused_deg = _sc_agg(y2, src, dst)
    return _fin(aggp2, degp, z2, b2)

# --- scband reference (transcript-rebuilt; emitter-appended) ---
"""Pipeline reference for scband-gnn-29695403884613 (READ-ONLY COPY).

The authoritative reference and input builder live on the scoring server;
editing this copy changes nothing except your own understanding.
"""

import jax, jax.numpy as jnp
import numpy as np

N_NODES = 10000
HIDDEN = 128
N_EDGES = 320000


def setup_inputs(seed: int = 0) -> dict:
    key = jax.random.key(seed)
    ks = jax.random.split(key, 8)
    edge_index = jax.random.randint(ks[0], (2, N_EDGES), 0, N_NODES, dtype=jnp.int64 if jax.config.jax_enable_x64 else jnp.int32).astype(jnp.int32)
    node_emb = jax.random.normal(ks[1], (N_NODES, HIDDEN), dtype=jnp.float32)
    s = 1.0 / np.sqrt(HIDDEN)
    Wl1 = jax.random.uniform(ks[2], (HIDDEN, HIDDEN), minval=-s, maxval=s, dtype=jnp.float32)
    Wr1 = jax.random.uniform(ks[3], (HIDDEN, HIDDEN), minval=-s, maxval=s, dtype=jnp.float32)
    b1 = jnp.zeros((HIDDEN,), dtype=jnp.float32)
    Wl2 = jax.random.uniform(ks[4], (HIDDEN, HIDDEN), minval=-s, maxval=s, dtype=jnp.float32)
    Wr2 = jax.random.uniform(ks[5], (HIDDEN, HIDDEN), minval=-s, maxval=s, dtype=jnp.float32)
    b2 = jnp.zeros((HIDDEN,), dtype=jnp.float32)
    return {"edge_index": edge_index, "node_emb": node_emb, "Wl1": Wl1, "Wr1": Wr1, "b1": b1, "Wl2": Wl2, "Wr2": Wr2, "b2": b2}


def _sage_conv(x, edge_index, Wl, Wr, b):
    # PyG SAGEConv with mean aggregation: out = lin_l(mean_agg(x_j)) + lin_r(x_i)
    src = edge_index[0]
    dst = edge_index[1]
    n = x.shape[0]
    msgs = jnp.take(x, src, axis=0)
    agg = jax.ops.segment_sum(msgs, dst, num_segments=n)
    deg = jax.ops.segment_sum(jnp.ones((src.shape[0],), dtype=x.dtype), dst, num_segments=n)
    mean = agg / jnp.clip(deg, 1.0)[:, None]
    return mean @ Wl.T + b + x @ Wr.T


def reference(edge_index, node_emb, Wl1, Wr1, b1, Wl2, Wr2, b2):
    x = node_emb
    x = _sage_conv(x, edge_index, Wl1, Wr1, b1)
    x = jax.nn.relu(x)
    x = _sage_conv(x, edge_index, Wl2, Wr2, b2)
    return x

if __name__ == "__main__":
    import jax
    _d = setup_inputs()
    print(jax.jit(kernel)(*tuple(_d.values())))

</pallas_src>

<mosaic_0001>
#map = affine_map<(d0, d1) -> (0, 0)>
#map1 = affine_map<(d0, d1) -> (0, 0, 0)>
module attributes {stable_mosaic.version = 14 : i64} {
  func.func @sc_agg(%arg0: i32, %arg1: i32, %arg2: memref<10000x128xf32, #tpu.memory_space<hbm>>, %arg3: memref<32x80x128xi32, #tpu.memory_space<hbm>>, %arg4: memref<32x80x128xi32, #tpu.memory_space<hbm>>, %arg5: memref<2x10240x128xf32, #tpu.memory_space<hbm>>, %arg6: memref<2x10240xf32, #tpu.memory_space<hbm>>, %arg7: memref<16x128xi32, #tpu.memory_space<vmem>>, %arg8: memref<16x128xi32, #tpu.memory_space<vmem>>, %arg9: memref<2x128x128xf32, #tpu.memory_space<vmem>>, %arg10: memref<128xf32, #tpu.memory_space<vmem>>, %arg11: memref<10240x128xf32, #tpu.memory_space<vmem_shared>>, %arg12: memref<10240xf32, #tpu.memory_space<vmem_shared>>, %arg13: memref<!tpu.dma_semaphore, #tpu.memory_space<semaphore_mem>>, %arg14: memref<!tpu.dma_semaphore, #tpu.memory_space<semaphore_mem>>, %arg15: memref<!tpu.dma_semaphore, #tpu.memory_space<semaphore_mem>>, %arg16: memref<!tpu.dma_semaphore, #tpu.memory_space<semaphore_mem>>, %arg17: memref<!tpu.dma_semaphore, #tpu.memory_space<semaphore_mem>>) attributes {dimension_semantics = [#tpu.dimension_semantics<core_parallel>, #tpu.dimension_semantics<subcore_parallel>], iteration_bounds = array<i64: 2, 16>, scalar_prefetch = 0 : i64, scratch_operands = 11 : i64, tpu.core_type = #tpu.core_type<sc_vector_subcore>, window_params = [{transform_indices = #map}, {transform_indices = #map1}, {transform_indices = #map1}, {transform_indices = #map1}, {transform_indices = #map}]} {
    %mul3A = arith.constant 2 : i32
    %mul3A_0 = arith.muli %arg1, %mul3A : i32
    %add3A = arith.addi %mul3A_0, %arg0 : i32
    %broadcast_in_dim3A = arith.constant 0.000000e+00 : f32
    %broadcast_in_dim3A_1 = vector.broadcast %broadcast_in_dim3A : f32 to vector<16xf32>
    %broadcast_in_dim3A_2 = arith.constant 1.000000e+00 : f32
    %broadcast_in_dim3A_3 = vector.broadcast %broadcast_in_dim3A_2 : f32 to vector<16xf32>
    %scan3A = arith.constant 0 : i32
    %scan3A_4 = arith.constant 0 : i32
    %scan3A_5 = arith.constant 128 : i32
    %scan3A_6 = arith.addi %scan3A_4, %scan3A_5 : i32
    %scan3A_7 = arith.constant 1 : i32
    scf.for %scan3A_83 = %scan3A_4 to %scan3A_6 step %scan3A_7  : i32 {
      %swap3A_84 = arith.constant 0 : i32
      %swap3A_85 = arith.index_cast %swap3A_84 : i32 to index
      %swap3A_86 = arith.index_cast %scan3A_83 : i32 to index
      %swap3A_87 = arith.constant 0 : index
      %swap3A_88 = tpu.vector_load %arg9[%swap3A_85, %swap3A_86, %swap3A_87] {strides = array<i32>} : memref<2x128x128xf32, #tpu.memory_space<vmem>>, vector<1x1x16xf32>,
      %swap3A_89 = vector.shape_cast %swap3A_88 : vector<1x1x16xf32> to vector<16xf32>
      %swap3A_90 = vector.shape_cast %broadcast_in_dim3A_1 : vector<16xf32> to vector<1x1x16xf32>
      tpu.vector_store %arg9[%swap3A_85, %swap3A_86, %swap3A_87], %swap3A_90 {strides = array<i32>} : memref<2x128x128xf32, #tpu.memory_space<vmem>>, vector<1x1x16xf32>,
      %swap3A_91 = arith.constant 0 : i32
      %swap3A_92 = arith.index_cast %swap3A_91 : i32 to index
      %swap3A_93 = arith.index_cast %scan3A_83 : i32 to index
      %swap3A_94 = arith.constant 16 : index
      %swap3A_95 = tpu.vector_load %arg9[%swap3A_92, %swap3A_93, %swap3A_94] {strides = array<i32>} : memref<2x128x128xf32, #tpu.memory_space<vmem>>, vector<1x1x16xf32>,
      %swap3A_96 = vector.shape_cast %swap3A_95 : vector<1x1x16xf32> to vector<16xf32>
      %swap3A_97 = vector.shape_cast %broadcast_in_dim3A_1 : vector<16xf32> to vector<1x1x16xf32>
      tpu.vector_store %arg9[%swap3A_92, %swap3A_93, %swap3A_94], %swap3A_97 {strides = array<i32>} : memref<2x128x128xf32, #tpu.memory_space<vmem>>, vector<1x1x16xf32>,
      %swap3A_98 = arith.constant 0 : i32
      %swap3A_99 = arith.index_cast %swap3A_98 : i32 to index
      %swap3A_100 = arith.index_cast %scan3A_83 : i32 to index
      %swap3A_101 = arith.constant 32 : index
      %swap3A_102 = tpu.vector_load %arg9[%swap3A_99, %swap3A_100, %swap3A_101] {strides = array<i32>} : memref<2x128x128xf32, #tpu.memory_space<vmem>>, vector<1x1x16xf32>,
      %swap3A_103 = vector.shape_cast %swap3A_102 : vector<1x1x16xf32> to vector<16xf32>
      %swap3A_104 = vector.shape_cast %broadcast_in_dim3A_1 : vector<16xf32> to vector<1x1x16xf32>
      tpu.vector_store %arg9[%swap3A_99, %swap3A_100, %swap3A_101], %swap3A_104 {strides = array<i32>} : memref<2x128x128xf32, #tpu.memory_space<vmem>>, vector<1x1x16xf32>,
      %swap3A_105 = arith.constant 0 : i32
      %swap3A_106 = arith.index_cast %swap3A_105 : i32 to index
      %swap3A_107 = arith.index_cast %scan3A_83 : i32 to index
      %swap3A_108 = arith.constant 48 : index
      %swap3A_109 = tpu.vector_load %arg9[%swap3A_106, %swap3A_107, %swap3A_108] {strides = array<i32>} : memref<2x128x128xf32, #tpu.memory_space<vmem>>, vector<1x1x16xf32>,
      %swap3A_110 = vector.shape_cast %swap3A_109 : vector<1x1x16xf32> to vector<16xf32>
      %swap3A_111 = vector.shape_cast %broadcast_in_dim3A_1 : vector<16xf32> to vector<1x1x16xf32>
      tpu.vector_store %arg9[%swap3A_106, %swap3A_107, %swap3A_108], %swap3A_111 {strides = array<i32>} : memref<2x128x128xf32, #tpu.memory_space<vmem>>, vector<1x1x16xf32>,
      %swap3A_112 = arith.constant 0 : i32
      %swap3A_113 = arith.index_cast %swap3A_112 : i32 to index
      %swap3A_114 = arith.index_cast %scan3A_83 : i32 to index
      %swap3A_115 = arith.constant 64 : index
      %swap3A_116 = tpu.vector_load %arg9[%swap3A_113, %swap3A_114, %swap3A_115] {strides = array<i32>} : memref<2x128x128xf32, #tpu.memory_space<vmem>>, vector<1x1x16xf32>,
      %swap3A_117 = vector.shape_cast %swap3A_116 : vector<1x1x16xf32> to vector<16xf32>
      %swap3A_118 = vector.shape_cast %broadcast_in_dim3A_1 : vector<16xf32> to vector<1x1x16xf32>
      tpu.vector_store %arg9[%swap3A_113, %swap3A_114, %swap3A_115], %swap3A_118 {strides = array<i32>} : memref<2x128x128xf32, #tpu.memory_space<vmem>>, vector<1x1x16xf32>,
      %swap3A_119 = arith.constant 0 : i32
      %swap3A_120 = arith.index_cast %swap3A_119 : i32 to index
      %swap3A_121 = arith.index_cast %scan3A_83 : i32 to index
      %swap3A_122 = arith.constant 80 : index
      %swap3A_123 = tpu.vector_load %arg9[%swap3A_120, %swap3A_121, %swap3A_122] {strides = array<i32>} : memref<2x128x128xf32, #tpu.memory_space<vmem>>, vector<1x1x16xf32>,
      %swap3A_124 = vector.shape_cast %swap3A_123 : vector<1x1x16xf32> to vector<16xf32>
      %swap3A_125 = vector.shape_cast %broadcast_in_dim3A_1 : vector<16xf32> to vector<1x1x16xf32>
      tpu.vector_store %arg9[%swap3A_120, %swap3A_121, %swap3A_122], %swap3A_125 {strides = array<i32>} : memref<2x128x128xf32, #tpu.memory_space<vmem>>, vector<1x1x16xf32>,
      %swap3A_126 = arith.constant 0 : i32
      %swap3A_127 = arith.index_cast %swap3A_126 : i32 to index
      %swap3A_128 = arith.index_cast %scan3A_83 : i32 to index
      %swap3A_129 = arith.constant 96 : index
      %swap3A_130 = tpu.vector_load %arg9[%swap3A_127, %swap3A_128, %swap3A_129] {strides = array<i32>} : memref<2x128x128xf32, #tpu.memory_space<vmem>>, vector<1x1x16xf32>,
      %swap3A_131 = vector.shape_cast %swap3A_130 : vector<1x1x16xf32> to vector<16xf32>
      %swap3A_132 = vector.shape_cast %broadcast_in_dim3A_1 : vector<16xf32> to vector<1x1x16xf32>
      tpu.vector_store %arg9[%swap3A_127, %swap3A_128, %swap3A_129], %swap3A_132 {strides = array<i32>} : memref<2x128x128xf32, #tpu.memory_space<vmem>>, vector<1x1x16xf32>,
      %swap3A_133 = arith.constant 0 : i32
      %swap3A_134 = arith.index_cast %swap3A_133 : i32 to index
      %swap3A_135 = arith.index_cast %scan3A_83 : i32 to index
      %swap3A_136 = arith.constant 112 : index
      %swap3A_137 = tpu.vector_load %arg9[%swap3A_134, %swap3A_135, %swap3A_136] {strides = array<i32>} : memref<2x128x128xf32, #tpu.memory_space<vmem>>, vector<1x1x16xf32>,
      %swap3A_138 = vector.shape_cast %swap3A_137 : vector<1x1x16xf32> to vector<16xf32>
      %swap3A_139 = vector.shape_cast %broadcast_in_dim3A_1 : vector<16xf32> to vector<1x1x16xf32>
      tpu.vector_store %arg9[%swap3A_134, %swap3A_135, %swap3A_136], %swap3A_139 {strides = array<i32>} : memref<2x128x128xf32, #tpu.memory_space<vmem>>, vector<1x1x16xf32>,
    }
    %scan3A_8 = arith.constant 128 : i32
    %swap3A = arith.constant 0 : index
    %swap3A_9 = tpu.vector_load %arg10[%swap3A] {strides = array<i32>} : memref<128xf32, #tpu.memory_space<vmem>>, vector<16xf32>,
    %swap3A_10 = vector.shape_cast %swap3A_9 : vector<16xf32> to vector<16xf32>
    %swap3A_11 = vector.shape_cast %broadcast_in_dim3A_3 : vector<16xf32> to vector<16xf32>
    tpu.vector_store %arg10[%swap3A], %swap3A_11 {strides = array<i32>} : memref<128xf32, #tpu.memory_space<vmem>>, vector<16xf32>,
    %swap3A_12 = arith.constant 16 : index
    %swap3A_13 = tpu.vector_load %arg10[%swap3A_12] {strides = array<i32>} : memref<128xf32, #tpu.memory_space<vmem>>, vector<16xf32>,
    %swap3A_14 = vector.shape_cast %swap3A_13 : vector<16xf32> to vector<16xf32>
    %swap3A_15 = vector.shape_cast %broadcast_in_dim3A_3 : vector<16xf32> to vector<16xf32>
    tpu.vector_store %arg10[%swap3A_12], %swap3A_15 {strides = array<i32>} : memref<128xf32, #tpu.memory_space<vmem>>, vector<16xf32>,
    %swap3A_16 = arith.constant 32 : index
    %swap3A_17 = tpu.vector_load %arg10[%swap3A_16] {strides = array<i32>} : memref<128xf32, #tpu.memory_space<vmem>>, vector<16xf32>,
    %swap3A_18 = vector.shape_cast %swap3A_17 : vector<16xf32> to vector<16xf32>
    %swap3A_19 = vector.shape_cast %broadcast_in_dim3A_3 : vector<16xf32> to vector<16xf32>
    tpu.vector_store %arg10[%swap3A_16], %swap3A_19 {strides = array<i32>} : memref<128xf32, #tpu.memory_space<vmem>>, vector<16xf32>,
    %swap3A_20 = arith.constant 48 : index
    %swap3A_21 = tpu.vector_load %arg10[%swap3A_20] {strides = array<i32>} : memref<128xf32, #tpu.memory_space<vmem>>, vector<16xf32>,
    %swap3A_22 = vector.shape_cast %swap3A_21 : vector<16xf32> to vector<16xf32>
    %swap3A_23 = vector.shape_cast %broadcast_in_dim3A_3 : vector<16xf32> to vector<16xf32>
    tpu.vector_store %arg10[%swap3A_20], %swap3A_23 {strides = array<i32>} : memref<128xf32, #tpu.memory_space<vmem>>, vector<16xf32>,
    %swap3A_24 = arith.constant 64 : index
    %swap3A_25 = tpu.vector_load %arg10[%swap3A_24] {strides = array<i32>} : memref<128xf32, #tpu.memory_space<vmem>>, vector<16xf32>,
    %swap3A_26 = vector.shape_cast %swap3A_25 : vector<16xf32> to vector<16xf32>
    %swap3A_27 = vector.shape_cast %broadcast_in_dim3A_3 : vector<16xf32> to vector<16xf32>
    tpu.vector_store %arg10[%swap3A_24], %swap3A_27 {strides = array<i32>} : memref<128xf32, #tpu.memory_space<vmem>>, vector<16xf32>,
    %swap3A_28 = arith.constant 80 : index
    %swap3A_29 = tpu.vector_load %arg10[%swap3A_28] {strides = array<i32>} : memref<128xf32, #tpu.memory_space<vmem>>, vector<16xf32>,
    %swap3A_30 = vector.shape_cast %swap3A_29 : vector<16xf32> to vector<16xf32>
    %swap3A_31 = vector.shape_cast %broadcast_in_dim3A_3 : vector<16xf32> to vector<16xf32>
    tpu.vector_store %arg10[%swap3A_28], %swap3A_31 {strides = array<i32>} : memref<128xf32, #tpu.memory_space<vmem>>, vector<16xf32>,
    %swap3A_32 = arith.constant 96 : index
    %swap3A_33 = tpu.vector_load %arg10[%swap3A_32] {strides = array<i32>} : memref<128xf32, #tpu.memory_space<vmem>>, vector<16xf32>,
    %swap3A_34 = vector.shape_cast %swap3A_33 : vector<16xf32> to vector<16xf32>
    %swap3A_35 = vector.shape_cast %broadcast_in_dim3A_3 : vector<16xf32> to vector<16xf32>
    tpu.vector_store %arg10[%swap3A_32], %swap3A_35 {strides = array<i32>} : memref<128xf32, #tpu.memory_space<vmem>>, vector<16xf32>,
    %swap3A_36 = arith.constant 112 : index
    %swap3A_37 = tpu.vector_load %arg10[%swap3A_36] {strides = array<i32>} : memref<128xf32, #tpu.memory_space<vmem>>, vector<16xf32>,
    %swap3A_38 = vector.shape_cast %swap3A_37 : vector<16xf32> to vector<16xf32>
    %swap3A_39 = vector.shape_cast %broadcast_in_dim3A_3 : vector<16xf32> to vector<16xf32>
    tpu.vector_store %arg10[%swap3A_36], %swap3A_39 {strides = array<i32>} : memref<128xf32, #tpu.memory_space<vmem>>, vector<16xf32>,
    %mul3A_40 = arith.constant 640 : i32
    %mul3A_41 = arith.muli %arg1, %mul3A_40 : i32
    %add3A_42 = arith.constant 0 : i32
    %add3A_43 = arith.addi %mul3A_41, %add3A_42 : i32
    %run_scoped3A = arith.constant 0 : i32
    "tpu.region"() ({
      %run_scoped3A_83 = tpu.sem_alloc : memref<!tpu.dma_semaphore, #tpu.memory_space<semaphore_mem>>
      %dma_start3A = arith.constant 0 : i32
      %dma_start3A_84 = arith.constant 0 : i32
      %dma_start3A_85 = tpu.memref_slice %arg9[%run_scoped3A, %dma_start3A, %dma_start3A_84] : memref<2x128x128xf32, #tpu.memory_space<vmem>> -> memref<1x128x128xf32, #tpu.memory_space<vmem>>
      %dma_start3A_86 = tpu.memref_squeeze %dma_start3A_85 : memref<1x128x128xf32, #tpu.memory_space<vmem>> -> memref<128x128xf32, #tpu.memory_space<vmem>>
      %dma_start3A_87 = arith.constant 0 : i32
      %dma_start3A_88 = tpu.memref_slice %arg11[%add3A_43, %dma_start3A_87] : memref<10240x128xf32, #tpu.memory_space<vmem_shared>> -> memref<128x128xf32, #tpu.memory_space<vmem_shared>>
      %dma_start3A_89 = arith.constant 0 : i32
      %dma_start3A_90 = tpu.memref_slice %arg11[%add3A_43, %dma_start3A_89] : memref<10240x128xf32, #tpu.memory_space<vmem_shared>> -> memref<128x128xf32, #tpu.memory_space<vmem_shared>>
      %dma_start3A_91 = arith.constant 0 : i32
      %dma_start3A_92 = arith.constant 0 : i32
      %dma_start3A_93 = tpu.memref_slice %arg9[%run_scoped3A, %dma_start3A_91, %dma_start3A_92] : memref<2x128x128xf32, #tpu.memory_space<vmem>> -> memref<1x128x128xf32, #tpu.memory_space<vmem>>
      %dma_start3A_94 = tpu.memref_squeeze %dma_start3A_93 : memref<1x128x128xf32, #tpu.memory_space<vmem>> -> memref<128x128xf32, #tpu.memory_space<vmem>>
      tpu.enqueue_dma source(%dma_start3A_94 : memref<128x128xf32, #tpu.memory_space<vmem>>) target(%dma_start3A_90 : memref<128x128xf32, #tpu.memory_space<vmem_shared>>) target_semaphore(%run_scoped3A_83 : memref<!tpu.dma_semaphore, #tpu.memory_space<semaphore_mem>>)
      %dma_wait3A = arith.constant 0 : i32
      %dma_wait3A_95 = arith.constant 0 : i32
      %dma_wait3A_96 = tpu.memref_slice %arg9[%run_scoped3A, %dma_wait3A, %dma_wait3A_95] : memref<2x128x128xf32, #tpu.memory_space<vmem>> -> memref<1x128x128xf32, #tpu.memory_space<vmem>>
      %dma_wait3A_97 = tpu.memref_squeeze %dma_wait3A_96 : memref<1x128x128xf32, #tpu.memory_space<vmem>> -> memref<128x128xf32, #tpu.memory_space<vmem>>
      %dma_wait3A_98 = arith.constant 0 : i32
      %dma_wait3A_99 = tpu.memref_slice %arg11[%add3A_43, %dma_wait3A_98] : memref<10240x128xf32, #tpu.memory_space<vmem_shared>> -> memref<128x128xf32, #tpu.memory_space<vmem_shared>>
      %dma_wait3A_100 = arith.constant 0 : i32
      %dma_wait3A_101 = tpu.memref_slice %arg11[%add3A_43, %dma_wait3A_100] : memref<10240x128xf32, #tpu.memory_space<vmem_shared>> -> memref<128x128xf32, #tpu.memory_space<vmem_shared>>
      %dma_wait3A_102 = arith.constant 0 : i32
      %dma_wait3A_103 = arith.constant 0 : i32
      %dma_wait3A_104 = tpu.memref_slice %arg9[%run_scoped3A, %dma_wait3A_102, %dma_wait3A_103] : memref<2x128x128xf32, #tpu.memory_space<vmem>> -> memref<1x128x128xf32, #tpu.memory_space<vmem>>
      %dma_wait3A_105 = tpu.memref_squeeze %dma_wait3A_104 : memref<1x128x128xf32, #tpu.memory_space<vmem>> -> memref<128x128xf32, #tpu.memory_space<vmem>>
      tpu.wait_dma2 semaphore(%run_scoped3A_83 : memref<!tpu.dma_semaphore, #tpu.memory_space<semaphore_mem>>) src(%dma_wait3A_105 : memref<128x128xf32, #tpu.memory_space<vmem>>) dst(%dma_wait3A_101 : memref<128x128xf32, #tpu.memory_space<vmem_shared>>)
      tpu.yield
    }) : () -> ()
    %add3A_44 = arith.constant 0 : i32
    %add3A_45 = arith.addi %mul3A_41, %add3A_44 : i32
    %run_scoped3A_46 = arith.constant 0 : i32
    %run_scoped3A_47 = arith.constant 0 : i32
    "tpu.region"() ({
      %run_scoped3A_83 = tpu.sem_alloc : memref<!tpu.dma_semaphore, #tpu.memory_space<semaphore_mem>>
      %dma_start3A = arith.constant 0 : i32
      %dma_start3A_84 = tpu.memref_slice %arg9[%run_scoped3A_46, %run_scoped3A_47, %dma_start3A] : memref<2x128x128xf32, #tpu.memory_space<vmem>> -> memref<1x1x128xf32, #tpu.memory_space<vmem>>
      %dma_start3A_85 = tpu.memref_squeeze %dma_start3A_84 : memref<1x1x128xf32, #tpu.memory_space<vmem>> -> memref<128xf32, #tpu.memory_space<vmem>>
      %dma_start3A_86 = tpu.memref_slice %arg12[%add3A_45] : memref<10240xf32, #tpu.memory_space<vmem_shared>> -> memref<128xf32, #tpu.memory_space<vmem_shared>>
      %dma_start3A_87 = tpu.memref_slice %arg12[%add3A_45] : memref<10240xf32, #tpu.memory_space<vmem_shared>> -> memref<128xf32, #tpu.memory_space<vmem_shared>>
      %dma_start3A_88 = arith.constant 0 : i32
      %dma_start3A_89 = tpu.memref_slice %arg9[%run_scoped3A_46, %run_scoped3A_47, %dma_start3A_88] : memref<2x128x128xf32, #tpu.memory_space<vmem>> -> memref<1x1x128xf32, #tpu.memory_space<vmem>>
      %dma_start3A_90 = tpu.memref_squeeze %dma_start3A_89 : memref<1x1x128xf32, #tpu.memory_space<vmem>> -> memref<128xf32, #tpu.memory_space<vmem>>
      tpu.enqueue_dma source(%dma_start3A_90 : memref<128xf32, #tpu.memory_space<vmem>>) target(%dma_start3A_87 : memref<128xf32, #tpu.memory_space<vmem_shared>>) target_semaphore(%run_scoped3A_83 : memref<!tpu.dma_semaphore, #tpu.memory_space<semaphore_mem>>)
      %dma_wait3A = arith.constant 0 : i32
      %dma_wait3A_91 = tpu.memref_slice %arg9[%run_scoped3A_46, %run_scoped3A_47, %dma_wait3A] : memref<2x128x128xf32, #tpu.memory_space<vmem>> -> memref<1x1x128xf32, #tpu.memory_space<vmem>>
      %dma_wait3A_92 = tpu.memref_squeeze %dma_wait3A_91 : memref<1x1x128xf32, #tpu.memory_space<vmem>> -> memref<128xf32, #tpu.memory_space<vmem>>
      %dma_wait3A_93 = tpu.memref_slice %arg12[%add3A_45] : memref<10240xf32, #tpu.memory_space<vmem_shared>> -> memref<128xf32, #tpu.memory_space<vmem_shared>>
      %dma_wait3A_94 = tpu.memref_slice %arg12[%add3A_45] : memref<10240xf32, #tpu.memory_space<vmem_shared>> -> memref<128xf32, #tpu.memory_space<vmem_shared>>
      %dma_wait3A_95 = arith.constant 0 : i32
      %dma_wait3A_96 = tpu.memref_slice %arg9[%run_scoped3A_46, %run_scoped3A_47, %dma_wait3A_95] : memref<2x128x128xf32, #tpu.memory_space<vmem>> -> memref<1x1x128xf32, #tpu.memory_space<vmem>>
      %dma_wait3A_97 = tpu.memref_squeeze %dma_wait3A_96 : memref<1x1x128xf32, #tpu.memory_space<vmem>> -> memref<128xf32, #tpu.memory_space<vmem>>
      tpu.wait_dma2 semaphore(%run_scoped3A_83 : memref<!tpu.dma_semaphore, #tpu.memory_space<semaphore_mem>>) src(%dma_wait3A_97 : memref<128xf32, #tpu.memory_space<vmem>>) dst(%dma_wait3A_94 : memref<128xf32, #tpu.memory_space<vmem_shared>>)
      tpu.yield
    }) : () -> ()
    %add3A_48 = arith.constant 128 : i32
    %add3A_49 = arith.addi %mul3A_41, %add3A_48 : i32
    %run_scoped3A_50 = arith.constant 0 : i32
    "tpu.region"() ({
      %run_scoped3A_83 = tpu.sem_alloc : memref<!tpu.dma_semaphore, #tpu.memory_space<semaphore_mem>>
      %dma_start3A = arith.constant 0 : i32
      %dma_start3A_84 = arith.constant 0 : i32
      %dma_start3A_85 = tpu.memref_slice %arg9[%run_scoped3A_50, %dma_start3A, %dma_start3A_84] : memref<2x128x128xf32, #tpu.memory_space<vmem>> -> memref<1x128x128xf32, #tpu.memory_space<vmem>>
      %dma_start3A_86 = tpu.memref_squeeze %dma_start3A_85 : memref<1x128x128xf32, #tpu.memory_space<vmem>> -> memref<128x128xf32, #tpu.memory_space<vmem>>
      %dma_start3A_87 = arith.constant 0 : i32
      %dma_start3A_88 = tpu.memref_slice %arg11[%add3A_49, %dma_start3A_87] : memref<10240x128xf32, #tpu.memory_space<vmem_shared>> -> memref<128x128xf32, #tpu.memory_space<vmem_shared>>
      %dma_start3A_89 = arith.constant 0 : i32
      %dma_start3A_90 = tpu.memref_slice %arg11[%add3A_49, %dma_start3A_89] : memref<10240x128xf32, #tpu.memory_space<vmem_shared>> -> memref<128x128xf32, #tpu.memory_space<vmem_shared>>
      %dma_start3A_91 = arith.constant 0 : i32
      %dma_start3A_92 = arith.constant 0 : i32
      %dma_start3A_93 = tpu.memref_slice %arg9[%run_scoped3A_50, %dma_start3A_91, %dma_start3A_92] : memref<2x128x128xf32, #tpu.memory_space<vmem>> -> memref<1x128x128xf32, #tpu.memory_space<vmem>>
      %dma_start3A_94 = tpu.memref_squeeze %dma_start3A_93 : memref<1x128x128xf32, #tpu.memory_space<vmem>> -> memref<128x128xf32, #tpu.memory_space<vmem>>
      tpu.enqueue_dma source(%dma_start3A_94 : memref<128x128xf32, #tpu.memory_space<vmem>>) target(%dma_start3A_90 : memref<128x128xf32, #tpu.memory_space<vmem_shared>>) target_semaphore(%run_scoped3A_83 : memref<!tpu.dma_semaphore, #tpu.memory_space<semaphore_mem>>)
      %dma_wait3A = arith.constant 0 : i32
      %dma_wait3A_95 = arith.constant 0 : i32
      %dma_wait3A_96 = tpu.memref_slice %arg9[%run_scoped3A_50, %dma_wait3A, %dma_wait3A_95] : memref<2x128x128xf32, #tpu.memory_space<vmem>> -> memref<1x128x128xf32, #tpu.memory_space<vmem>>
      %dma_wait3A_97 = tpu.memref_squeeze %dma_wait3A_96 : memref<1x128x128xf32, #tpu.memory_space<vmem>> -> memref<128x128xf32, #tpu.memory_space<vmem>>
      %dma_wait3A_98 = arith.constant 0 : i32
      %dma_wait3A_99 = tpu.memref_slice %arg11[%add3A_49, %dma_wait3A_98] : memref<10240x128xf32, #tpu.memory_space<vmem_shared>> -> memref<128x128xf32, #tpu.memory_space<vmem_shared>>
      %dma_wait3A_100 = arith.constant 0 : i32
      %dma_wait3A_101 = tpu.memref_slice %arg11[%add3A_49, %dma_wait3A_100] : memref<10240x128xf32, #tpu.memory_space<vmem_shared>> -> memref<128x128xf32, #tpu.memory_space<vmem_shared>>
      %dma_wait3A_102 = arith.constant 0 : i32
      %dma_wait3A_103 = arith.constant 0 : i32
      %dma_wait3A_104 = tpu.memref_slice %arg9[%run_scoped3A_50, %dma_wait3A_102, %dma_wait3A_103] : memref<2x128x128xf32, #tpu.memory_space<vmem>> -> memref<1x128x128xf32, #tpu.memory_space<vmem>>
      %dma_wait3A_105 = tpu.memref_squeeze %dma_wait3A_104 : memref<1x128x128xf32, #tpu.memory_space<vmem>> -> memref<128x128xf32, #tpu.memory_space<vmem>>
      tpu.wait_dma2 semaphore(%run_scoped3A_83 : memref<!tpu.dma_semaphore, #tpu.memory_space<semaphore_mem>>) src(%dma_wait3A_105 : memref<128x128xf32, #tpu.memory_space<vmem>>) dst(%dma_wait3A_101 : memref<128x128xf32, #tpu.memory_space<vmem_shared>>)
      tpu.yield
    }) : () -> ()
    %add3A_51 = arith.constant 128 : i32
    %add3A_52 = arith.addi %mul3A_41, %add3A_51 : i32
    %run_scoped3A_53 = arith.constant 0 : i32
    %run_scoped3A_54 = arith.constant 0 : i32
    "tpu.region"() ({
      %run_scoped3A_83 = tpu.sem_alloc : memref<!tpu.dma_semaphore, #tpu.memory_space<semaphore_mem>>
      %dma_start3A = arith.constant 0 : i32
      %dma_start3A_84 = tpu.memref_slice %arg9[%run_scoped3A_53, %run_scoped3A_54, %dma_start3A] : memref<2x128x128xf32, #tpu.memory_space<vmem>> -> memref<1x1x128xf32, #tpu.memory_space<vmem>>
      %dma_start3A_85 = tpu.memref_squeeze %dma_start3A_84 : memref<1x1x128xf32, #tpu.memory_space<vmem>> -> memref<128xf32, #tpu.memory_space<vmem>>
      %dma_start3A_86 = tpu.memref_slice %arg12[%add3A_52] : memref<10240xf32, #tpu.memory_space<vmem_shared>> -> memref<128xf32, #tpu.memory_space<vmem_shared>>
      %dma_start3A_87 = tpu.memref_slice %arg12[%add3A_52] : memref<10240xf32, #tpu.memory_space<vmem_shared>> -> memref<128xf32, #tpu.memory_space<vmem_shared>>
      %dma_start3A_88 = arith.constant 0 : i32
      %dma_start3A_89 = tpu.memref_slice %arg9[%run_scoped3A_53, %run_scoped3A_54, %dma_start3A_88] : memref<2x128x128xf32, #tpu.memory_space<vmem>> -> memref<1x1x128xf32, #tpu.memory_space<vmem>>
      %dma_start3A_90 = tpu.memref_squeeze %dma_start3A_89 : memref<1x1x128xf32, #tpu.memory_space<vmem>> -> memref<128xf32, #tpu.memory_space<vmem>>
      tpu.enqueue_dma source(%dma_start3A_90 : memref<128xf32, #tpu.memory_space<vmem>>) target(%dma_start3A_87 : memref<128xf32, #tpu.memory_space<vmem_shared>>) target_semaphore(%run_scoped3A_83 : memref<!tpu.dma_semaphore, #tpu.memory_space<semaphore_mem>>)
      %dma_wait3A = arith.constant 0 : i32
      %dma_wait3A_91 = tpu.memref_slice %arg9[%run_scoped3A_53, %run_scoped3A_54, %dma_wait3A] : memref<2x128x128xf32, #tpu.memory_space<vmem>> -> memref<1x1x128xf32, #tpu.memory_space<vmem>>
      %dma_wait3A_92 = tpu.memref_squeeze %dma_wait3A_91 : memref<1x1x128xf32, #tpu.memory_space<vmem>> -> memref<128xf32, #tpu.memory_space<vmem>>
      %dma_wait3A_93 = tpu.memref_slice %arg12[%add3A_52] : memref<10240xf32, #tpu.memory_space<vmem_shared>> -> memref<128xf32, #tpu.memory_space<vmem_shared>>
      %dma_wait3A_94 = tpu.memref_slice %arg12[%add3A_52] : memref<10240xf32, #tpu.memory_space<vmem_shared>> -> memref<128xf32, #tpu.memory_space<vmem_shared>>
      %dma_wait3A_95 = arith.constant 0 : i32
      %dma_wait3A_96 = tpu.memref_slice %arg9[%run_scoped3A_53, %run_scoped3A_54, %dma_wait3A_95] : memref<2x128x128xf32, #tpu.memory_space<vmem>> -> memref<1x1x128xf32, #tpu.memory_space<vmem>>
      %dma_wait3A_97 = tpu.memref_squeeze %dma_wait3A_96 : memref<1x1x128xf32, #tpu.memory_space<vmem>> -> memref<128xf32, #tpu.memory_space<vmem>>
      tpu.wait_dma2 semaphore(%run_scoped3A_83 : memref<!tpu.dma_semaphore, #tpu.memory_space<semaphore_mem>>) src(%dma_wait3A_97 : memref<128xf32, #tpu.memory_space<vmem>>) dst(%dma_wait3A_94 : memref<128xf32, #tpu.memory_space<vmem_shared>>)
      tpu.yield
    }) : () -> ()
    %add3A_55 = arith.constant 256 : i32
    %add3A_56 = arith.addi %mul3A_41, %add3A_55 : i32
    %run_scoped3A_57 = arith.constant 0 : i32
    "tpu.region"() ({
      %run_scoped3A_83 = tpu.sem_alloc : memref<!tpu.dma_semaphore, #tpu.memory_space<semaphore_mem>>
      %dma_start3A = arith.constant 0 : i32
      %dma_start3A_84 = arith.constant 0 : i32
      %dma_start3A_85 = tpu.memref_slice %arg9[%run_scoped3A_57, %dma_start3A, %dma_start3A_84] : memref<2x128x128xf32, #tpu.memory_space<vmem>> -> memref<1x128x128xf32, #tpu.memory_space<vmem>>
      %dma_start3A_86 = tpu.memref_squeeze %dma_start3A_85 : memref<1x128x128xf32, #tpu.memory_space<vmem>> -> memref<128x128xf32, #tpu.memory_space<vmem>>
      %dma_start3A_87 = arith.constant 0 : i32
      %dma_start3A_88 = tpu.memref_slice %arg11[%add3A_56, %dma_start3A_87] : memref<10240x128xf32, #tpu.memory_space<vmem_shared>> -> memref<128x128xf32, #tpu.memory_space<vmem_shared>>
      %dma_start3A_89 = arith.constant 0 : i32
      %dma_start3A_90 = tpu.memref_slice %arg11[%add3A_56, %dma_start3A_89] : memref<10240x128xf32, #tpu.memory_space<vmem_shared>> -> memref<128x128xf32, #tpu.memory_space<vmem_shared>>
      %dma_start3A_91 = arith.constant 0 : i32
      %dma_start3A_92 = arith.constant 0 : i32
      %dma_start3A_93 = tpu.memref_slice %arg9[%run_scoped3A_57, %dma_start3A_91, %dma_start3A_92] : memref<2x128x128xf32, #tpu.memory_space<vmem>> -> memref<1x128x128xf32, #tpu.memory_space<vmem>>
      %dma_start3A_94 = tpu.memref_squeeze %dma_start3A_93 : memref<1x128x128xf32, #tpu.memory_space<vmem>> -> memref<128x128xf32, #tpu.memory_space<vmem>>
      tpu.enqueue_dma source(%dma_start3A_94 : memref<128x128xf32, #tpu.memory_space<vmem>>) target(%dma_start3A_90 : memref<128x128xf32, #tpu.memory_space<vmem_shared>>) target_semaphore(%run_scoped3A_83 : memref<!tpu.dma_semaphore, #tpu.memory_space<semaphore_mem>>)
      %dma_wait3A = arith.constant 0 : i32
      %dma_wait3A_95 = arith.constant 0 : i32
      %dma_wait3A_96 = tpu.memref_slice %arg9[%run_scoped3A_57, %dma_wait3A, %dma_wait3A_95] : memref<2x128x128xf32, #tpu.memory_space<vmem>> -> memref<1x128x128xf32, #tpu.memory_space<vmem>>
      %dma_wait3A_97 = tpu.memref_squeeze %dma_wait3A_96 : memref<1x128x128xf32, #tpu.memory_space<vmem>> -> memref<128x128xf32, #tpu.memory_space<vmem>>
      %dma_wait3A_98 = arith.constant 0 : i32
      %dma_wait3A_99 = tpu.memref_slice %arg11[%add3A_56, %dma_wait3A_98] : memref<10240x128xf32, #tpu.memory_space<vmem_shared>> -> memref<128x128xf32, #tpu.memory_space<vmem_shared>>
      %dma_wait3A_100 = arith.constant 0 : i32
      %dma_wait3A_101 = tpu.memref_slice %arg11[%add3A_56, %dma_wait3A_100] : memref<10240x128xf32, #tpu.memory_space<vmem_shared>> -> memref<128x128xf32, #tpu.memory_space<vmem_shared>>
      %dma_wait3A_102 = arith.constant 0 : i32
      %dma_wait3A_103 = arith.constant 0 : i32
      %dma_wait3A_104 = tpu.memref_slice %arg9[%run_scoped3A_57, %dma_wait3A_102, %dma_wait3A_103] : memref<2x128x128xf32, #tpu.memory_space<vmem>> -> memref<1x128x128xf32, #tpu.memory_space<vmem>>
      %dma_wait3A_105 = tpu.memref_squeeze %dma_wait3A_104 : memref<1x128x128xf32, #tpu.memory_space<vmem>> -> memref<128x128xf32, #tpu.memory_space<vmem>>
      tpu.wait_dma2 semaphore(%run_scoped3A_83 : memref<!tpu.dma_semaphore, #tpu.memory_space<semaphore_mem>>) src(%dma_wait3A_105 : memref<128x128xf32, #tpu.memory_space<vmem>>) dst(%dma_wait3A_101 : memref<128x128xf32, #tpu.memory_space<vmem_shared>>)
      tpu.yield
    }) : () -> ()
    %add3A_58 = arith.constant 256 : i32
    %add3A_59 = arith.addi %mul3A_41, %add3A_58 : i32
    %run_scoped3A_60 = arith.constant 0 : i32
    %run_scoped3A_61 = arith.constant 0 : i32
    "tpu.region"() ({
      %run_scoped3A_83 = tpu.sem_alloc : memref<!tpu.dma_semaphore, #tpu.memory_space<semaphore_mem>>
      %dma_start3A = arith.constant 0 : i32
      %dma_start3A_84 = tpu.memref_slice %arg9[%run_scoped3A_60, %run_scoped3A_61, %dma_start3A] : memref<2x128x128xf32, #tpu.memory_space<vmem>> -> memref<1x1x128xf32, #tpu.memory_space<vmem>>
      %dma_start3A_85 = tpu.memref_squeeze %dma_start3A_84 : memref<1x1x128xf32, #tpu.memory_space<vmem>> -> memref<128xf32, #tpu.memory_space<vmem>>
      %dma_start3A_86 = tpu.memref_slice %arg12[%add3A_59] : memref<10240xf32, #tpu.memory_space<vmem_shared>> -> memref<128xf32, #tpu.memory_space<vmem_shared>>
      %dma_start3A_87 = tpu.memref_slice %arg12[%add3A_59] : memref<10240xf32, #tpu.memory_space<vmem_shared>> -> memref<128xf32, #tpu.memory_space<vmem_shared>>
      %dma_start3A_88 = arith.constant 0 : i32
      %dma_start3A_89 = tpu.memref_slice %arg9[%run_scoped3A_60, %run_scoped3A_61, %dma_start3A_88] : memref<2x128x128xf32, #tpu.memory_space<vmem>> -> memref<1x1x128xf32, #tpu.memory_space<vmem>>
      %dma_start3A_90 = tpu.memref_squeeze %dma_start3A_89 : memref<1x1x128xf32, #tpu.memory_space<vmem>> -> memref<128xf32, #tpu.memory_space<vmem>>
      tpu.enqueue_dma source(%dma_start3A_90 : memref<128xf32, #tpu.memory_space<vmem>>) target(%dma_start3A_87 : memref<128xf32, #tpu.memory_space<vmem_shared>>) target_semaphore(%run_scoped3A_83 : memref<!tpu.dma_semaphore, #tpu.memory_space<semaphore_mem>>)
      %dma_wait3A = arith.constant 0 : i32
      %dma_wait3A_91 = tpu.memref_slice %arg9[%run_scoped3A_60, %run_scoped3A_61, %dma_wait3A] : memref<2x128x128xf32, #tpu.memory_space<vmem>> -> memref<1x1x128xf32, #tpu.memory_space<vmem>>
      %dma_wait3A_92 = tpu.memref_squeeze %dma_wait3A_91 : memref<1x1x128xf32, #tpu.memory_space<vmem>> -> memref<128xf32, #tpu.memory_space<vmem>>
      %dma_wait3A_93 = tpu.memref_slice %arg12[%add3A_59] : memref<10240xf32, #tpu.memory_space<vmem_shared>> -> memref<128xf32, #tpu.memory_space<vmem_shared>>
      %dma_wait3A_94 = tpu.memref_slice %arg12[%add3A_59] : memref<10240xf32, #tpu.memory_space<vmem_shared>> -> memref<128xf32, #tpu.memory_space<vmem_shared>>
      %dma_wait3A_95 = arith.constant 0 : i32
      %dma_wait3A_96 = tpu.memref_slice %arg9[%run_scoped3A_60, %run_scoped3A_61, %dma_wait3A_95] : memref<2x128x128xf32, #tpu.memory_space<vmem>> -> memref<1x1x128xf32, #tpu.memory_space<vmem>>
      %dma_wait3A_97 = tpu.memref_squeeze %dma_wait3A_96 : memref<1x1x128xf32, #tpu.memory_space<vmem>> -> memref<128xf32, #tpu.memory_space<vmem>>
      tpu.wait_dma2 semaphore(%run_scoped3A_83 : memref<!tpu.dma_semaphore, #tpu.memory_space<semaphore_mem>>) src(%dma_wait3A_97 : memref<128xf32, #tpu.memory_space<vmem>>) dst(%dma_wait3A_94 : memref<128xf32, #tpu.memory_space<vmem_shared>>)
      tpu.yield
    }) : () -> ()
    %add3A_62 = arith.constant 384 : i32
    %add3A_63 = arith.addi %mul3A_41, %add3A_62 : i32
    %run_scoped3A_64 = arith.constant 0 : i32
    "tpu.region"() ({
      %run_scoped3A_83 = tpu.sem_alloc : memref<!tpu.dma_semaphore, #tpu.memory_space<semaphore_mem>>
      %dma_start3A = arith.constant 0 : i32
      %dma_start3A_84 = arith.constant 0 : i32
      %dma_start3A_85 = tpu.memref_slice %arg9[%run_scoped3A_64, %dma_start3A, %dma_start3A_84] : memref<2x128x128xf32, #tpu.memory_space<vmem>> -> memref<1x128x128xf32, #tpu.memory_space<vmem>>
      %dma_start3A_86 = tpu.memref_squeeze %dma_start3A_85 : memref<1x128x128xf32, #tpu.memory_space<vmem>> -> memref<128x128xf32, #tpu.memory_space<vmem>>
      %dma_start3A_87 = arith.constant 0 : i32
      %dma_start3A_88 = tpu.memref_slice %arg11[%add3A_63, %dma_start3A_87] : memref<10240x128xf32, #tpu.memory_space<vmem_shared>> -> memref<128x128xf32, #tpu.memory_space<vmem_shared>>
      %dma_start3A_89 = arith.constant 0 : i32
      %dma_start3A_90 = tpu.memref_slice %arg11[%add3A_63, %dma_start3A_89] : memref<10240x128xf32, #tpu.memory_space<vmem_shared>> -> memref<128x128xf32, #tpu.memory_space<vmem_shared>>
      %dma_start3A_91 = arith.constant 0 : i32
      %dma_start3A_92 = arith.constant 0 : i32
      %dma_start3A_93 = tpu.memref_slice %arg9[%run_scoped3A_64, %dma_start3A_91, %dma_start3A_92] : memref<2x128x128xf32, #tpu.memory_space<vmem>> -> memref<1x128x128xf32, #tpu.memory_space<vmem>>
      %dma_start3A_94 = tpu.memref_squeeze %dma_start3A_93 : memref<1x128x128xf32, #tpu.memory_space<vmem>> -> memref<128x128xf32, #tpu.memory_space<vmem>>
      tpu.enqueue_dma source(%dma_start3A_94 : memref<128x128xf32, #tpu.memory_space<vmem>>) target(%dma_start3A_90 : memref<128x128xf32, #tpu.memory_space<vmem_shared>>) target_semaphore(%run_scoped3A_83 : memref<!tpu.dma_semaphore, #tpu.memory_space<semaphore_mem>>)
      %dma_wait3A = arith.constant 0 : i32
      %dma_wait3A_95 = arith.constant 0 : i32
      %dma_wait3A_96 = tpu.memref_slice %arg9[%run_scoped3A_64, %dma_wait3A, %dma_wait3A_95] : memref<2x128x128xf32, #tpu.memory_space<vmem>> -> memref<1x128x128xf32, #tpu.memory_space<vmem>>
      %dma_wait3A_97 = tpu.memref_squeeze %dma_wait3A_96 : memref<1x128x128xf32, #tpu.memory_space<vmem>> -> memref<128x128xf32, #tpu.memory_space<vmem>>
      %dma_wait3A_98 = arith.constant 0 : i32
      %dma_wait3A_99 = tpu.memref_slice %arg11[%add3A_63, %dma_wait3A_98] : memref<10240x128xf32, #tpu.memory_space<vmem_shared>> -> memref<128x128xf32, #tpu.memory_space<vmem_shared>>
      %dma_wait3A_100 = arith.constant 0 : i32
      %dma_wait3A_101 = tpu.memref_slice %arg11[%add3A_63, %dma_wait3A_100] : memref<10240x128xf32, #tpu.memory_space<vmem_shared>> -> memref<128x128xf32, #tpu.memory_space<vmem_shared>>
      %dma_wait3A_102 = arith.constant 0 : i32
      %dma_wait3A_103 = arith.constant 0 : i32
      %dma_wait3A_104 = tpu.memref_slice %arg9[%run_scoped3A_64, %dma_wait3A_102, %dma_wait3A_103] : memref<2x128x128xf32, #tpu.memory_space<vmem>> -> memref<1x128x128xf32, #tpu.memory_space<vmem>>
      %dma_wait3A_105 = tpu.memref_squeeze %dma_wait3A_104 : memref<1x128x128xf32, #tpu.memory_space<vmem>> -> memref<128x128xf32, #tpu.memory_space<vmem>>
      tpu.wait_dma2 semaphore(%run_scoped3A_83 : memref<!tpu.dma_semaphore, #tpu.memory_space<semaphore_mem>>) src(%dma_wait3A_105 : memref<128x128xf32, #tpu.memory_space<vmem>>) dst(%dma_wait3A_101 : memref<128x128xf32, #tpu.memory_space<vmem_shared>>)
      tpu.yield
    }) : () -> ()
    %add3A_65 = arith.constant 384 : i32
    %add3A_66 = arith.addi %mul3A_41, %add3A_65 : i32
    %run_scoped3A_67 = arith.constant 0 : i32
    %run_scoped3A_68 = arith.constant 0 : i32
    "tpu.region"() ({
      %run_scoped3A_83 = tpu.sem_alloc : memref<!tpu.dma_semaphore, #tpu.memory_space<semaphore_mem>>
      %dma_start3A = arith.constant 0 : i32
      %dma_start3A_84 = tpu.memref_slice %arg9[%run_scoped3A_67, %run_scoped3A_68, %dma_start3A] : memref<2x128x128xf32, #tpu.memory_space<vmem>> -> memref<1x1x128xf32, #tpu.memory_space<vmem>>
      %dma_start3A_85 = tpu.memref_squeeze %dma_start3A_84 : memref<1x1x128xf32, #tpu.memory_space<vmem>> -> memref<128xf32, #tpu.memory_space<vmem>>
      %dma_start3A_86 = tpu.memref_slice %arg12[%add3A_66] : memref<10240xf32, #tpu.memory_space<vmem_shared>> -> memref<128xf32, #tpu.memory_space<vmem_shared>>
      %dma_start3A_87 = tpu.memref_slice %arg12[%add3A_66] : memref<10240xf32, #tpu.memory_space<vmem_shared>> -> memref<128xf32, #tpu.memory_space<vmem_shared>>
      %dma_start3A_88 = arith.constant 0 : i32
      %dma_start3A_89 = tpu.memref_slice %arg9[%run_scoped3A_67, %run_scoped3A_68, %dma_start3A_88] : memref<2x128x128xf32, #tpu.memory_space<vmem>> -> memref<1x1x128xf32, #tpu.memory_space<vmem>>
      %dma_start3A_90 = tpu.memref_squeeze %dma_start3A_89 : memref<1x1x128xf32, #tpu.memory_space<vmem>> -> memref<128xf32, #tpu.memory_space<vmem>>
      tpu.enqueue_dma source(%dma_start3A_90 : memref<128xf32, #tpu.memory_space<vmem>>) target(%dma_start3A_87 : memref<128xf32, #tpu.memory_space<vmem_shared>>) target_semaphore(%run_scoped3A_83 : memref<!tpu.dma_semaphore, #tpu.memory_space<semaphore_mem>>)
      %dma_wait3A = arith.constant 0 : i32
      %dma_wait3A_91 = tpu.memref_slice %arg9[%run_scoped3A_67, %run_scoped3A_68, %dma_wait3A] : memref<2x128x128xf32, #tpu.memory_space<vmem>> -> memref<1x1x128xf32, #tpu.memory_space<vmem>>
      %dma_wait3A_92 = tpu.memref_squeeze %dma_wait3A_91 : memref<1x1x128xf32, #tpu.memory_space<vmem>> -> memref<128xf32, #tpu.memory_space<vmem>>
      %dma_wait3A_93 = tpu.memref_slice %arg12[%add3A_66] : memref<10240xf32, #tpu.memory_space<vmem_shared>> -> memref<128xf32, #tpu.memory_space<vmem_shared>>
      %dma_wait3A_94 = tpu.memref_slice %arg12[%add3A_66] : memref<10240xf32, #tpu.memory_space<vmem_shared>> -> memref<128xf32, #tpu.memory_space<vmem_shared>>
      %dma_wait3A_95 = arith.constant 0 : i32
      %dma_wait3A_96 = tpu.memref_slice %arg9[%run_scoped3A_67, %run_scoped3A_68, %dma_wait3A_95] : memref<2x128x128xf32, #tpu.memory_space<vmem>> -> memref<1x1x128xf32, #tpu.memory_space<vmem>>
      %dma_wait3A_97 = tpu.memref_squeeze %dma_wait3A_96 : memref<1x1x128xf32, #tpu.memory_space<vmem>> -> memref<128xf32, #tpu.memory_space<vmem>>
      tpu.wait_dma2 semaphore(%run_scoped3A_83 : memref<!tpu.dma_semaphore, #tpu.memory_space<semaphore_mem>>) src(%dma_wait3A_97 : memref<128xf32, #tpu.memory_space<vmem>>) dst(%dma_wait3A_94 : memref<128xf32, #tpu.memory_space<vmem_shared>>)
      tpu.yield
    }) : () -> ()
    %add3A_69 = arith.constant 512 : i32
    %add3A_70 = arith.addi %mul3A_41, %add3A_69 : i32
    %run_scoped3A_71 = arith.constant 0 : i32
    "tpu.region"() ({
      %run_scoped3A_83 = tpu.sem_alloc : memref<!tpu.dma_semaphore, #tpu.memory_space<semaphore_mem>>
      %dma_start3A = arith.constant 0 : i32
      %dma_start3A_84 = arith.constant 0 : i32
      %dma_start3A_85 = tpu.memref_slice %arg9[%run_scoped3A_71, %dma_start3A, %dma_start3A_84] : memref<2x128x128xf32, #tpu.memory_space<vmem>> -> memref<1x128x128xf32, #tpu.memory_space<vmem>>
      %dma_start3A_86 = tpu.memref_squeeze %dma_start3A_85 : memref<1x128x128xf32, #tpu.memory_space<vmem>> -> memref<128x128xf32, #tpu.memory_space<vmem>>
      %dma_start3A_87 = arith.constant 0 : i32
      %dma_start3A_88 = tpu.memref_slice %arg11[%add3A_70, %dma_start3A_87] : memref<10240x128xf32, #tpu.memory_space<vmem_shared>> -> memref<128x128xf32, #tpu.memory_space<vmem_shared>>
      %dma_start3A_89 = arith.constant 0 : i32
      %dma_start3A_90 = tpu.memref_slice %arg11[%add3A_70, %dma_start3A_89] : memref<10240x128xf32, #tpu.memory_space<vmem_shared>> -> memref<128x128xf32, #tpu.memory_space<vmem_shared>>
      %dma_start3A_91 = arith.constant 0 : i32
      %dma_start3A_92 = arith.constant 0 : i32
      %dma_start3A_93 = tpu.memref_slice %arg9[%run_scoped3A_71, %dma_start3A_91, %dma_start3A_92] : memref<2x128x128xf32, #tpu.memory_space<vmem>> -> memref<1x128x128xf32, #tpu.memory_space<vmem>>
      %dma_start3A_94 = tpu.memref_squeeze %dma_start3A_93 : memref<1x128x128xf32, #tpu.memory_space<vmem>> -> memref<128x128xf32, #tpu.memory_space<vmem>>
      tpu.enqueue_dma source(%dma_start3A_94 : memref<128x128xf32, #tpu.memory_space<vmem>>) target(%dma_start3A_90 : memref<128x128xf32, #tpu.memory_space<vmem_shared>>) target_semaphore(%run_scoped3A_83 : memref<!tpu.dma_semaphore, #tpu.memory_space<semaphore_mem>>)
      %dma_wait3A = arith.constant 0 : i32
      %dma_wait3A_95 = arith.constant 0 : i32
      %dma_wait3A_96 = tpu.memref_slice %arg9[%run_scoped3A_71, %dma_wait3A, %dma_wait3A_95] : memref<2x128x128xf32, #tpu.memory_space<vmem>> -> memref<1x128x128xf32, #tpu.memory_space<vmem>>
      %dma_wait3A_97 = tpu.memref_squeeze %dma_wait3A_96 : memref<1x128x128xf32, #tpu.memory_space<vmem>> -> memref<128x128xf32, #tpu.memory_space<vmem>>
      %dma_wait3A_98 = arith.constant 0 : i32
      %dma_wait3A_99 = tpu.memref_slice %arg11[%add3A_70, %dma_wait3A_98] : memref<10240x128xf32, #tpu.memory_space<vmem_shared>> -> memref<128x128xf32, #tpu.memory_space<vmem_shared>>
      %dma_wait3A_100 = arith.constant 0 : i32
      %dma_wait3A_101 = tpu.memref_slice %arg11[%add3A_70, %dma_wait3A_100] : memref<10240x128xf32, #tpu.memory_space<vmem_shared>> -> memref<128x128xf32, #tpu.memory_space<vmem_shared>>
      %dma_wait3A_102 = arith.constant 0 : i32
      %dma_wait3A_103 = arith.constant 0 : i32
      %dma_wait3A_104 = tpu.memref_slice %arg9[%run_scoped3A_71, %dma_wait3A_102, %dma_wait3A_103] : memref<2x128x128xf32, #tpu.memory_space<vmem>> -> memref<1x128x128xf32, #tpu.memory_space<vmem>>
      %dma_wait3A_105 = tpu.memref_squeeze %dma_wait3A_104 : memref<1x128x128xf32, #tpu.memory_space<vmem>> -> memref<128x128xf32, #tpu.memory_space<vmem>>
      tpu.wait_dma2 semaphore(%run_scoped3A_83 : memref<!tpu.dma_semaphore, #tpu.memory_space<semaphore_mem>>) src(%dma_wait3A_105 : memref<128x128xf32, #tpu.memory_space<vmem>>) dst(%dma_wait3A_101 : memref<128x128xf32, #tpu.memory_space<vmem_shared>>)
      tpu.yield
    }) : () -> ()
    %add3A_72 = arith.constant 512 : i32
    %add3A_73 = arith.addi %mul3A_41, %add3A_72 : i32
    %run_scoped3A_74 = arith.constant 0 : i32
    %run_scoped3A_75 = arith.constant 0 : i32
    "tpu.region"() ({
      %run_scoped3A_83 = tpu.sem_alloc : memref<!tpu.dma_semaphore, #tpu.memory_space<semaphore_mem>>
      %dma_start3A = arith.constant 0 : i32
      %dma_start3A_84 = tpu.memref_slice %arg9[%run_scoped3A_74, %run_scoped3A_75, %dma_start3A] : memref<2x128x128xf32, #tpu.memory_space<vmem>> -> memref<1x1x128xf32, #tpu.memory_space<vmem>>
      %dma_start3A_85 = tpu.memref_squeeze %dma_start3A_84 : memref<1x1x128xf32, #tpu.memory_space<vmem>> -> memref<128xf32, #tpu.memory_space<vmem>>
      %dma_start3A_86 = tpu.memref_slice %arg12[%add3A_73] : memref<10240xf32, #tpu.memory_space<vmem_shared>> -> memref<128xf32, #tpu.memory_space<vmem_shared>>
      %dma_start3A_87 = tpu.memref_slice %arg12[%add3A_73] : memref<10240xf32, #tpu.memory_space<vmem_shared>> -> memref<128xf32, #tpu.memory_space<vmem_shared>>
      %dma_start3A_88 = arith.constant 0 : i32
      %dma_start3A_89 = tpu.memref_slice %arg9[%run_scoped3A_74, %run_scoped3A_75, %dma_start3A_88] : memref<2x128x128xf32, #tpu.memory_space<vmem>> -> memref<1x1x128xf32, #tpu.memory_space<vmem>>
      %dma_start3A_90 = tpu.memref_squeeze %dma_start3A_89 : memref<1x1x128xf32, #tpu.memory_space<vmem>> -> memref<128xf32, #tpu.memory_space<vmem>>
      tpu.enqueue_dma source(%dma_start3A_90 : memref<128xf32, #tpu.memory_space<vmem>>) target(%dma_start3A_87 : memref<128xf32, #tpu.memory_space<vmem_shared>>) target_semaphore(%run_scoped3A_83 : memref<!tpu.dma_semaphore, #tpu.memory_space<semaphore_mem>>)
      %dma_wait3A = arith.constant 0 : i32
      %dma_wait3A_91 = tpu.memref_slice %arg9[%run_scoped3A_74, %run_scoped3A_75, %dma_wait3A] : memref<2x128x128xf32, #tpu.memory_space<vmem>> -> memref<1x1x128xf32, #tpu.memory_space<vmem>>
      %dma_wait3A_92 = tpu.memref_squeeze %dma_wait3A_91 : memref<1x1x128xf32, #tpu.memory_space<vmem>> -> memref<128xf32, #tpu.memory_space<vmem>>
      %dma_wait3A_93 = tpu.memref_slice %arg12[%add3A_73] : memref<10240xf32, #tpu.memory_space<vmem_shared>> -> memref<128xf32, #tpu.memory_space<vmem_shared>>
      %dma_wait3A_94 = tpu.memref_slice %arg12[%add3A_73] : memref<10240xf32, #tpu.memory_space<vmem_shared>> -> memref<128xf32, #tpu.memory_space<vmem_shared>>
      %dma_wait3A_95 = arith.constant 0 : i32
      %dma_wait3A_96 = tpu.memref_slice %arg9[%run_scoped3A_74, %run_scoped3A_75, %dma_wait3A_95] : memref<2x128x128xf32, #tpu.memory_space<vmem>> -> memref<1x1x128xf32, #tpu.memory_space<vmem>>
      %dma_wait3A_97 = tpu.memref_squeeze %dma_wait3A_96 : memref<1x1x128xf32, #tpu.memory_space<vmem>> -> memref<128xf32, #tpu.memory_space<vmem>>
      tpu.wait_dma2 semaphore(%run_scoped3A_83 : memref<!tpu.dma_semaphore, #tpu.memory_space<semaphore_mem>>) src(%dma_wait3A_97 : memref<128xf32, #tpu.memory_space<vmem>>) dst(%dma_wait3A_94 : memref<128xf32, #tpu.memory_space<vmem_shared>>)
      tpu.yield
    }) : () -> ()
    %barrier3A = arith.constant 0 : index
    tpu.barrier barrier_id(%barrier3A)
    %scan3A_76 = arith.constant 0 : i32
    %scan3A_77 = arith.constant 0 : i32
    %scan3A_78 = arith.constant 5 : i32
    %scan3A_79 = arith.addi %scan3A_77, %scan3A_78 : i32
    %scan3A_80 = arith.constant 1 : i32
    scf.for %scan3A_83 = %scan3A_77 to %scan3A_79 step %scan3A_80  : i32 {
      %mul3A_84 = arith.constant 16 : i32
      %mul3A_85 = arith.muli %scan3A_83, %mul3A_84 : i32
      "tpu.region"() ({
        %run_scoped3A_122 = tpu.sem_alloc : memref<!tpu.dma_semaphore, #tpu.memory_space<semaphore_mem>>
        %dma_start3A_123 = arith.constant 0 : i32
        %dma_start3A_124 = tpu.memref_slice %arg3[%add3A, %mul3A_85, %dma_start3A_123] : memref<32x80x128xi32, #tpu.memory_space<hbm>> -> memref<1x16x128xi32, #tpu.memory_space<hbm>>
        %dma_start3A_125 = tpu.memref_squeeze %dma_start3A_124 : memref<1x16x128xi32, #tpu.memory_space<hbm>> -> memref<16x128xi32, #tpu.memory_space<hbm>>
        %dma_start3A_126 = arith.constant 0 : i32
        %dma_start3A_127 = tpu.memref_slice %arg3[%add3A, %mul3A_85, %dma_start3A_126] : memref<32x80x128xi32, #tpu.memory_space<hbm>> -> memref<1x16x128xi32, #tpu.memory_space<hbm>>
        %dma_start3A_128 = tpu.memref_squeeze %dma_start3A_127 : memref<1x16x128xi32, #tpu.memory_space<hbm>> -> memref<16x128xi32, #tpu.memory_space<hbm>>
        tpu.enqueue_dma source(%dma_start3A_128 : memref<16x128xi32, #tpu.memory_space<hbm>>) target(%arg7 : memref<16x128xi32, #tpu.memory_space<vmem>>) target_semaphore(%run_scoped3A_122 : memref<!tpu.dma_semaphore, #tpu.memory_space<semaphore_mem>>)
        %dma_wait3A_129 = arith.constant 0 : i32
        %dma_wait3A_130 = tpu.memref_slice %arg3[%add3A, %mul3A_85, %dma_wait3A_129] : memref<32x80x128xi32, #tpu.memory_space<hbm>> -> memref<1x16x128xi32, #tpu.memory_space<hbm>>
        %dma_wait3A_131 = tpu.memref_squeeze %dma_wait3A_130 : memref<1x16x128xi32, #tpu.memory_space<hbm>> -> memref<16x128xi32, #tpu.memory_space<hbm>>
        %dma_wait3A_132 = arith.constant 0 : i32
        %dma_wait3A_133 = tpu.memref_slice %arg3[%add3A, %mul3A_85, %dma_wait3A_132] : memref<32x80x128xi32, #tpu.memory_space<hbm>> -> memref<1x16x128xi32, #tpu.memory_space<hbm>>
        %dma_wait3A_134 = tpu.memref_squeeze %dma_wait3A_133 : memref<1x16x128xi32, #tpu.memory_space<hbm>> -> memref<16x128xi32, #tpu.memory_space<hbm>>
        tpu.wait_dma2 semaphore(%run_scoped3A_122 : memref<!tpu.dma_semaphore, #tpu.memory_space<semaphore_mem>>) src(%dma_wait3A_134 : memref<16x128xi32, #tpu.memory_space<hbm>>) dst(%arg7 : memref<16x128xi32, #tpu.memory_space<vmem>>)
        tpu.yield
      }) : () -> ()
      %mul3A_86 = arith.constant 16 : i32
      %mul3A_87 = arith.muli %scan3A_83, %mul3A_86 : i32
      "tpu.region"() ({
        %run_scoped3A_122 = tpu.sem_alloc : memref<!tpu.dma_semaphore, #tpu.memory_space<semaphore_mem>>
        %dma_start3A_123 = arith.constant 0 : i32
        %dma_start3A_124 = tpu.memref_slice %arg4[%add3A, %mul3A_87, %dma_start3A_123] : memref<32x80x128xi32, #tpu.memory_space<hbm>> -> memref<1x16x128xi32, #tpu.memory_space<hbm>>
        %dma_start3A_125 = tpu.memref_squeeze %dma_start3A_124 : memref<1x16x128xi32, #tpu.memory_space<hbm>> -> memref<16x128xi32, #tpu.memory_space<hbm>>
        %dma_start3A_126 = arith.constant 0 : i32
        %dma_start3A_127 = tpu.memref_slice %arg4[%add3A, %mul3A_87, %dma_start3A_126] : memref<32x80x128xi32, #tpu.memory_space<hbm>> -> memref<1x16x128xi32, #tpu.memory_space<hbm>>
        %dma_start3A_128 = tpu.memref_squeeze %dma_start3A_127 : memref<1x16x128xi32, #tpu.memory_space<hbm>> -> memref<16x128xi32, #tpu.memory_space<hbm>>
        tpu.enqueue_dma source(%dma_start3A_128 : memref<16x128xi32, #tpu.memory_space<hbm>>) target(%arg8 : memref<16x128xi32, #tpu.memory_space<vmem>>) target_semaphore(%run_scoped3A_122 : memref<!tpu.dma_semaphore, #tpu.memory_space<semaphore_mem>>)
        %dma_wait3A_129 = arith.constant 0 : i32
        %dma_wait3A_130 = tpu.memref_slice %arg4[%add3A, %mul3A_87, %dma_wait3A_129] : memref<32x80x128xi32, #tpu.memory_space<hbm>> -> memref<1x16x128xi32, #tpu.memory_space<hbm>>
        %dma_wait3A_131 = tpu.memref_squeeze %dma_wait3A_130 : memref<1x16x128xi32, #tpu.memory_space<hbm>> -> memref<16x128xi32, #tpu.memory_space<hbm>>
        %dma_wait3A_132 = arith.constant 0 : i32
        %dma_wait3A_133 = tpu.memref_slice %arg4[%add3A, %mul3A_87, %dma_wait3A_132] : memref<32x80x128xi32, #tpu.memory_space<hbm>> -> memref<1x16x128xi32, #tpu.memory_space<hbm>>
        %dma_wait3A_134 = tpu.memref_squeeze %dma_wait3A_133 : memref<1x16x128xi32, #tpu.memory_space<hbm>> -> memref<16x128xi32, #tpu.memory_space<hbm>>
        tpu.wait_dma2 semaphore(%run_scoped3A_122 : memref<!tpu.dma_semaphore, #tpu.memory_space<semaphore_mem>>) src(%dma_wait3A_134 : memref<16x128xi32, #tpu.memory_space<hbm>>) dst(%arg8 : memref<16x128xi32, #tpu.memory_space<vmem>>)
        tpu.yield
      }) : () -> ()
      %dma_start3A = arith.constant 0 : i32
      %dma_start3A_88 = arith.constant 0 : i32
      %dma_start3A_89 = arith.constant 0 : i32
      %dma_start3A_90 = arith.constant 0 : i32
      %dma_start3A_91 = tpu.memref_slice %arg9[%dma_start3A_88, %dma_start3A_89, %dma_start3A_90] : memref<2x128x128xf32, #tpu.memory_space<vmem>> -> memref<1x128x128xf32, #tpu.memory_space<vmem>>
      %dma_start3A_92 = tpu.memref_squeeze %dma_start3A_91 : memref<1x128x128xf32, #tpu.memory_space<vmem>> -> memref<128x128xf32, #tpu.memory_space<vmem>>
      %dma_start3A_93 = arith.constant 0 : i32
      %dma_start3A_94 = tpu.memref_slice %arg7[%dma_start3A, %dma_start3A_93] : memref<16x128xi32, #tpu.memory_space<vmem>> -> memref<1x128xi32, #tpu.memory_space<vmem>>
      %dma_start3A_95 = tpu.memref_squeeze %dma_start3A_94 : memref<1x128xi32, #tpu.memory_space<vmem>> -> memref<128xi32, #tpu.memory_space<vmem>>
      %dma_start3A_96 = arith.constant 0 : i32
      %dma_start3A_97 = arith.constant 0 : i32
      %dma_start3A_98 = tpu.memref_slice %arg2[%dma_start3A_96, %dma_start3A_97] : memref<10000x128xf32, #tpu.memory_space<hbm>> -> memref<10000x128xf32, #tpu.memory_space<hbm>>
      tpu.enqueue_indirect_dma source(%dma_start3A_98 : memref<10000x128xf32, #tpu.memory_space<hbm>>) target(%dma_start3A_92 : memref<128x128xf32, #tpu.memory_space<vmem>>) offsets(%dma_start3A_95 : memref<128xi32, #tpu.memory_space<vmem>>) semaphore(%arg13 : memref<!tpu.dma_semaphore, #tpu.memory_space<semaphore_mem>>)
      %scan3A_99 = arith.constant 0 : i32
      %scan3A_100 = arith.constant 0 : i32
      %scan3A_101 = arith.constant 8 : i32
      %scan3A_102 = arith.addi %scan3A_100, %scan3A_101 : i32
      %scan3A_103 = arith.constant 1 : i32
      scf.for %scan3A_122 = %scan3A_100 to %scan3A_102 step %scan3A_103  : i32 {
        %mul3A_123 = arith.constant 2 : i32
        %mul3A_124 = arith.muli %scan3A_122, %mul3A_123 : i32
        %dma_wait3A_125 = arith.constant 0 : i32
        %dma_wait3A_126 = arith.constant 0 : i32
        %dma_wait3A_127 = arith.constant 0 : i32
        %dma_wait3A_128 = tpu.memref_slice %arg9[%dma_wait3A_125, %dma_wait3A_126, %dma_wait3A_127] : memref<2x128x128xf32, #tpu.memory_space<vmem>> -> memref<1x128x128xf32, #tpu.memory_space<vmem>>
        %dma_wait3A_129 = tpu.memref_squeeze %dma_wait3A_128 : memref<1x128x128xf32, #tpu.memory_space<vmem>> -> memref<128x128xf32, #tpu.memory_space<vmem>>
        %dma_wait3A_130 = arith.constant 0 : i32
        %dma_wait3A_131 = tpu.memref_slice %arg7[%mul3A_124, %dma_wait3A_130] : memref<16x128xi32, #tpu.memory_space<vmem>> -> memref<1x128xi32, #tpu.memory_space<vmem>>
        %dma_wait3A_132 = tpu.memref_squeeze %dma_wait3A_131 : memref<1x128xi32, #tpu.memory_space<vmem>> -> memref<128xi32, #tpu.memory_space<vmem>>
        %dma_wait3A_133 = arith.constant 0 : i32
        %dma_wait3A_134 = arith.constant 0 : i32
        %dma_wait3A_135 = tpu.memref_slice %arg2[%dma_wait3A_133, %dma_wait3A_134] : memref<10000x128xf32, #tpu.memory_space<hbm>> -> memref<10000x128xf32, #tpu.memory_space<hbm>>
        tpu.wait_indirect_dma semaphore(%arg13 : memref<!tpu.dma_semaphore, #tpu.memory_space<semaphore_mem>>) src(%dma_wait3A_135 : memref<10000x128xf32, #tpu.memory_space<hbm>>) dst(%dma_wait3A_129 : memref<128x128xf32, #tpu.memory_space<vmem>>)
        %dma_start3A_136 = arith.constant 0 : i32
        %dma_start3A_137 = arith.constant 0 : i32
        %dma_start3A_138 = arith.constant 0 : i32
        %dma_start3A_139 = tpu.memref_slice %arg9[%dma_start3A_136, %dma_start3A_137, %dma_start3A_138] : memref<2x128x128xf32, #tpu.memory_space<vmem>> -> memref<1x128x128xf32, #tpu.memory_space<vmem>>
        %dma_start3A_140 = tpu.memref_squeeze %dma_start3A_139 : memref<1x128x128xf32, #tpu.memory_space<vmem>> -> memref<128x128xf32, #tpu.memory_space<vmem>>
        %dma_start3A_141 = arith.constant 0 : i32
        %dma_start3A_142 = tpu.memref_slice %arg8[%mul3A_124, %dma_start3A_141] : memref<16x128xi32, #tpu.memory_space<vmem>> -> memref<1x128xi32, #tpu.memory_space<vmem>>
        %dma_start3A_143 = tpu.memref_squeeze %dma_start3A_142 : memref<1x128xi32, #tpu.memory_space<vmem>> -> memref<128xi32, #tpu.memory_space<vmem>>
        %dma_start3A_144 = arith.constant 0 : i32
        %dma_start3A_145 = arith.constant 0 : i32
        %dma_start3A_146 = tpu.memref_slice %arg11[%dma_start3A_144, %dma_start3A_145] : memref<10240x128xf32, #tpu.memory_space<vmem_shared>> -> memref<10240x128xf32, #tpu.memory_space<vmem_shared>>
        tpu.enqueue_indirect_dma source(%dma_start3A_140 : memref<128x128xf32, #tpu.memory_space<vmem>>) target(%dma_start3A_146 : memref<10240x128xf32, #tpu.memory_space<vmem_shared>>) offsets(%dma_start3A_143 : memref<128xi32, #tpu.memory_space<vmem>>) semaphore(%arg15 : memref<!tpu.dma_semaphore, #tpu.memory_space<semaphore_mem>>) {add = true}
        %dma_start3A_147 = arith.constant 0 : i32
        %dma_start3A_148 = tpu.memref_slice %arg8[%mul3A_124, %dma_start3A_147] : memref<16x128xi32, #tpu.memory_space<vmem>> -> memref<1x128xi32, #tpu.memory_space<vmem>>
        %dma_start3A_149 = tpu.memref_squeeze %dma_start3A_148 : memref<1x128xi32, #tpu.memory_space<vmem>> -> memref<128xi32, #tpu.memory_space<vmem>>
        %dma_start3A_150 = arith.constant 0 : i32
        %dma_start3A_151 = tpu.memref_slice %arg12[%dma_start3A_150] : memref<10240xf32, #tpu.memory_space<vmem_shared>> -> memref<10240xf32, #tpu.memory_space<vmem_shared>>
        tpu.enqueue_indirect_dma source(%arg10 : memref<128xf32, #tpu.memory_space<vmem>>) target(%dma_start3A_151 : memref<10240xf32, #tpu.memory_space<vmem_shared>>) offsets(%dma_start3A_149 : memref<128xi32, #tpu.memory_space<vmem>>) semaphore(%arg17 : memref<!tpu.dma_semaphore, #tpu.memory_space<semaphore_mem>>) {add = true}
        %gt3A = arith.constant 0 : i32
        %gt3A_152 = arith.cmpi sgt, %scan3A_122, %gt3A : i32
        %convert_element_type3A = arith.extui %gt3A_152 : i1 to i32
        %cond3A = arith.constant 0 : i32
        %cond3A_153 = arith.cmpi ne, %convert_element_type3A, %cond3A : i32
        scf.if %cond3A_153 {
          %sub3A = arith.constant 1 : i32
          %sub3A_220 = arith.subi %mul3A_124, %sub3A : i32
          %dma_wait3A_221 = arith.constant 1 : i32
          %dma_wait3A_222 = arith.constant 0 : i32
          %dma_wait3A_223 = arith.constant 0 : i32
          %dma_wait3A_224 = tpu.memref_slice %arg9[%dma_wait3A_221, %dma_wait3A_222, %dma_wait3A_223] : memref<2x128x128xf32, #tpu.memory_space<vmem>> -> memref<1x128x128xf32, #tpu.memory_space<vmem>>
          %dma_wait3A_225 = tpu.memref_squeeze %dma_wait3A_224 : memref<1x128x128xf32, #tpu.memory_space<vmem>> -> memref<128x128xf32, #tpu.memory_space<vmem>>
          %dma_wait3A_226 = arith.constant 0 : i32
          %dma_wait3A_227 = tpu.memref_slice %arg8[%sub3A_220, %dma_wait3A_226] : memref<16x128xi32, #tpu.memory_space<vmem>> -> memref<1x128xi32, #tpu.memory_space<vmem>>
          %dma_wait3A_228 = tpu.memref_squeeze %dma_wait3A_227 : memref<1x128xi32, #tpu.memory_space<vmem>> -> memref<128xi32, #tpu.memory_space<vmem>>
          %dma_wait3A_229 = arith.constant 0 : i32
          %dma_wait3A_230 = arith.constant 0 : i32
          %dma_wait3A_231 = tpu.memref_slice %arg11[%dma_wait3A_229, %dma_wait3A_230] : memref<10240x128xf32, #tpu.memory_space<vmem_shared>> -> memref<10240x128xf32, #tpu.memory_space<vmem_shared>>
          tpu.wait_indirect_dma semaphore(%arg16 : memref<!tpu.dma_semaphore, #tpu.memory_space<semaphore_mem>>) src(%dma_wait3A_225 : memref<128x128xf32, #tpu.memory_space<vmem>>) dst(%dma_wait3A_231 : memref<10240x128xf32, #tpu.memory_space<vmem_shared>>)
          %sub3A_232 = arith.constant 1 : i32
          %sub3A_233 = arith.subi %mul3A_124, %sub3A_232 : i32
          %dma_wait3A_234 = arith.constant 0 : i32
          %dma_wait3A_235 = tpu.memref_slice %arg8[%sub3A_233, %dma_wait3A_234] : memref<16x128xi32, #tpu.memory_space<vmem>> -> memref<1x128xi32, #tpu.memory_space<vmem>>
          %dma_wait3A_236 = tpu.memref_squeeze %dma_wait3A_235 : memref<1x128xi32, #tpu.memory_space<vmem>> -> memref<128xi32, #tpu.memory_space<vmem>>
          %dma_wait3A_237 = arith.constant 0 : i32
          %dma_wait3A_238 = tpu.memref_slice %arg12[%dma_wait3A_237] : memref<10240xf32, #tpu.memory_space<vmem_shared>> -> memref<10240xf32, #tpu.memory_space<vmem_shared>>
          tpu.wait_indirect_dma semaphore(%arg17 : memref<!tpu.dma_semaphore, #tpu.memory_space<semaphore_mem>>) src(%arg10 : memref<128xf32, #tpu.memory_space<vmem>>) dst(%dma_wait3A_238 : memref<10240xf32, #tpu.memory_space<vmem_shared>>)
        } else {
        }
        %add3A_154 = arith.constant 1 : i32
        %add3A_155 = arith.addi %mul3A_124, %add3A_154 : i32
        %dma_start3A_156 = arith.constant 1 : i32
        %dma_start3A_157 = arith.constant 0 : i32
        %dma_start3A_158 = arith.constant 0 : i32
        %dma_start3A_159 = tpu.memref_slice %arg9[%dma_start3A_156, %dma_start3A_157, %dma_start3A_158] : memref<2x128x128xf32, #tpu.memory_space<vmem>> -> memref<1x128x128xf32, #tpu.memory_space<vmem>>
        %dma_start3A_160 = tpu.memref_squeeze %dma_start3A_159 : memref<1x128x128xf32, #tpu.memory_space<vmem>> -> memref<128x128xf32, #tpu.memory_space<vmem>>
        %dma_start3A_161 = arith.constant 0 : i32
        %dma_start3A_162 = tpu.memref_slice %arg7[%add3A_155, %dma_start3A_161] : memref<16x128xi32, #tpu.memory_space<vmem>> -> memref<1x128xi32, #tpu.memory_space<vmem>>
        %dma_start3A_163 = tpu.memref_squeeze %dma_start3A_162 : memref<1x128xi32, #tpu.memory_space<vmem>> -> memref<128xi32, #tpu.memory_space<vmem>>
        %dma_start3A_164 = arith.constant 0 : i32
        %dma_start3A_165 = arith.constant 0 : i32
        %dma_start3A_166 = tpu.memref_slice %arg2[%dma_start3A_164, %dma_start3A_165] : memref<10000x128xf32, #tpu.memory_space<hbm>> -> memref<10000x128xf32, #tpu.memory_space<hbm>>
        tpu.enqueue_indirect_dma source(%dma_start3A_166 : memref<10000x128xf32, #tpu.memory_space<hbm>>) target(%dma_start3A_160 : memref<128x128xf32, #tpu.memory_space<vmem>>) offsets(%dma_start3A_163 : memref<128xi32, #tpu.memory_space<vmem>>) semaphore(%arg14 : memref<!tpu.dma_semaphore, #tpu.memory_space<semaphore_mem>>)
        %add3A_167 = arith.constant 1 : i32
        %add3A_168 = arith.addi %mul3A_124, %add3A_167 : i32
        %dma_wait3A_169 = arith.constant 1 : i32
        %dma_wait3A_170 = arith.constant 0 : i32
        %dma_wait3A_171 = arith.constant 0 : i32
        %dma_wait3A_172 = tpu.memref_slice %arg9[%dma_wait3A_169, %dma_wait3A_170, %dma_wait3A_171] : memref<2x128x128xf32, #tpu.memory_space<vmem>> -> memref<1x128x128xf32, #tpu.memory_space<vmem>>
        %dma_wait3A_173 = tpu.memref_squeeze %dma_wait3A_172 : memref<1x128x128xf32, #tpu.memory_space<vmem>> -> memref<128x128xf32, #tpu.memory_space<vmem>>
        %dma_wait3A_174 = arith.constant 0 : i32
        %dma_wait3A_175 = tpu.memref_slice %arg7[%add3A_168, %dma_wait3A_174] : memref<16x128xi32, #tpu.memory_space<vmem>> -> memref<1x128xi32, #tpu.memory_space<vmem>>
        %dma_wait3A_176 = tpu.memref_squeeze %dma_wait3A_175 : memref<1x128xi32, #tpu.memory_space<vmem>> -> memref<128xi32, #tpu.memory_space<vmem>>
        %dma_wait3A_177 = arith.constant 0 : i32
        %dma_wait3A_178 = arith.constant 0 : i32
        %dma_wait3A_179 = tpu.memref_slice %arg2[%dma_wait3A_177, %dma_wait3A_178] : memref<10000x128xf32, #tpu.memory_space<hbm>> -> memref<10000x128xf32, #tpu.memory_space<hbm>>
        tpu.wait_indirect_dma semaphore(%arg14 : memref<!tpu.dma_semaphore, #tpu.memory_space<semaphore_mem>>) src(%dma_wait3A_179 : memref<10000x128xf32, #tpu.memory_space<hbm>>) dst(%dma_wait3A_173 : memref<128x128xf32, #tpu.memory_space<vmem>>)
        %add3A_180 = arith.constant 1 : i32
        %add3A_181 = arith.addi %mul3A_124, %add3A_180 : i32
        %dma_start3A_182 = arith.constant 1 : i32
        %dma_start3A_183 = arith.constant 0 : i32
        %dma_start3A_184 = arith.constant 0 : i32
        %dma_start3A_185 = tpu.memref_slice %arg9[%dma_start3A_182, %dma_start3A_183, %dma_start3A_184] : memref<2x128x128xf32, #tpu.memory_space<vmem>> -> memref<1x128x128xf32, #tpu.memory_space<vmem>>
        %dma_start3A_186 = tpu.memref_squeeze %dma_start3A_185 : memref<1x128x128xf32, #tpu.memory_space<vmem>> -> memref<128x128xf32, #tpu.memory_space<vmem>>
        %dma_start3A_187 = arith.constant 0 : i32
        %dma_start3A_188 = tpu.memref_slice %arg8[%add3A_181, %dma_start3A_187] : memref<16x128xi32, #tpu.memory_space<vmem>> -> memref<1x128xi32, #tpu.memory_space<vmem>>
        %dma_start3A_189 = tpu.memref_squeeze %dma_start3A_188 : memref<1x128xi32, #tpu.memory_space<vmem>> -> memref<128xi32, #tpu.memory_space<vmem>>
        %dma_start3A_190 = arith.constant 0 : i32
        %dma_start3A_191 = arith.constant 0 : i32
        %dma_start3A_192 = tpu.memref_slice %arg11[%dma_start3A_190, %dma_start3A_191] : memref<10240x128xf32, #tpu.memory_space<vmem_shared>> -> memref<10240x128xf32, #tpu.memory_space<vmem_shared>>
        tpu.enqueue_indirect_dma source(%dma_start3A_186 : memref<128x128xf32, #tpu.memory_space<vmem>>) target(%dma_start3A_192 : memref<10240x128xf32, #tpu.memory_space<vmem_shared>>) offsets(%dma_start3A_189 : memref<128xi32, #tpu.memory_space<vmem>>) semaphore(%arg16 : memref<!tpu.dma_semaphore, #tpu.memory_space<semaphore_mem>>) {add = true}
        %add3A_193 = arith.constant 1 : i32
        %add3A_194 = arith.addi %mul3A_124, %add3A_193 : i32
        %dma_start3A_195 = arith.constant 0 : i32
        %dma_start3A_196 = tpu.memref_slice %arg8[%add3A_194, %dma_start3A_195] : memref<16x128xi32, #tpu.memory_space<vmem>> -> memref<1x128xi32, #tpu.memory_space<vmem>>
        %dma_start3A_197 = tpu.memref_squeeze %dma_start3A_196 : memref<1x128xi32, #tpu.memory_space<vmem>> -> memref<128xi32, #tpu.memory_space<vmem>>
        %dma_start3A_198 = arith.constant 0 : i32
        %dma_start3A_199 = tpu.memref_slice %arg12[%dma_start3A_198] : memref<10240xf32, #tpu.memory_space<vmem_shared>> -> memref<10240xf32, #tpu.memory_space<vmem_shared>>
        tpu.enqueue_indirect_dma source(%arg10 : memref<128xf32, #tpu.memory_space<vmem>>) target(%dma_start3A_199 : memref<10240xf32, #tpu.memory_space<vmem_shared>>) offsets(%dma_start3A_197 : memref<128xi32, #tpu.memory_space<vmem>>) semaphore(%arg17 : memref<!tpu.dma_semaphore, #tpu.memory_space<semaphore_mem>>) {add = true}
        %dma_wait3A_200 = arith.constant 0 : i32
        %dma_wait3A_201 = arith.constant 0 : i32
        %dma_wait3A_202 = arith.constant 0 : i32
        %dma_wait3A_203 = tpu.memref_slice %arg9[%dma_wait3A_200, %dma_wait3A_201, %dma_wait3A_202] : memref<2x128x128xf32, #tpu.memory_space<vmem>> -> memref<1x128x128xf32, #tpu.memory_space<vmem>>
        %dma_wait3A_204 = tpu.memref_squeeze %dma_wait3A_203 : memref<1x128x128xf32, #tpu.memory_space<vmem>> -> memref<128x128xf32, #tpu.memory_space<vmem>>
        %dma_wait3A_205 = arith.constant 0 : i32
        %dma_wait3A_206 = tpu.memref_slice %arg8[%mul3A_124, %dma_wait3A_205] : memref<16x128xi32, #tpu.memory_space<vmem>> -> memref<1x128xi32, #tpu.memory_space<vmem>>
        %dma_wait3A_207 = tpu.memref_squeeze %dma_wait3A_206 : memref<1x128xi32, #tpu.memory_space<vmem>> -> memref<128xi32, #tpu.memory_space<vmem>>
        %dma_wait3A_208 = arith.constant 0 : i32
        %dma_wait3A_209 = arith.constant 0 : i32
        %dma_wait3A_210 = tpu.memref_slice %arg11[%dma_wait3A_208, %dma_wait3A_209] : memref<10240x128xf32, #tpu.memory_space<vmem_shared>> -> memref<10240x128xf32, #tpu.memory_space<vmem_shared>>
        tpu.wait_indirect_dma semaphore(%arg15 : memref<!tpu.dma_semaphore, #tpu.memory_space<semaphore_mem>>) src(%dma_wait3A_204 : memref<128x128xf32, #tpu.memory_space<vmem>>) dst(%dma_wait3A_210 : memref<10240x128xf32, #tpu.memory_space<vmem_shared>>)
        %dma_wait3A_211 = arith.constant 0 : i32
        %dma_wait3A_212 = tpu.memref_slice %arg8[%mul3A_124, %dma_wait3A_211] : memref<16x128xi32, #tpu.memory_space<vmem>> -> memref<1x128xi32, #tpu.memory_space<vmem>>
        %dma_wait3A_213 = tpu.memref_squeeze %dma_wait3A_212 : memref<1x128xi32, #tpu.memory_space<vmem>> -> memref<128xi32, #tpu.memory_space<vmem>>
        %dma_wait3A_214 = arith.constant 0 : i32
        %dma_wait3A_215 = tpu.memref_slice %arg12[%dma_wait3A_214] : memref<10240xf32, #tpu.memory_space<vmem_shared>> -> memref<10240xf32, #tpu.memory_space<vmem_shared>>
        tpu.wait_indirect_dma semaphore(%arg17 : memref<!tpu.dma_semaphore, #tpu.memory_space<semaphore_mem>>) src(%arg10 : memref<128xf32, #tpu.memory_space<vmem>>) dst(%dma_wait3A_215 : memref<10240xf32, #tpu.memory_space<vmem_shared>>)
        %lt3A = arith.constant 7 : i32
        %lt3A_216 = arith.cmpi slt, %scan3A_122, %lt3A : i32
        %convert_element_type3A_217 = arith.extui %lt3A_216 : i1 to i32
        %cond3A_218 = arith.constant 0 : i32
        %cond3A_219 = arith.cmpi ne, %convert_element_type3A_217, %cond3A_218 : i32
        scf.if %cond3A_219 {
          %add3A_220 = arith.constant 2 : i32
          %add3A_221 = arith.addi %mul3A_124, %add3A_220 : i32
          %dma_start3A_222 = arith.constant 0 : i32
          %dma_start3A_223 = arith.constant 0 : i32
          %dma_start3A_224 = arith.constant 0 : i32
          %dma_start3A_225 = tpu.memref_slice %arg9[%dma_start3A_222, %dma_start3A_223, %dma_start3A_224] : memref<2x128x128xf32, #tpu.memory_space<vmem>> -> memref<1x128x128xf32, #tpu.memory_space<vmem>>
          %dma_start3A_226 = tpu.memref_squeeze %dma_start3A_225 : memref<1x128x128xf32, #tpu.memory_space<vmem>> -> memref<128x128xf32, #tpu.memory_space<vmem>>
          %dma_start3A_227 = arith.constant 0 : i32
          %dma_start3A_228 = tpu.memref_slice %arg7[%add3A_221, %dma_start3A_227] : memref<16x128xi32, #tpu.memory_space<vmem>> -> memref<1x128xi32, #tpu.memory_space<vmem>>
          %dma_start3A_229 = tpu.memref_squeeze %dma_start3A_228 : memref<1x128xi32, #tpu.memory_space<vmem>> -> memref<128xi32, #tpu.memory_space<vmem>>
          %dma_start3A_230 = arith.constant 0 : i32
          %dma_start3A_231 = arith.constant 0 : i32
          %dma_start3A_232 = tpu.memref_slice %arg2[%dma_start3A_230, %dma_start3A_231] : memref<10000x128xf32, #tpu.memory_space<hbm>> -> memref<10000x128xf32, #tpu.memory_space<hbm>>
          tpu.enqueue_indirect_dma source(%dma_start3A_232 : memref<10000x128xf32, #tpu.memory_space<hbm>>) target(%dma_start3A_226 : memref<128x128xf32, #tpu.memory_space<vmem>>) offsets(%dma_start3A_229 : memref<128xi32, #tpu.memory_space<vmem>>) semaphore(%arg13 : memref<!tpu.dma_semaphore, #tpu.memory_space<semaphore_mem>>)
        } else {
        }
      }
      %scan3A_104 = arith.constant 8 : i32
      %dma_wait3A = arith.constant 1 : i32
      %dma_wait3A_105 = arith.constant 15 : i32
      %dma_wait3A_106 = arith.constant 0 : i32
      %dma_wait3A_107 = arith.constant 0 : i32
      %dma_wait3A_108 = tpu.memref_slice %arg9[%dma_wait3A, %dma_wait3A_106, %dma_wait3A_107] : memref<2x128x128xf32, #tpu.memory_space<vmem>> -> memref<1x128x128xf32, #tpu.memory_space<vmem>>
      %dma_wait3A_109 = tpu.memref_squeeze %dma_wait3A_108 : memref<1x128x128xf32, #tpu.memory_space<vmem>> -> memref<128x128xf32, #tpu.memory_space<vmem>>
      %dma_wait3A_110 = arith.constant 0 : i32
      %dma_wait3A_111 = tpu.memref_slice %arg8[%dma_wait3A_105, %dma_wait3A_110] : memref<16x128xi32, #tpu.memory_space<vmem>> -> memref<1x128xi32, #tpu.memory_space<vmem>>
      %dma_wait3A_112 = tpu.memref_squeeze %dma_wait3A_111 : memref<1x128xi32, #tpu.memory_space<vmem>> -> memref<128xi32, #tpu.memory_space<vmem>>
      %dma_wait3A_113 = arith.constant 0 : i32
      %dma_wait3A_114 = arith.constant 0 : i32
      %dma_wait3A_115 = tpu.memref_slice %arg11[%dma_wait3A_113, %dma_wait3A_114] : memref<10240x128xf32, #tpu.memory_space<vmem_shared>> -> memref<10240x128xf32, #tpu.memory_space<vmem_shared>>
      tpu.wait_indirect_dma semaphore(%arg16 : memref<!tpu.dma_semaphore, #tpu.memory_space<semaphore_mem>>) src(%dma_wait3A_109 : memref<128x128xf32, #tpu.memory_space<vmem>>) dst(%dma_wait3A_115 : memref<10240x128xf32, #tpu.memory_space<vmem_shared>>)
      %dma_wait3A_116 = arith.constant 15 : i32
      %dma_wait3A_117 = arith.constant 0 : i32
      %dma_wait3A_118 = tpu.memref_slice %arg8[%dma_wait3A_116, %dma_wait3A_117] : memref<16x128xi32, #tpu.memory_space<vmem>> -> memref<1x128xi32, #tpu.memory_space<vmem>>
      %dma_wait3A_119 = tpu.memref_squeeze %dma_wait3A_118 : memref<1x128xi32, #tpu.memory_space<vmem>> -> memref<128xi32, #tpu.memory_space<vmem>>
      %dma_wait3A_120 = arith.constant 0 : i32
      %dma_wait3A_121 = tpu.memref_slice %arg12[%dma_wait3A_120] : memref<10240xf32, #tpu.memory_space<vmem_shared>> -> memref<10240xf32, #tpu.memory_space<vmem_shared>>
      tpu.wait_indirect_dma semaphore(%arg17 : memref<!tpu.dma_semaphore, #tpu.memory_space<semaphore_mem>>) src(%arg10 : memref<128xf32, #tpu.memory_space<vmem>>) dst(%dma_wait3A_121 : memref<10240xf32, #tpu.memory_space<vmem_shared>>)
    }
    %scan3A_81 = arith.constant 5 : i32
    %barrier3A_82 = arith.constant 0 : index
    tpu.barrier barrier_id(%barrier3A_82)
    "tpu.region"() ({
      %run_scoped3A_83 = tpu.sem_alloc : memref<!tpu.dma_semaphore, #tpu.memory_space<semaphore_mem>>
      %dma_start3A = arith.constant 0 : i32
      %dma_start3A_84 = tpu.memref_slice %arg5[%arg0, %mul3A_41, %dma_start3A] : memref<2x10240x128xf32, #tpu.memory_space<hbm>> -> memref<1x640x128xf32, #tpu.memory_space<hbm>>
      %dma_start3A_85 = tpu.memref_squeeze %dma_start3A_84 : memref<1x640x128xf32, #tpu.memory_space<hbm>> -> memref<640x128xf32, #tpu.memory_space<hbm>>
      %dma_start3A_86 = arith.constant 0 : i32
      %dma_start3A_87 = tpu.memref_slice %arg11[%mul3A_41, %dma_start3A_86] : memref<10240x128xf32, #tpu.memory_space<vmem_shared>> -> memref<640x128xf32, #tpu.memory_space<vmem_shared>>
      tpu.enqueue_dma source(%dma_start3A_87 : memref<640x128xf32, #tpu.memory_space<vmem_shared>>) target(%dma_start3A_85 : memref<640x128xf32, #tpu.memory_space<hbm>>) target_semaphore(%run_scoped3A_83 : memref<!tpu.dma_semaphore, #tpu.memory_space<semaphore_mem>>)
      %dma_wait3A = arith.constant 0 : i32
      %dma_wait3A_88 = tpu.memref_slice %arg5[%arg0, %mul3A_41, %dma_wait3A] : memref<2x10240x128xf32, #tpu.memory_space<hbm>> -> memref<1x640x128xf32, #tpu.memory_space<hbm>>
      %dma_wait3A_89 = tpu.memref_squeeze %dma_wait3A_88 : memref<1x640x128xf32, #tpu.memory_space<hbm>> -> memref<640x128xf32, #tpu.memory_space<hbm>>
      %dma_wait3A_90 = arith.constant 0 : i32
      %dma_wait3A_91 = tpu.memref_slice %arg11[%mul3A_41, %dma_wait3A_90] : memref<10240x128xf32, #tpu.memory_space<vmem_shared>> -> memref<640x128xf32, #tpu.memory_space<vmem_shared>>
      tpu.wait_dma2 semaphore(%run_scoped3A_83 : memref<!tpu.dma_semaphore, #tpu.memory_space<semaphore_mem>>) src(%dma_wait3A_91 : memref<640x128xf32, #tpu.memory_space<vmem_shared>>) dst(%dma_wait3A_89 : memref<640x128xf32, #tpu.memory_space<hbm>>)
      tpu.yield
    }) : () -> ()
    "tpu.region"() ({
      %run_scoped3A_83 = tpu.sem_alloc : memref<!tpu.dma_semaphore, #tpu.memory_space<semaphore_mem>>
      %dma_start3A = tpu.memref_slice %arg6[%arg0, %mul3A_41] : memref<2x10240xf32, #tpu.memory_space<hbm>> -> memref<1x640xf32, #tpu.memory_space<hbm>>
      %dma_start3A_84 = tpu.memref_squeeze %dma_start3A : memref<1x640xf32, #tpu.memory_space<hbm>> -> memref<640xf32, #tpu.memory_space<hbm>>
      %dma_start3A_85 = tpu.memref_slice %arg12[%mul3A_41] : memref<10240xf32, #tpu.memory_space<vmem_shared>> -> memref<640xf32, #tpu.memory_space<vmem_shared>>
      tpu.enqueue_dma source(%dma_start3A_85 : memref<640xf32, #tpu.memory_space<vmem_shared>>) target(%dma_start3A_84 : memref<640xf32, #tpu.memory_space<hbm>>) target_semaphore(%run_scoped3A_83 : memref<!tpu.dma_semaphore, #tpu.memory_space<semaphore_mem>>)
      %dma_wait3A = tpu.memref_slice %arg6[%arg0, %mul3A_41] : memref<2x10240xf32, #tpu.memory_space<hbm>> -> memref<1x640xf32, #tpu.memory_space<hbm>>
      %dma_wait3A_86 = tpu.memref_squeeze %dma_wait3A : memref<1x640xf32, #tpu.memory_space<hbm>> -> memref<640xf32, #tpu.memory_space<hbm>>
      %dma_wait3A_87 = tpu.memref_slice %arg12[%mul3A_41] : memref<10240xf32, #tpu.memory_space<vmem_shared>> -> memref<640xf32, #tpu.memory_space<vmem_shared>>
      tpu.wait_dma2 semaphore(%run_scoped3A_83 : memref<!tpu.dma_semaphore, #tpu.memory_space<semaphore_mem>>) src(%dma_wait3A_87 : memref<640xf32, #tpu.memory_space<vmem_shared>>) dst(%dma_wait3A_86 : memref<640xf32, #tpu.memory_space<hbm>>)
      tpu.yield
    }) : () -> ()
    return
  }
}

#map = affine_map<(d0, d1) -> (0, 0)>
#map1 = affine_map<(d0, d1) -> (0, 0, 0)>
module attributes {stable_mosaic.version = 14 : i64} {
  func.func @sc_agg(%arg0: i32, %arg1: i32, %arg2: memref<10000x128xf32, #tpu.memory_space<hbm>>, %arg3: memref<32x80x128xi32, #tpu.memory_space<hbm>>, %arg4: memref<32x80x128xi32, #tpu.memory_space<hbm>>, %arg5: memref<2x10240x128xf32, #tpu.memory_space<hbm>>, %arg6: memref<2x10240xf32, #tpu.memory_space<hbm>>, %arg7: memref<16x128xi32, #tpu.memory_space<vmem>>, %arg8: memref<16x128xi32, #tpu.memory_space<vmem>>, %arg9: memref<2x128x128xf32, #tpu.memory_space<vmem>>, %arg10: memref<128xf32, #tpu.memory_space<vmem>>, %arg11: memref<10240x128xf32, #tpu.memory_space<vmem_shared>>, %arg12: memref<10240xf32, #tpu.memory_space<vmem_shared>>, %arg13: memref<!tpu.dma_semaphore, #tpu.memory_space<semaphore_mem>>, %arg14: memref<!tpu.dma_semaphore, #tpu.memory_space<semaphore_mem>>, %arg15: memref<!tpu.dma_semaphore, #tpu.memory_space<semaphore_mem>>, %arg16: memref<!tpu.dma_semaphore, #tpu.memory_space<semaphore_mem>>, %arg17: memref<!tpu.dma_semaphore, #tpu.memory_space<semaphore_mem>>) attributes {dimension_semantics = [#tpu.dimension_semantics<core_parallel>, #tpu.dimension_semantics<subcore_parallel>], iteration_bounds = array<i64: 2, 16>, scalar_prefetch = 0 : i64, scratch_operands = 11 : i64, tpu.core_type = #tpu.core_type<sc_vector_subcore>, window_params = [{transform_indices = #map}, {transform_indices = #map1}, {transform_indices = #map1}, {transform_indices = #map1}, {transform_indices = #map}]} {
    %mul3A = arith.constant 2 : i32
    %mul3A_0 = arith.muli %arg1, %mul3A : i32
    %add3A = arith.addi %mul3A_0, %arg0 : i32
    %broadcast_in_dim3A = arith.constant 0.000000e+00 : f32
    %broadcast_in_dim3A_1 = vector.broadcast %broadcast_in_dim3A : f32 to vector<16xf32>
    %broadcast_in_dim3A_2 = arith.constant 1.000000e+00 : f32
    %broadcast_in_dim3A_3 = vector.broadcast %broadcast_in_dim3A_2 : f32 to vector<16xf32>
    %scan3A = arith.constant 0 : i32
    %scan3A_4 = arith.constant 0 : i32
    %scan3A_5 = arith.constant 128 : i32
    %scan3A_6 = arith.addi %scan3A_4, %scan3A_5 : i32
    %scan3A_7 = arith.constant 1 : i32
    scf.for %scan3A_83 = %scan3A_4 to %scan3A_6 step %scan3A_7  : i32 {
      %swap3A_84 = arith.constant 0 : i32
      %swap3A_85 = arith.index_cast %swap3A_84 : i32 to index
      %swap3A_86 = arith.index_cast %scan3A_83 : i32 to index
      %swap3A_87 = arith.constant 0 : index
      %swap3A_88 = tpu.vector_load %arg9[%swap3A_85, %swap3A_86, %swap3A_87] {strides = array<i32>} : memref<2x128x128xf32, #tpu.memory_space<vmem>>, vector<1x1x16xf32>,
      %swap3A_89 = vector.shape_cast %swap3A_88 : vector<1x1x16xf32> to vector<16xf32>
      %swap3A_90 = vector.shape_cast %broadcast_in_dim3A_1 : vector<16xf32> to vector<1x1x16xf32>
      tpu.vector_store %arg9[%swap3A_85, %swap3A_86, %swap3A_87], %swap3A_90 {strides = array<i32>} : memref<2x128x128xf32, #tpu.memory_space<vmem>>, vector<1x1x16xf32>,
      %swap3A_91 = arith.constant 0 : i32
      %swap3A_92 = arith.index_cast %swap3A_91 : i32 to index
      %swap3A_93 = arith.index_cast %scan3A_83 : i32 to index
      %swap3A_94 = arith.constant 16 : index
      %swap3A_95 = tpu.vector_load %arg9[%swap3A_92, %swap3A_93, %swap3A_94] {strides = array<i32>} : memref<2x128x128xf32, #tpu.memory_space<vmem>>, vector<1x1x16xf32>,
      %swap3A_96 = vector.shape_cast %swap3A_95 : vector<1x1x16xf32> to vector<16xf32>
      %swap3A_97 = vector.shape_cast %broadcast_in_dim3A_1 : vector<16xf32> to vector<1x1x16xf32>
      tpu.vector_store %arg9[%swap3A_92, %swap3A_93, %swap3A_94], %swap3A_97 {strides = array<i32>} : memref<2x128x128xf32, #tpu.memory_space<vmem>>, vector<1x1x16xf32>,
      %swap3A_98 = arith.constant 0 : i32
      %swap3A_99 = arith.index_cast %swap3A_98 : i32 to index
      %swap3A_100 = arith.index_cast %scan3A_83 : i32 to index
      %swap3A_101 = arith.constant 32 : index
      %swap3A_102 = tpu.vector_load %arg9[%swap3A_99, %swap3A_100, %swap3A_101] {strides = array<i32>} : memref<2x128x128xf32, #tpu.memory_space<vmem>>, vector<1x1x16xf32>,
      %swap3A_103 = vector.shape_cast %swap3A_102 : vector<1x1x16xf32> to vector<16xf32>
      %swap3A_104 = vector.shape_cast %broadcast_in_dim3A_1 : vector<16xf32> to vector<1x1x16xf32>
      tpu.vector_store %arg9[%swap3A_99, %swap3A_100, %swap3A_101], %swap3A_104 {strides = array<i32>} : memref<2x128x128xf32, #tpu.memory_space<vmem>>, vector<1x1x16xf32>,
      %swap3A_105 = arith.constant 0 : i32
      %swap3A_106 = arith.index_cast %swap3A_105 : i32 to index
      %swap3A_107 = arith.index_cast %scan3A_83 : i32 to index
      %swap3A_108 = arith.constant 48 : index
      %swap3A_109 = tpu.vector_load %arg9[%swap3A_106, %swap3A_107, %swap3A_108] {strides = array<i32>} : memref<2x128x128xf32, #tpu.memory_space<vmem>>, vector<1x1x16xf32>,
      %swap3A_110 = vector.shape_cast %swap3A_109 : vector<1x1x16xf32> to vector<16xf32>
      %swap3A_111 = vector.shape_cast %broadcast_in_dim3A_1 : vector<16xf32> to vector<1x1x16xf32>
      tpu.vector_store %arg9[%swap3A_106, %swap3A_107, %swap3A_108], %swap3A_111 {strides = array<i32>} : memref<2x128x128xf32, #tpu.memory_space<vmem>>, vector<1x1x16xf32>,
      %swap3A_112 = arith.constant 0 : i32
      %swap3A_113 = arith.index_cast %swap3A_112 : i32 to index
      %swap3A_114 = arith.index_cast %scan3A_83 : i32 to index
      %swap3A_115 = arith.constant 64 : index
      %swap3A_116 = tpu.vector_load %arg9[%swap3A_113, %swap3A_114, %swap3A_115] {strides = array<i32>} : memref<2x128x128xf32, #tpu.memory_space<vmem>>, vector<1x1x16xf32>,
      %swap3A_117 = vector.shape_cast %swap3A_116 : vector<1x1x16xf32> to vector<16xf32>
      %swap3A_118 = vector.shape_cast %broadcast_in_dim3A_1 : vector<16xf32> to vector<1x1x16xf32>
      tpu.vector_store %arg9[%swap3A_113, %swap3A_114, %swap3A_115], %swap3A_118 {strides = array<i32>} : memref<2x128x128xf32, #tpu.memory_space<vmem>>, vector<1x1x16xf32>,
      %swap3A_119 = arith.constant 0 : i32
      %swap3A_120 = arith.index_cast %swap3A_119 : i32 to index
      %swap3A_121 = arith.index_cast %scan3A_83 : i32 to index
      %swap3A_122 = arith.constant 80 : index
      %swap3A_123 = tpu.vector_load %arg9[%swap3A_120, %swap3A_121, %swap3A_122] {strides = array<i32>} : memref<2x128x128xf32, #tpu.memory_space<vmem>>, vector<1x1x16xf32>,
      %swap3A_124 = vector.shape_cast %swap3A_123 : vector<1x1x16xf32> to vector<16xf32>
      %swap3A_125 = vector.shape_cast %broadcast_in_dim3A_1 : vector<16xf32> to vector<1x1x16xf32>
      tpu.vector_store %arg9[%swap3A_120, %swap3A_121, %swap3A_122], %swap3A_125 {strides = array<i32>} : memref<2x128x128xf32, #tpu.memory_space<vmem>>, vector<1x1x16xf32>,
      %swap3A_126 = arith.constant 0 : i32
      %swap3A_127 = arith.index_cast %swap3A_126 : i32 to index
      %swap3A_128 = arith.index_cast %scan3A_83 : i32 to index
      %swap3A_129 = arith.constant 96 : index
      %swap3A_130 = tpu.vector_load %arg9[%swap3A_127, %swap3A_128, %swap3A_129] {strides = array<i32>} : memref<2x128x128xf32, #tpu.memory_space<vmem>>, vector<1x1x16xf32>,
      %swap3A_131 = vector.shape_cast %swap3A_130 : vector<1x1x16xf32> to vector<16xf32>
      %swap3A_132 = vector.shape_cast %broadcast_in_dim3A_1 : vector<16xf32> to vector<1x1x16xf32>
      tpu.vector_store %arg9[%swap3A_127, %swap3A_128, %swap3A_129], %swap3A_132 {strides = array<i32>} : memref<2x128x128xf32, #tpu.memory_space<vmem>>, vector<1x1x16xf32>,
      %swap3A_133 = arith.constant 0 : i32
      %swap3A_134 = arith.index_cast %swap3A_133 : i32 to index
      %swap3A_135 = arith.index_cast %scan3A_83 : i32 to index
      %swap3A_136 = arith.constant 112 : index
      %swap3A_137 = tpu.vector_load %arg9[%swap3A_134, %swap3A_135, %swap3A_136] {strides = array<i32>} : memref<2x128x128xf32, #tpu.memory_space<vmem>>, vector<1x1x16xf32>,
      %swap3A_138 = vector.shape_cast %swap3A_137 : vector<1x1x16xf32> to vector<16xf32>
      %swap3A_139 = vector.shape_cast %broadcast_in_dim3A_1 : vector<16xf32> to vector<1x1x16xf32>
      tpu.vector_store %arg9[%swap3A_134, %swap3A_135, %swap3A_136], %swap3A_139 {strides = array<i32>} : memref<2x128x128xf32, #tpu.memory_space<vmem>>, vector<1x1x16xf32>,
    }
    %scan3A_8 = arith.constant 128 : i32
    %swap3A = arith.constant 0 : index
    %swap3A_9 = tpu.vector_load %arg10[%swap3A] {strides = array<i32>} : memref<128xf32, #tpu.memory_space<vmem>>, vector<16xf32>,
    %swap3A_10 = vector.shape_cast %swap3A_9 : vector<16xf32> to vector<16xf32>
    %swap3A_11 = vector.shape_cast %broadcast_in_dim3A_3 : vector<16xf32> to vector<16xf32>
    tpu.vector_store %arg10[%swap3A], %swap3A_11 {strides = array<i32>} : memref<128xf32, #tpu.memory_space<vmem>>, vector<16xf32>,
    %swap3A_12 = arith.constant 16 : index
    %swap3A_13 = tpu.vector_load %arg10[%swap3A_12] {strides = array<i32>} : memref<128xf32, #tpu.memory_space<vmem>>, vector<16xf32>,
    %swap3A_14 = vector.shape_cast %swap3A_13 : vector<16xf32> to vector<16xf32>
    %swap3A_15 = vector.shape_cast %broadcast_in_dim3A_3 : vector<16xf32> to vector<16xf32>
    tpu.vector_store %arg10[%swap3A_12], %swap3A_15 {strides = array<i32>} : memref<128xf32, #tpu.memory_space<vmem>>, vector<16xf32>,
    %swap3A_16 = arith.constant 32 : index
    %swap3A_17 = tpu.vector_load %arg10[%swap3A_16] {strides = array<i32>} : memref<128xf32, #tpu.memory_space<vmem>>, vector<16xf32>,
    %swap3A_18 = vector.shape_cast %swap3A_17 : vector<16xf32> to vector<16xf32>
    %swap3A_19 = vector.shape_cast %broadcast_in_dim3A_3 : vector<16xf32> to vector<16xf32>
    tpu.vector_store %arg10[%swap3A_16], %swap3A_19 {strides = array<i32>} : memref<128xf32, #tpu.memory_space<vmem>>, vector<16xf32>,
    %swap3A_20 = arith.constant 48 : index
    %swap3A_21 = tpu.vector_load %arg10[%swap3A_20] {strides = array<i32>} : memref<128xf32, #tpu.memory_space<vmem>>, vector<16xf32>,
    %swap3A_22 = vector.shape_cast %swap3A_21 : vector<16xf32> to vector<16xf32>
    %swap3A_23 = vector.shape_cast %broadcast_in_dim3A_3 : vector<16xf32> to vector<16xf32>
    tpu.vector_store %arg10[%swap3A_20], %swap3A_23 {strides = array<i32>} : memref<128xf32, #tpu.memory_space<vmem>>, vector<16xf32>,
    %swap3A_24 = arith.constant 64 : index
    %swap3A_25 = tpu.vector_load %arg10[%swap3A_24] {strides = array<i32>} : memref<128xf32, #tpu.memory_space<vmem>>, vector<16xf32>,
    %swap3A_26 = vector.shape_cast %swap3A_25 : vector<16xf32> to vector<16xf32>
    %swap3A_27 = vector.shape_cast %broadcast_in_dim3A_3 : vector<16xf32> to vector<16xf32>
    tpu.vector_store %arg10[%swap3A_24], %swap3A_27 {strides = array<i32>} : memref<128xf32, #tpu.memory_space<vmem>>, vector<16xf32>,
    %swap3A_28 = arith.constant 80 : index
    %swap3A_29 = tpu.vector_load %arg10[%swap3A_28] {strides = array<i32>} : memref<128xf32, #tpu.memory_space<vmem>>, vector<16xf32>,
    %swap3A_30 = vector.shape_cast %swap3A_29 : vector<16xf32> to vector<16xf32>
    %swap3A_31 = vector.shape_cast %broadcast_in_dim3A_3 : vector<16xf32> to vector<16xf32>
    tpu.vector_store %arg10[%swap3A_28], %swap3A_31 {strides = array<i32>} : memref<128xf32, #tpu.memory_space<vmem>>, vector<16xf32>,
    %swap3A_32 = arith.constant 96 : index
    %swap3A_33 = tpu.vector_load %arg10[%swap3A_32] {strides = array<i32>} : memref<128xf32, #tpu.memory_space<vmem>>, vector<16xf32>,
    %swap3A_34 = vector.shape_cast %swap3A_33 : vector<16xf32> to vector<16xf32>
    %swap3A_35 = vector.shape_cast %broadcast_in_dim3A_3 : vector<16xf32> to vector<16xf32>
    tpu.vector_store %arg10[%swap3A_32], %swap3A_35 {strides = array<i32>} : memref<128xf32, #tpu.memory_space<vmem>>, vector<16xf32>,
    %swap3A_36 = arith.constant 112 : index
    %swap3A_37 = tpu.vector_load %arg10[%swap3A_36] {strides = array<i32>} : memref<128xf32, #tpu.memory_space<vmem>>, vector<16xf32>,
    %swap3A_38 = vector.shape_cast %swap3A_37 : vector<16xf32> to vector<16xf32>
    %swap3A_39 = vector.shape_cast %broadcast_in_dim3A_3 : vector<16xf32> to vector<16xf32>
    tpu.vector_store %arg10[%swap3A_36], %swap3A_39 {strides = array<i32>} : memref<128xf32, #tpu.memory_space<vmem>>, vector<16xf32>,
    %mul3A_40 = arith.constant 640 : i32
    %mul3A_41 = arith.muli %arg1, %mul3A_40 : i32
    %add3A_42 = arith.constant 0 : i32
    %add3A_43 = arith.addi %mul3A_41, %add3A_42 : i32
    %run_scoped3A = arith.constant 0 : i32
    "tpu.region"() ({
      %run_scoped3A_83 = tpu.sem_alloc : memref<!tpu.dma_semaphore, #tpu.memory_space<semaphore_mem>>
      %dma_start3A = arith.constant 0 : i32
      %dma_start3A_84 = arith.constant 0 : i32
      %dma_start3A_85 = tpu.memref_slice %arg9[%run_scoped3A, %dma_start3A, %dma_start3A_84] : memref<2x128x128xf32, #tpu.memory_space<vmem>> -> memref<1x128x128xf32, #tpu.memory_space<vmem>>
      %dma_start3A_86 = tpu.memref_squeeze %dma_start3A_85 : memref<1x128x128xf32, #tpu.memory_space<vmem>> -> memref<128x128xf32, #tpu.memory_space<vmem>>
      %dma_start3A_87 = arith.constant 0 : i32
      %dma_start3A_88 = tpu.memref_slice %arg11[%add3A_43, %dma_start3A_87] : memref<10240x128xf32, #tpu.memory_space<vmem_shared>> -> memref<128x128xf32, #tpu.memory_space<vmem_shared>>
      %dma_start3A_89 = arith.constant 0 : i32
      %dma_start3A_90 = tpu.memref_slice %arg11[%add3A_43, %dma_start3A_89] : memref<10240x128xf32, #tpu.memory_space<vmem_shared>> -> memref<128x128xf32, #tpu.memory_space<vmem_shared>>
      %dma_start3A_91 = arith.constant 0 : i32
      %dma_start3A_92 = arith.constant 0 : i32
      %dma_start3A_93 = tpu.memref_slice %arg9[%run_scoped3A, %dma_start3A_91, %dma_start3A_92] : memref<2x128x128xf32, #tpu.memory_space<vmem>> -> memref<1x128x128xf32, #tpu.memory_space<vmem>>
      %dma_start3A_94 = tpu.memref_squeeze %dma_start3A_93 : memref<1x128x128xf32, #tpu.memory_space<vmem>> -> memref<128x128xf32, #tpu.memory_space<vmem>>
      tpu.enqueue_dma source(%dma_start3A_94 : memref<128x128xf32, #tpu.memory_space<vmem>>) target(%dma_start3A_90 : memref<128x128xf32, #tpu.memory_space<vmem_shared>>) target_semaphore(%run_scoped3A_83 : memref<!tpu.dma_semaphore, #tpu.memory_space<semaphore_mem>>)
      %dma_wait3A = arith.constant 0 : i32
      %dma_wait3A_95 = arith.constant 0 : i32
      %dma_wait3A_96 = tpu.memref_slice %arg9[%run_scoped3A, %dma_wait3A, %dma_wait3A_95] : memref<2x128x128xf32, #tpu.memory_space<vmem>> -> memref<1x128x128xf32, #tpu.memory_space<vmem>>
      %dma_wait3A_97 = tpu.memref_squeeze %dma_wait3A_96 : memref<1x128x128xf32, #tpu.memory_space<vmem>> -> memref<128x128xf32, #tpu.memory_space<vmem>>
      %dma_wait3A_98 = arith.constant 0 : i32
      %dma_wait3A_99 = tpu.memref_slice %arg11[%add3A_43, %dma_wait3A_98] : memref<10240x128xf32, #tpu.memory_space<vmem_shared>> -> memref<128x128xf32, #tpu.memory_space<vmem_shared>>
      %dma_wait3A_100 = arith.constant 0 : i32
      %dma_wait3A_101 = tpu.memref_slice %arg11[%add3A_43, %dma_wait3A_100] : memref<10240x128xf32, #tpu.memory_space<vmem_shared>> -> memref<128x128xf32, #tpu.memory_space<vmem_shared>>
      %dma_wait3A_102 = arith.constant 0 : i32
      %dma_wait3A_103 = arith.constant 0 : i32
      %dma_wait3A_104 = tpu.memref_slice %arg9[%run_scoped3A, %dma_wait3A_102, %dma_wait3A_103] : memref<2x128x128xf32, #tpu.memory_space<vmem>> -> memref<1x128x128xf32, #tpu.memory_space<vmem>>
      %dma_wait3A_105 = tpu.memref_squeeze %dma_wait3A_104 : memref<1x128x128xf32, #tpu.memory_space<vmem>> -> memref<128x128xf32, #tpu.memory_space<vmem>>
      tpu.wait_dma2 semaphore(%run_scoped3A_83 : memref<!tpu.dma_semaphore, #tpu.memory_space<semaphore_mem>>) src(%dma_wait3A_105 : memref<128x128xf32, #tpu.memory_space<vmem>>) dst(%dma_wait3A_101 : memref<128x128xf32, #tpu.memory_space<vmem_shared>>)
      tpu.yield
    }) : () -> ()
    %add3A_44 = arith.constant 0 : i32
    %add3A_45 = arith.addi %mul3A_41, %add3A_44 : i32
    %run_scoped3A_46 = arith.constant 0 : i32
    %run_scoped3A_47 = arith.constant 0 : i32
    "tpu.region"() ({
      %run_scoped3A_83 = tpu.sem_alloc : memref<!tpu.dma_semaphore, #tpu.memory_space<semaphore_mem>>
      %dma_start3A = arith.constant 0 : i32
      %dma_start3A_84 = tpu.memref_slice %arg9[%run_scoped3A_46, %run_scoped3A_47, %dma_start3A] : memref<2x128x128xf32, #tpu.memory_space<vmem>> -> memref<1x1x128xf32, #tpu.memory_space<vmem>>
      %dma_start3A_85 = tpu.memref_squeeze %dma_start3A_84 : memref<1x1x128xf32, #tpu.memory_space<vmem>> -> memref<128xf32, #tpu.memory_space<vmem>>
      %dma_start3A_86 = tpu.memref_slice %arg12[%add3A_45] : memref<10240xf32, #tpu.memory_space<vmem_shared>> -> memref<128xf32, #tpu.memory_space<vmem_shared>>
      %dma_start3A_87 = tpu.memref_slice %arg12[%add3A_45] : memref<10240xf32, #tpu.memory_space<vmem_shared>> -> memref<128xf32, #tpu.memory_space<vmem_shared>>
      %dma_start3A_88 = arith.constant 0 : i32
      %dma_start3A_89 = tpu.memref_slice %arg9[%run_scoped3A_46, %run_scoped3A_47, %dma_start3A_88] : memref<2x128x128xf32, #tpu.memory_space<vmem>> -> memref<1x1x128xf32, #tpu.memory_space<vmem>>
      %dma_start3A_90 = tpu.memref_squeeze %dma_start3A_89 : memref<1x1x128xf32, #tpu.memory_space<vmem>> -> memref<128xf32, #tpu.memory_space<vmem>>
      tpu.enqueue_dma source(%dma_start3A_90 : memref<128xf32, #tpu.memory_space<vmem>>) target(%dma_start3A_87 : memref<128xf32, #tpu.memory_space<vmem_shared>>) target_semaphore(%run_scoped3A_83 : memref<!tpu.dma_semaphore, #tpu.memory_space<semaphore_mem>>)
      %dma_wait3A = arith.constant 0 : i32
      %dma_wait3A_91 = tpu.memref_slice %arg9[%run_scoped3A_46, %run_scoped3A_47, %dma_wait3A] : memref<2x128x128xf32, #tpu.memory_space<vmem>> -> memref<1x1x128xf32, #tpu.memory_space<vmem>>
      %dma_wait3A_92 = tpu.memref_squeeze %dma_wait3A_91 : memref<1x1x128xf32, #tpu.memory_space<vmem>> -> memref<128xf32, #tpu.memory_space<vmem>>
      %dma_wait3A_93 = tpu.memref_slice %arg12[%add3A_45] : memref<10240xf32, #tpu.memory_space<vmem_shared>> -> memref<128xf32, #tpu.memory_space<vmem_shared>>
      %dma_wait3A_94 = tpu.memref_slice %arg12[%add3A_45] : memref<10240xf32, #tpu.memory_space<vmem_shared>> -> memref<128xf32, #tpu.memory_space<vmem_shared>>
      %dma_wait3A_95 = arith.constant 0 : i32
      %dma_wait3A_96 = tpu.memref_slice %arg9[%run_scoped3A_46, %run_scoped3A_47, %dma_wait3A_95] : memref<2x128x128xf32, #tpu.memory_space<vmem>> -> memref<1x1x128xf32, #tpu.memory_space<vmem>>
      %dma_wait3A_97 = tpu.memref_squeeze %dma_wait3A_96 : memref<1x1x128xf32, #tpu.memory_space<vmem>> -> memref<128xf32, #tpu.memory_space<vmem>>
      tpu.wait_dma2 semaphore(%run_scoped3A_83 : memref<!tpu.dma_semaphore, #tpu.memory_space<semaphore_mem>>) src(%dma_wait3A_97 : memref<128xf32, #tpu.memory_space<vmem>>) dst(%dma_wait3A_94 : memref<128xf32, #tpu.memory_space<vmem_shared>>)
      tpu.yield
    }) : () -> ()
    %add3A_48 = arith.constant 128 : i32
    %add3A_49 = arith.addi %mul3A_41, %add3A_48 : i32
    %run_scoped3A_50 = arith.constant 0 : i32
    "tpu.region"() ({
      %run_scoped3A_83 = tpu.sem_alloc : memref<!tpu.dma_semaphore, #tpu.memory_space<semaphore_mem>>
      %dma_start3A = arith.constant 0 : i32
      %dma_start3A_84 = arith.constant 0 : i32
      %dma_start3A_85 = tpu.memref_slice %arg9[%run_scoped3A_50, %dma_start3A, %dma_start3A_84] : memref<2x128x128xf32, #tpu.memory_space<vmem>> -> memref<1x128x128xf32, #tpu.memory_space<vmem>>
      %dma_start3A_86 = tpu.memref_squeeze %dma_start3A_85 : memref<1x128x128xf32, #tpu.memory_space<vmem>> -> memref<128x128xf32, #tpu.memory_space<vmem>>
      %dma_start3A_87 = arith.constant 0 : i32
      %dma_start3A_88 = tpu.memref_slice %arg11[%add3A_49, %dma_start3A_87] : memref<10240x128xf32, #tpu.memory_space<vmem_shared>> -> memref<128x128xf32, #tpu.memory_space<vmem_shared>>
      %dma_start3A_89 = arith.constant 0 : i32
      %dma_start3A_90 = tpu.memref_slice %arg11[%add3A_49, %dma_start3A_89] : memref<10240x128xf32, #tpu.memory_space<vmem_shared>> -> memref<128x128xf32, #tpu.memory_space<vmem_shared>>
      %dma_start3A_91 = arith.constant 0 : i32
      %dma_start3A_92 = arith.constant 0 : i32
      %dma_start3A_93 = tpu.memref_slice %arg9[%run_scoped3A_50, %dma_start3A_91, %dma_start3A_92] : memref<2x128x128xf32, #tpu.memory_space<vmem>> -> memref<1x128x128xf32, #tpu.memory_space<vmem>>
      %dma_start3A_94 = tpu.memref_squeeze %dma_start3A_93 : memref<1x128x128xf32, #tpu.memory_space<vmem>> -> memref<128x128xf32, #tpu.memory_space<vmem>>
      tpu.enqueue_dma source(%dma_start3A_94 : memref<128x128xf32, #tpu.memory_space<vmem>>) target(%dma_start3A_90 : memref<128x128xf32, #tpu.memory_space<vmem_shared>>) target_semaphore(%run_scoped3A_83 : memref<!tpu.dma_semaphore, #tpu.memory_space<semaphore_mem>>)
      %dma_wait3A = arith.constant 0 : i32
      %dma_wait3A_95 = arith.constant 0 : i32
      %dma_wait3A_96 = tpu.memref_slice %arg9[%run_scoped3A_50, %dma_wait3A, %dma_wait3A_95] : memref<2x128x128xf32, #tpu.memory_space<vmem>> -> memref<1x128x128xf32, #tpu.memory_space<vmem>>
      %dma_wait3A_97 = tpu.memref_squeeze %dma_wait3A_96 : memref<1x128x128xf32, #tpu.memory_space<vmem>> -> memref<128x128xf32, #tpu.memory_space<vmem>>
      %dma_wait3A_98 = arith.constant 0 : i32
      %dma_wait3A_99 = tpu.memref_slice %arg11[%add3A_49, %dma_wait3A_98] : memref<10240x128xf32, #tpu.memory_space<vmem_shared>> -> memref<128x128xf32, #tpu.memory_space<vmem_shared>>
      %dma_wait3A_100 = arith.constant 0 : i32
      %dma_wait3A_101 = tpu.memref_slice %arg11[%add3A_49, %dma_wait3A_100] : memref<10240x128xf32, #tpu.memory_space<vmem_shared>> -> memref<128x128xf32, #tpu.memory_space<vmem_shared>>
      %dma_wait3A_102 = arith.constant 0 : i32
      %dma_wait3A_103 = arith.constant 0 : i32
      %dma_wait3A_104 = tpu.memref_slice %arg9[%run_scoped3A_50, %dma_wait3A_102, %dma_wait3A_103] : memref<2x128x128xf32, #tpu.memory_space<vmem>> -> memref<1x128x128xf32, #tpu.memory_space<vmem>>
      %dma_wait3A_105 = tpu.memref_squeeze %dma_wait3A_104 : memref<1x128x128xf32, #tpu.memory_space<vmem>> -> memref<128x128xf32, #tpu.memory_space<vmem>>
      tpu.wait_dma2 semaphore(%run_scoped3A_83 : memref<!tpu.dma_semaphore, #tpu.memory_space<semaphore_mem>>) src(%dma_wait3A_105 : memref<128x128xf32, #tpu.memory_space<vmem>>) dst(%dma_wait3A_101 : memref<128x128xf32, #tpu.memory_space<vmem_shared>>)
      tpu.yield
    }) : () -> ()
    %add3A_51 = arith.constant 128 : i32
    %add3A_52 = arith.addi %mul3A_41, %add3A_51 : i32
    %run_scoped3A_53 = arith.constant 0 : i32
    %run_scoped3A_54 = arith.constant 0 : i32
    "tpu.region"() ({
      %run_scoped3A_83 = tpu.sem_alloc : memref<!tpu.dma_semaphore, #tpu.memory_space<semaphore_mem>>
      %dma_start3A = arith.constant 0 : i32
      %dma_start3A_84 = tpu.memref_slice %arg9[%run_scoped3A_53, %run_scoped3A_54, %dma_start3A] : memref<2x128x128xf32, #tpu.memory_space<vmem>> -> memref<1x1x128xf32, #tpu.memory_space<vmem>>
      %dma_start3A_85 = tpu.memref_squeeze %dma_start3A_84 : memref<1x1x128xf32, #tpu.memory_space<vmem>> -> memref<128xf32, #tpu.memory_space<vmem>>
      %dma_start3A_86 = tpu.memref_slice %arg12[%add3A_52] : memref<10240xf32, #tpu.memory_space<vmem_shared>> -> memref<128xf32, #tpu.memory_space<vmem_shared>>
      %dma_start3A_87 = tpu.memref_slice %arg12[%add3A_52] : memref<10240xf32, #tpu.memory_space<vmem_shared>> -> memref<128xf32, #tpu.memory_space<vmem_shared>>
      %dma_start3A_88 = arith.constant 0 : i32
      %dma_start3A_89 = tpu.memref_slice %arg9[%run_scoped3A_53, %run_scoped3A_54, %dma_start3A_88] : memref<2x128x128xf32, #tpu.memory_space<vmem>> -> memref<1x1x128xf32, #tpu.memory_space<vmem>>
      %dma_start3A_90 = tpu.memref_squeeze %dma_start3A_89 : memref<1x1x128xf32, #tpu.memory_space<vmem>> -> memref<128xf32, #tpu.memory_space<vmem>>
      tpu.enqueue_dma source(%dma_start3A_90 : memref<128xf32, #tpu.memory_space<vmem>>) target(%dma_start3A_87 : memref<128xf32, #tpu.memory_space<vmem_shared>>) target_semaphore(%run_scoped3A_83 : memref<!tpu.dma_semaphore, #tpu.memory_space<semaphore_mem>>)
      %dma_wait3A = arith.constant 0 : i32
      %dma_wait3A_91 = tpu.memref_slice %arg9[%run_scoped3A_53, %run_scoped3A_54, %dma_wait3A] : memref<2x128x128xf32, #tpu.memory_space<vmem>> -> memref<1x1x128xf32, #tpu.memory_space<vmem>>
      %dma_wait3A_92 = tpu.memref_squeeze %dma_wait3A_91 : memref<1x1x128xf32, #tpu.memory_space<vmem>> -> memref<128xf32, #tpu.memory_space<vmem>>
      %dma_wait3A_93 = tpu.memref_slice %arg12[%add3A_52] : memref<10240xf32, #tpu.memory_space<vmem_shared>> -> memref<128xf32, #tpu.memory_space<vmem_shared>>
      %dma_wait3A_94 = tpu.memref_slice %arg12[%add3A_52] : memref<10240xf32, #tpu.memory_space<vmem_shared>> -> memref<128xf32, #tpu.memory_space<vmem_shared>>
      %dma_wait3A_95 = arith.constant 0 : i32
      %dma_wait3A_96 = tpu.memref_slice %arg9[%run_scoped3A_53, %run_scoped3A_54, %dma_wait3A_95] : memref<2x128x128xf32, #tpu.memory_space<vmem>> -> memref<1x1x128xf32, #tpu.memory_space<vmem>>
      %dma_wait3A_97 = tpu.memref_squeeze %dma_wait3A_96 : memref<1x1x128xf32, #tpu.memory_space<vmem>> -> memref<128xf32, #tpu.memory_space<vmem>>
      tpu.wait_dma2 semaphore(%run_scoped3A_83 : memref<!tpu.dma_semaphore, #tpu.memory_space<semaphore_mem>>) src(%dma_wait3A_97 : memref<128xf32, #tpu.memory_space<vmem>>) dst(%dma_wait3A_94 : memref<128xf32, #tpu.memory_space<vmem_shared>>)
      tpu.yield
    }) : () -> ()
    %add3A_55 = arith.constant 256 : i32
    %add3A_56 = arith.addi %mul3A_41, %add3A_55 : i32
    %run_scoped3A_57 = arith.constant 0 : i32
    "tpu.region"() ({
      %run_scoped3A_83 = tpu.sem_alloc : memref<!tpu.dma_semaphore, #tpu.memory_space<semaphore_mem>>
      %dma_start3A = arith.constant 0 : i32
      %dma_start3A_84 = arith.constant 0 : i32
      %dma_start3A_85 = tpu.memref_slice %arg9[%run_scoped3A_57, %dma_start3A, %dma_start3A_84] : memref<2x128x128xf32, #tpu.memory_space<vmem>> -> memref<1x128x128xf32, #tpu.memory_space<vmem>>
      %dma_start3A_86 = tpu.memref_squeeze %dma_start3A_85 : memref<1x128x128xf32, #tpu.memory_space<vmem>> -> memref<128x128xf32, #tpu.memory_space<vmem>>
      %dma_start3A_87 = arith.constant 0 : i32
      %dma_start3A_88 = tpu.memref_slice %arg11[%add3A_56, %dma_start3A_87] : memref<10240x128xf32, #tpu.memory_space<vmem_shared>> -> memref<128x128xf32, #tpu.memory_space<vmem_shared>>
      %dma_start3A_89 = arith.constant 0 : i32
      %dma_start3A_90 = tpu.memref_slice %arg11[%add3A_56, %dma_start3A_89] : memref<10240x128xf32, #tpu.memory_space<vmem_shared>> -> memref<128x128xf32, #tpu.memory_space<vmem_shared>>
      %dma_start3A_91 = arith.constant 0 : i32
      %dma_start3A_92 = arith.constant 0 : i32
      %dma_start3A_93 = tpu.memref_slice %arg9[%run_scoped3A_57, %dma_start3A_91, %dma_start3A_92] : memref<2x128x128xf32, #tpu.memory_space<vmem>> -> memref<1x128x128xf32, #tpu.memory_space<vmem>>
      %dma_start3A_94 = tpu.memref_squeeze %dma_start3A_93 : memref<1x128x128xf32, #tpu.memory_space<vmem>> -> memref<128x128xf32, #tpu.memory_space<vmem>>
      tpu.enqueue_dma source(%dma_start3A_94 : memref<128x128xf32, #tpu.memory_space<vmem>>) target(%dma_start3A_90 : memref<128x128xf32, #tpu.memory_space<vmem_shared>>) target_semaphore(%run_scoped3A_83 : memref<!tpu.dma_semaphore, #tpu.memory_space<semaphore_mem>>)
      %dma_wait3A = arith.constant 0 : i32
      %dma_wait3A_95 = arith.constant 0 : i32
      %dma_wait3A_96 = tpu.memref_slice %arg9[%run_scoped3A_57, %dma_wait3A, %dma_wait3A_95] : memref<2x128x128xf32, #tpu.memory_space<vmem>> -> memref<1x128x128xf32, #tpu.memory_space<vmem>>
      %dma_wait3A_97 = tpu.memref_squeeze %dma_wait3A_96 : memref<1x128x128xf32, #tpu.memory_space<vmem>> -> memref<128x128xf32, #tpu.memory_space<vmem>>
      %dma_wait3A_98 = arith.constant 0 : i32
      %dma_wait3A_99 = tpu.memref_slice %arg11[%add3A_56, %dma_wait3A_98] : memref<10240x128xf32, #tpu.memory_space<vmem_shared>> -> memref<128x128xf32, #tpu.memory_space<vmem_shared>>
      %dma_wait3A_100 = arith.constant 0 : i32
      %dma_wait3A_101 = tpu.memref_slice %arg11[%add3A_56, %dma_wait3A_100] : memref<10240x128xf32, #tpu.memory_space<vmem_shared>> -> memref<128x128xf32, #tpu.memory_space<vmem_shared>>
      %dma_wait3A_102 = arith.constant 0 : i32
      %dma_wait3A_103 = arith.constant 0 : i32
      %dma_wait3A_104 = tpu.memref_slice %arg9[%run_scoped3A_57, %dma_wait3A_102, %dma_wait3A_103] : memref<2x128x128xf32, #tpu.memory_space<vmem>> -> memref<1x128x128xf32, #tpu.memory_space<vmem>>
      %dma_wait3A_105 = tpu.memref_squeeze %dma_wait3A_104 : memref<1x128x128xf32, #tpu.memory_space<vmem>> -> memref<128x128xf32, #tpu.memory_space<vmem>>
      tpu.wait_dma2 semaphore(%run_scoped3A_83 : memref<!tpu.dma_semaphore, #tpu.memory_space<semaphore_mem>>) src(%dma_wait3A_105 : memref<128x128xf32, #tpu.memory_space<vmem>>) dst(%dma_wait3A_101 : memref<128x128xf32, #tpu.memory_space<vmem_shared>>)
      tpu.yield
    }) : () -> ()
    %add3A_58 = arith.constant 256 : i32
    %add3A_59 = arith.addi %mul3A_41, %add3A_58 : i32
    %run_scoped3A_60 = arith.constant 0 : i32
    %run_scoped3A_61 = arith.constant 0 : i32
    "tpu.region"() ({
      %run_scoped3A_83 = tpu.sem_alloc : memref<!tpu.dma_semaphore, #tpu.memory_space<semaphore_mem>>
      %dma_start3A = arith.constant 0 : i32
      %dma_start3A_84 = tpu.memref_slice %arg9[%run_scoped3A_60, %run_scoped3A_61, %dma_start3A] : memref<2x128x128xf32, #tpu.memory_space<vmem>> -> memref<1x1x128xf32, #tpu.memory_space<vmem>>
      %dma_start3A_85 = tpu.memref_squeeze %dma_start3A_84 : memref<1x1x128xf32, #tpu.memory_space<vmem>> -> memref<128xf32, #tpu.memory_space<vmem>>
      %dma_start3A_86 = tpu.memref_slice %arg12[%add3A_59] : memref<10240xf32, #tpu.memory_space<vmem_shared>> -> memref<128xf32, #tpu.memory_space<vmem_shared>>
      %dma_start3A_87 = tpu.memref_slice %arg12[%add3A_59] : memref<10240xf32, #tpu.memory_space<vmem_shared>> -> memref<128xf32, #tpu.memory_space<vmem_shared>>
      %dma_start3A_88 = arith.constant 0 : i32
      %dma_start3A_89 = tpu.memref_slice %arg9[%run_scoped3A_60, %run_scoped3A_61, %dma_start3A_88] : memref<2x128x128xf32, #tpu.memory_space<vmem>> -> memref<1x1x128xf32, #tpu.memory_space<vmem>>
      %dma_start3A_90 = tpu.memref_squeeze %dma_start3A_89 : memref<1x1x128xf32, #tpu.memory_space<vmem>> -> memref<128xf32, #tpu.memory_space<vmem>>
      tpu.enqueue_dma source(%dma_start3A_90 : memref<128xf32, #tpu.memory_space<vmem>>) target(%dma_start3A_87 : memref<128xf32, #tpu.memory_space<vmem_shared>>) target_semaphore(%run_scoped3A_83 : memref<!tpu.dma_semaphore, #tpu.memory_space<semaphore_mem>>)
      %dma_wait3A = arith.constant 0 : i32
      %dma_wait3A_91 = tpu.memref_slice %arg9[%run_scoped3A_60, %run_scoped3A_61, %dma_wait3A] : memref<2x128x128xf32, #tpu.memory_space<vmem>> -> memref<1x1x128xf32, #tpu.memory_space<vmem>>
      %dma_wait3A_92 = tpu.memref_squeeze %dma_wait3A_91 : memref<1x1x128xf32, #tpu.memory_space<vmem>> -> memref<128xf32, #tpu.memory_space<vmem>>
      %dma_wait3A_93 = tpu.memref_slice %arg12[%add3A_59] : memref<10240xf32, #tpu.memory_space<vmem_shared>> -> memref<128xf32, #tpu.memory_space<vmem_shared>>
      %dma_wait3A_94 = tpu.memref_slice %arg12[%add3A_59] : memref<10240xf32, #tpu.memory_space<vmem_shared>> -> memref<128xf32, #tpu.memory_space<vmem_shared>>
      %dma_wait3A_95 = arith.constant 0 : i32
      %dma_wait3A_96 = tpu.memref_slice %arg9[%run_scoped3A_60, %run_scoped3A_61, %dma_wait3A_95] : memref<2x128x128xf32, #tpu.memory_space<vmem>> -> memref<1x1x128xf32, #tpu.memory_space<vmem>>
      %dma_wait3A_97 = tpu.memref_squeeze %dma_wait3A_96 : memref<1x1x128xf32, #tpu.memory_space<vmem>> -> memref<128xf32, #tpu.memory_space<vmem>>
      tpu.wait_dma2 semaphore(%run_scoped3A_83 : memref<!tpu.dma_semaphore, #tpu.memory_space<semaphore_mem>>) src(%dma_wait3A_97 : memref<128xf32, #tpu.memory_space<vmem>>) dst(%dma_wait3A_94 : memref<128xf32, #tpu.memory_space<vmem_shared>>)
      tpu.yield
    }) : () -> ()
    %add3A_62 = arith.constant 384 : i32
    %add3A_63 = arith.addi %mul3A_41, %add3A_62 : i32
    %run_scoped3A_64 = arith.constant 0 : i32
    "tpu.region"() ({
      %run_scoped3A_83 = tpu.sem_alloc : memref<!tpu.dma_semaphore, #tpu.memory_space<semaphore_mem>>
      %dma_start3A = arith.constant 0 : i32
      %dma_start3A_84 = arith.constant 0 : i32
      %dma_start3A_85 = tpu.memref_slice %arg9[%run_scoped3A_64, %dma_start3A, %dma_start3A_84] : memref<2x128x128xf32, #tpu.memory_space<vmem>> -> memref<1x128x128xf32, #tpu.memory_space<vmem>>
      %dma_start3A_86 = tpu.memref_squeeze %dma_start3A_85 : memref<1x128x128xf32, #tpu.memory_space<vmem>> -> memref<128x128xf32, #tpu.memory_space<vmem>>
      %dma_start3A_87 = arith.constant 0 : i32
      %dma_start3A_88 = tpu.memref_slice %arg11[%add3A_63, %dma_start3A_87] : memref<10240x128xf32, #tpu.memory_space<vmem_shared>> -> memref<128x128xf32, #tpu.memory_space<vmem_shared>>
      %dma_start3A_89 = arith.constant 0 : i32
      %dma_start3A_90 = tpu.memref_slice %arg11[%add3A_63, %dma_start3A_89] : memref<10240x128xf32, #tpu.memory_space<vmem_shared>> -> memref<128x128xf32, #tpu.memory_space<vmem_shared>>
      %dma_start3A_91 = arith.constant 0 : i32
      %dma_start3A_92 = arith.constant 0 : i32
      %dma_start3A_93 = tpu.memref_slice %arg9[%run_scoped3A_64, %dma_start3A_91, %dma_start3A_92] : memref<2x128x128xf32, #tpu.memory_space<vmem>> -> memref<1x128x128xf32, #tpu.memory_space<vmem>>
      %dma_start3A_94 = tpu.memref_squeeze %dma_start3A_93 : memref<1x128x128xf32, #tpu.memory_space<vmem>> -> memref<128x128xf32, #tpu.memory_space<vmem>>
      tpu.enqueue_dma source(%dma_start3A_94 : memref<128x128xf32, #tpu.memory_space<vmem>>) target(%dma_start3A_90 : memref<128x128xf32, #tpu.memory_space<vmem_shared>>) target_semaphore(%run_scoped3A_83 : memref<!tpu.dma_semaphore, #tpu.memory_space<semaphore_mem>>)
      %dma_wait3A = arith.constant 0 : i32
      %dma_wait3A_95 = arith.constant 0 : i32
      %dma_wait3A_96 = tpu.memref_slice %arg9[%run_scoped3A_64, %dma_wait3A, %dma_wait3A_95] : memref<2x128x128xf32, #tpu.memory_space<vmem>> -> memref<1x128x128xf32, #tpu.memory_space<vmem>>
      %dma_wait3A_97 = tpu.memref_squeeze %dma_wait3A_96 : memref<1x128x128xf32, #tpu.memory_space<vmem>> -> memref<128x128xf32, #tpu.memory_space<vmem>>
      %dma_wait3A_98 = arith.constant 0 : i32
      %dma_wait3A_99 = tpu.memref_slice %arg11[%add3A_63, %dma_wait3A_98] : memref<10240x128xf32, #tpu.memory_space<vmem_shared>> -> memref<128x128xf32, #tpu.memory_space<vmem_shared>>
      %dma_wait3A_100 = arith.constant 0 : i32
      %dma_wait3A_101 = tpu.memref_slice %arg11[%add3A_63, %dma_wait3A_100] : memref<10240x128xf32, #tpu.memory_space<vmem_shared>> -> memref<128x128xf32, #tpu.memory_space<vmem_shared>>
      %dma_wait3A_102 = arith.constant 0 : i32
      %dma_wait3A_103 = arith.constant 0 : i32
      %dma_wait3A_104 = tpu.memref_slice %arg9[%run_scoped3A_64, %dma_wait3A_102, %dma_wait3A_103] : memref<2x128x128xf32, #tpu.memory_space<vmem>> -> memref<1x128x128xf32, #tpu.memory_space<vmem>>
      %dma_wait3A_105 = tpu.memref_squeeze %dma_wait3A_104 : memref<1x128x128xf32, #tpu.memory_space<vmem>> -> memref<128x128xf32, #tpu.memory_space<vmem>>
      tpu.wait_dma2 semaphore(%run_scoped3A_83 : memref<!tpu.dma_semaphore, #tpu.memory_space<semaphore_mem>>) src(%dma_wait3A_105 : memref<128x128xf32, #tpu.memory_space<vmem>>) dst(%dma_wait3A_101 : memref<128x128xf32, #tpu.memory_space<vmem_shared>>)
      tpu.yield
    }) : () -> ()
    %add3A_65 = arith.constant 384 : i32
    %add3A_66 = arith.addi %mul3A_41, %add3A_65 : i32
    %run_scoped3A_67 = arith.constant 0 : i32
    %run_scoped3A_68 = arith.constant 0 : i32
    "tpu.region"() ({
      %run_scoped3A_83 = tpu.sem_alloc : memref<!tpu.dma_semaphore, #tpu.memory_space<semaphore_mem>>
      %dma_start3A = arith.constant 0 : i32
      %dma_start3A_84 = tpu.memref_slice %arg9[%run_scoped3A_67, %run_scoped3A_68, %dma_start3A] : memref<2x128x128xf32, #tpu.memory_space<vmem>> -> memref<1x1x128xf32, #tpu.memory_space<vmem>>
      %dma_start3A_85 = tpu.memref_squeeze %dma_start3A_84 : memref<1x1x128xf32, #tpu.memory_space<vmem>> -> memref<128xf32, #tpu.memory_space<vmem>>
      %dma_start3A_86 = tpu.memref_slice %arg12[%add3A_66] : memref<10240xf32, #tpu.memory_space<vmem_shared>> -> memref<128xf32, #tpu.memory_space<vmem_shared>>
      %dma_start3A_87 = tpu.memref_slice %arg12[%add3A_66] : memref<10240xf32, #tpu.memory_space<vmem_shared>> -> memref<128xf32, #tpu.memory_space<vmem_shared>>
      %dma_start3A_88 = arith.constant 0 : i32
      %dma_start3A_89 = tpu.memref_slice %arg9[%run_scoped3A_67, %run_scoped3A_68, %dma_start3A_88] : memref<2x128x128xf32, #tpu.memory_space<vmem>> -> memref<1x1x128xf32, #tpu.memory_space<vmem>>
      %dma_start3A_90 = tpu.memref_squeeze %dma_start3A_89 : memref<1x1x128xf32, #tpu.memory_space<vmem>> -> memref<128xf32, #tpu.memory_space<vmem>>
      tpu.enqueue_dma source(%dma_start3A_90 : memref<128xf32, #tpu.memory_space<vmem>>) target(%dma_start3A_87 : memref<128xf32, #tpu.memory_space<vmem_shared>>) target_semaphore(%run_scoped3A_83 : memref<!tpu.dma_semaphore, #tpu.memory_space<semaphore_mem>>)
      %dma_wait3A = arith.constant 0 : i32
      %dma_wait3A_91 = tpu.memref_slice %arg9[%run_scoped3A_67, %run_scoped3A_68, %dma_wait3A] : memref<2x128x128xf32, #tpu.memory_space<vmem>> -> memref<1x1x128xf32, #tpu.memory_space<vmem>>
      %dma_wait3A_92 = tpu.memref_squeeze %dma_wait3A_91 : memref<1x1x128xf32, #tpu.memory_space<vmem>> -> memref<128xf32, #tpu.memory_space<vmem>>
      %dma_wait3A_93 = tpu.memref_slice %arg12[%add3A_66] : memref<10240xf32, #tpu.memory_space<vmem_shared>> -> memref<128xf32, #tpu.memory_space<vmem_shared>>
      %dma_wait3A_94 = tpu.memref_slice %arg12[%add3A_66] : memref<10240xf32, #tpu.memory_space<vmem_shared>> -> memref<128xf32, #tpu.memory_space<vmem_shared>>
      %dma_wait3A_95 = arith.constant 0 : i32
      %dma_wait3A_96 = tpu.memref_slice %arg9[%run_scoped3A_67, %run_scoped3A_68, %dma_wait3A_95] : memref<2x128x128xf32, #tpu.memory_space<vmem>> -> memref<1x1x128xf32, #tpu.memory_space<vmem>>
      %dma_wait3A_97 = tpu.memref_squeeze %dma_wait3A_96 : memref<1x1x128xf32, #tpu.memory_space<vmem>> -> memref<128xf32, #tpu.memory_space<vmem>>
      tpu.wait_dma2 semaphore(%run_scoped3A_83 : memref<!tpu.dma_semaphore, #tpu.memory_space<semaphore_mem>>) src(%dma_wait3A_97 : memref<128xf32, #tpu.memory_space<vmem>>) dst(%dma_wait3A_94 : memref<128xf32, #tpu.memory_space<vmem_shared>>)
      tpu.yield
    }) : () -> ()
    %add3A_69 = arith.constant 512 : i32
    %add3A_70 = arith.addi %mul3A_41, %add3A_69 : i32
    %run_scoped3A_71 = arith.constant 0 : i32
    "tpu.region"() ({
      %run_scoped3A_83 = tpu.sem_alloc : memref<!tpu.dma_semaphore, #tpu.memory_space<semaphore_mem>>
      %dma_start3A = arith.constant 0 : i32
      %dma_start3A_84 = arith.constant 0 : i32
      %dma_start3A_85 = tpu.memref_slice %arg9[%run_scoped3A_71, %dma_start3A, %dma_start3A_84] : memref<2x128x128xf32, #tpu.memory_space<vmem>> -> memref<1x128x128xf32, #tpu.memory_space<vmem>>
      %dma_start3A_86 = tpu.memref_squeeze %dma_start3A_85 : memref<1x128x128xf32, #tpu.memory_space<vmem>> -> memref<128x128xf32, #tpu.memory_space<vmem>>
      %dma_start3A_87 = arith.constant 0 : i32
      %dma_start3A_88 = tpu.memref_slice %arg11[%add3A_70, %dma_start3A_87] : memref<10240x128xf32, #tpu.memory_space<vmem_shared>> -> memref<128x128xf32, #tpu.memory_space<vmem_shared>>
      %dma_start3A_89 = arith.constant 0 : i32
      %dma_start3A_90 = tpu.memref_slice %arg11[%add3A_70, %dma_start3A_89] : memref<10240x128xf32, #tpu.memory_space<vmem_shared>> -> memref<128x128xf32, #tpu.memory_space<vmem_shared>>
      %dma_start3A_91 = arith.constant 0 : i32
      %dma_start3A_92 = arith.constant 0 : i32
      %dma_start3A_93 = tpu.memref_slice %arg9[%run_scoped3A_71, %dma_start3A_91, %dma_start3A_92] : memref<2x128x128xf32, #tpu.memory_space<vmem>> -> memref<1x128x128xf32, #tpu.memory_space<vmem>>
      %dma_start3A_94 = tpu.memref_squeeze %dma_start3A_93 : memref<1x128x128xf32, #tpu.memory_space<vmem>> -> memref<128x128xf32, #tpu.memory_space<vmem>>
      tpu.enqueue_dma source(%dma_start3A_94 : memref<128x128xf32, #tpu.memory_space<vmem>>) target(%dma_start3A_90 : memref<128x128xf32, #tpu.memory_space<vmem_shared>>) target_semaphore(%run_scoped3A_83 : memref<!tpu.dma_semaphore, #tpu.memory_space<semaphore_mem>>)
      %dma_wait3A = arith.constant 0 : i32
      %dma_wait3A_95 = arith.constant 0 : i32
      %dma_wait3A_96 = tpu.memref_slice %arg9[%run_scoped3A_71, %dma_wait3A, %dma_wait3A_95] : memref<2x128x128xf32, #tpu.memory_space<vmem>> -> memref<1x128x128xf32, #tpu.memory_space<vmem>>
      %dma_wait3A_97 = tpu.memref_squeeze %dma_wait3A_96 : memref<1x128x128xf32, #tpu.memory_space<vmem>> -> memref<128x128xf32, #tpu.memory_space<vmem>>
      %dma_wait3A_98 = arith.constant 0 : i32
      %dma_wait3A_99 = tpu.memref_slice %arg11[%add3A_70, %dma_wait3A_98] : memref<10240x128xf32, #tpu.memory_space<vmem_shared>> -> memref<128x128xf32, #tpu.memory_space<vmem_shared>>
      %dma_wait3A_100 = arith.constant 0 : i32
      %dma_wait3A_101 = tpu.memref_slice %arg11[%add3A_70, %dma_wait3A_100] : memref<10240x128xf32, #tpu.memory_space<vmem_shared>> -> memref<128x128xf32, #tpu.memory_space<vmem_shared>>
      %dma_wait3A_102 = arith.constant 0 : i32
      %dma_wait3A_103 = arith.constant 0 : i32
      %dma_wait3A_104 = tpu.memref_slice %arg9[%run_scoped3A_71, %dma_wait3A_102, %dma_wait3A_103] : memref<2x128x128xf32, #tpu.memory_space<vmem>> -> memref<1x128x128xf32, #tpu.memory_space<vmem>>
      %dma_wait3A_105 = tpu.memref_squeeze %dma_wait3A_104 : memref<1x128x128xf32, #tpu.memory_space<vmem>> -> memref<128x128xf32, #tpu.memory_space<vmem>>
      tpu.wait_dma2 semaphore(%run_scoped3A_83 : memref<!tpu.dma_semaphore, #tpu.memory_space<semaphore_mem>>) src(%dma_wait3A_105 : memref<128x128xf32, #tpu.memory_space<vmem>>) dst(%dma_wait3A_101 : memref<128x128xf32, #tpu.memory_space<vmem_shared>>)
      tpu.yield
    }) : () -> ()
    %add3A_72 = arith.constant 512 : i32
    %add3A_73 = arith.addi %mul3A_41, %add3A_72 : i32
    %run_scoped3A_74 = arith.constant 0 : i32
    %run_scoped3A_75 = arith.constant 0 : i32
    "tpu.region"() ({
      %run_scoped3A_83 = tpu.sem_alloc : memref<!tpu.dma_semaphore, #tpu.memory_space<semaphore_mem>>
      %dma_start3A = arith.constant 0 : i32
      %dma_start3A_84 = tpu.memref_slice %arg9[%run_scoped3A_74, %run_scoped3A_75, %dma_start3A] : memref<2x128x128xf32, #tpu.memory_space<vmem>> -> memref<1x1x128xf32, #tpu.memory_space<vmem>>
      %dma_start3A_85 = tpu.memref_squeeze %dma_start3A_84 : memref<1x1x128xf32, #tpu.memory_space<vmem>> -> memref<128xf32, #tpu.memory_space<vmem>>
      %dma_start3A_86 = tpu.memref_slice %arg12[%add3A_73] : memref<10240xf32, #tpu.memory_space<vmem_shared>> -> memref<128xf32, #tpu.memory_space<vmem_shared>>
      %dma_start3A_87 = tpu.memref_slice %arg12[%add3A_73] : memref<10240xf32, #tpu.memory_space<vmem_shared>> -> memref<128xf32, #tpu.memory_space<vmem_shared>>
      %dma_start3A_88 = arith.constant 0 : i32
      %dma_start3A_89 = tpu.memref_slice %arg9[%run_scoped3A_74, %run_scoped3A_75, %dma_start3A_88] : memref<2x128x128xf32, #tpu.memory_space<vmem>> -> memref<1x1x128xf32, #tpu.memory_space<vmem>>
      %dma_start3A_90 = tpu.memref_squeeze %dma_start3A_89 : memref<1x1x128xf32, #tpu.memory_space<vmem>> -> memref<128xf32, #tpu.memory_space<vmem>>
      tpu.enqueue_dma source(%dma_start3A_90 : memref<128xf32, #tpu.memory_space<vmem>>) target(%dma_start3A_87 : memref<128xf32, #tpu.memory_space<vmem_shared>>) target_semaphore(%run_scoped3A_83 : memref<!tpu.dma_semaphore, #tpu.memory_space<semaphore_mem>>)
      %dma_wait3A = arith.constant 0 : i32
      %dma_wait3A_91 = tpu.memref_slice %arg9[%run_scoped3A_74, %run_scoped3A_75, %dma_wait3A] : memref<2x128x128xf32, #tpu.memory_space<vmem>> -> memref<1x1x128xf32, #tpu.memory_space<vmem>>
      %dma_wait3A_92 = tpu.memref_squeeze %dma_wait3A_91 : memref<1x1x128xf32, #tpu.memory_space<vmem>> -> memref<128xf32, #tpu.memory_space<vmem>>
      %dma_wait3A_93 = tpu.memref_slice %arg12[%add3A_73] : memref<10240xf32, #tpu.memory_space<vmem_shared>> -> memref<128xf32, #tpu.memory_space<vmem_shared>>
      %dma_wait3A_94 = tpu.memref_slice %arg12[%add3A_73] : memref<10240xf32, #tpu.memory_space<vmem_shared>> -> memref<128xf32, #tpu.memory_space<vmem_shared>>
      %dma_wait3A_95 = arith.constant 0 : i32
      %dma_wait3A_96 = tpu.memref_slice %arg9[%run_scoped3A_74, %run_scoped3A_75, %dma_wait3A_95] : memref<2x128x128xf32, #tpu.memory_space<vmem>> -> memref<1x1x128xf32, #tpu.memory_space<vmem>>
      %dma_wait3A_97 = tpu.memref_squeeze %dma_wait3A_96 : memref<1x1x128xf32, #tpu.memory_space<vmem>> -> memref<128xf32, #tpu.memory_space<vmem>>
      tpu.wait_dma2 semaphore(%run_scoped3A_83 : memref<!tpu.dma_semaphore, #tpu.memory_space<semaphore_mem>>) src(%dma_wait3A_97 : memref<128xf32, #tpu.memory_space<vmem>>) dst(%dma_wait3A_94 : memref<128xf32, #tpu.memory_space<vmem_shared>>)
      tpu.yield
    }) : () -> ()
    %barrier3A = arith.constant 0 : index
    tpu.barrier barrier_id(%barrier3A)
    %scan3A_76 = arith.constant 0 : i32
    %scan3A_77 = arith.constant 0 : i32
    %scan3A_78 = arith.constant 5 : i32
    %scan3A_79 = arith.addi %scan3A_77, %scan3A_78 : i32
    %scan3A_80 = arith.constant 1 : i32
    scf.for %scan3A_83 = %scan3A_77 to %scan3A_79 step %scan3A_80  : i32 {
      %mul3A_84 = arith.constant 16 : i32
      %mul3A_85 = arith.muli %scan3A_83, %mul3A_84 : i32
      "tpu.region"() ({
        %run_scoped3A_122 = tpu.sem_alloc : memref<!tpu.dma_semaphore, #tpu.memory_space<semaphore_mem>>
        %dma_start3A_123 = arith.constant 0 : i32
        %dma_start3A_124 = tpu.memref_slice %arg3[%add3A, %mul3A_85, %dma_start3A_123] : memref<32x80x128xi32, #tpu.memory_space<hbm>> -> memref<1x16x128xi32, #tpu.memory_space<hbm>>
        %dma_start3A_125 = tpu.memref_squeeze %dma_start3A_124 : memref<1x16x128xi32, #tpu.memory_space<hbm>> -> memref<16x128xi32, #tpu.memory_space<hbm>>
        %dma_start3A_126 = arith.constant 0 : i32
        %dma_start3A_127 = tpu.memref_slice %arg3[%add3A, %mul3A_85, %dma_start3A_126] : memref<32x80x128xi32, #tpu.memory_space<hbm>> -> memref<1x16x128xi32, #tpu.memory_space<hbm>>
        %dma_start3A_128 = tpu.memref_squeeze %dma_start3A_127 : memref<1x16x128xi32, #tpu.memory_space<hbm>> -> memref<16x128xi32, #tpu.memory_space<hbm>>
        tpu.enqueue_dma source(%dma_start3A_128 : memref<16x128xi32, #tpu.memory_space<hbm>>) target(%arg7 : memref<16x128xi32, #tpu.memory_space<vmem>>) target_semaphore(%run_scoped3A_122 : memref<!tpu.dma_semaphore, #tpu.memory_space<semaphore_mem>>)
        %dma_wait3A_129 = arith.constant 0 : i32
        %dma_wait3A_130 = tpu.memref_slice %arg3[%add3A, %mul3A_85, %dma_wait3A_129] : memref<32x80x128xi32, #tpu.memory_space<hbm>> -> memref<1x16x128xi32, #tpu.memory_space<hbm>>
        %dma_wait3A_131 = tpu.memref_squeeze %dma_wait3A_130 : memref<1x16x128xi32, #tpu.memory_space<hbm>> -> memref<16x128xi32, #tpu.memory_space<hbm>>
        %dma_wait3A_132 = arith.constant 0 : i32
        %dma_wait3A_133 = tpu.memref_slice %arg3[%add3A, %mul3A_85, %dma_wait3A_132] : memref<32x80x128xi32, #tpu.memory_space<hbm>> -> memref<1x16x128xi32, #tpu.memory_space<hbm>>
        %dma_wait3A_134 = tpu.memref_squeeze %dma_wait3A_133 : memref<1x16x128xi32, #tpu.memory_space<hbm>> -> memref<16x128xi32, #tpu.memory_space<hbm>>
        tpu.wait_dma2 semaphore(%run_scoped3A_122 : memref<!tpu.dma_semaphore, #tpu.memory_space<semaphore_mem>>) src(%dma_wait3A_134 : memref<16x128xi32, #tpu.memory_space<hbm>>) dst(%arg7 : memref<16x128xi32, #tpu.memory_space<vmem>>)
        tpu.yield
      }) : () -> ()
      %mul3A_86 = arith.constant 16 : i32
      %mul3A_87 = arith.muli %scan3A_83, %mul3A_86 : i32
      "tpu.region"() ({
        %run_scoped3A_122 = tpu.sem_alloc : memref<!tpu.dma_semaphore, #tpu.memory_space<semaphore_mem>>
        %dma_start3A_123 = arith.constant 0 : i32
        %dma_start3A_124 = tpu.memref_slice %arg4[%add3A, %mul3A_87, %dma_start3A_123] : memref<32x80x128xi32, #tpu.memory_space<hbm>> -> memref<1x16x128xi32, #tpu.memory_space<hbm>>
        %dma_start3A_125 = tpu.memref_squeeze %dma_start3A_124 : memref<1x16x128xi32, #tpu.memory_space<hbm>> -> memref<16x128xi32, #tpu.memory_space<hbm>>
        %dma_start3A_126 = arith.constant 0 : i32
        %dma_start3A_127 = tpu.memref_slice %arg4[%add3A, %mul3A_87, %dma_start3A_126] : memref<32x80x128xi32, #tpu.memory_space<hbm>> -> memref<1x16x128xi32, #tpu.memory_space<hbm>>
        %dma_start3A_128 = tpu.memref_squeeze %dma_start3A_127 : memref<1x16x128xi32, #tpu.memory_space<hbm>> -> memref<16x128xi32, #tpu.memory_space<hbm>>
        tpu.enqueue_dma source(%dma_start3A_128 : memref<16x128xi32, #tpu.memory_space<hbm>>) target(%arg8 : memref<16x128xi32, #tpu.memory_space<vmem>>) target_semaphore(%run_scoped3A_122 : memref<!tpu.dma_semaphore, #tpu.memory_space<semaphore_mem>>)
        %dma_wait3A_129 = arith.constant 0 : i32
        %dma_wait3A_130 = tpu.memref_slice %arg4[%add3A, %mul3A_87, %dma_wait3A_129] : memref<32x80x128xi32, #tpu.memory_space<hbm>> -> memref<1x16x128xi32, #tpu.memory_space<hbm>>
        %dma_wait3A_131 = tpu.memref_squeeze %dma_wait3A_130 : memref<1x16x128xi32, #tpu.memory_space<hbm>> -> memref<16x128xi32, #tpu.memory_space<hbm>>
        %dma_wait3A_132 = arith.constant 0 : i32
        %dma_wait3A_133 = tpu.memref_slice %arg4[%add3A, %mul3A_87, %dma_wait3A_132] : memref<32x80x128xi32, #tpu.memory_space<hbm>> -> memref<1x16x128xi32, #tpu.memory_space<hbm>>
        %dma_wait3A_134 = tpu.memref_squeeze %dma_wait3A_133 : memref<1x16x128xi32, #tpu.memory_space<hbm>> -> memref<16x128xi32, #tpu.memory_space<hbm>>
        tpu.wait_dma2 semaphore(%run_scoped3A_122 : memref<!tpu.dma_semaphore, #tpu.memory_space<semaphore_mem>>) src(%dma_wait3A_134 : memref<16x128xi32, #tpu.memory_space<hbm>>) dst(%arg8 : memref<16x128xi32, #tpu.memory_space<vmem>>)
        tpu.yield
      }) : () -> ()
      %dma_start3A = arith.constant 0 : i32
      %dma_start3A_88 = arith.constant 0 : i32
      %dma_start3A_89 = arith.constant 0 : i32
      %dma_start3A_90 = arith.constant 0 : i32
      %dma_start3A_91 = tpu.memref_slice %arg9[%dma_start3A_88, %dma_start3A_89, %dma_start3A_90] : memref<2x128x128xf32, #tpu.memory_space<vmem>> -> memref<1x128x128xf32, #tpu.memory_space<vmem>>
      %dma_start3A_92 = tpu.memref_squeeze %dma_start3A_91 : memref<1x128x128xf32, #tpu.memory_space<vmem>> -> memref<128x128xf32, #tpu.memory_space<vmem>>
      %dma_start3A_93 = arith.constant 0 : i32
      %dma_start3A_94 = tpu.memref_slice %arg7[%dma_start3A, %dma_start3A_93] : memref<16x128xi32, #tpu.memory_space<vmem>> -> memref<1x128xi32, #tpu.memory_space<vmem>>
      %dma_start3A_95 = tpu.memref_squeeze %dma_start3A_94 : memref<1x128xi32, #tpu.memory_space<vmem>> -> memref<128xi32, #tpu.memory_space<vmem>>
      %dma_start3A_96 = arith.constant 0 : i32
      %dma_start3A_97 = arith.constant 0 : i32
      %dma_start3A_98 = tpu.memref_slice %arg2[%dma_start3A_96, %dma_start3A_97] : memref<10000x128xf32, #tpu.memory_space<hbm>> -> memref<10000x128xf32, #tpu.memory_space<hbm>>
      tpu.enqueue_indirect_dma source(%dma_start3A_98 : memref<10000x128xf32, #tpu.memory_space<hbm>>) target(%dma_start3A_92 : memref<128x128xf32, #tpu.memory_space<vmem>>) offsets(%dma_start3A_95 : memref<128xi32, #tpu.memory_space<vmem>>) semaphore(%arg13 : memref<!tpu.dma_semaphore, #tpu.memory_space<semaphore_mem>>)
      %scan3A_99 = arith.constant 0 : i32
      %scan3A_100 = arith.constant 0 : i32
      %scan3A_101 = arith.constant 8 : i32
      %scan3A_102 = arith.addi %scan3A_100, %scan3A_101 : i32
      %scan3A_103 = arith.constant 1 : i32
      scf.for %scan3A_122 = %scan3A_100 to %scan3A_102 step %scan3A_103  : i32 {
        %mul3A_123 = arith.constant 2 : i32
        %mul3A_124 = arith.muli %scan3A_122, %mul3A_123 : i32
        %dma_wait3A_125 = arith.constant 0 : i32
        %dma_wait3A_126 = arith.constant 0 : i32
        %dma_wait3A_127 = arith.constant 0 : i32
        %dma_wait3A_128 = tpu.memref_slice %arg9[%dma_wait3A_125, %dma_wait3A_126, %dma_wait3A_127] : memref<2x128x128xf32, #tpu.memory_space<vmem>> -> memref<1x128x128xf32, #tpu.memory_space<vmem>>
        %dma_wait3A_129 = tpu.memref_squeeze %dma_wait3A_128 : memref<1x128x128xf32, #tpu.memory_space<vmem>> -> memref<128x128xf32, #tpu.memory_space<vmem>>
        %dma_wait3A_130 = arith.constant 0 : i32
        %dma_wait3A_131 = tpu.memref_slice %arg7[%mul3A_124, %dma_wait3A_130] : memref<16x128xi32, #tpu.memory_space<vmem>> -> memref<1x128xi32, #tpu.memory_space<vmem>>
        %dma_wait3A_132 = tpu.memref_squeeze %dma_wait3A_131 : memref<1x128xi32, #tpu.memory_space<vmem>> -> memref<128xi32, #tpu.memory_space<vmem>>
        %dma_wait3A_133 = arith.constant 0 : i32
        %dma_wait3A_134 = arith.constant 0 : i32
        %dma_wait3A_135 = tpu.memref_slice %arg2[%dma_wait3A_133, %dma_wait3A_134] : memref<10000x128xf32, #tpu.memory_space<hbm>> -> memref<10000x128xf32, #tpu.memory_space<hbm>>
        tpu.wait_indirect_dma semaphore(%arg13 : memref<!tpu.dma_semaphore, #tpu.memory_space<semaphore_mem>>) src(%dma_wait3A_135 : memref<10000x128xf32, #tpu.memory_space<hbm>>) dst(%dma_wait3A_129 : memref<128x128xf32, #tpu.memory_space<vmem>>)
        %dma_start3A_136 = arith.constant 0 : i32
        %dma_start3A_137 = arith.constant 0 : i32
        %dma_start3A_138 = arith.constant 0 : i32
        %dma_start3A_139 = tpu.memref_slice %arg9[%dma_start3A_136, %dma_start3A_137, %dma_start3A_138] : memref<2x128x128xf32, #tpu.memory_space<vmem>> -> memref<1x128x128xf32, #tpu.memory_space<vmem>>
        %dma_start3A_140 = tpu.memref_squeeze %dma_start3A_139 : memref<1x128x128xf32, #tpu.memory_space<vmem>> -> memref<128x128xf32, #tpu.memory_space<vmem>>
        %dma_start3A_141 = arith.constant 0 : i32
        %dma_start3A_142 = tpu.memref_slice %arg8[%mul3A_124, %dma_start3A_141] : memref<16x128xi32, #tpu.memory_space<vmem>> -> memref<1x128xi32, #tpu.memory_space<vmem>>
        %dma_start3A_143 = tpu.memref_squeeze %dma_start3A_142 : memref<1x128xi32, #tpu.memory_space<vmem>> -> memref<128xi32, #tpu.memory_space<vmem>>
        %dma_start3A_144 = arith.constant 0 : i32
        %dma_start3A_145 = arith.constant 0 : i32
        %dma_start3A_146 = tpu.memref_slice %arg11[%dma_start3A_144, %dma_start3A_145] : memref<10240x128xf32, #tpu.memory_space<vmem_shared>> -> memref<10240x128xf32, #tpu.memory_space<vmem_shared>>
        tpu.enqueue_indirect_dma source(%dma_start3A_140 : memref<128x128xf32, #tpu.memory_space<vmem>>) target(%dma_start3A_146 : memref<10240x128xf32, #tpu.memory_space<vmem_shared>>) offsets(%dma_start3A_143 : memref<128xi32, #tpu.memory_space<vmem>>) semaphore(%arg15 : memref<!tpu.dma_semaphore, #tpu.memory_space<semaphore_mem>>) {add = true}
        %dma_start3A_147 = arith.constant 0 : i32
        %dma_start3A_148 = tpu.memref_slice %arg8[%mul3A_124, %dma_start3A_147] : memref<16x128xi32, #tpu.memory_space<vmem>> -> memref<1x128xi32, #tpu.memory_space<vmem>>
        %dma_start3A_149 = tpu.memref_squeeze %dma_start3A_148 : memref<1x128xi32, #tpu.memory_space<vmem>> -> memref<128xi32, #tpu.memory_space<vmem>>
        %dma_start3A_150 = arith.constant 0 : i32
        %dma_start3A_151 = tpu.memref_slice %arg12[%dma_start3A_150] : memref<10240xf32, #tpu.memory_space<vmem_shared>> -> memref<10240xf32, #tpu.memory_space<vmem_shared>>
        tpu.enqueue_indirect_dma source(%arg10 : memref<128xf32, #tpu.memory_space<vmem>>) target(%dma_start3A_151 : memref<10240xf32, #tpu.memory_space<vmem_shared>>) offsets(%dma_start3A_149 : memref<128xi32, #tpu.memory_space<vmem>>) semaphore(%arg17 : memref<!tpu.dma_semaphore, #tpu.memory_space<semaphore_mem>>) {add = true}
        %gt3A = arith.constant 0 : i32
        %gt3A_152 = arith.cmpi sgt, %scan3A_122, %gt3A : i32
        %convert_element_type3A = arith.extui %gt3A_152 : i1 to i32
        %cond3A = arith.constant 0 : i32
        %cond3A_153 = arith.cmpi ne, %convert_element_type3A, %cond3A : i32
        scf.if %cond3A_153 {
          %sub3A = arith.constant 1 : i32
          %sub3A_220 = arith.subi %mul3A_124, %sub3A : i32
          %dma_wait3A_221 = arith.constant 1 : i32
          %dma_wait3A_222 = arith.constant 0 : i32
          %dma_wait3A_223 = arith.constant 0 : i32
          %dma_wait3A_224 = tpu.memref_slice %arg9[%dma_wait3A_221, %dma_wait3A_222, %dma_wait3A_223] : memref<2x128x128xf32, #tpu.memory_space<vmem>> -> memref<1x128x128xf32, #tpu.memory_space<vmem>>
          %dma_wait3A_225 = tpu.memref_squeeze %dma_wait3A_224 : memref<1x128x128xf32, #tpu.memory_space<vmem>> -> memref<128x128xf32, #tpu.memory_space<vmem>>
          %dma_wait3A_226 = arith.constant 0 : i32
          %dma_wait3A_227 = tpu.memref_slice %arg8[%sub3A_220, %dma_wait3A_226] : memref<16x128xi32, #tpu.memory_space<vmem>> -> memref<1x128xi32, #tpu.memory_space<vmem>>
          %dma_wait3A_228 = tpu.memref_squeeze %dma_wait3A_227 : memref<1x128xi32, #tpu.memory_space<vmem>> -> memref<128xi32, #tpu.memory_space<vmem>>
          %dma_wait3A_229 = arith.constant 0 : i32
          %dma_wait3A_230 = arith.constant 0 : i32
          %dma_wait3A_231 = tpu.memref_slice %arg11[%dma_wait3A_229, %dma_wait3A_230] : memref<10240x128xf32, #tpu.memory_space<vmem_shared>> -> memref<10240x128xf32, #tpu.memory_space<vmem_shared>>
          tpu.wait_indirect_dma semaphore(%arg16 : memref<!tpu.dma_semaphore, #tpu.memory_space<semaphore_mem>>) src(%dma_wait3A_225 : memref<128x128xf32, #tpu.memory_space<vmem>>) dst(%dma_wait3A_231 : memref<10240x128xf32, #tpu.memory_space<vmem_shared>>)
          %sub3A_232 = arith.constant 1 : i32
          %sub3A_233 = arith.subi %mul3A_124, %sub3A_232 : i32
          %dma_wait3A_234 = arith.constant 0 : i32
          %dma_wait3A_235 = tpu.memref_slice %arg8[%sub3A_233, %dma_wait3A_234] : memref<16x128xi32, #tpu.memory_space<vmem>> -> memref<1x128xi32, #tpu.memory_space<vmem>>
          %dma_wait3A_236 = tpu.memref_squeeze %dma_wait3A_235 : memref<1x128xi32, #tpu.memory_space<vmem>> -> memref<128xi32, #tpu.memory_space<vmem>>
          %dma_wait3A_237 = arith.constant 0 : i32
          %dma_wait3A_238 = tpu.memref_slice %arg12[%dma_wait3A_237] : memref<10240xf32, #tpu.memory_space<vmem_shared>> -> memref<10240xf32, #tpu.memory_space<vmem_shared>>
          tpu.wait_indirect_dma semaphore(%arg17 : memref<!tpu.dma_semaphore, #tpu.memory_space<semaphore_mem>>) src(%arg10 : memref<128xf32, #tpu.memory_space<vmem>>) dst(%dma_wait3A_238 : memref<10240xf32, #tpu.memory_space<vmem_shared>>)
        } else {
        }
        %add3A_154 = arith.constant 1 : i32
        %add3A_155 = arith.addi %mul3A_124, %add3A_154 : i32
        %dma_start3A_156 = arith.constant 1 : i32
        %dma_start3A_157 = arith.constant 0 : i32
        %dma_start3A_158 = arith.constant 0 : i32
        %dma_start3A_159 = tpu.memref_slice %arg9[%dma_start3A_156, %dma_start3A_157, %dma_start3A_158] : memref<2x128x128xf32, #tpu.memory_space<vmem>> -> memref<1x128x128xf32, #tpu.memory_space<vmem>>
        %dma_start3A_160 = tpu.memref_squeeze %dma_start3A_159 : memref<1x128x128xf32, #tpu.memory_space<vmem>> -> memref<128x128xf32, #tpu.memory_space<vmem>>
        %dma_start3A_161 = arith.constant 0 : i32
        %dma_start3A_162 = tpu.memref_slice %arg7[%add3A_155, %dma_start3A_161] : memref<16x128xi32, #tpu.memory_space<vmem>> -> memref<1x128xi32, #tpu.memory_space<vmem>>
        %dma_start3A_163 = tpu.memref_squeeze %dma_start3A_162 : memref<1x128xi32, #tpu.memory_space<vmem>> -> memref<128xi32, #tpu.memory_space<vmem>>
        %dma_start3A_164 = arith.constant 0 : i32
        %dma_start3A_165 = arith.constant 0 : i32
        %dma_start3A_166 = tpu.memref_slice %arg2[%dma_start3A_164, %dma_start3A_165] : memref<10000x128xf32, #tpu.memory_space<hbm>> -> memref<10000x128xf32, #tpu.memory_space<hbm>>
        tpu.enqueue_indirect_dma source(%dma_start3A_166 : memref<10000x128xf32, #tpu.memory_space<hbm>>) target(%dma_start3A_160 : memref<128x128xf32, #tpu.memory_space<vmem>>) offsets(%dma_start3A_163 : memref<128xi32, #tpu.memory_space<vmem>>) semaphore(%arg14 : memref<!tpu.dma_semaphore, #tpu.memory_space<semaphore_mem>>)
        %add3A_167 = arith.constant 1 : i32
        %add3A_168 = arith.addi %mul3A_124, %add3A_167 : i32
        %dma_wait3A_169 = arith.constant 1 : i32
        %dma_wait3A_170 = arith.constant 0 : i32
        %dma_wait3A_171 = arith.constant 0 : i32
        %dma_wait3A_172 = tpu.memref_slice %arg9[%dma_wait3A_169, %dma_wait3A_170, %dma_wait3A_171] : memref<2x128x128xf32, #tpu.memory_space<vmem>> -> memref<1x128x128xf32, #tpu.memory_space<vmem>>
        %dma_wait3A_173 = tpu.memref_squeeze %dma_wait3A_172 : memref<1x128x128xf32, #tpu.memory_space<vmem>> -> memref<128x128xf32, #tpu.memory_space<vmem>>
        %dma_wait3A_174 = arith.constant 0 : i32
        %dma_wait3A_175 = tpu.memref_slice %arg7[%add3A_168, %dma_wait3A_174] : memref<16x128xi32, #tpu.memory_space<vmem>> -> memref<1x128xi32, #tpu.memory_space<vmem>>
        %dma_wait3A_176 = tpu.memref_squeeze %dma_wait3A_175 : memref<1x128xi32, #tpu.memory_space<vmem>> -> memref<128xi32, #tpu.memory_space<vmem>>
        %dma_wait3A_177 = arith.constant 0 : i32
        %dma_wait3A_178 = arith.constant 0 : i32
        %dma_wait3A_179 = tpu.memref_slice %arg2[%dma_wait3A_177, %dma_wait3A_178] : memref<10000x128xf32, #tpu.memory_space<hbm>> -> memref<10000x128xf32, #tpu.memory_space<hbm>>
        tpu.wait_indirect_dma semaphore(%arg14 : memref<!tpu.dma_semaphore, #tpu.memory_space<semaphore_mem>>) src(%dma_wait3A_179 : memref<10000x128xf32, #tpu.memory_space<hbm>>) dst(%dma_wait3A_173 : memref<128x128xf32, #tpu.memory_space<vmem>>)
        %add3A_180 = arith.constant 1 : i32
        %add3A_181 = arith.addi %mul3A_124, %add3A_180 : i32
        %dma_start3A_182 = arith.constant 1 : i32
        %dma_start3A_183 = arith.constant 0 : i32
        %dma_start3A_184 = arith.constant 0 : i32
        %dma_start3A_185 = tpu.memref_slice %arg9[%dma_start3A_182, %dma_start3A_183, %dma_start3A_184] : memref<2x128x128xf32, #tpu.memory_space<vmem>> -> memref<1x128x128xf32, #tpu.memory_space<vmem>>
        %dma_start3A_186 = tpu.memref_squeeze %dma_start3A_185 : memref<1x128x128xf32, #tpu.memory_space<vmem>> -> memref<128x128xf32, #tpu.memory_space<vmem>>
        %dma_start3A_187 = arith.constant 0 : i32
        %dma_start3A_188 = tpu.memref_slice %arg8[%add3A_181, %dma_start3A_187] : memref<16x128xi32, #tpu.memory_space<vmem>> -> memref<1x128xi32, #tpu.memory_space<vmem>>
        %dma_start3A_189 = tpu.memref_squeeze %dma_start3A_188 : memref<1x128xi32, #tpu.memory_space<vmem>> -> memref<128xi32, #tpu.memory_space<vmem>>
        %dma_start3A_190 = arith.constant 0 : i32
        %dma_start3A_191 = arith.constant 0 : i32
        %dma_start3A_192 = tpu.memref_slice %arg11[%dma_start3A_190, %dma_start3A_191] : memref<10240x128xf32, #tpu.memory_space<vmem_shared>> -> memref<10240x128xf32, #tpu.memory_space<vmem_shared>>
        tpu.enqueue_indirect_dma source(%dma_start3A_186 : memref<128x128xf32, #tpu.memory_space<vmem>>) target(%dma_start3A_192 : memref<10240x128xf32, #tpu.memory_space<vmem_shared>>) offsets(%dma_start3A_189 : memref<128xi32, #tpu.memory_space<vmem>>) semaphore(%arg16 : memref<!tpu.dma_semaphore, #tpu.memory_space<semaphore_mem>>) {add = true}
        %add3A_193 = arith.constant 1 : i32
        %add3A_194 = arith.addi %mul3A_124, %add3A_193 : i32
        %dma_start3A_195 = arith.constant 0 : i32
        %dma_start3A_196 = tpu.memref_slice %arg8[%add3A_194, %dma_start3A_195] : memref<16x128xi32, #tpu.memory_space<vmem>> -> memref<1x128xi32, #tpu.memory_space<vmem>>
        %dma_start3A_197 = tpu.memref_squeeze %dma_start3A_196 : memref<1x128xi32, #tpu.memory_space<vmem>> -> memref<128xi32, #tpu.memory_space<vmem>>
        %dma_start3A_198 = arith.constant 0 : i32
        %dma_start3A_199 = tpu.memref_slice %arg12[%dma_start3A_198] : memref<10240xf32, #tpu.memory_space<vmem_shared>> -> memref<10240xf32, #tpu.memory_space<vmem_shared>>
        tpu.enqueue_indirect_dma source(%arg10 : memref<128xf32, #tpu.memory_space<vmem>>) target(%dma_start3A_199 : memref<10240xf32, #tpu.memory_space<vmem_shared>>) offsets(%dma_start3A_197 : memref<128xi32, #tpu.memory_space<vmem>>) semaphore(%arg17 : memref<!tpu.dma_semaphore, #tpu.memory_space<semaphore_mem>>) {add = true}
        %dma_wait3A_200 = arith.constant 0 : i32
        %dma_wait3A_201 = arith.constant 0 : i32
        %dma_wait3A_202 = arith.constant 0 : i32
        %dma_wait3A_203 = tpu.memref_slice %arg9[%dma_wait3A_200, %dma_wait3A_201, %dma_wait3A_202] : memref<2x128x128xf32, #tpu.memory_space<vmem>> -> memref<1x128x128xf32, #tpu.memory_space<vmem>>
        %dma_wait3A_204 = tpu.memref_squeeze %dma_wait3A_203 : memref<1x128x128xf32, #tpu.memory_space<vmem>> -> memref<128x128xf32, #tpu.memory_space<vmem>>
        %dma_wait3A_205 = arith.constant 0 : i32
        %dma_wait3A_206 = tpu.memref_slice %arg8[%mul3A_124, %dma_wait3A_205] : memref<16x128xi32, #tpu.memory_space<vmem>> -> memref<1x128xi32, #tpu.memory_space<vmem>>
        %dma_wait3A_207 = tpu.memref_squeeze %dma_wait3A_206 : memref<1x128xi32, #tpu.memory_space<vmem>> -> memref<128xi32, #tpu.memory_space<vmem>>
        %dma_wait3A_208 = arith.constant 0 : i32
        %dma_wait3A_209 = arith.constant 0 : i32
        %dma_wait3A_210 = tpu.memref_slice %arg11[%dma_wait3A_208, %dma_wait3A_209] : memref<10240x128xf32, #tpu.memory_space<vmem_shared>> -> memref<10240x128xf32, #tpu.memory_space<vmem_shared>>
        tpu.wait_indirect_dma semaphore(%arg15 : memref<!tpu.dma_semaphore, #tpu.memory_space<semaphore_mem>>) src(%dma_wait3A_204 : memref<128x128xf32, #tpu.memory_space<vmem>>) dst(%dma_wait3A_210 : memref<10240x128xf32, #tpu.memory_space<vmem_shared>>)
        %dma_wait3A_211 = arith.constant 0 : i32
        %dma_wait3A_212 = tpu.memref_slice %arg8[%mul3A_124, %dma_wait3A_211] : memref<16x128xi32, #tpu.memory_space<vmem>> -> memref<1x128xi32, #tpu.memory_space<vmem>>
        %dma_wait3A_213 = tpu.memref_squeeze %dma_wait3A_212 : memref<1x128xi32, #tpu.memory_space<vmem>> -> memref<128xi32, #tpu.memory_space<vmem>>
        %dma_wait3A_214 = arith.constant 0 : i32
        %dma_wait3A_215 = tpu.memref_slice %arg12[%dma_wait3A_214] : memref<10240xf32, #tpu.memory_space<vmem_shared>> -> memref<10240xf32, #tpu.memory_space<vmem_shared>>
        tpu.wait_indirect_dma semaphore(%arg17 : memref<!tpu.dma_semaphore, #tpu.memory_space<semaphore_mem>>) src(%arg10 : memref<128xf32, #tpu.memory_space<vmem>>) dst(%dma_wait3A_215 : memref<10240xf32, #tpu.memory_space<vmem_shared>>)
        %lt3A = arith.constant 7 : i32
        %lt3A_216 = arith.cmpi slt, %scan3A_122, %lt3A : i32
        %convert_element_type3A_217 = arith.extui %lt3A_216 : i1 to i32
        %cond3A_218 = arith.constant 0 : i32
        %cond3A_219 = arith.cmpi ne, %convert_element_type3A_217, %cond3A_218 : i32
        scf.if %cond3A_219 {
          %add3A_220 = arith.constant 2 : i32
          %add3A_221 = arith.addi %mul3A_124, %add3A_220 : i32
          %dma_start3A_222 = arith.constant 0 : i32
          %dma_start3A_223 = arith.constant 0 : i32
          %dma_start3A_224 = arith.constant 0 : i32
          %dma_start3A_225 = tpu.memref_slice %arg9[%dma_start3A_222, %dma_start3A_223, %dma_start3A_224] : memref<2x128x128xf32, #tpu.memory_space<vmem>> -> memref<1x128x128xf32, #tpu.memory_space<vmem>>
          %dma_start3A_226 = tpu.memref_squeeze %dma_start3A_225 : memref<1x128x128xf32, #tpu.memory_space<vmem>> -> memref<128x128xf32, #tpu.memory_space<vmem>>
          %dma_start3A_227 = arith.constant 0 : i32
          %dma_start3A_228 = tpu.memref_slice %arg7[%add3A_221, %dma_start3A_227] : memref<16x128xi32, #tpu.memory_space<vmem>> -> memref<1x128xi32, #tpu.memory_space<vmem>>
          %dma_start3A_229 = tpu.memref_squeeze %dma_start3A_228 : memref<1x128xi32, #tpu.memory_space<vmem>> -> memref<128xi32, #tpu.memory_space<vmem>>
          %dma_start3A_230 = arith.constant 0 : i32
          %dma_start3A_231 = arith.constant 0 : i32
          %dma_start3A_232 = tpu.memref_slice %arg2[%dma_start3A_230, %dma_start3A_231] : memref<10000x128xf32, #tpu.memory_space<hbm>> -> memref<10000x128xf32, #tpu.memory_space<hbm>>
          tpu.enqueue_indirect_dma source(%dma_start3A_232 : memref<10000x128xf32, #tpu.memory_space<hbm>>) target(%dma_start3A_226 : memref<128x128xf32, #tpu.memory_space<vmem>>) offsets(%dma_start3A_229 : memref<128xi32, #tpu.memory_space<vmem>>) semaphore(%arg13 : memref<!tpu.dma_semaphore, #tpu.memory_space<semaphore_mem>>)
        } else {
        }
      }
      %scan3A_104 = arith.constant 8 : i32
      %dma_wait3A = arith.constant 1 : i32
      %dma_wait3A_105 = arith.constant 15 : i32
      %dma_wait3A_106 = arith.constant 0 : i32
      %dma_wait3A_107 = arith.constant 0 : i32
      %dma_wait3A_108 = tpu.memref_slice %arg9[%dma_wait3A, %dma_wait3A_106, %dma_wait3A_107] : memref<2x128x128xf32, #tpu.memory_space<vmem>> -> memref<1x128x128xf32, #tpu.memory_space<vmem>>
      %dma_wait3A_109 = tpu.memref_squeeze %dma_wait3A_108 : memref<1x128x128xf32, #tpu.memory_space<vmem>> -> memref<128x128xf32, #tpu.memory_space<vmem>>
      %dma_wait3A_110 = arith.constant 0 : i32
      %dma_wait3A_111 = tpu.memref_slice %arg8[%dma_wait3A_105, %dma_wait3A_110] : memref<16x128xi32, #tpu.memory_space<vmem>> -> memref<1x128xi32, #tpu.memory_space<vmem>>
      %dma_wait3A_112 = tpu.memref_squeeze %dma_wait3A_111 : memref<1x128xi32, #tpu.memory_space<vmem>> -> memref<128xi32, #tpu.memory_space<vmem>>
      %dma_wait3A_113 = arith.constant 0 : i32
      %dma_wait3A_114 = arith.constant 0 : i32
      %dma_wait3A_115 = tpu.memref_slice %arg11[%dma_wait3A_113, %dma_wait3A_114] : memref<10240x128xf32, #tpu.memory_space<vmem_shared>> -> memref<10240x128xf32, #tpu.memory_space<vmem_shared>>
      tpu.wait_indirect_dma semaphore(%arg16 : memref<!tpu.dma_semaphore, #tpu.memory_space<semaphore_mem>>) src(%dma_wait3A_109 : memref<128x128xf32, #tpu.memory_space<vmem>>) dst(%dma_wait3A_115 : memref<10240x128xf32, #tpu.memory_space<vmem_shared>>)
      %dma_wait3A_116 = arith.constant 15 : i32
      %dma_wait3A_117 = arith.constant 0 : i32
      %dma_wait3A_118 = tpu.memref_slice %arg8[%dma_wait3A_116, %dma_wait3A_117] : memref<16x128xi32, #tpu.memory_space<vmem>> -> memref<1x128xi32, #tpu.memory_space<vmem>>
      %dma_wait3A_119 = tpu.memref_squeeze %dma_wait3A_118 : memref<1x128xi32, #tpu.memory_space<vmem>> -> memref<128xi32, #tpu.memory_space<vmem>>
      %dma_wait3A_120 = arith.constant 0 : i32
      %dma_wait3A_121 = tpu.memref_slice %arg12[%dma_wait3A_120] : memref<10240xf32, #tpu.memory_space<vmem_shared>> -> memref<10240xf32, #tpu.memory_space<vmem_shared>>
      tpu.wait_indirect_dma semaphore(%arg17 : memref<!tpu.dma_semaphore, #tpu.memory_space<semaphore_mem>>) src(%arg10 : memref<128xf32, #tpu.memory_space<vmem>>) dst(%dma_wait3A_121 : memref<10240xf32, #tpu.memory_space<vmem_shared>>)
    }
    %scan3A_81 = arith.constant 5 : i32
    %barrier3A_82 = arith.constant 0 : index
    tpu.barrier barrier_id(%barrier3A_82)
    "tpu.region"() ({
      %run_scoped3A_83 = tpu.sem_alloc : memref<!tpu.dma_semaphore, #tpu.memory_space<semaphore_mem>>
      %dma_start3A = arith.constant 0 : i32
      %dma_start3A_84 = tpu.memref_slice %arg5[%arg0, %mul3A_41, %dma_start3A] : memref<2x10240x128xf32, #tpu.memory_space<hbm>> -> memref<1x640x128xf32, #tpu.memory_space<hbm>>
      %dma_start3A_85 = tpu.memref_squeeze %dma_start3A_84 : memref<1x640x128xf32, #tpu.memory_space<hbm>> -> memref<640x128xf32, #tpu.memory_space<hbm>>
      %dma_start3A_86 = arith.constant 0 : i32
      %dma_start3A_87 = tpu.memref_slice %arg11[%mul3A_41, %dma_start3A_86] : memref<10240x128xf32, #tpu.memory_space<vmem_shared>> -> memref<640x128xf32, #tpu.memory_space<vmem_shared>>
      tpu.enqueue_dma source(%dma_start3A_87 : memref<640x128xf32, #tpu.memory_space<vmem_shared>>) target(%dma_start3A_85 : memref<640x128xf32, #tpu.memory_space<hbm>>) target_semaphore(%run_scoped3A_83 : memref<!tpu.dma_semaphore, #tpu.memory_space<semaphore_mem>>)
      %dma_wait3A = arith.constant 0 : i32
      %dma_wait3A_88 = tpu.memref_slice %arg5[%arg0, %mul3A_41, %dma_wait3A] : memref<2x10240x128xf32, #tpu.memory_space<hbm>> -> memref<1x640x128xf32, #tpu.memory_space<hbm>>
      %dma_wait3A_89 = tpu.memref_squeeze %dma_wait3A_88 : memref<1x640x128xf32, #tpu.memory_space<hbm>> -> memref<640x128xf32, #tpu.memory_space<hbm>>
      %dma_wait3A_90 = arith.constant 0 : i32
      %dma_wait3A_91 = tpu.memref_slice %arg11[%mul3A_41, %dma_wait3A_90] : memref<10240x128xf32, #tpu.memory_space<vmem_shared>> -> memref<640x128xf32, #tpu.memory_space<vmem_shared>>
      tpu.wait_dma2 semaphore(%run_scoped3A_83 : memref<!tpu.dma_semaphore, #tpu.memory_space<semaphore_mem>>) src(%dma_wait3A_91 : memref<640x128xf32, #tpu.memory_space<vmem_shared>>) dst(%dma_wait3A_89 : memref<640x128xf32, #tpu.memory_space<hbm>>)
      tpu.yield
    }) : () -> ()
    "tpu.region"() ({
      %run_scoped3A_83 = tpu.sem_alloc : memref<!tpu.dma_semaphore, #tpu.memory_space<semaphore_mem>>
      %dma_start3A = tpu.memref_slice %arg6[%arg0, %mul3A_41] : memref<2x10240xf32, #tpu.memory_space<hbm>> -> memref<1x640xf32, #tpu.memory_space<hbm>>
      %dma_start3A_84 = tpu.memref_squeeze %dma_start3A : memref<1x640xf32, #tpu.memory_space<hbm>> -> memref<640xf32, #tpu.memory_space<hbm>>
      %dma_start3A_85 = tpu.memref_slice %arg12[%mul3A_41] : memref<10240xf32, #tpu.memory_space<vmem_shared>> -> memref<640xf32, #tpu.memory_space<vmem_shared>>
      tpu.enqueue_dma source(%dma_start3A_85 : memref<640xf32, #tpu.memory_space<vmem_shared>>) target(%dma_start3A_84 : memref<640xf32, #tpu.memory_space<hbm>>) target_semaphore(%run_scoped3A_83 : memref<!tpu.dma_semaphore, #tpu.memory_space<semaphore_mem>>)
      %dma_wait3A = tpu.memref_slice %arg6[%arg0, %mul3A_41] : memref<2x10240xf32, #tpu.memory_space<hbm>> -> memref<1x640xf32, #tpu.memory_space<hbm>>
      %dma_wait3A_86 = tpu.memref_squeeze %dma_wait3A : memref<1x640xf32, #tpu.memory_space<hbm>> -> memref<640xf32, #tpu.memory_space<hbm>>
      %dma_wait3A_87 = tpu.memref_slice %arg12[%mul3A_41] : memref<10240xf32, #tpu.memory_space<vmem_shared>> -> memref<640xf32, #tpu.memory_space<vmem_shared>>
      tpu.wait_dma2 semaphore(%run_scoped3A_83 : memref<!tpu.dma_semaphore, #tpu.memory_space<semaphore_mem>>) src(%dma_wait3A_87 : memref<640xf32, #tpu.memory_space<vmem_shared>>) dst(%dma_wait3A_86 : memref<640xf32, #tpu.memory_space<hbm>>)
      tpu.yield
    }) : () -> ()
    return
  }
}

module attributes {stable_mosaic.version = 14 : i64} {
  func.func @_mm2_body(%arg0: i32, %arg1: memref<2000x128xf32, #tpu.memory_space<vmem>>, %arg2: memref<128x128xf32, #tpu.memory_space<vmem>>, %arg3: memref<128x128xf32, #tpu.memory_space<vmem>>, %arg4: memref<2000x128xf32, #tpu.memory_space<vmem>>, %arg5: memref<2000x128xf32, #tpu.memory_space<vmem>>) attributes {dimension_semantics = [#tpu.dimension_semantics<arbitrary>], iteration_bounds = array<i64: 5>, scalar_prefetch = 0 : i64, scratch_operands = 0 : i64, tpu.core_type = #tpu.core_type<tc>, window_params = [{transform_indices = @transform_0, window_bounds = array<i64: 2000, 128>}, {pipeline_mode = #tpu.pipeline_mode<synchronous>, transform_indices = @transform_1, window_bounds = array<i64: 128, 128>}, {pipeline_mode = #tpu.pipeline_mode<synchronous>, transform_indices = @transform_2, window_bounds = array<i64: 128, 128>}, {transform_indices = @transform_3, window_bounds = array<i64: 2000, 128>}, {transform_indices = @transform_4, window_bounds = array<i64: 2000, 128>}]} {
    %get3A = arith.constant 0 : index
    %get3A_0 = arith.constant 0 : index
    %get3A_1 = vector.load %arg1[%get3A, %get3A_0] : memref<2000x128xf32, #tpu.memory_space<vmem>>, vector<2000x128xf32>
    %get3A_2 = arith.constant 0 : index
    %get3A_3 = arith.constant 0 : index
    %get3A_4 = vector.load %arg2[%get3A_2, %get3A_3] : memref<128x128xf32, #tpu.memory_space<vmem>>, vector<128x128xf32>
    %dot_general3A = arith.constant dense<0.000000e+00> : vector<2000x128xf32>
    %dot_general3A_5 = tpu.matmul %get3A_1, %get3A_4, %dot_general3A {dimension_numbers = #tpu.dot_dimension_numbers<[1], [1], [0], [0], [0, 0, 1, 0], [], []>, transpose_lhs_hint = false} : vector<2000x128xf32>, vector<128x128xf32>, vector<2000x128xf32> -> vector<2000x128xf32>
    %swap3A = arith.constant 0 : index
    %swap3A_6 = arith.constant 0 : index
    %swap3A_7 = vector.load %arg4[%swap3A, %swap3A_6] : memref<2000x128xf32, #tpu.memory_space<vmem>>, vector<2000x128xf32>
    tpu.vector_store %arg4[%swap3A, %swap3A_6], %dot_general3A_5 {strides = array<i32>} : memref<2000x128xf32, #tpu.memory_space<vmem>>, vector<2000x128xf32>,
    %get3A_8 = arith.constant 0 : index
    %get3A_9 = arith.constant 0 : index
    %get3A_10 = vector.load %arg3[%get3A_8, %get3A_9] : memref<128x128xf32, #tpu.memory_space<vmem>>, vector<128x128xf32>
    %dot_general3A_11 = arith.constant dense<0.000000e+00> : vector<2000x128xf32>
    %dot_general3A_12 = tpu.matmul %get3A_1, %get3A_10, %dot_general3A_11 {dimension_numbers = #tpu.dot_dimension_numbers<[1], [1], [0], [0], [0, 0, 1, 0], [], []>, transpose_lhs_hint = false} : vector<2000x128xf32>, vector<128x128xf32>, vector<2000x128xf32> -> vector<2000x128xf32>
    %swap3A_13 = arith.constant 0 : index
    %swap3A_14 = arith.constant 0 : index
    %swap3A_15 = vector.load %arg5[%swap3A_13, %swap3A_14] : memref<2000x128xf32, #tpu.memory_space<vmem>>, vector<2000x128xf32>
    tpu.vector_store %arg5[%swap3A_13, %swap3A_14], %dot_general3A_12 {strides = array<i32>} : memref<2000x128xf32, #tpu.memory_space<vmem>>, vector<2000x128xf32>,
    return
  }
  func.func @transform_0(%arg0: i32) -> (i32, i32) {
    %c0_i32 = arith.constant 0 : i32
    %c0_i32_0 = arith.constant 0 : i32
    return %arg0, %c0_i32 : i32, i32
  }
  func.func @transform_1(%arg0: i32) -> (i32, i32) {
    %c0_i32 = arith.constant 0 : i32
    %c0_i32_0 = arith.constant 0 : i32
    %c0_i32_1 = arith.constant 0 : i32
    return %c0_i32, %c0_i32_0 : i32, i32
  }
  func.func @transform_2(%arg0: i32) -> (i32, i32) {
    %c0_i32 = arith.constant 0 : i32
    %c0_i32_0 = arith.constant 0 : i32
    %c0_i32_1 = arith.constant 0 : i32
    return %c0_i32, %c0_i32_0 : i32, i32
  }
  func.func @transform_3(%arg0: i32) -> (i32, i32) {
    %c0_i32 = arith.constant 0 : i32
    %c0_i32_0 = arith.constant 0 : i32
    return %arg0, %c0_i32 : i32, i32
  }
  func.func @transform_4(%arg0: i32) -> (i32, i32) {
    %c0_i32 = arith.constant 0 : i32
    %c0_i32_0 = arith.constant 0 : i32
    return %arg0, %c0_i32 : i32, i32
  }
}

module attributes {stable_mosaic.version = 14 : i64} {
  func.func @_mid_body(%arg0: i32, %arg1: memref<2x2000x128xf32, #tpu.memory_space<vmem>>, %arg2: memref<2x2000x1xf32, #tpu.memory_space<vmem>>, %arg3: memref<2000x128xf32, #tpu.memory_space<vmem>>, %arg4: memref<128xf32, #tpu.memory_space<vmem>>, %arg5: memref<128x128xf32, #tpu.memory_space<vmem>>, %arg6: memref<128x128xf32, #tpu.memory_space<vmem>>, %arg7: memref<2000x128xf32, #tpu.memory_space<vmem>>, %arg8: memref<2000x128xf32, #tpu.memory_space<vmem>>) attributes {dimension_semantics = [#tpu.dimension_semantics<arbitrary>], iteration_bounds = array<i64: 5>, scalar_prefetch = 0 : i64, scratch_operands = 0 : i64, tpu.core_type = #tpu.core_type<tc>, window_params = [{transform_indices = @transform_0, window_bounds = array<i64: 2, 2000, 128>}, {transform_indices = @transform_1, window_bounds = array<i64: 2, 2000, 1>}, {transform_indices = @transform_2, window_bounds = array<i64: 2000, 128>}, {pipeline_mode = #tpu.pipeline_mode<synchronous>, transform_indices = @transform_3, window_bounds = array<i64: 128>}, {pipeline_mode = #tpu.pipeline_mode<synchronous>, transform_indices = @transform_4, window_bounds = array<i64: 128, 128>}, {pipeline_mode = #tpu.pipeline_mode<synchronous>, transform_indices = @transform_5, window_bounds = array<i64: 128, 128>}, {transform_indices = @transform_6, window_bounds = array<i64: 2000, 128>}, {transform_indices = @transform_7, window_bounds = array<i64: 2000, 128>}]} {
    %get3A = arith.constant 0 : index
    %get3A_0 = arith.constant 0 : index
    %get3A_1 = arith.constant 0 : index
    %get3A_2 = vector.load %arg1[%get3A, %get3A_0, %get3A_1] : memref<2x2000x128xf32, #tpu.memory_space<vmem>>, vector<1x2000x128xf32>
    %get3A_3 = vector.shape_cast %get3A_2 : vector<1x2000x128xf32> to vector<2000x128xf32>
    %get3A_4 = arith.constant 1 : index
    %get3A_5 = arith.constant 0 : index
    %get3A_6 = arith.constant 0 : index
    %get3A_7 = vector.load %arg1[%get3A_4, %get3A_5, %get3A_6] : memref<2x2000x128xf32, #tpu.memory_space<vmem>>, vector<1x2000x128xf32>
    %get3A_8 = vector.shape_cast %get3A_7 : vector<1x2000x128xf32> to vector<2000x128xf32>
    %add3A = arith.addf %get3A_3, %get3A_8 : vector<2000x128xf32>
    %get3A_9 = arith.constant 0 : index
    %get3A_10 = arith.constant 0 : index
    %get3A_11 = arith.constant 0 : index
    %get3A_12 = vector.load %arg2[%get3A_9, %get3A_10, %get3A_11] : memref<2x2000x1xf32, #tpu.memory_space<vmem>>, vector<1x2000x1xf32>
    %get3A_13 = vector.shape_cast %get3A_12 : vector<1x2000x1xf32> to vector<2000xf32>
    %get3A_14 = arith.constant 1 : index
    %get3A_15 = arith.constant 0 : index
    %get3A_16 = arith.constant 0 : index
    %get3A_17 = vector.load %arg2[%get3A_14, %get3A_15, %get3A_16] : memref<2x2000x1xf32, #tpu.memory_space<vmem>>, vector<1x2000x1xf32>
    %get3A_18 = vector.shape_cast %get3A_17 : vector<1x2000x1xf32> to vector<2000xf32>
    %add3A_19 = arith.addf %get3A_13, %get3A_18 : vector<2000xf32>
    %max3A = arith.constant 1.000000e+00 : f32
    %max3A_20 = vector.broadcast %max3A : f32 to vector<2000xf32>
    %max3A_21 = arith.maximumf %add3A_19, %max3A_20 : vector<2000xf32>
    %div3A = arith.constant 1.000000e+00 : f32
    %div3A_22 = vector.broadcast %div3A : f32 to vector<2000xf32>
    %div3A_23 = arith.divf %div3A_22, %max3A_21 : vector<2000xf32>
    %broadcast_in_dim3A = vector.shape_cast %div3A_23 : vector<2000xf32> to vector<2000x1xf32>
    %mul3A = vector.broadcast %broadcast_in_dim3A : vector<2000x1xf32> to vector<2000x128xf32>
    %mul3A_24 = arith.mulf %add3A, %mul3A : vector<2000x128xf32>
    %get3A_25 = arith.constant 0 : index
    %get3A_26 = vector.load %arg4[%get3A_25] : memref<128xf32, #tpu.memory_space<vmem>>, vector<128xf32>
    %broadcast_in_dim3A_27 = vector.shape_cast %get3A_26 : vector<128xf32> to vector<1x128xf32>
    %add3A_28 = vector.broadcast %broadcast_in_dim3A_27 : vector<1x128xf32> to vector<2000x128xf32>
    %add3A_29 = arith.addf %mul3A_24, %add3A_28 : vector<2000x128xf32>
    %get3A_30 = arith.constant 0 : index
    %get3A_31 = arith.constant 0 : index
    %get3A_32 = vector.load %arg3[%get3A_30, %get3A_31] : memref<2000x128xf32, #tpu.memory_space<vmem>>, vector<2000x128xf32>
    %add3A_33 = arith.addf %add3A_29, %get3A_32 : vector<2000x128xf32>
    %max3A_34 = arith.constant 0.000000e+00 : f32
    %max3A_35 = vector.broadcast %max3A_34 : f32 to vector<2000x128xf32>
    %max3A_36 = arith.maximumf %add3A_33, %max3A_35 : vector<2000x128xf32>
    %get3A_37 = arith.constant 0 : index
    %get3A_38 = arith.constant 0 : index
    %get3A_39 = vector.load %arg5[%get3A_37, %get3A_38] : memref<128x128xf32, #tpu.memory_space<vmem>>, vector<128x128xf32>
    %dot_general3A = arith.constant dense<0.000000e+00> : vector<2000x128xf32>
    %dot_general3A_40 = tpu.matmul %max3A_36, %get3A_39, %dot_general3A {dimension_numbers = #tpu.dot_dimension_numbers<[1], [1], [0], [0], [0, 0, 1, 0], [], []>, transpose_lhs_hint = false} : vector<2000x128xf32>, vector<128x128xf32>, vector<2000x128xf32> -> vector<2000x128xf32>
    %swap3A = arith.constant 0 : index
    %swap3A_41 = arith.constant 0 : index
    %swap3A_42 = vector.load %arg7[%swap3A, %swap3A_41] : memref<2000x128xf32, #tpu.memory_space<vmem>>, vector<2000x128xf32>
    tpu.vector_store %arg7[%swap3A, %swap3A_41], %dot_general3A_40 {strides = array<i32>} : memref<2000x128xf32, #tpu.memory_space<vmem>>, vector<2000x128xf32>,
    %get3A_43 = arith.constant 0 : index
    %get3A_44 = arith.constant 0 : index
    %get3A_45 = vector.load %arg6[%get3A_43, %get3A_44] : memref<128x128xf32, #tpu.memory_space<vmem>>, vector<128x128xf32>
    %dot_general3A_46 = arith.constant dense<0.000000e+00> : vector<2000x128xf32>
    %dot_general3A_47 = tpu.matmul %max3A_36, %get3A_45, %dot_general3A_46 {dimension_numbers = #tpu.dot_dimension_numbers<[1], [1], [0], [0], [0, 0, 1, 0], [], []>, transpose_lhs_hint = false} : vector<2000x128xf32>, vector<128x128xf32>, vector<2000x128xf32> -> vector<2000x128xf32>
    %swap3A_48 = arith.constant 0 : index
    %swap3A_49 = arith.constant 0 : index
    %swap3A_50 = vector.load %arg8[%swap3A_48, %swap3A_49] : memref<2000x128xf32, #tpu.memory_space<vmem>>, vector<2000x128xf32>
    tpu.vector_store %arg8[%swap3A_48, %swap3A_49], %dot_general3A_47 {strides = array<i32>} : memref<2000x128xf32, #tpu.memory_space<vmem>>, vector<2000x128xf32>,
    return
  }
  func.func @transform_0(%arg0: i32) -> (i32, i32, i32) {
    %c0_i32 = arith.constant 0 : i32
    %c0_i32_0 = arith.constant 0 : i32
    %c0_i32_1 = arith.constant 0 : i32
    return %c0_i32, %arg0, %c0_i32_0 : i32, i32, i32
  }
  func.func @transform_1(%arg0: i32) -> (i32, i32, i32) {
    %c0_i32 = arith.constant 0 : i32
    %c0_i32_0 = arith.constant 0 : i32
    %c0_i32_1 = arith.constant 0 : i32
    return %c0_i32, %arg0, %c0_i32_0 : i32, i32, i32
  }
  func.func @transform_2(%arg0: i32) -> (i32, i32) {
    %c0_i32 = arith.constant 0 : i32
    %c0_i32_0 = arith.constant 0 : i32
    return %arg0, %c0_i32 : i32, i32
  }
  func.func @transform_3(%arg0: i32) -> i32 {
    %c0_i32 = arith.constant 0 : i32
    %c0_i32_0 = arith.constant 0 : i32
    return %c0_i32 : i32
  }
  func.func @transform_4(%arg0: i32) -> (i32, i32) {
    %c0_i32 = arith.constant 0 : i32
    %c0_i32_0 = arith.constant 0 : i32
    %c0_i32_1 = arith.constant 0 : i32
    return %c0_i32, %c0_i32_0 : i32, i32
  }
  func.func @transform_5(%arg0: i32) -> (i32, i32) {
    %c0_i32 = arith.constant 0 : i32
    %c0_i32_0 = arith.constant 0 : i32
    %c0_i32_1 = arith.constant 0 : i32
    return %c0_i32, %c0_i32_0 : i32, i32
  }
  func.func @transform_6(%arg0: i32) -> (i32, i32) {
    %c0_i32 = arith.constant 0 : i32
    %c0_i32_0 = arith.constant 0 : i32
    return %arg0, %c0_i32 : i32, i32
  }
  func.func @transform_7(%arg0: i32) -> (i32, i32) {
    %c0_i32 = arith.constant 0 : i32
    %c0_i32_0 = arith.constant 0 : i32
    return %arg0, %c0_i32 : i32, i32
  }
}

module attributes {stable_mosaic.version = 14 : i64} {
  func.func @_fin_body(%arg0: i32, %arg1: memref<2x2000x128xf32, #tpu.memory_space<vmem>>, %arg2: memref<2x2000x1xf32, #tpu.memory_space<vmem>>, %arg3: memref<2000x128xf32, #tpu.memory_space<vmem>>, %arg4: memref<128xf32, #tpu.memory_space<vmem>>, %arg5: memref<2000x128xf32, #tpu.memory_space<vmem>>) attributes {dimension_semantics = [#tpu.dimension_semantics<arbitrary>], iteration_bounds = array<i64: 5>, scalar_prefetch = 0 : i64, scratch_operands = 0 : i64, tpu.core_type = #tpu.core_type<tc>, window_params = [{transform_indices = @transform_0, window_bounds = array<i64: 2, 2000, 128>}, {transform_indices = @transform_1, window_bounds = array<i64: 2, 2000, 1>}, {transform_indices = @transform_2, window_bounds = array<i64: 2000, 128>}, {pipeline_mode = #tpu.pipeline_mode<synchronous>, transform_indices = @transform_3, window_bounds = array<i64: 128>}, {transform_indices = @transform_4, window_bounds = array<i64: 2000, 128>}]} {
    %get3A = arith.constant 0 : index
    %get3A_0 = arith.constant 0 : index
    %get3A_1 = arith.constant 0 : index
    %get3A_2 = vector.load %arg1[%get3A, %get3A_0, %get3A_1] : memref<2x2000x128xf32, #tpu.memory_space<vmem>>, vector<1x2000x128xf32>
    %get3A_3 = vector.shape_cast %get3A_2 : vector<1x2000x128xf32> to vector<2000x128xf32>
    %get3A_4 = arith.constant 1 : index
    %get3A_5 = arith.constant 0 : index
    %get3A_6 = arith.constant 0 : index
    %get3A_7 = vector.load %arg1[%get3A_4, %get3A_5, %get3A_6] : memref<2x2000x128xf32, #tpu.memory_space<vmem>>, vector<1x2000x128xf32>
    %get3A_8 = vector.shape_cast %get3A_7 : vector<1x2000x128xf32> to vector<2000x128xf32>
    %add3A = arith.addf %get3A_3, %get3A_8 : vector<2000x128xf32>
    %get3A_9 = arith.constant 0 : index
    %get3A_10 = arith.constant 0 : index
    %get3A_11 = arith.constant 0 : index
    %get3A_12 = vector.load %arg2[%get3A_9, %get3A_10, %get3A_11] : memref<2x2000x1xf32, #tpu.memory_space<vmem>>, vector<1x2000x1xf32>
    %get3A_13 = vector.shape_cast %get3A_12 : vector<1x2000x1xf32> to vector<2000xf32>
    %get3A_14 = arith.constant 1 : index
    %get3A_15 = arith.constant 0 : index
    %get3A_16 = arith.constant 0 : index
    %get3A_17 = vector.load %arg2[%get3A_14, %get3A_15, %get3A_16] : memref<2x2000x1xf32, #tpu.memory_space<vmem>>, vector<1x2000x1xf32>
    %get3A_18 = vector.shape_cast %get3A_17 : vector<1x2000x1xf32> to vector<2000xf32>
    %add3A_19 = arith.addf %get3A_13, %get3A_18 : vector<2000xf32>
    %max3A = arith.constant 1.000000e+00 : f32
    %max3A_20 = vector.broadcast %max3A : f32 to vector<2000xf32>
    %max3A_21 = arith.maximumf %add3A_19, %max3A_20 : vector<2000xf32>
    %div3A = arith.constant 1.000000e+00 : f32
    %div3A_22 = vector.broadcast %div3A : f32 to vector<2000xf32>
    %div3A_23 = arith.divf %div3A_22, %max3A_21 : vector<2000xf32>
    %broadcast_in_dim3A = vector.shape_cast %div3A_23 : vector<2000xf32> to vector<2000x1xf32>
    %mul3A = vector.broadcast %broadcast_in_dim3A : vector<2000x1xf32> to vector<2000x128xf32>
    %mul3A_24 = arith.mulf %add3A, %mul3A : vector<2000x128xf32>
    %get3A_25 = arith.constant 0 : index
    %get3A_26 = vector.load %arg4[%get3A_25] : memref<128xf32, #tpu.memory_space<vmem>>, vector<128xf32>
    %broadcast_in_dim3A_27 = vector.shape_cast %get3A_26 : vector<128xf32> to vector<1x128xf32>
    %add3A_28 = vector.broadcast %broadcast_in_dim3A_27 : vector<1x128xf32> to vector<2000x128xf32>
    %add3A_29 = arith.addf %mul3A_24, %add3A_28 : vector<2000x128xf32>
    %get3A_30 = arith.constant 0 : index
    %get3A_31 = arith.constant 0 : index
    %get3A_32 = vector.load %arg3[%get3A_30, %get3A_31] : memref<2000x128xf32, #tpu.memory_space<vmem>>, vector<2000x128xf32>
    %add3A_33 = arith.addf %add3A_29, %get3A_32 : vector<2000x128xf32>
    %swap3A = arith.constant 0 : index
    %swap3A_34 = arith.constant 0 : index
    %swap3A_35 = vector.load %arg5[%swap3A, %swap3A_34] : memref<2000x128xf32, #tpu.memory_space<vmem>>, vector<2000x128xf32>
    tpu.vector_store %arg5[%swap3A, %swap3A_34], %add3A_33 {strides = array<i32>} : memref<2000x128xf32, #tpu.memory_space<vmem>>, vector<2000x128xf32>,
    return
  }
  func.func @transform_0(%arg0: i32) -> (i32, i32, i32) {
    %c0_i32 = arith.constant 0 : i32
    %c0_i32_0 = arith.constant 0 : i32
    %c0_i32_1 = arith.constant 0 : i32
    return %c0_i32, %arg0, %c0_i32_0 : i32, i32, i32
  }
  func.func @transform_1(%arg0: i32) -> (i32, i32, i32) {
    %c0_i32 = arith.constant 0 : i32
    %c0_i32_0 = arith.constant 0 : i32
    %c0_i32_1 = arith.constant 0 : i32
    return %c0_i32, %arg0, %c0_i32_0 : i32, i32, i32
  }
  func.func @transform_2(%arg0: i32) -> (i32, i32) {
    %c0_i32 = arith.constant 0 : i32
    %c0_i32_0 = arith.constant 0 : i32
    return %arg0, %c0_i32 : i32, i32
  }
  func.func @transform_3(%arg0: i32) -> i32 {
    %c0_i32 = arith.constant 0 : i32
    %c0_i32_0 = arith.constant 0 : i32
    return %c0_i32 : i32
  }
  func.func @transform_4(%arg0: i32) -> (i32, i32) {
    %c0_i32 = arith.constant 0 : i32
    %c0_i32_0 = arith.constant 0 : i32
    return %arg0, %c0_i32 : i32, i32
  }
}

</mosaic_0001>

<sc_bundles>
// kernel: kernel.10.cloned.1.call-start
scs
__scs_entry_jumppad:
0x0: {  	(pc) =	sbr.rel $0x88, $3  }
0x1: {  	(tag) =	ssettag $0x0;
	lr =	simm.s32 $0x1  }
0x2: {  	[smem:$0x3F99] =	sst lr;
	_ =	strace $0xD0000000  }
0x3: {  	_ = 	snop  }
0x4: {  	_ = 	snop  }
0x5: {  	_ = 	snop  }
0x6: {  	_ = 	snop  }
0x7: {  	_ = 	snop  }
__scs_overlays_trampoline_lowered:
0x8: {  	[smem:$0x3FA8] =	sst s0  }
0x9: {  	[smem:$0x3FA9] =	sst s1  }
0xa: {  	[smem:$0x3FAA] =	sst s2  }
0xb: {  	[smem:$0x3FAB] =	sst s3  }
0xc: {  	[smem:$0x3FAC] =	sst s4  }
0xd: {  	[smem:$0x3FAD] =	sst s5  }
0xe: {  	[smem:$0x3FAE] =	sst s6  }
0xf: {  	[smem:$0x3FAF] =	sst s7  }
0x10: {  	[smem:$0x3FB0] =	sst s8  }
0x11: {  	[smem:$0x3FB1] =	sst s9;
	s0 =	simm.s32 @!p0 $0x0  }
0x12: {  	s1 =	sld [smem:$0x3F97];
	s0 =	simm.s32 @p0 $0x1  }
0x13: {  	[smem:$0x3FB2] =	sst s0;
	s0 =	simm.s32 @!p1 $0x0  }
0x14: {  	s2 =	sld [smem:$0x3F96];
	s0 =	simm.s32 @p1 $0x1  }
0x15: {  	[smem:$0x3FB3] =	sst s0;
	s0 =	simm.s32 @!p2 $0x0  }
0x16: {  	s3 =	sld [smem:$0x3FDB];
	s0 =	simm.s32 @p2 $0x1  }
0x17: {  	s4 =	simm.s32 $0x1BF5;
	[smem:$0x3FB5] =	sst s0  }
0x18: {  	s0 =	sld [smem:$0x3F98];
	_ =	swait.ge [sflag:s4], $0x0  }
0x19: {  	s7 =	sld [smem:$0x3F99]  }
0x1a: {  	s8 =	sadd.s32 $0xFFFFE003, lr  }
0x1b: {  	s9 =	sadd.s32 $0xFFFFFEF7, lr;
	s5 =	simm.s32 $0xFFFFFFFF;
	p2 =	slt.u32 s8, $0xFFFFF086  }
0x1c: {  	p1 =	slt.u32 s9, $0xF7A;
	s5 =	simm.s32 @!p2 $0x0  }
0x1d: {  	s5 =	simm.s32 @p1 $0x1;
	p0 =	seq.s32 s7, s2  }
0x1e: {  	s7 =	smul.u32 @!p0 $0xF7A, s2;
	p2 =	seq.s32 @!p0 s5, $0x0  }
0x1f: {  	s9 =	smul.u32 $0xF7A, s1;
	s8 =	simm.s32 @!p0 $0x1BF5;
	p2 =	por !p2, p0  }
0x20: {  	[sflag:s8] =	ssyncset.s32 @!p0 $0xFFFFF086;
	s6 =	sadd.s32 @!p0 s3, s7;
	s7 =	simm.s32 @!p0 $0x108  }
0x21: {  	s3 =	sadd.s32 s3, s9;
	s6 =	sadd.s32 @!p0 $0x88, s6;
	s7 =	simm.s32 @p2 $0x1082  }
0x22: {  	[simem:s7], [sflag:s8] =	dma.local @!p0 [hbm:s6], $0xF7A  }
0x23: {  	s9 =	sor.u32 $0xD0000000, s2;
	s6 =	simm.s32 $0x108;
	_ =	swait.ge @!p0 [sflag:s8], $0x0  }
0x24: {  	s3 =	sadd.s32 $0x88, s3;
	s6 =	simm.s32 @!p1 $0x1082;
	[sflag:s4] =	ssyncset.s32 $0xFFFFF086  }
0x25: {  	[simem:s6], [sflag:s4] =	dma.local [hbm:s3], $0xF7A  }
0x26: {  	[smem:$0x3F99] =	sst s1;
	(tag) =	ssettag s2;
	_ =	strace s9  }
0x27: {  	s1 =	sld [smem:$0x3FA9]  }
0x28: {  	s2 =	sld [smem:$0x3FAA]  }
0x29: {  	s4 =	sld [smem:$0x3FAC]  }
0x2a: {  	p0 =	seq.s32 s5, $0x0;
	s5 =	sld [smem:$0x3FAD]  }
0x2b: {  	s6 =	sld [smem:$0x3FAE]  }
0x2c: {  	s7 =	sld [smem:$0x3FAF]  }
0x2d: {  	s3 =	simm.s32 $0x108;
	s8 =	sld [smem:$0x3FB0]  }
0x2e: {  	s3 =	simm.s32 @!p0 $0x1082;
	s9 =	sld [smem:$0x3FB1]  }
0x2f: {  	lr =	sadd.s32 s0, s3;
	s0 =	sld [smem:$0x3FA8]  }
0x30: {  	s3 =	sld [smem:$0x3FAB]  }
0x31: {  	[smem:$0x3FB4] =	sst s10  }
0x32: {  	s10 =	sld [smem:$0x3FB2];
	_ =	sdelay $0x3  }
0x33: {  	p0 =	seq.s32 s10, $0x1;
	s10 =	sld [smem:$0x3FB4];
	_ =	sdelay $0x3  }
0x34: {  	[smem:$0x3FB4] =	sst s10  }
0x35: {  	s10 =	sld [smem:$0x3FB3];
	_ =	sdelay $0x3  }
0x36: {  	p1 =	seq.s32 s10, $0x1;
	s10 =	sld [smem:$0x3FB4];
	_ =	sdelay $0x3  }
0x37: {  	[smem:$0x3FB4] =	sst s10  }
0x38: {  	s10 =	sld [smem:$0x3FB5]  }
0x39: {  	_ = 	snop;
	(pc) =	sbr.ind lr, $3  }
0x3a: {  	_ = 	snop  }
0x3b: {  	_ = 	snop  }
0x3c: {  	p2 =	seq.s32 s10, $0x1;
	s10 =	sld [smem:$0x3FB4]  }
0x3d: {  	_ =	shalt  }
0x3e: {  	_ =	shalt  }
0x3f: {  	_ =	shalt  }
0x40: {  	_ =	shalt  }
0x41: {  	_ =	shalt  }
0x42: {  	_ =	shalt  }
0x43: {  	_ =	shalt  }
0x44: {  	_ =	shalt  }
0x45: {  	_ =	shalt  }
0x46: {  	_ =	shalt  }
0x47: {  	_ =	shalt  }
0x48: {  	_ =	shalt  }
0x49: {  	_ =	shalt  }
0x4a: {  	_ =	shalt  }
0x4b: {  	_ =	shalt  }
0x4c: {  	_ =	shalt  }
0x4d: {  	_ =	shalt  }
0x4e: {  	_ =	shalt  }
0x4f: {  	_ =	shalt  }
0x50: {  	_ =	shalt  }
0x51: {  	_ =	shalt  }
0x52: {  	_ =	shalt  }
0x53: {  	_ =	shalt  }
0x54: {  	_ =	shalt  }
0x55: {  	_ =	shalt  }
0x56: {  	_ =	shalt  }
0x57: {  	_ =	shalt  }
0x58: {  	_ =	shalt  }
0x59: {  	_ =	shalt  }
0x5a: {  	_ =	shalt  }
0x5b: {  	_ =	shalt  }
0x5c: {  	_ =	shalt  }
0x5d: {  	_ =	shalt  }
0x5e: {  	_ =	shalt  }
0x5f: {  	_ =	shalt  }
0x60: {  	_ =	shalt  }
0x61: {  	_ =	shalt  }
0x62: {  	_ =	shalt  }
0x63: {  	_ =	shalt  }
0x64: {  	_ =	shalt  }
0x65: {  	_ =	shalt  }
0x66: {  	_ =	shalt  }
0x67: {  	_ =	shalt  }
0x68: {  	_ =	shalt  }
0x69: {  	_ =	shalt  }
0x6a: {  	_ =	shalt  }
0x6b: {  	_ =	shalt  }
0x6c: {  	_ =	shalt  }
0x6d: {  	_ =	shalt  }
0x6e: {  	_ =	shalt  }
0x6f: {  	_ =	shalt  }
0x70: {  	_ =	shalt  }
0x71: {  	_ =	shalt  }
0x72: {  	_ =	shalt  }
0x73: {  	_ =	shalt  }
0x74: {  	_ =	shalt  }
0x75: {  	_ =	shalt  }
0x76: {  	_ =	shalt  }
0x77: {  	_ =	shalt  }
0x78: {  	_ =	shalt  }
0x79: {  	_ =	shalt  }
0x7a: {  	_ =	shalt  }
0x7b: {  	_ =	shalt  }
0x7c: {  	_ =	shalt  }
0x7d: {  	_ =	shalt  }
0x7e: {  	_ =	shalt  }
0x7f: {  	_ =	shalt  }
0x80: {  	_ =	shalt  }
0x81: {  	_ =	shalt  }
0x82: {  	_ =	shalt  }
0x83: {  	_ =	shalt  }
0x84: {  	_ =	shalt  }
0x85: {  	_ =	shalt  }
0x86: {  	_ =	shalt  }
0x87: {  	_ =	shalt  }
.Lfunc_end0:
.L_simem_size_0:
called_computation.1_lowered:
.L_overlay_start_0:
0x88: {  	s2 =	sld [smem:$0x3FD9]  }
0x89: {  	s3 =	sld [smem:$0x3FFE];
	_ =	sdelay $0x1  }
0x8a: {  	s1 =	srdreg.scid  }
0x8b: {  	s0 =	sand.u32 $0x1, s1  }
0x8c: {  	s17 =	sshll.u32 s0, $0xA;
	s2 =	sadd.s32 s3, s2  }
0x8d: {  	s2 =	sadd.s32 s2, s17  }
0x8e: {  	[smem:$0x3FC0] =	sst s2  }
0x8f: {  	_ = 	snop  }
0x90: {  	s2 =	sld [smem:$0x3FD0];
	(tm) =	ssettm $0x1  }
0x91: {  	s18 =	sld [smem:$0x3FFB];
	_ =	sdelay $0x3  }
0x92: {  	_ =	strace s18  }
0x93: {  	s3 =	sld [smem:$0x3FFC];
	_ =	sdelay $0x3  }
0x94: {  	_ =	strace s3  }
0x95: {  	s3 =	sld [smem:$0x3FFD];
	_ =	sdelay $0x3  }
0x96: {  	_ =	strace s3  }
0x97: {  	_ =	strace $0x8FFFFFFF  }
0x98: {  	s19 =	sld [smem:$0x3FDB];
	_ =	sdelay $0x1  }
0x99: {  	s4 =	simm.s32 $_scs_section_size  }
0x9a: {  	s5 =	simm.s32 $_size__tile_overlayer_lowered;
	s6 =	simm.s32 $_tile_overlayer_lowered  }
0x9b: {  	s22 =	simm.s32 $0x1BFF;
	s21 =	sshll.u32 s6, $0x1;
	s3 =	sadd.s32 s4, s19  }
0x9c: {  	s7 =	simm.s32 $0x0;
	s20 =	sshll.u32 s5, $0x1;
	s5 =	sadd.s32 s21, s3  }
0x9d: {  	[timem:s7], [sflag:s22] =	dma.local [hbm:s5], s20  }
0x9e: {  	_ =	swait.ge [sflag:s22], s20  }
0x9f: {  	s4 =	ssub.s32 $0x0, s20;
	[sflag:s22] =	ssyncset.done $0x0  }
0xa0: {  	[sflag:s22] =	ssyncadd.s32 s4;
	_ =	sdelay $0x1  }
0xa1: {  	s23 =	simm.s32 $0x1B8B  }
0xa2: {  	_ =	swait.ge [sflag:s23], $0x1  }
0xa3: {  	[sflag:s23] =	ssyncset.done $0x0  }
0xa4: {  	s25 =	simm.s32 $0x1B8E;
	s24 =	sld [smem:$0x3FFE];
	[sflag:s23] =	ssyncadd.s32 $0xFFFFFFFF  }
0xa5: {  	s26 =	simm.s32 $execute0_lowered;
	[smem:$0x3FD2] =	sst s25  }
0xa6: {  	s5 =	sshll.u32 s26, $0x1;
	_ =	strace $0x80000049;
	[dreg:$0x1] =	wrdreg $0xFFFFFFFF  }
0xa7: {  	s28 =	simm.s32 $_size_execute0_lowered;
	s3 =	sadd.s32 s3, s5;
	[dreg:$0x0] =	wrdreg $0x0  }
0xa8: {  	s5 =	sshll.u32 s28, $0x1;
	[dreg:$0x2] =	wrdreg s3  }
0xa9: {  	[dreg:$0x3] =	wrdreg s5  }
0xaa: {  	[dreg:$0x4] =	wrdreg $0xC0  }
0xab: {  	_ =	task [dreg:s7], $0x5FFFF  }
0xac: {  	[dreg:$0x1] =	wrdreg $0xFFFFFFFF  }
0xad: {  	[dreg:$0x0] =	wrdreg $0x60  }
0xae: {  	[dreg:$0x2] =	wrdreg s2  }
0xaf: {  	[dreg:$0x3] =	wrdreg s24  }
0xb0: {  	[dreg:$0x4] =	wrdreg $0x90800  }
0xb1: {  	[dreg:$0x5] =	wrdreg $0x1D0800  }
0xb2: {  	[dreg:$0x6] =	wrdreg $0x9  }
0xb3: {  	_ =	task.clear_ibuf [dreg:s7], $0x7FFFF;
	_ =	strace $0x90000049  }
0xb4: {  	s29 =	simm.s32 $0x9;
	_ =	strace $0x8000004B  }
0xb5: {  	_ =	swait.ge [sflag:s29], $0x1  }
0xb6: {  	[sflag:s29] =	ssyncadd.s32 $0xFFFFFFFF  }
0xb7: {  	_ =	strace $0x9000004B  }
0xb8: {  	_ =	sfence  }
0xb9: {  	s30 =	sld [smem:$0x0];
	_ =	sdelay $0x2  }
0xba: {  	s31 =	sshll.u32 s1, $0xD;
	s1 =	sshrl.u32 s1, $0x2  }
0xbb: {  	s3 =	sand.u32 $0x4000, s31;
	s1 =	sadd.s32 s1, s30  }
0xbc: {  	s0 =	sor.u32 s3, s0;
	s1 =	sshll.u32 s1, $0x11  }
0xbd: {  	s0 =	sor.u32 s1, s0  }
0xbe: {  	s0 =	sadd.s32 $0x8F2B, s0  }
0xbf: {  	[sflag:s0] =	ssyncadd.remote.s32 $0x1  }
0xc0: {  	_ =	sfence.sel $0xFFFF  }
0xc1: {  	[dreg:$0x0] =	wrdreg $0xFFFFFFFF;
	(pc) =	sbr.abs _section_cstart, $3  }
0xc2: {  	[dreg:$0x1] =	wrdreg $0xFFFFFFFF  }
0xc3: {  	_ =	task.clear_ibuf [dreg:s7], $0x2FFFF;
	_ =	strace $0x9FFFFFFF  }
0xc4: {  	(tm) =	ssettm $0x7FFFFFFF  }
0xc5: {  	_ =	shalt  }
tec
execute0_lowered:
.L_overlay_start_1:
0x0: {  	(tag) =	ssettag $0x1  }
0x1: {  	s1 =	rddreg [dreg:$0x0]  }
0x2: {  	s0 =	rddreg [dreg:$0x1]  }
0x3: {  	s2 =	srdreg.scid;
	s3 =	rddreg [dreg:$0x2]  }
0x4: {  	s10 =	stileid.u32;
	s4 =	rddreg [dreg:$0x3]  }
0x5: {  	s5 =	simm.s32 $0x0;
	s13 =	simm.s32 $0x100;
	s6 =	smul.u32 $0x5000, s10  }
0x6: {  	s15 =	simm.s32 $0x180;
	s16 =	simm.s32 $0x200;
	s19 =	smul.u32 $0x14000, s10  }
0x7: {  	s17 =	simm.s32 $0x280;
	s18 =	simm.s32 $0x300;
	s9 =	smul.u32 $0x500, s10  }
0x8: {  	s2 =	sand.u32 $0x1, s2;
	[smem:$0x7FF] =	sst s5;
	s21 =	smul.u32 $0x280, s10  }
0x9: {  	s10 =	smul.u32 $0x50000, s10;
	_ =	strace $0x8000004A;
	[dreg:$0x7] =	wrdreg s13  }
0xa: {  	s29 =	simm.s32 $0x3;
	s7 =	smul.u32 $0x2800, s2;
	[dreg:$0x8] =	wrdreg s15  }
0xb: {  	s30 =	simm.s32 $0x5;
	s8 =	smul.u32 $0x140000, s2;
	[dreg:$0x9] =	wrdreg s16  }
0xc: {  	s20 =	sshll.u32 s2, $0x7;
	s2 =	ssub.s32 $0x2, s2;
	[dreg:$0xa] =	wrdreg s17  }
0xd: {  	[dreg:$0xb] =	wrdreg s18;
	s13 =	simm.s32 $0xB00;
	s15 =	simm.s32 $0xC00  }
0xe: {  	s16 =	simm.s32 $0xC80;
	s17 =	simm.s32 $0xD00;
	s18 =	simm.s32 $0xD80  }
0xf: {  	s22 =	sshrl.u32 s2, $0x1;
	s23 =	sshrl.u32 s10, $0x2;
	s24 =	sadd.s32 $0x80, s21  }
0x10: {  	s11 =	sadd.s32 $0x100, s21;
	s12 =	sadd.s32 s21, s4;
	s28 =	sadd.s32 $0x180, s21  }
0x11: {  	s14 =	sadd.s32 $0x200, s21;
	s21 =	simm.s32 $0x480;
	s6 =	sadd.s32 s7, s6  }
0x12: {  	s7 =	sadd.s32 s19, s8;
	s8 =	sor.u32 s20, s9;
	s2 =	ssub.s32 s2, s22  }
0x13: {  	s31 =	sadd.s32 s23, s3;
	s25 =	sshll.u32 s24, $0x7;
	[dreg:$0x16] =	wrdreg s12  }
0x14: {  	s26 =	sshll.u32 s11, $0x7;
	s10 =	sadd.s32 s24, s4;
	[dreg:$0xe] =	wrdreg s21  }
0x15: {  	s5 =	sadd.s32 s11, s4;
	s11 =	sshll.u32 s28, $0x7;
	[dreg:$0x18] =	wrdreg s10  }
0x16: {  	s9 =	sshll.u32 s14, $0x7;
	s19 =	simm.s32 $0x380;
	[dreg:$0x1a] =	wrdreg s5  }
0x17: {  	s20 =	simm.s32 $0x400;
	s22 =	simm.s32 $0x500;
	[dreg:$0xc] =	wrdreg s19  }
0x18: {  	s23 =	simm.s32 $0x580;
	s24 =	simm.s32 $0x600;
	[dreg:$0xd] =	wrdreg s20  }
0x19: {  	s21 =	simm.s32 $0x0;
	s6 =	sshrl.u32 s6, $0x3;
	[dreg:$0xf] =	wrdreg s22  }
0x1a: {  	s7 =	sshrl.u32 s7, $0x3;
	s8 =	sshrl.u32 s8, $0x3;
	[dreg:$0x10] =	wrdreg s23  }
0x1b: {  	s10 =	sadd.s32 s11, s3;
	s9 =	sadd.s32 s9, s3;
	[dreg:$0x11] =	wrdreg s24  }
0x1c: {  	s2 =	smax.u32 s2, $0x1;
	s19 =	simm.s32 $0x1000;
	[dreg:$0x15] =	wrdreg s31  }
0x1d: {  	s20 =	simm.s32 $0x6;
	s22 =	simm.s32 $0x80;
	[dreg:$0x1b] =	wrdreg s10  }
0x1e: {  	s6 =	sadd.s32 s6, s0;
	s7 =	sadd.s32 s7, s0;
	[dreg:$0x1d] =	wrdreg s9  }
0x1f: {  	s0 =	sadd.s32 s8, s0;
	s8 =	sadd.s32 s25, s3;
	[smem:$0x7FD] =	sst s2  }
0x20: {  	s23 =	simm.s32 $0x1;
	s25 =	simm.s32 $0x680;
	[dreg:$0x17] =	wrdreg s8  }
0x21: {  	s24 =	simm.s32 $0x9000;
	s8 =	sadd.s32 s26, s3;
	[dreg:$0x12] =	wrdreg s25  }
0x22: {  	s5 =	simm.s32 $0x0;
	s12 =	sadd.s32 $0x2000, s6;
	[dreg:$0x19] =	wrdreg s8  }
0x23: {  	s11 =	simm.s32 $0xA00;
	s6 =	sadd.s32 $0xC000, s6;
	[dreg:$0x5] =	wrdreg s12  }
0x24: {  	s2 =	simm.s32 $0x4;
	s7 =	sadd.s32 $0x16A00, s7;
	[dreg:$0x6] =	wrdreg s6  }
0x25: {  	s9 =	simm.s32 $0x900;
	s0 =	sadd.s32 $0x16000, s0;
	[dreg:$0x1f] =	wrdreg s7  }
0x26: {  	s10 =	simm.s32 $0x980;
	s26 =	simm.s32 $0x700;
	[smem:$0x7FC] =	sst s0  }
0x27: {  	s25 =	simm.s32 $0x5000;
	s8 =	sadd.s32 s28, s4;
	[dreg:$0x13] =	wrdreg s26  }
0x28: {  	s28 =	simm.s32 $0x780;
	s26 =	simm.s32 $0x2;
	[dreg:$0x1c] =	wrdreg s8  }
0x29: {  	s12 =	simm.s32 $0xA80;
	s8 =	sadd.s32 s14, s4;
	[dreg:$0x14] =	wrdreg s28  }
0x2a: {  	v0 =	vimm.f32 $0.0e+00;
	v1 =	vimm.f32 $1.000000000e+00;
	s14 =	simm.s32 $0xB80;
	[dreg:$0x1e] =	wrdreg s8;
	s8 =	simm.s32 $0x880  }
.LBB2_1:
0x2b: {  	[smem:$0x7FB] =	sst s5;
	s7 =	simm.s32 $0x0;
	s28 =	simm.s32 $0x200  }
.LBB2_2:
0x2c: {  	p0 =	sne.s32 s28, $0xFE00;
	[tilespmem:s7+$0x1070] =	vst v0  }
0x2d: {  	[tilespmem:s7+$0x1000] =	vst v0  }
0x2e: {  	[tilespmem:s7+$0x1010] =	vst v0  }
.Ltmp0:
0x2f: {  	[tilespmem:s7+$0x1020] =	vst v0;
	(pc) =	sbr.rel @p0 .LBB2_2-.Ltmp0, $4  }
0x30: {  	[tilespmem:s7+$0x1030] =	vst v0  }
0x31: {  	[tilespmem:s7+$0x1040] =	vst v0  }
0x32: {  	[tilespmem:s7+$0x1050] =	vst v0  }
0x33: {  	[tilespmem:s7+$0x1060] =	vst v0;
	s7 =	sshra.s32 s28, $0x2;
	s28 =	sadd.s32 $0x200, s28  }
0x34: {  	[tilespmem:s7+$0x1070] =	vst v0  }
0x35: {  	[tilespmem:s7+$0x1000] =	vst v0  }
0x36: {  	[tilespmem:s7+$0x1010] =	vst v0  }
0x37: {  	[tilespmem:s7+$0x1020] =	vst v0  }
0x38: {  	[tilespmem:s7+$0x1030] =	vst v0  }
0x39: {  	[tilespmem:s7+$0x1040] =	vst v0  }
0x3a: {  	[tilespmem:s7+$0x1050] =	vst v0  }
0x3b: {  	[tilespmem:s7+$0x1060] =	vst v0  }
0x3c: {  	[tilespmem:$0x9000] =	vst v1  }
0x3d: {  	[tilespmem:$0x9010] =	vst v1  }
0x3e: {  	[tilespmem:$0x9020] =	vst v1  }
0x3f: {  	[tilespmem:$0x9030] =	vst v1  }
0x40: {  	[tilespmem:$0x9040] =	vst v1  }
0x41: {  	[tilespmem:$0x9050] =	vst v1  }
0x42: {  	[tilespmem:$0x9060] =	vst v1  }
0x43: {  	[tilespmem:$0x9070] =	vst v1  }
0x44: {  	[spmem:s31] =	stream.linear.scatter [tilespmem:s19], [sflag:$0x6], $0x4000, $0x38;
	[tilespmem:$0x1D300] =	vst v63  }
0x45: {  	_ =	swait.ge [sflag:s20], $0x4000  }
0x46: {  	[sflag:s20] =	ssyncset.done $0x0  }
0x47: {  	s0 =	rddreg [dreg:$0x16];
	[sflag:s20] =	ssyncadd.s32 $0xFFFFC000  }
0x48: {  	[spmem:s0] =	stream.linear.scatter [tilespmem:s19], [sflag:$0x6], $0x80, $0x38;
	[tilespmem:$0x1D300] =	vst v63  }
0x49: {  	_ =	swait.ge [sflag:s20], $0x80  }
0x4a: {  	[sflag:s20] =	ssyncset.done $0x0  }
0x4b: {  	s6 =	rddreg [dreg:$0x17];
	[sflag:s20] =	ssyncadd.s32 $0xFFFFFF80  }
0x4c: {  	[spmem:s6] =	stream.linear.scatter [tilespmem:s19], [sflag:$0x6], $0x4000, $0x38;
	[tilespmem:$0x1D300] =	vst v63  }
0x4d: {  	_ =	swait.ge [sflag:s20], $0x4000  }
0x4e: {  	[sflag:s20] =	ssyncset.done $0x0  }
0x4f: {  	s7 =	rddreg [dreg:$0x18];
	[sflag:s20] =	ssyncadd.s32 $0xFFFFC000  }
0x50: {  	[spmem:s7] =	stream.linear.scatter [tilespmem:s19], [sflag:$0x6], $0x80, $0x38;
	[tilespmem:$0x1D300] =	vst v63  }
0x51: {  	_ =	swait.ge [sflag:s20], $0x80  }
0x52: {  	[sflag:s20] =	ssyncset.done $0x0  }
0x53: {  	s5 =	rddreg [dreg:$0x19];
	[sflag:s20] =	ssyncadd.s32 $0xFFFFFF80  }
0x54: {  	[spmem:s5] =	stream.linear.scatter [tilespmem:s19], [sflag:$0x6], $0x4000, $0x38;
	[tilespmem:$0x1D300] =	vst v63  }
0x55: {  	_ =	swait.ge [sflag:s20], $0x4000  }
0x56: {  	[sflag:s20] =	ssyncset.done $0x0  }
0x57: {  	s6 =	rddreg [dreg:$0x1a];
	[sflag:s20] =	ssyncadd.s32 $0xFFFFC000  }
0x58: {  	[spmem:s6] =	stream.linear.scatter [tilespmem:s19], [sflag:$0x6], $0x80, $0x38;
	[tilespmem:$0x1D300] =	vst v63  }
0x59: {  	_ =	swait.ge [sflag:s20], $0x80  }
0x5a: {  	[sflag:s20] =	ssyncset.done $0x0  }
0x5b: {  	s7 =	rddreg [dreg:$0x1b];
	[sflag:s20] =	ssyncadd.s32 $0xFFFFFF80  }
0x5c: {  	[spmem:s7] =	stream.linear.scatter [tilespmem:s19], [sflag:$0x6], $0x4000, $0x38;
	[tilespmem:$0x1D300] =	vst v63  }
0x5d: {  	_ =	swait.ge [sflag:s20], $0x4000  }
0x5e: {  	[sflag:s20] =	ssyncset.done $0x0  }
0x5f: {  	s5 =	rddreg [dreg:$0x1c];
	[sflag:s20] =	ssyncadd.s32 $0xFFFFC000  }
0x60: {  	[spmem:s5] =	stream.linear.scatter [tilespmem:s19], [sflag:$0x6], $0x80, $0x38;
	[tilespmem:$0x1D300] =	vst v63  }
0x61: {  	_ =	swait.ge [sflag:s20], $0x80  }
0x62: {  	[sflag:s20] =	ssyncset.done $0x0  }
0x63: {  	s6 =	rddreg [dreg:$0x1d];
	[sflag:s20] =	ssyncadd.s32 $0xFFFFFF80  }
0x64: {  	[spmem:s6] =	stream.linear.scatter [tilespmem:s19], [sflag:$0x6], $0x4000, $0x38;
	[tilespmem:$0x1D300] =	vst v63  }
0x65: {  	_ =	swait.ge [sflag:s20], $0x4000  }
0x66: {  	[sflag:s20] =	ssyncset.done $0x0  }
0x67: {  	s7 =	rddreg [dreg:$0x1e];
	[sflag:s20] =	ssyncadd.s32 $0xFFFFC000  }
0x68: {  	[spmem:s7] =	stream.linear.scatter [tilespmem:s19], [sflag:$0x6], $0x80, $0x38;
	[tilespmem:$0x1D300] =	vst v63  }
0x69: {  	_ =	swait.ge [sflag:s20], $0x80  }
0x6a: {  	[sflag:s20] =	ssyncset.done $0x0  }
0x6b: {  	[sflag:s20] =	ssyncadd.s32 $0xFFFFFF80  }
0x6c: {  	[bflag:$0x0] =	sbarrier.arrive $0xFFFF  }
0x6d: {  	s0 =	rddreg [dreg:$0x6]  }
0x6e: {  	s7 =	sadd.s32 $0x0, s0  }
0x6f: {  	[tilespmem:s21], [sflag:$0x6] =	stream.linear.gather [hbm4b:s7+s21], $0x800, $0x38;
	[tilespmem:$0x1D300] =	vst v63  }
0x70: {  	_ =	swait.ge [sflag:s20], $0x800  }
0x71: {  	s5 =	rddreg [dreg:$0x5];
	[sflag:s20] =	ssyncset.done $0x0  }
0x72: {  	[sflag:s20] =	ssyncadd.s32 $0xFFFFF800;
	s7 =	sadd.s32 $0x0, s5;
	s5 =	simm.s32 $0x800  }
0x73: {  	[tilespmem:s5], [sflag:$0x6] =	stream.linear.gather [hbm4b:s7+s21], $0x800, $0x38;
	[tilespmem:$0x1D300] =	vst v63  }
0x74: {  	_ =	swait.ge [sflag:s20], $0x800  }
0x75: {  	[sflag:s20] =	ssyncset.done $0x0  }
0x76: {  	[sflag:s20] =	ssyncadd.s32 $0xFFFFF800  }
0x77: {  	[tilespmem:s19], [sflag:$0x1] =	stream.indirect.gather [hbm4b:s1+s22], $0x80, s21, s22, $0xb8;
	[tilespmem:$0x1D300] =	vst v63  }
0x78: {  	_ =	swait.ge [sflag:s23], $0x4000  }
0x79: {  	[sflag:s23] =	ssyncset.done $0x0  }
0x7a: {  	[sflag:s23] =	ssyncadd.s32 $0xFFFFC000  }
0x7b: {  	[spmem:s3] =	stream.indirect.scatter.add.f32 [tilespmem:s19], [sflag:$0x3], $0x80, s5, s22, $0xb8;
	[tilespmem:$0x1D300] =	vst v63  }
0x7c: {  	_ = 	snop  }
0x7d: {  	[spmem:s4] =	stream.indirect.scatter.add.f32 [tilespmem:s24], [sflag:$0x5], $0x1, s5, s22, $0xb8;
	[tilespmem:$0x1D300] =	vst v63  }
0x7e: {  	_ = 	snop  }
0x7f: {  	[tilespmem:s25], [sflag:$0x2] =	stream.indirect.gather [hbm4b:s1+s22], $0x80, s22, s22, $0xb8;
	[tilespmem:$0x1D300] =	vst v63  }
0x80: {  	_ =	swait.ge [sflag:s26], $0x4000  }
0x81: {  	[sflag:s26] =	ssyncset.done $0x0  }
0x82: {  	[sflag:s26] =	ssyncadd.s32 $0xFFFFC000  }
0x83: {  	[spmem:s3] =	stream.indirect.scatter.add.f32 [tilespmem:s25], [sflag:$0x4], $0x80, s8, s22, $0xb8;
	[tilespmem:$0x1D300] =	vst v63  }
0x84: {  	_ = 	snop  }
0x85: {  	[spmem:s4] =	stream.indirect.scatter.add.f32 [tilespmem:s24], [sflag:$0x5], $0x1, s8, s22, $0xb8;
	[tilespmem:$0x1D300] =	vst v63  }
0x86: {  	_ =	swait.ge [sflag:s29], $0x4000  }
0x87: {  	[sflag:s29] =	ssyncset.done $0x0  }
0x88: {  	[sflag:s29] =	ssyncadd.s32 $0xFFFFC000  }
0x89: {  	_ =	swait.ge [sflag:s30], $0x80  }
0x8a: {  	[sflag:s30] =	ssyncset.done $0x0  }
0x8b: {  	s6 =	rddreg [dreg:$0x7];
	[sflag:s30] =	ssyncadd.s32 $0xFFFFFF80  }
0x8c: {  	[tilespmem:s19], [sflag:$0x1] =	stream.indirect.gather [hbm4b:s1+s22], $0x80, s6, s22, $0xb8;
	[tilespmem:$0x1D300] =	vst v63  }
0x8d: {  	_ =	swait.ge [sflag:s23], $0x4000  }
0x8e: {  	[sflag:s23] =	ssyncset.done $0x0  }
0x8f: {  	[sflag:s23] =	ssyncadd.s32 $0xFFFFC000  }
0x90: {  	[spmem:s3] =	stream.indirect.scatter.add.f32 [tilespmem:s19], [sflag:$0x3], $0x80, s9, s22, $0xb8;
	[tilespmem:$0x1D300] =	vst v63  }
0x91: {  	_ = 	snop  }
0x92: {  	[spmem:s4] =	stream.indirect.scatter.add.f32 [tilespmem:s24], [sflag:$0x5], $0x1, s9, s22, $0xb8;
	[tilespmem:$0x1D300] =	vst v63  }
0x93: {  	_ =	swait.ge [sflag:s2], $0x4000  }
0x94: {  	[sflag:s2] =	ssyncset.done $0x0  }
0x95: {  	[sflag:s2] =	ssyncadd.s32 $0xFFFFC000  }
0x96: {  	_ =	swait.ge [sflag:s30], $0x80  }
0x97: {  	[sflag:s30] =	ssyncset.done $0x0  }
0x98: {  	s0 =	rddreg [dreg:$0x8];
	[sflag:s30] =	ssyncadd.s32 $0xFFFFFF80  }
0x99: {  	[tilespmem:s25], [sflag:$0x2] =	stream.indirect.gather [hbm4b:s1+s22], $0x80, s0, s22, $0xb8;
	[tilespmem:$0x1D300] =	vst v63  }
0x9a: {  	_ =	swait.ge [sflag:s26], $0x4000  }
0x9b: {  	[sflag:s26] =	ssyncset.done $0x0  }
0x9c: {  	[sflag:s26] =	ssyncadd.s32 $0xFFFFC000  }
0x9d: {  	[spmem:s3] =	stream.indirect.scatter.add.f32 [tilespmem:s25], [sflag:$0x4], $0x80, s10, s22, $0xb8;
	[tilespmem:$0x1D300] =	vst v63  }
0x9e: {  	_ = 	snop  }
0x9f: {  	[spmem:s4] =	stream.indirect.scatter.add.f32 [tilespmem:s24], [sflag:$0x5], $0x1, s10, s22, $0xb8;
	[tilespmem:$0x1D300] =	vst v63  }
0xa0: {  	_ =	swait.ge [sflag:s29], $0x4000  }
0xa1: {  	[sflag:s29] =	ssyncset.done $0x0  }
0xa2: {  	[sflag:s29] =	ssyncadd.s32 $0xFFFFC000  }
0xa3: {  	_ =	swait.ge [sflag:s30], $0x80  }
0xa4: {  	[sflag:s30] =	ssyncset.done $0x0  }
0xa5: {  	s6 =	rddreg [dreg:$0x9];
	[sflag:s30] =	ssyncadd.s32 $0xFFFFFF80  }
0xa6: {  	[tilespmem:s19], [sflag:$0x1] =	stream.indirect.gather [hbm4b:s1+s22], $0x80, s6, s22, $0xb8;
	[tilespmem:$0x1D300] =	vst v63  }
0xa7: {  	_ =	swait.ge [sflag:s23], $0x4000  }
0xa8: {  	[sflag:s23] =	ssyncset.done $0x0  }
0xa9: {  	[sflag:s23] =	ssyncadd.s32 $0xFFFFC000  }
0xaa: {  	[spmem:s3] =	stream.indirect.scatter.add.f32 [tilespmem:s19], [sflag:$0x3], $0x80, s11, s22, $0xb8;
	[tilespmem:$0x1D300] =	vst v63  }
0xab: {  	_ = 	snop  }
0xac: {  	[spmem:s4] =	stream.indirect.scatter.add.f32 [tilespmem:s24], [sflag:$0x5], $0x1, s11, s22, $0xb8;
	[tilespmem:$0x1D300] =	vst v63  }
0xad: {  	_ =	swait.ge [sflag:s2], $0x4000  }
0xae: {  	[sflag:s2] =	ssyncset.done $0x0  }
0xaf: {  	[sflag:s2] =	ssyncadd.s32 $0xFFFFC000  }
0xb0: {  	_ =	swait.ge [sflag:s30], $0x80  }
0xb1: {  	[sflag:s30] =	ssyncset.done $0x0  }
0xb2: {  	s0 =	rddreg [dreg:$0xa];
	[sflag:s30] =	ssyncadd.s32 $0xFFFFFF80  }
0xb3: {  	[tilespmem:s25], [sflag:$0x2] =	stream.indirect.gather [hbm4b:s1+s22], $0x80, s0, s22, $0xb8;
	[tilespmem:$0x1D300] =	vst v63  }
0xb4: {  	_ =	swait.ge [sflag:s26], $0x4000  }
0xb5: {  	[sflag:s26] =	ssyncset.done $0x0  }
0xb6: {  	[sflag:s26] =	ssyncadd.s32 $0xFFFFC000  }
0xb7: {  	[spmem:s3] =	stream.indirect.scatter.add.f32 [tilespmem:s25], [sflag:$0x4], $0x80, s12, s22, $0xb8;
	[tilespmem:$0x1D300] =	vst v63  }
0xb8: {  	_ = 	snop  }
0xb9: {  	[spmem:s4] =	stream.indirect.scatter.add.f32 [tilespmem:s24], [sflag:$0x5], $0x1, s12, s22, $0xb8;
	[tilespmem:$0x1D300] =	vst v63  }
0xba: {  	_ =	swait.ge [sflag:s29], $0x4000  }
0xbb: {  	[sflag:s29] =	ssyncset.done $0x0  }
0xbc: {  	[sflag:s29] =	ssyncadd.s32 $0xFFFFC000  }
0xbd: {  	_ =	swait.ge [sflag:s30], $0x80  }
0xbe: {  	[sflag:s30] =	ssyncset.done $0x0  }
0xbf: {  	s6 =	rddreg [dreg:$0xb];
	[sflag:s30] =	ssyncadd.s32 $0xFFFFFF80  }
0xc0: {  	[tilespmem:s19], [sflag:$0x1] =	stream.indirect.gather [hbm4b:s1+s22], $0x80, s6, s22, $0xb8;
	[tilespmem:$0x1D300] =	vst v63  }
0xc1: {  	_ =	swait.ge [sflag:s23], $0x4000  }
0xc2: {  	[sflag:s23] =	ssyncset.done $0x0  }
0xc3: {  	[sflag:s23] =	ssyncadd.s32 $0xFFFFC000  }
0xc4: {  	[spmem:s3] =	stream.indirect.scatter.add.f32 [tilespmem:s19], [sflag:$0x3], $0x80, s13, s22, $0xb8;
	[tilespmem:$0x1D300] =	vst v63  }
0xc5: {  	_ = 	snop  }
0xc6: {  	[spmem:s4] =	stream.indirect.scatter.add.f32 [tilespmem:s24], [sflag:$0x5], $0x1, s13, s22, $0xb8;
	[tilespmem:$0x1D300] =	vst v63  }
0xc7: {  	_ =	swait.ge [sflag:s2], $0x4000  }
0xc8: {  	[sflag:s2] =	ssyncset.done $0x0  }
0xc9: {  	[sflag:s2] =	ssyncadd.s32 $0xFFFFC000  }
0xca: {  	_ =	swait.ge [sflag:s30], $0x80  }
0xcb: {  	[sflag:s30] =	ssyncset.done $0x0  }
0xcc: {  	s0 =	rddreg [dreg:$0xc];
	[sflag:s30] =	ssyncadd.s32 $0xFFFFFF80  }
0xcd: {  	[tilespmem:s25], [sflag:$0x2] =	stream.indirect.gather [hbm4b:s1+s22], $0x80, s0, s22, $0xb8;
	[tilespmem:$0x1D300] =	vst v63  }
0xce: {  	_ =	swait.ge [sflag:s26], $0x4000  }
0xcf: {  	[sflag:s26] =	ssyncset.done $0x0  }
0xd0: {  	[sflag:s26] =	ssyncadd.s32 $0xFFFFC000  }
0xd1: {  	[spmem:s3] =	stream.indirect.scatter.add.f32 [tilespmem:s25], [sflag:$0x4], $0x80, s14, s22, $0xb8;
	[tilespmem:$0x1D300] =	vst v63  }
0xd2: {  	_ = 	snop  }
0xd3: {  	[spmem:s4] =	stream.indirect.scatter.add.f32 [tilespmem:s24], [sflag:$0x5], $0x1, s14, s22, $0xb8;
	[tilespmem:$0x1D300] =	vst v63  }
0xd4: {  	_ =	swait.ge [sflag:s29], $0x4000  }
0xd5: {  	[sflag:s29] =	ssyncset.done $0x0  }
0xd6: {  	[sflag:s29] =	ssyncadd.s32 $0xFFFFC000  }
0xd7: {  	_ =	swait.ge [sflag:s30], $0x80  }
0xd8: {  	[sflag:s30] =	ssyncset.done $0x0  }
0xd9: {  	s6 =	rddreg [dreg:$0xd];
	[sflag:s30] =	ssyncadd.s32 $0xFFFFFF80  }
0xda: {  	[tilespmem:s19], [sflag:$0x1] =	stream.indirect.gather [hbm4b:s1+s22], $0x80, s6, s22, $0xb8;
	[tilespmem:$0x1D300] =	vst v63  }
0xdb: {  	_ =	swait.ge [sflag:s23], $0x4000  }
0xdc: {  	[sflag:s23] =	ssyncset.done $0x0  }
0xdd: {  	[sflag:s23] =	ssyncadd.s32 $0xFFFFC000  }
0xde: {  	[spmem:s3] =	stream.indirect.scatter.add.f32 [tilespmem:s19], [sflag:$0x3], $0x80, s15, s22, $0xb8;
	[tilespmem:$0x1D300] =	vst v63  }
0xdf: {  	_ = 	snop  }
0xe0: {  	[spmem:s4] =	stream.indirect.scatter.add.f32 [tilespmem:s24], [sflag:$0x5], $0x1, s15, s22, $0xb8;
	[tilespmem:$0x1D300] =	vst v63  }
0xe1: {  	_ =	swait.ge [sflag:s2], $0x4000  }
0xe2: {  	[sflag:s2] =	ssyncset.done $0x0  }
0xe3: {  	[sflag:s2] =	ssyncadd.s32 $0xFFFFC000  }
0xe4: {  	_ =	swait.ge [sflag:s30], $0x80  }
0xe5: {  	[sflag:s30] =	ssyncset.done $0x0  }
0xe6: {  	s0 =	rddreg [dreg:$0xe];
	[sflag:s30] =	ssyncadd.s32 $0xFFFFFF80  }
0xe7: {  	[tilespmem:s25], [sflag:$0x2] =	stream.indirect.gather [hbm4b:s1+s22], $0x80, s0, s22, $0xb8;
	[tilespmem:$0x1D300] =	vst v63  }
0xe8: {  	_ =	swait.ge [sflag:s26], $0x4000  }
0xe9: {  	[sflag:s26] =	ssyncset.done $0x0  }
0xea: {  	[sflag:s26] =	ssyncadd.s32 $0xFFFFC000  }
0xeb: {  	[spmem:s3] =	stream.indirect.scatter.add.f32 [tilespmem:s25], [sflag:$0x4], $0x80, s16, s22, $0xb8;
	[tilespmem:$0x1D300] =	vst v63  }
0xec: {  	_ = 	snop  }
0xed: {  	[spmem:s4] =	stream.indirect.scatter.add.f32 [tilespmem:s24], [sflag:$0x5], $0x1, s16, s22, $0xb8;
	[tilespmem:$0x1D300] =	vst v63  }
0xee: {  	_ =	swait.ge [sflag:s29], $0x4000  }
0xef: {  	[sflag:s29] =	ssyncset.done $0x0  }
0xf0: {  	[sflag:s29] =	ssyncadd.s32 $0xFFFFC000  }
0xf1: {  	_ =	swait.ge [sflag:s30], $0x80  }
0xf2: {  	[sflag:s30] =	ssyncset.done $0x0  }
0xf3: {  	s6 =	rddreg [dreg:$0xf];
	[sflag:s30] =	ssyncadd.s32 $0xFFFFFF80  }
0xf4: {  	[tilespmem:s19], [sflag:$0x1] =	stream.indirect.gather [hbm4b:s1+s22], $0x80, s6, s22, $0xb8;
	[tilespmem:$0x1D300] =	vst v63  }
0xf5: {  	_ =	swait.ge [sflag:s23], $0x4000  }
0xf6: {  	[sflag:s23] =	ssyncset.done $0x0  }
0xf7: {  	[sflag:s23] =	ssyncadd.s32 $0xFFFFC000  }
0xf8: {  	[spmem:s3] =	stream.indirect.scatter.add.f32 [tilespmem:s19], [sflag:$0x3], $0x80, s17, s22, $0xb8;
	[tilespmem:$0x1D300] =	vst v63  }
0xf9: {  	_ = 	snop  }
0xfa: {  	[spmem:s4] =	stream.indirect.scatter.add.f32 [tilespmem:s24], [sflag:$0x5], $0x1, s17, s22, $0xb8;
	[tilespmem:$0x1D300] =	vst v63  }
0xfb: {  	_ =	swait.ge [sflag:s2], $0x4000  }
0xfc: {  	[sflag:s2] =	ssyncset.done $0x0  }
0xfd: {  	[sflag:s2] =	ssyncadd.s32 $0xFFFFC000  }
0xfe: {  	_ =	swait.ge [sflag:s30], $0x80  }
0xff: {  	[sflag:s30] =	ssyncset.done $0x0  }
0x100: {  	s0 =	rddreg [dreg:$0x10];
	[sflag:s30] =	ssyncadd.s32 $0xFFFFFF80  }
0x101: {  	[tilespmem:s25], [sflag:$0x2] =	stream.indirect.gather [hbm4b:s1+s22], $0x80, s0, s22, $0xb8;
	[tilespmem:$0x1D300] =	vst v63  }
0x102: {  	_ =	swait.ge [sflag:s26], $0x4000  }
0x103: {  	[sflag:s26] =	ssyncset.done $0x0  }
0x104: {  	[sflag:s26] =	ssyncadd.s32 $0xFFFFC000  }
0x105: {  	[spmem:s3] =	stream.indirect.scatter.add.f32 [tilespmem:s25], [sflag:$0x4], $0x80, s18, s22, $0xb8;
	[tilespmem:$0x1D300] =	vst v63  }
0x106: {  	_ = 	snop  }
0x107: {  	[spmem:s4] =	stream.indirect.scatter.add.f32 [tilespmem:s24], [sflag:$0x5], $0x1, s18, s22, $0xb8;
	[tilespmem:$0x1D300] =	vst v63  }
0x108: {  	_ =	swait.ge [sflag:s29], $0x4000  }
0x109: {  	[sflag:s29] =	ssyncset.done $0x0  }
0x10a: {  	[sflag:s29] =	ssyncadd.s32 $0xFFFFC000  }
0x10b: {  	_ =	swait.ge [sflag:s30], $0x80  }
0x10c: {  	[sflag:s30] =	ssyncset.done $0x0  }
0x10d: {  	s6 =	rddreg [dreg:$0x11];
	[sflag:s30] =	ssyncadd.s32 $0xFFFFFF80  }
0x10e: {  	[tilespmem:s19], [sflag:$0x1] =	stream.indirect.gather [hbm4b:s1+s22], $0x80, s6, s22, $0xb8;
	[tilespmem:$0x1D300] =	vst v63  }
0x10f: {  	_ =	swait.ge [sflag:s23], $0x4000  }
0x110: {  	[sflag:s23] =	ssyncset.done $0x0  }
0x111: {  	s6 =	simm.s32 $0xE00;
	[sflag:s23] =	ssyncadd.s32 $0xFFFFC000  }
0x112: {  	[spmem:s3] =	stream.indirect.scatter.add.f32 [tilespmem:s19], [sflag:$0x3], $0x80, s6, s22, $0xb8;
	[tilespmem:$0x1D300] =	vst v63  }
0x113: {  	_ = 	snop  }
0x114: {  	[spmem:s4] =	stream.indirect.scatter.add.f32 [tilespmem:s24], [sflag:$0x5], $0x1, s6, s22, $0xb8;
	[tilespmem:$0x1D300] =	vst v63  }
0x115: {  	_ =	swait.ge [sflag:s2], $0x4000  }
0x116: {  	[sflag:s2] =	ssyncset.done $0x0  }
0x117: {  	[sflag:s2] =	ssyncadd.s32 $0xFFFFC000  }
0x118: {  	_ =	swait.ge [sflag:s30], $0x80  }
0x119: {  	[sflag:s30] =	ssyncset.done $0x0  }
0x11a: {  	s0 =	rddreg [dreg:$0x12];
	[sflag:s30] =	ssyncadd.s32 $0xFFFFFF80  }
0x11b: {  	[tilespmem:s25], [sflag:$0x2] =	stream.indirect.gather [hbm4b:s1+s22], $0x80, s0, s22, $0xb8;
	[tilespmem:$0x1D300] =	vst v63  }
0x11c: {  	_ =	swait.ge [sflag:s26], $0x4000  }
0x11d: {  	[sflag:s26] =	ssyncset.done $0x0  }
0x11e: {  	s7 =	simm.s32 $0xE80;
	[sflag:s26] =	ssyncadd.s32 $0xFFFFC000  }
0x11f: {  	[spmem:s3] =	stream.indirect.scatter.add.f32 [tilespmem:s25], [sflag:$0x4], $0x80, s7, s22, $0xb8;
	[tilespmem:$0x1D300] =	vst v63  }
0x120: {  	_ = 	snop  }
0x121: {  	[spmem:s4] =	stream.indirect.scatter.add.f32 [tilespmem:s24], [sflag:$0x5], $0x1, s7, s22, $0xb8;
	[tilespmem:$0x1D300] =	vst v63  }
0x122: {  	_ =	swait.ge [sflag:s29], $0x4000  }
0x123: {  	[sflag:s29] =	ssyncset.done $0x0  }
0x124: {  	[sflag:s29] =	ssyncadd.s32 $0xFFFFC000  }
0x125: {  	_ =	swait.ge [sflag:s30], $0x80  }
0x126: {  	[sflag:s30] =	ssyncset.done $0x0  }
0x127: {  	s0 =	rddreg [dreg:$0x13];
	[sflag:s30] =	ssyncadd.s32 $0xFFFFFF80  }
0x128: {  	[tilespmem:s19], [sflag:$0x1] =	stream.indirect.gather [hbm4b:s1+s22], $0x80, s0, s22, $0xb8;
	[tilespmem:$0x1D300] =	vst v63  }
0x129: {  	_ =	swait.ge [sflag:s23], $0x4000  }
0x12a: {  	[sflag:s23] =	ssyncset.done $0x0  }
0x12b: {  	s7 =	simm.s32 $0xF00;
	[sflag:s23] =	ssyncadd.s32 $0xFFFFC000  }
0x12c: {  	[spmem:s3] =	stream.indirect.scatter.add.f32 [tilespmem:s19], [sflag:$0x3], $0x80, s7, s22, $0xb8;
	[tilespmem:$0x1D300] =	vst v63  }
0x12d: {  	_ = 	snop  }
0x12e: {  	[spmem:s4] =	stream.indirect.scatter.add.f32 [tilespmem:s24], [sflag:$0x5], $0x1, s7, s22, $0xb8;
	[tilespmem:$0x1D300] =	vst v63  }
0x12f: {  	_ =	swait.ge [sflag:s2], $0x4000  }
0x130: {  	[sflag:s2] =	ssyncset.done $0x0  }
0x131: {  	[sflag:s2] =	ssyncadd.s32 $0xFFFFC000  }
0x132: {  	_ =	swait.ge [sflag:s30], $0x80  }
0x133: {  	[sflag:s30] =	ssyncset.done $0x0  }
0x134: {  	s0 =	rddreg [dreg:$0x14];
	[sflag:s30] =	ssyncadd.s32 $0xFFFFFF80  }
0x135: {  	[tilespmem:s25], [sflag:$0x2] =	stream.indirect.gather [hbm4b:s1+s22], $0x80, s0, s22, $0xb8;
	[tilespmem:$0x1D300] =	vst v63  }
0x136: {  	_ =	swait.ge [sflag:s26], $0x4000  }
0x137: {  	[sflag:s26] =	ssyncset.done $0x0  }
0x138: {  	s7 =	simm.s32 $0xF80;
	[sflag:s26] =	ssyncadd.s32 $0xFFFFC000  }
0x139: {  	[spmem:s3] =	stream.indirect.scatter.add.f32 [tilespmem:s25], [sflag:$0x4], $0x80, s7, s22, $0xb8;
	[tilespmem:$0x1D300] =	vst v63  }
0x13a: {  	_ = 	snop  }
0x13b: {  	[spmem:s4] =	stream.indirect.scatter.add.f32 [tilespmem:s24], [sflag:$0x5], $0x1, s7, s22, $0xb8;
	[tilespmem:$0x1D300] =	vst v63  }
0x13c: {  	_ =	swait.ge [sflag:s29], $0x4000  }
0x13d: {  	[sflag:s29] =	ssyncset.done $0x0  }
0x13e: {  	[sflag:s29] =	ssyncadd.s32 $0xFFFFC000  }
0x13f: {  	_ =	swait.ge [sflag:s30], $0x80  }
0x140: {  	[sflag:s30] =	ssyncset.done $0x0  }
0x141: {  	[sflag:s30] =	ssyncadd.s32 $0xFFFFFF80  }
0x142: {  	_ =	swait.ge [sflag:s2], $0x4000  }
0x143: {  	[sflag:s2] =	ssyncset.done $0x0  }
0x144: {  	[sflag:s2] =	ssyncadd.s32 $0xFFFFC000  }
0x145: {  	s28 =	simm.s32 $0x200;
	_ =	swait.ge [sflag:s30], $0x80  }
0x146: {  	s7 =	simm.s32 $0x100;
	s31 =	rddreg [dreg:$0x6];
	[sflag:s30] =	ssyncset.done $0x0  }
.LBB2_4:
0x147: {  	[sflag:s30] =	ssyncadd.s32 $0xFFFFFF80;
	s31 =	sadd.s32 s7, s31  }
0x148: {  	[tilespmem:s21], [sflag:$0x6] =	stream.linear.gather [hbm4b:s31+s21], $0x800, $0x38;
	[tilespmem:$0x1D300] =	vst v63  }
0x149: {  	_ =	swait.ge [sflag:s20], $0x800  }
0x14a: {  	s31 =	rddreg [dreg:$0x5];
	[sflag:s20] =	ssyncset.done $0x0  }
0x14b: {  	[sflag:s20] =	ssyncadd.s32 $0xFFFFF800;
	s31 =	sadd.s32 s7, s31  }
0x14c: {  	[tilespmem:s5], [sflag:$0x6] =	stream.linear.gather [hbm4b:s31+s21], $0x800, $0x38;
	[tilespmem:$0x1D300] =	vst v63  }
0x14d: {  	_ =	swait.ge [sflag:s20], $0x800  }
0x14e: {  	[sflag:s20] =	ssyncset.done $0x0  }
0x14f: {  	[sflag:s20] =	ssyncadd.s32 $0xFFFFF800  }
0x150: {  	[tilespmem:s19], [sflag:$0x1] =	stream.indirect.gather [hbm4b:s1+s22], $0x80, s21, s22, $0xb8;
	[tilespmem:$0x1D300] =	vst v63  }
0x151: {  	_ =	swait.ge [sflag:s23], $0x4000  }
0x152: {  	[sflag:s23] =	ssyncset.done $0x0  }
0x153: {  	[sflag:s23] =	ssyncadd.s32 $0xFFFFC000  }
0x154: {  	[spmem:s3] =	stream.indirect.scatter.add.f32 [tilespmem:s19], [sflag:$0x3], $0x80, s5, s22, $0xb8;
	[tilespmem:$0x1D300] =	vst v63  }
0x155: {  	_ = 	snop  }
0x156: {  	[spmem:s4] =	stream.indirect.scatter.add.f32 [tilespmem:s24], [sflag:$0x5], $0x1, s5, s22, $0xb8;
	[tilespmem:$0x1D300] =	vst v63  }
0x157: {  	_ = 	snop  }
0x158: {  	[tilespmem:s25], [sflag:$0x2] =	stream.indirect.gather [hbm4b:s1+s22], $0x80, s22, s22, $0xb8;
	[tilespmem:$0x1D300] =	vst v63  }
0x159: {  	_ =	swait.ge [sflag:s26], $0x4000  }
0x15a: {  	[sflag:s26] =	ssyncset.done $0x0  }
0x15b: {  	[sflag:s26] =	ssyncadd.s32 $0xFFFFC000  }
0x15c: {  	[spmem:s3] =	stream.indirect.scatter.add.f32 [tilespmem:s25], [sflag:$0x4], $0x80, s8, s22, $0xb8;
	[tilespmem:$0x1D300] =	vst v63  }
0x15d: {  	_ = 	snop  }
0x15e: {  	[spmem:s4] =	stream.indirect.scatter.add.f32 [tilespmem:s24], [sflag:$0x5], $0x1, s8, s22, $0xb8;
	[tilespmem:$0x1D300] =	vst v63  }
0x15f: {  	_ =	swait.ge [sflag:s29], $0x4000  }
0x160: {  	[sflag:s29] =	ssyncset.done $0x0  }
0x161: {  	[sflag:s29] =	ssyncadd.s32 $0xFFFFC000  }
0x162: {  	_ =	swait.ge [sflag:s30], $0x80  }
0x163: {  	s0 =	smov.u32 s28;
	[sflag:s30] =	ssyncset.done $0x0  }
0x164: {  	s7 =	smov.u32 s0;
	s0 =	rddreg [dreg:$0x7];
	[sflag:s30] =	ssyncadd.s32 $0xFFFFFF80  }
0x165: {  	[tilespmem:s19], [sflag:$0x1] =	stream.indirect.gather [hbm4b:s1+s22], $0x80, s0, s22, $0xb8;
	[tilespmem:$0x1D300] =	vst v63  }
0x166: {  	_ =	swait.ge [sflag:s23], $0x4000  }
0x167: {  	[sflag:s23] =	ssyncset.done $0x0  }
0x168: {  	[sflag:s23] =	ssyncadd.s32 $0xFFFFC000  }
0x169: {  	[spmem:s3] =	stream.indirect.scatter.add.f32 [tilespmem:s19], [sflag:$0x3], $0x80, s9, s22, $0xb8;
	[tilespmem:$0x1D300] =	vst v63  }
0x16a: {  	_ = 	snop  }
0x16b: {  	[spmem:s4] =	stream.indirect.scatter.add.f32 [tilespmem:s24], [sflag:$0x5], $0x1, s9, s22, $0xb8;
	[tilespmem:$0x1D300] =	vst v63  }
0x16c: {  	_ =	swait.ge [sflag:s2], $0x4000  }
0x16d: {  	[sflag:s2] =	ssyncset.done $0x0  }
0x16e: {  	[sflag:s2] =	ssyncadd.s32 $0xFFFFC000  }
0x16f: {  	_ =	swait.ge [sflag:s30], $0x80  }
0x170: {  	[sflag:s30] =	ssyncset.done $0x0  }
0x171: {  	s0 =	rddreg [dreg:$0x8];
	[sflag:s30] =	ssyncadd.s32 $0xFFFFFF80  }
0x172: {  	[tilespmem:s25], [sflag:$0x2] =	stream.indirect.gather [hbm4b:s1+s22], $0x80, s0, s22, $0xb8;
	[tilespmem:$0x1D300] =	vst v63  }
0x173: {  	_ =	swait.ge [sflag:s26], $0x4000  }
0x174: {  	[sflag:s26] =	ssyncset.done $0x0  }
0x175: {  	[sflag:s26] =	ssyncadd.s32 $0xFFFFC000  }
0x176: {  	[spmem:s3] =	stream.indirect.scatter.add.f32 [tilespmem:s25], [sflag:$0x4], $0x80, s10, s22, $0xb8;
	[tilespmem:$0x1D300] =	vst v63  }
0x177: {  	_ = 	snop  }
0x178: {  	[spmem:s4] =	stream.indirect.scatter.add.f32 [tilespmem:s24], [sflag:$0x5], $0x1, s10, s22, $0xb8;
	[tilespmem:$0x1D300] =	vst v63  }
0x179: {  	_ =	swait.ge [sflag:s29], $0x4000  }
0x17a: {  	[sflag:s29] =	ssyncset.done $0x0  }
0x17b: {  	[sflag:s29] =	ssyncadd.s32 $0xFFFFC000  }
0x17c: {  	_ =	swait.ge [sflag:s30], $0x80  }
0x17d: {  	[sflag:s30] =	ssyncset.done $0x0  }
0x17e: {  	s0 =	rddreg [dreg:$0x9];
	[sflag:s30] =	ssyncadd.s32 $0xFFFFFF80  }
0x17f: {  	[tilespmem:s19], [sflag:$0x1] =	stream.indirect.gather [hbm4b:s1+s22], $0x80, s0, s22, $0xb8;
	[tilespmem:$0x1D300] =	vst v63  }
0x180: {  	_ =	swait.ge [sflag:s23], $0x4000  }
0x181: {  	[sflag:s23] =	ssyncset.done $0x0  }
0x182: {  	[sflag:s23] =	ssyncadd.s32 $0xFFFFC000  }
0x183: {  	[spmem:s3] =	stream.indirect.scatter.add.f32 [tilespmem:s19], [sflag:$0x3], $0x80, s11, s22, $0xb8;
	[tilespmem:$0x1D300] =	vst v63  }
0x184: {  	_ = 	snop  }
0x185: {  	[spmem:s4] =	stream.indirect.scatter.add.f32 [tilespmem:s24], [sflag:$0x5], $0x1, s11, s22, $0xb8;
	[tilespmem:$0x1D300] =	vst v63  }
0x186: {  	_ =	swait.ge [sflag:s2], $0x4000  }
0x187: {  	[sflag:s2] =	ssyncset.done $0x0  }
0x188: {  	[sflag:s2] =	ssyncadd.s32 $0xFFFFC000  }
0x189: {  	_ =	swait.ge [sflag:s30], $0x80  }
0x18a: {  	[sflag:s30] =	ssyncset.done $0x0  }
0x18b: {  	s0 =	rddreg [dreg:$0xa];
	[sflag:s30] =	ssyncadd.s32 $0xFFFFFF80  }
0x18c: {  	[tilespmem:s25], [sflag:$0x2] =	stream.indirect.gather [hbm4b:s1+s22], $0x80, s0, s22, $0xb8;
	[tilespmem:$0x1D300] =	vst v63  }
0x18d: {  	_ =	swait.ge [sflag:s26], $0x4000  }
0x18e: {  	[sflag:s26] =	ssyncset.done $0x0  }
0x18f: {  	[sflag:s26] =	ssyncadd.s32 $0xFFFFC000  }
0x190: {  	[spmem:s3] =	stream.indirect.scatter.add.f32 [tilespmem:s25], [sflag:$0x4], $0x80, s12, s22, $0xb8;
	[tilespmem:$0x1D300] =	vst v63  }
0x191: {  	_ = 	snop  }
0x192: {  	[spmem:s4] =	stream.indirect.scatter.add.f32 [tilespmem:s24], [sflag:$0x5], $0x1, s12, s22, $0xb8;
	[tilespmem:$0x1D300] =	vst v63  }
0x193: {  	_ =	swait.ge [sflag:s29], $0x4000  }
0x194: {  	[sflag:s29] =	ssyncset.done $0x0  }
0x195: {  	[sflag:s29] =	ssyncadd.s32 $0xFFFFC000  }
0x196: {  	_ =	swait.ge [sflag:s30], $0x80  }
0x197: {  	[sflag:s30] =	ssyncset.done $0x0  }
0x198: {  	s0 =	rddreg [dreg:$0xb];
	[sflag:s30] =	ssyncadd.s32 $0xFFFFFF80  }
0x199: {  	[tilespmem:s19], [sflag:$0x1] =	stream.indirect.gather [hbm4b:s1+s22], $0x80, s0, s22, $0xb8;
	[tilespmem:$0x1D300] =	vst v63  }
0x19a: {  	_ =	swait.ge [sflag:s23], $0x4000  }
0x19b: {  	[sflag:s23] =	ssyncset.done $0x0  }
0x19c: {  	[sflag:s23] =	ssyncadd.s32 $0xFFFFC000  }
0x19d: {  	[spmem:s3] =	stream.indirect.scatter.add.f32 [tilespmem:s19], [sflag:$0x3], $0x80, s13, s22, $0xb8;
	[tilespmem:$0x1D300] =	vst v63  }
0x19e: {  	_ = 	snop  }
0x19f: {  	[spmem:s4] =	stream.indirect.scatter.add.f32 [tilespmem:s24], [sflag:$0x5], $0x1, s13, s22, $0xb8;
	[tilespmem:$0x1D300] =	vst v63  }
0x1a0: {  	_ =	swait.ge [sflag:s2], $0x4000  }
0x1a1: {  	[sflag:s2] =	ssyncset.done $0x0  }
0x1a2: {  	[sflag:s2] =	ssyncadd.s32 $0xFFFFC000  }
0x1a3: {  	_ =	swait.ge [sflag:s30], $0x80  }
0x1a4: {  	[sflag:s30] =	ssyncset.done $0x0  }
0x1a5: {  	s0 =	rddreg [dreg:$0xc];
	[sflag:s30] =	ssyncadd.s32 $0xFFFFFF80  }
0x1a6: {  	[tilespmem:s25], [sflag:$0x2] =	stream.indirect.gather [hbm4b:s1+s22], $0x80, s0, s22, $0xb8;
	[tilespmem:$0x1D300] =	vst v63  }
0x1a7: {  	_ =	swait.ge [sflag:s26], $0x4000  }
0x1a8: {  	[sflag:s26] =	ssyncset.done $0x0  }
0x1a9: {  	[sflag:s26] =	ssyncadd.s32 $0xFFFFC000  }
0x1aa: {  	[spmem:s3] =	stream.indirect.scatter.add.f32 [tilespmem:s25], [sflag:$0x4], $0x80, s14, s22, $0xb8;
	[tilespmem:$0x1D300] =	vst v63  }
0x1ab: {  	_ = 	snop  }
0x1ac: {  	[spmem:s4] =	stream.indirect.scatter.add.f32 [tilespmem:s24], [sflag:$0x5], $0x1, s14, s22, $0xb8;
	[tilespmem:$0x1D300] =	vst v63  }
0x1ad: {  	_ =	swait.ge [sflag:s29], $0x4000  }
0x1ae: {  	[sflag:s29] =	ssyncset.done $0x0  }
0x1af: {  	[sflag:s29] =	ssyncadd.s32 $0xFFFFC000  }
0x1b0: {  	_ =	swait.ge [sflag:s30], $0x80  }
0x1b1: {  	[sflag:s30] =	ssyncset.done $0x0  }
0x1b2: {  	s0 =	rddreg [dreg:$0xd];
	[sflag:s30] =	ssyncadd.s32 $0xFFFFFF80  }
0x1b3: {  	[tilespmem:s19], [sflag:$0x1] =	stream.indirect.gather [hbm4b:s1+s22], $0x80, s0, s22, $0xb8;
	[tilespmem:$0x1D300] =	vst v63  }
0x1b4: {  	_ =	swait.ge [sflag:s23], $0x4000  }
0x1b5: {  	[sflag:s23] =	ssyncset.done $0x0  }
0x1b6: {  	[sflag:s23] =	ssyncadd.s32 $0xFFFFC000  }
0x1b7: {  	[spmem:s3] =	stream.indirect.scatter.add.f32 [tilespmem:s19], [sflag:$0x3], $0x80, s15, s22, $0xb8;
	[tilespmem:$0x1D300] =	vst v63  }
0x1b8: {  	_ = 	snop  }
0x1b9: {  	[spmem:s4] =	stream.indirect.scatter.add.f32 [tilespmem:s24], [sflag:$0x5], $0x1, s15, s22, $0xb8;
	[tilespmem:$0x1D300] =	vst v63  }
0x1ba: {  	_ =	swait.ge [sflag:s2], $0x4000  }
0x1bb: {  	[sflag:s2] =	ssyncset.done $0x0  }
0x1bc: {  	[sflag:s2] =	ssyncadd.s32 $0xFFFFC000  }
0x1bd: {  	_ =	swait.ge [sflag:s30], $0x80  }
0x1be: {  	[sflag:s30] =	ssyncset.done $0x0  }
0x1bf: {  	s0 =	rddreg [dreg:$0xe];
	[sflag:s30] =	ssyncadd.s32 $0xFFFFFF80  }
0x1c0: {  	[tilespmem:s25], [sflag:$0x2] =	stream.indirect.gather [hbm4b:s1+s22], $0x80, s0, s22, $0xb8;
	[tilespmem:$0x1D300] =	vst v63  }
0x1c1: {  	_ =	swait.ge [sflag:s26], $0x4000  }
0x1c2: {  	[sflag:s26] =	ssyncset.done $0x0  }
0x1c3: {  	[sflag:s26] =	ssyncadd.s32 $0xFFFFC000  }
0x1c4: {  	[spmem:s3] =	stream.indirect.scatter.add.f32 [tilespmem:s25], [sflag:$0x4], $0x80, s16, s22, $0xb8;
	[tilespmem:$0x1D300] =	vst v63  }
0x1c5: {  	_ = 	snop  }
0x1c6: {  	[spmem:s4] =	stream.indirect.scatter.add.f32 [tilespmem:s24], [sflag:$0x5], $0x1, s16, s22, $0xb8;
	[tilespmem:$0x1D300] =	vst v63  }
0x1c7: {  	_ =	swait.ge [sflag:s29], $0x4000  }
0x1c8: {  	[sflag:s29] =	ssyncset.done $0x0  }
0x1c9: {  	[sflag:s29] =	ssyncadd.s32 $0xFFFFC000  }
0x1ca: {  	_ =	swait.ge [sflag:s30], $0x80  }
0x1cb: {  	[sflag:s30] =	ssyncset.done $0x0  }
0x1cc: {  	s0 =	rddreg [dreg:$0xf];
	[sflag:s30] =	ssyncadd.s32 $0xFFFFFF80  }
0x1cd: {  	[tilespmem:s19], [sflag:$0x1] =	stream.indirect.gather [hbm4b:s1+s22], $0x80, s0, s22, $0xb8;
	[tilespmem:$0x1D300] =	vst v63  }
0x1ce: {  	_ =	swait.ge [sflag:s23], $0x4000  }
0x1cf: {  	[sflag:s23] =	ssyncset.done $0x0  }
0x1d0: {  	[sflag:s23] =	ssyncadd.s32 $0xFFFFC000  }
0x1d1: {  	[spmem:s3] =	stream.indirect.scatter.add.f32 [tilespmem:s19], [sflag:$0x3], $0x80, s17, s22, $0xb8;
	[tilespmem:$0x1D300] =	vst v63  }
0x1d2: {  	_ = 	snop  }
0x1d3: {  	[spmem:s4] =	stream.indirect.scatter.add.f32 [tilespmem:s24], [sflag:$0x5], $0x1, s17, s22, $0xb8;
	[tilespmem:$0x1D300] =	vst v63  }
0x1d4: {  	_ =	swait.ge [sflag:s2], $0x4000  }
0x1d5: {  	[sflag:s2] =	ssyncset.done $0x0  }
0x1d6: {  	[sflag:s2] =	ssyncadd.s32 $0xFFFFC000  }
0x1d7: {  	_ =	swait.ge [sflag:s30], $0x80  }
0x1d8: {  	[sflag:s30] =	ssyncset.done $0x0  }
0x1d9: {  	s0 =	rddreg [dreg:$0x10];
	[sflag:s30] =	ssyncadd.s32 $0xFFFFFF80  }
0x1da: {  	[tilespmem:s25], [sflag:$0x2] =	stream.indirect.gather [hbm4b:s1+s22], $0x80, s0, s22, $0xb8;
	[tilespmem:$0x1D300] =	vst v63  }
0x1db: {  	_ =	swait.ge [sflag:s26], $0x4000  }
0x1dc: {  	[sflag:s26] =	ssyncset.done $0x0  }
0x1dd: {  	[sflag:s26] =	ssyncadd.s32 $0xFFFFC000  }
0x1de: {  	[spmem:s3] =	stream.indirect.scatter.add.f32 [tilespmem:s25], [sflag:$0x4], $0x80, s18, s22, $0xb8;
	[tilespmem:$0x1D300] =	vst v63  }
0x1df: {  	_ = 	snop  }
0x1e0: {  	[spmem:s4] =	stream.indirect.scatter.add.f32 [tilespmem:s24], [sflag:$0x5], $0x1, s18, s22, $0xb8;
	[tilespmem:$0x1D300] =	vst v63  }
0x1e1: {  	_ =	swait.ge [sflag:s29], $0x4000  }
0x1e2: {  	[sflag:s29] =	ssyncset.done $0x0  }
0x1e3: {  	[sflag:s29] =	ssyncadd.s32 $0xFFFFC000  }
0x1e4: {  	_ =	swait.ge [sflag:s30], $0x80  }
0x1e5: {  	[sflag:s30] =	ssyncset.done $0x0  }
0x1e6: {  	s0 =	rddreg [dreg:$0x11];
	[sflag:s30] =	ssyncadd.s32 $0xFFFFFF80  }
0x1e7: {  	[tilespmem:s19], [sflag:$0x1] =	stream.indirect.gather [hbm4b:s1+s22], $0x80, s0, s22, $0xb8;
	[tilespmem:$0x1D300] =	vst v63  }
0x1e8: {  	_ =	swait.ge [sflag:s23], $0x4000  }
0x1e9: {  	[sflag:s23] =	ssyncset.done $0x0  }
0x1ea: {  	[sflag:s23] =	ssyncadd.s32 $0xFFFFC000  }
0x1eb: {  	[spmem:s3] =	stream.indirect.scatter.add.f32 [tilespmem:s19], [sflag:$0x3], $0x80, s6, s22, $0xb8;
	[tilespmem:$0x1D300] =	vst v63  }
0x1ec: {  	_ = 	snop  }
0x1ed: {  	[spmem:s4] =	stream.indirect.scatter.add.f32 [tilespmem:s24], [sflag:$0x5], $0x1, s6, s22, $0xb8;
	[tilespmem:$0x1D300] =	vst v63  }
0x1ee: {  	_ =	swait.ge [sflag:s2], $0x4000  }
0x1ef: {  	[sflag:s2] =	ssyncset.done $0x0  }
0x1f0: {  	[sflag:s2] =	ssyncadd.s32 $0xFFFFC000  }
0x1f1: {  	_ =	swait.ge [sflag:s30], $0x80  }
0x1f2: {  	[sflag:s30] =	ssyncset.done $0x0  }
0x1f3: {  	s0 =	rddreg [dreg:$0x12];
	[sflag:s30] =	ssyncadd.s32 $0xFFFFFF80  }
0x1f4: {  	[tilespmem:s25], [sflag:$0x2] =	stream.indirect.gather [hbm4b:s1+s22], $0x80, s0, s22, $0xb8;
	[tilespmem:$0x1D300] =	vst v63  }
0x1f5: {  	_ =	swait.ge [sflag:s26], $0x4000  }
0x1f6: {  	[sflag:s26] =	ssyncset.done $0x0  }
0x1f7: {  	s0 =	simm.s32 $0xE80;
	[sflag:s26] =	ssyncadd.s32 $0xFFFFC000  }
0x1f8: {  	[spmem:s3] =	stream.indirect.scatter.add.f32 [tilespmem:s25], [sflag:$0x4], $0x80, s0, s22, $0xb8;
	[tilespmem:$0x1D300] =	vst v63  }
0x1f9: {  	_ = 	snop  }
0x1fa: {  	[spmem:s4] =	stream.indirect.scatter.add.f32 [tilespmem:s24], [sflag:$0x5], $0x1, s0, s22, $0xb8;
	[tilespmem:$0x1D300] =	vst v63  }
0x1fb: {  	_ =	swait.ge [sflag:s29], $0x4000  }
0x1fc: {  	[sflag:s29] =	ssyncset.done $0x0  }
0x1fd: {  	[sflag:s29] =	ssyncadd.s32 $0xFFFFC000  }
0x1fe: {  	_ =	swait.ge [sflag:s30], $0x80  }
0x1ff: {  	[sflag:s30] =	ssyncset.done $0x0  }
0x200: {  	s0 =	rddreg [dreg:$0x13];
	[sflag:s30] =	ssyncadd.s32 $0xFFFFFF80  }
0x201: {  	[tilespmem:s19], [sflag:$0x1] =	stream.indirect.gather [hbm4b:s1+s22], $0x80, s0, s22, $0xb8;
	[tilespmem:$0x1D300] =	vst v63  }
0x202: {  	_ =	swait.ge [sflag:s23], $0x4000  }
0x203: {  	[sflag:s23] =	ssyncset.done $0x0  }
0x204: {  	s0 =	simm.s32 $0xF00;
	[sflag:s23] =	ssyncadd.s32 $0xFFFFC000  }
0x205: {  	[spmem:s3] =	stream.indirect.scatter.add.f32 [tilespmem:s19], [sflag:$0x3], $0x80, s0, s22, $0xb8;
	[tilespmem:$0x1D300] =	vst v63  }
0x206: {  	_ = 	snop  }
0x207: {  	[spmem:s4] =	stream.indirect.scatter.add.f32 [tilespmem:s24], [sflag:$0x5], $0x1, s0, s22, $0xb8;
	[tilespmem:$0x1D300] =	vst v63  }
0x208: {  	_ =	swait.ge [sflag:s2], $0x4000  }
0x209: {  	[sflag:s2] =	ssyncset.done $0x0  }
0x20a: {  	[sflag:s2] =	ssyncadd.s32 $0xFFFFC000  }
0x20b: {  	_ =	swait.ge [sflag:s30], $0x80  }
0x20c: {  	[sflag:s30] =	ssyncset.done $0x0  }
0x20d: {  	s0 =	rddreg [dreg:$0x14];
	[sflag:s30] =	ssyncadd.s32 $0xFFFFFF80  }
0x20e: {  	[tilespmem:s25], [sflag:$0x2] =	stream.indirect.gather [hbm4b:s1+s22], $0x80, s0, s22, $0xb8;
	[tilespmem:$0x1D300] =	vst v63  }
0x20f: {  	_ =	swait.ge [sflag:s26], $0x4000  }
0x210: {  	[sflag:s26] =	ssyncset.done $0x0  }
0x211: {  	s0 =	simm.s32 $0xF80;
	[sflag:s26] =	ssyncadd.s32 $0xFFFFC000  }
0x212: {  	[spmem:s3] =	stream.indirect.scatter.add.f32 [tilespmem:s25], [sflag:$0x4], $0x80, s0, s22, $0xb8;
	[tilespmem:$0x1D300] =	vst v63  }
0x213: {  	_ = 	snop  }
0x214: {  	[spmem:s4] =	stream.indirect.scatter.add.f32 [tilespmem:s24], [sflag:$0x5], $0x1, s0, s22, $0xb8;
	[tilespmem:$0x1D300] =	vst v63  }
0x215: {  	_ =	swait.ge [sflag:s29], $0x4000  }
0x216: {  	[sflag:s29] =	ssyncset.done $0x0  }
0x217: {  	[sflag:s29] =	ssyncadd.s32 $0xFFFFC000  }
0x218: {  	_ =	swait.ge [sflag:s30], $0x80  }
0x219: {  	[sflag:s30] =	ssyncset.done $0x0  }
0x21a: {  	p0 =	sne.s32 s28, $0x400;
	[sflag:s30] =	ssyncadd.s32 $0xFFFFFF80  }
.Ltmp1:
0x21b: {  	_ =	swait.ge [sflag:s2], $0x4000;
	(pc) =	sbr.rel @p0 .LBB2_4-.Ltmp1, $4  }
0x21c: {  	[sflag:s2] =	ssyncset.done $0x0  }
0x21d: {  	[sflag:s2] =	ssyncadd.s32 $0xFFFFC000  }
0x21e: {  	_ =	swait.ge [sflag:s30], $0x80  }
0x21f: {  	s28 =	sadd.s32 $0x100, s28;
	s31 =	rddreg [dreg:$0x6];
	[sflag:s30] =	ssyncset.done $0x0  }
0x220: {  	[sflag:s30] =	ssyncadd.s32 $0xFFFFFF80;
	s0 =	sadd.s32 s7, s31  }
0x221: {  	[tilespmem:s21], [sflag:$0x6] =	stream.linear.gather [hbm4b:s0+s21], $0x800, $0x38;
	[tilespmem:$0x1D300] =	vst v63  }
0x222: {  	_ =	swait.ge [sflag:s20], $0x800  }
0x223: {  	s28 =	rddreg [dreg:$0x5];
	[sflag:s20] =	ssyncset.done $0x0  }
0x224: {  	[sflag:s20] =	ssyncadd.s32 $0xFFFFF800;
	s0 =	sadd.s32 s7, s28  }
0x225: {  	[tilespmem:s5], [sflag:$0x6] =	stream.linear.gather [hbm4b:s0+s21], $0x800, $0x38;
	[tilespmem:$0x1D300] =	vst v63  }
0x226: {  	_ =	swait.ge [sflag:s20], $0x800  }
0x227: {  	[sflag:s20] =	ssyncset.done $0x0  }
0x228: {  	[sflag:s20] =	ssyncadd.s32 $0xFFFFF800  }
0x229: {  	[tilespmem:s19], [sflag:$0x1] =	stream.indirect.gather [hbm4b:s1+s22], $0x80, s21, s22, $0xb8;
	[tilespmem:$0x1D300] =	vst v63  }
0x22a: {  	_ =	swait.ge [sflag:s23], $0x4000  }
0x22b: {  	[sflag:s23] =	ssyncset.done $0x0  }
0x22c: {  	[sflag:s23] =	ssyncadd.s32 $0xFFFFC000  }
0x22d: {  	[spmem:s3] =	stream.indirect.scatter.add.f32 [tilespmem:s19], [sflag:$0x3], $0x80, s5, s22, $0xb8;
	[tilespmem:$0x1D300] =	vst v63  }
0x22e: {  	_ = 	snop  }
0x22f: {  	[spmem:s4] =	stream.indirect.scatter.add.f32 [tilespmem:s24], [sflag:$0x5], $0x1, s5, s22, $0xb8;
	[tilespmem:$0x1D300] =	vst v63  }
0x230: {  	_ = 	snop  }
0x231: {  	[tilespmem:s25], [sflag:$0x2] =	stream.indirect.gather [hbm4b:s1+s22], $0x80, s22, s22, $0xb8;
	[tilespmem:$0x1D300] =	vst v63  }
0x232: {  	_ =	swait.ge [sflag:s26], $0x4000  }
0x233: {  	[sflag:s26] =	ssyncset.done $0x0  }
0x234: {  	[sflag:s26] =	ssyncadd.s32 $0xFFFFC000  }
0x235: {  	[spmem:s3] =	stream.indirect.scatter.add.f32 [tilespmem:s25], [sflag:$0x4], $0x80, s8, s22, $0xb8;
	[tilespmem:$0x1D300] =	vst v63  }
0x236: {  	_ = 	snop  }
0x237: {  	[spmem:s4] =	stream.indirect.scatter.add.f32 [tilespmem:s24], [sflag:$0x5], $0x1, s8, s22, $0xb8;
	[tilespmem:$0x1D300] =	vst v63  }
0x238: {  	_ =	swait.ge [sflag:s29], $0x4000  }
0x239: {  	[sflag:s29] =	ssyncset.done $0x0  }
0x23a: {  	[sflag:s29] =	ssyncadd.s32 $0xFFFFC000  }
0x23b: {  	_ =	swait.ge [sflag:s30], $0x80  }
0x23c: {  	[sflag:s30] =	ssyncset.done $0x0  }
0x23d: {  	s28 =	rddreg [dreg:$0x7];
	[sflag:s30] =	ssyncadd.s32 $0xFFFFFF80  }
0x23e: {  	[tilespmem:s19], [sflag:$0x1] =	stream.indirect.gather [hbm4b:s1+s22], $0x80, s28, s22, $0xb8;
	[tilespmem:$0x1D300] =	vst v63  }
0x23f: {  	_ =	swait.ge [sflag:s23], $0x4000  }
0x240: {  	[sflag:s23] =	ssyncset.done $0x0  }
0x241: {  	[sflag:s23] =	ssyncadd.s32 $0xFFFFC000  }
0x242: {  	[spmem:s3] =	stream.indirect.scatter.add.f32 [tilespmem:s19], [sflag:$0x3], $0x80, s9, s22, $0xb8;
	[tilespmem:$0x1D300] =	vst v63  }
0x243: {  	_ = 	snop  }
0x244: {  	[spmem:s4] =	stream.indirect.scatter.add.f32 [tilespmem:s24], [sflag:$0x5], $0x1, s9, s22, $0xb8;
	[tilespmem:$0x1D300] =	vst v63  }
0x245: {  	_ =	swait.ge [sflag:s2], $0x4000  }
0x246: {  	[sflag:s2] =	ssyncset.done $0x0  }
0x247: {  	[sflag:s2] =	ssyncadd.s32 $0xFFFFC000  }
0x248: {  	_ =	swait.ge [sflag:s30], $0x80  }
0x249: {  	[sflag:s30] =	ssyncset.done $0x0  }
0x24a: {  	s5 =	rddreg [dreg:$0x8];
	[sflag:s30] =	ssyncadd.s32 $0xFFFFFF80  }
0x24b: {  	[tilespmem:s25], [sflag:$0x2] =	stream.indirect.gather [hbm4b:s1+s22], $0x80, s5, s22, $0xb8;
	[tilespmem:$0x1D300] =	vst v63  }
0x24c: {  	_ =	swait.ge [sflag:s26], $0x4000  }
0x24d: {  	[sflag:s26] =	ssyncset.done $0x0  }
0x24e: {  	[sflag:s26] =	ssyncadd.s32 $0xFFFFC000  }
0x24f: {  	[spmem:s3] =	stream.indirect.scatter.add.f32 [tilespmem:s25], [sflag:$0x4], $0x80, s10, s22, $0xb8;
	[tilespmem:$0x1D300] =	vst v63  }
0x250: {  	_ = 	snop  }
0x251: {  	[spmem:s4] =	stream.indirect.scatter.add.f32 [tilespmem:s24], [sflag:$0x5], $0x1, s10, s22, $0xb8;
	[tilespmem:$0x1D300] =	vst v63  }
0x252: {  	_ =	swait.ge [sflag:s29], $0x4000  }
0x253: {  	[sflag:s29] =	ssyncset.done $0x0  }
0x254: {  	[sflag:s29] =	ssyncadd.s32 $0xFFFFC000  }
0x255: {  	_ =	swait.ge [sflag:s30], $0x80  }
0x256: {  	[sflag:s30] =	ssyncset.done $0x0  }
0x257: {  	s7 =	rddreg [dreg:$0x9];
	[sflag:s30] =	ssyncadd.s32 $0xFFFFFF80  }
0x258: {  	[tilespmem:s19], [sflag:$0x1] =	stream.indirect.gather [hbm4b:s1+s22], $0x80, s7, s22, $0xb8;
	[tilespmem:$0x1D300] =	vst v63  }
0x259: {  	_ =	swait.ge [sflag:s23], $0x4000  }
0x25a: {  	[sflag:s23] =	ssyncset.done $0x0  }
0x25b: {  	[sflag:s23] =	ssyncadd.s32 $0xFFFFC000  }
0x25c: {  	[spmem:s3] =	stream.indirect.scatter.add.f32 [tilespmem:s19], [sflag:$0x3], $0x80, s11, s22, $0xb8;
	[tilespmem:$0x1D300] =	vst v63  }
0x25d: {  	_ = 	snop  }
0x25e: {  	[spmem:s4] =	stream.indirect.scatter.add.f32 [tilespmem:s24], [sflag:$0x5], $0x1, s11, s22, $0xb8;
	[tilespmem:$0x1D300] =	vst v63  }
0x25f: {  	_ =	swait.ge [sflag:s2], $0x4000  }
0x260: {  	[sflag:s2] =	ssyncset.done $0x0  }
0x261: {  	[sflag:s2] =	ssyncadd.s32 $0xFFFFC000  }
0x262: {  	_ =	swait.ge [sflag:s30], $0x80  }
0x263: {  	[sflag:s30] =	ssyncset.done $0x0  }
0x264: {  	s28 =	rddreg [dreg:$0xa];
	[sflag:s30] =	ssyncadd.s32 $0xFFFFFF80  }
0x265: {  	[tilespmem:s25], [sflag:$0x2] =	stream.indirect.gather [hbm4b:s1+s22], $0x80, s28, s22, $0xb8;
	[tilespmem:$0x1D300] =	vst v63  }
0x266: {  	_ =	swait.ge [sflag:s26], $0x4000  }
0x267: {  	[sflag:s26] =	ssyncset.done $0x0  }
0x268: {  	[sflag:s26] =	ssyncadd.s32 $0xFFFFC000  }
0x269: {  	[spmem:s3] =	stream.indirect.scatter.add.f32 [tilespmem:s25], [sflag:$0x4], $0x80, s12, s22, $0xb8;
	[tilespmem:$0x1D300] =	vst v63  }
0x26a: {  	_ = 	snop  }
0x26b: {  	[spmem:s4] =	stream.indirect.scatter.add.f32 [tilespmem:s24], [sflag:$0x5], $0x1, s12, s22, $0xb8;
	[tilespmem:$0x1D300] =	vst v63  }
0x26c: {  	_ =	swait.ge [sflag:s29], $0x4000  }
0x26d: {  	[sflag:s29] =	ssyncset.done $0x0  }
0x26e: {  	[sflag:s29] =	ssyncadd.s32 $0xFFFFC000  }
0x26f: {  	_ =	swait.ge [sflag:s30], $0x80  }
0x270: {  	[sflag:s30] =	ssyncset.done $0x0  }
0x271: {  	s5 =	rddreg [dreg:$0xb];
	[sflag:s30] =	ssyncadd.s32 $0xFFFFFF80  }
0x272: {  	[tilespmem:s19], [sflag:$0x1] =	stream.indirect.gather [hbm4b:s1+s22], $0x80, s5, s22, $0xb8;
	[tilespmem:$0x1D300] =	vst v63  }
0x273: {  	_ =	swait.ge [sflag:s23], $0x4000  }
0x274: {  	[sflag:s23] =	ssyncset.done $0x0  }
0x275: {  	[sflag:s23] =	ssyncadd.s32 $0xFFFFC000  }
0x276: {  	[spmem:s3] =	stream.indirect.scatter.add.f32 [tilespmem:s19], [sflag:$0x3], $0x80, s13, s22, $0xb8;
	[tilespmem:$0x1D300] =	vst v63  }
0x277: {  	_ = 	snop  }
0x278: {  	[spmem:s4] =	stream.indirect.scatter.add.f32 [tilespmem:s24], [sflag:$0x5], $0x1, s13, s22, $0xb8;
	[tilespmem:$0x1D300] =	vst v63  }
0x279: {  	_ =	swait.ge [sflag:s2], $0x4000  }
0x27a: {  	[sflag:s2] =	ssyncset.done $0x0  }
0x27b: {  	[sflag:s2] =	ssyncadd.s32 $0xFFFFC000  }
0x27c: {  	_ =	swait.ge [sflag:s30], $0x80  }
0x27d: {  	[sflag:s30] =	ssyncset.done $0x0  }
0x27e: {  	s7 =	rddreg [dreg:$0xc];
	[sflag:s30] =	ssyncadd.s32 $0xFFFFFF80  }
0x27f: {  	[tilespmem:s25], [sflag:$0x2] =	stream.indirect.gather [hbm4b:s1+s22], $0x80, s7, s22, $0xb8;
	[tilespmem:$0x1D300] =	vst v63  }
0x280: {  	_ =	swait.ge [sflag:s26], $0x4000  }
0x281: {  	[sflag:s26] =	ssyncset.done $0x0  }
0x282: {  	[sflag:s26] =	ssyncadd.s32 $0xFFFFC000  }
0x283: {  	[spmem:s3] =	stream.indirect.scatter.add.f32 [tilespmem:s25], [sflag:$0x4], $0x80, s14, s22, $0xb8;
	[tilespmem:$0x1D300] =	vst v63  }
0x284: {  	_ = 	snop  }
0x285: {  	[spmem:s4] =	stream.indirect.scatter.add.f32 [tilespmem:s24], [sflag:$0x5], $0x1, s14, s22, $0xb8;
	[tilespmem:$0x1D300] =	vst v63  }
0x286: {  	_ =	swait.ge [sflag:s29], $0x4000  }
0x287: {  	[sflag:s29] =	ssyncset.done $0x0  }
0x288: {  	[sflag:s29] =	ssyncadd.s32 $0xFFFFC000  }
0x289: {  	_ =	swait.ge [sflag:s30], $0x80  }
0x28a: {  	[sflag:s30] =	ssyncset.done $0x0  }
0x28b: {  	s28 =	rddreg [dreg:$0xd];
	[sflag:s30] =	ssyncadd.s32 $0xFFFFFF80  }
0x28c: {  	[tilespmem:s19], [sflag:$0x1] =	stream.indirect.gather [hbm4b:s1+s22], $0x80, s28, s22, $0xb8;
	[tilespmem:$0x1D300] =	vst v63  }
0x28d: {  	_ =	swait.ge [sflag:s23], $0x4000  }
0x28e: {  	[sflag:s23] =	ssyncset.done $0x0  }
0x28f: {  	[sflag:s23] =	ssyncadd.s32 $0xFFFFC000  }
0x290: {  	[spmem:s3] =	stream.indirect.scatter.add.f32 [tilespmem:s19], [sflag:$0x3], $0x80, s15, s22, $0xb8;
	[tilespmem:$0x1D300] =	vst v63  }
0x291: {  	_ = 	snop  }
0x292: {  	[spmem:s4] =	stream.indirect.scatter.add.f32 [tilespmem:s24], [sflag:$0x5], $0x1, s15, s22, $0xb8;
	[tilespmem:$0x1D300] =	vst v63  }
0x293: {  	_ =	swait.ge [sflag:s2], $0x4000  }
0x294: {  	[sflag:s2] =	ssyncset.done $0x0  }
0x295: {  	[sflag:s2] =	ssyncadd.s32 $0xFFFFC000  }
0x296: {  	_ =	swait.ge [sflag:s30], $0x80  }
0x297: {  	[sflag:s30] =	ssyncset.done $0x0  }
0x298: {  	s5 =	rddreg [dreg:$0xe];
	[sflag:s30] =	ssyncadd.s32 $0xFFFFFF80  }
0x299: {  	[tilespmem:s25], [sflag:$0x2] =	stream.indirect.gather [hbm4b:s1+s22], $0x80, s5, s22, $0xb8;
	[tilespmem:$0x1D300] =	vst v63  }
0x29a: {  	_ =	swait.ge [sflag:s26], $0x4000  }
0x29b: {  	[sflag:s26] =	ssyncset.done $0x0  }
0x29c: {  	[sflag:s26] =	ssyncadd.s32 $0xFFFFC000  }
0x29d: {  	[spmem:s3] =	stream.indirect.scatter.add.f32 [tilespmem:s25], [sflag:$0x4], $0x80, s16, s22, $0xb8;
	[tilespmem:$0x1D300] =	vst v63  }
0x29e: {  	_ = 	snop  }
0x29f: {  	[spmem:s4] =	stream.indirect.scatter.add.f32 [tilespmem:s24], [sflag:$0x5], $0x1, s16, s22, $0xb8;
	[tilespmem:$0x1D300] =	vst v63  }
0x2a0: {  	_ =	swait.ge [sflag:s29], $0x4000  }
0x2a1: {  	[sflag:s29] =	ssyncset.done $0x0  }
0x2a2: {  	[sflag:s29] =	ssyncadd.s32 $0xFFFFC000  }
0x2a3: {  	_ =	swait.ge [sflag:s30], $0x80  }
0x2a4: {  	[sflag:s30] =	ssyncset.done $0x0  }
0x2a5: {  	s7 =	rddreg [dreg:$0xf];
	[sflag:s30] =	ssyncadd.s32 $0xFFFFFF80  }
0x2a6: {  	[tilespmem:s19], [sflag:$0x1] =	stream.indirect.gather [hbm4b:s1+s22], $0x80, s7, s22, $0xb8;
	[tilespmem:$0x1D300] =	vst v63  }
0x2a7: {  	_ =	swait.ge [sflag:s23], $0x4000  }
0x2a8: {  	[sflag:s23] =	ssyncset.done $0x0  }
0x2a9: {  	[sflag:s23] =	ssyncadd.s32 $0xFFFFC000  }
0x2aa: {  	[spmem:s3] =	stream.indirect.scatter.add.f32 [tilespmem:s19], [sflag:$0x3], $0x80, s17, s22, $0xb8;
	[tilespmem:$0x1D300] =	vst v63  }
0x2ab: {  	_ = 	snop  }
0x2ac: {  	[spmem:s4] =	stream.indirect.scatter.add.f32 [tilespmem:s24], [sflag:$0x5], $0x1, s17, s22, $0xb8;
	[tilespmem:$0x1D300] =	vst v63  }
0x2ad: {  	_ =	swait.ge [sflag:s2], $0x4000  }
0x2ae: {  	[sflag:s2] =	ssyncset.done $0x0  }
0x2af: {  	[sflag:s2] =	ssyncadd.s32 $0xFFFFC000  }
0x2b0: {  	_ =	swait.ge [sflag:s30], $0x80  }
0x2b1: {  	[sflag:s30] =	ssyncset.done $0x0  }
0x2b2: {  	s28 =	rddreg [dreg:$0x10];
	[sflag:s30] =	ssyncadd.s32 $0xFFFFFF80  }
0x2b3: {  	[tilespmem:s25], [sflag:$0x2] =	stream.indirect.gather [hbm4b:s1+s22], $0x80, s28, s22, $0xb8;
	[tilespmem:$0x1D300] =	vst v63  }
0x2b4: {  	_ =	swait.ge [sflag:s26], $0x4000  }
0x2b5: {  	[sflag:s26] =	ssyncset.done $0x0  }
0x2b6: {  	[sflag:s26] =	ssyncadd.s32 $0xFFFFC000  }
0x2b7: {  	[spmem:s3] =	stream.indirect.scatter.add.f32 [tilespmem:s25], [sflag:$0x4], $0x80, s18, s22, $0xb8;
	[tilespmem:$0x1D300] =	vst v63  }
0x2b8: {  	_ = 	snop  }
0x2b9: {  	[spmem:s4] =	stream.indirect.scatter.add.f32 [tilespmem:s24], [sflag:$0x5], $0x1, s18, s22, $0xb8;
	[tilespmem:$0x1D300] =	vst v63  }
0x2ba: {  	_ =	swait.ge [sflag:s29], $0x4000  }
0x2bb: {  	[sflag:s29] =	ssyncset.done $0x0  }
0x2bc: {  	[sflag:s29] =	ssyncadd.s32 $0xFFFFC000  }
0x2bd: {  	_ =	swait.ge [sflag:s30], $0x80  }
0x2be: {  	[sflag:s30] =	ssyncset.done $0x0  }
0x2bf: {  	s5 =	rddreg [dreg:$0x11];
	[sflag:s30] =	ssyncadd.s32 $0xFFFFFF80  }
0x2c0: {  	[tilespmem:s19], [sflag:$0x1] =	stream.indirect.gather [hbm4b:s1+s22], $0x80, s5, s22, $0xb8;
	[tilespmem:$0x1D300] =	vst v63  }
0x2c1: {  	_ =	swait.ge [sflag:s23], $0x4000  }
0x2c2: {  	[sflag:s23] =	ssyncset.done $0x0  }
0x2c3: {  	[sflag:s23] =	ssyncadd.s32 $0xFFFFC000  }
0x2c4: {  	[spmem:s3] =	stream.indirect.scatter.add.f32 [tilespmem:s19], [sflag:$0x3], $0x80, s6, s22, $0xb8;
	[tilespmem:$0x1D300] =	vst v63  }
0x2c5: {  	_ = 	snop  }
0x2c6: {  	[spmem:s4] =	stream.indirect.scatter.add.f32 [tilespmem:s24], [sflag:$0x5], $0x1, s6, s22, $0xb8;
	[tilespmem:$0x1D300] =	vst v63  }
0x2c7: {  	_ =	swait.ge [sflag:s2], $0x4000  }
0x2c8: {  	[sflag:s2] =	ssyncset.done $0x0  }
0x2c9: {  	[sflag:s2] =	ssyncadd.s32 $0xFFFFC000  }
0x2ca: {  	_ =	swait.ge [sflag:s30], $0x80  }
0x2cb: {  	[sflag:s30] =	ssyncset.done $0x0  }
0x2cc: {  	s6 =	rddreg [dreg:$0x12];
	[sflag:s30] =	ssyncadd.s32 $0xFFFFFF80  }
0x2cd: {  	[tilespmem:s25], [sflag:$0x2] =	stream.indirect.gather [hbm4b:s1+s22], $0x80, s6, s22, $0xb8;
	[tilespmem:$0x1D300] =	vst v63  }
0x2ce: {  	_ =	swait.ge [sflag:s26], $0x4000  }
0x2cf: {  	[sflag:s26] =	ssyncset.done $0x0  }
0x2d0: {  	s7 =	simm.s32 $0xE80;
	[sflag:s26] =	ssyncadd.s32 $0xFFFFC000  }
0x2d1: {  	[spmem:s3] =	stream.indirect.scatter.add.f32 [tilespmem:s25], [sflag:$0x4], $0x80, s7, s22, $0xb8;
	[tilespmem:$0x1D300] =	vst v63  }
0x2d2: {  	_ = 	snop  }
0x2d3: {  	[spmem:s4] =	stream.indirect.scatter.add.f32 [tilespmem:s24], [sflag:$0x5], $0x1, s7, s22, $0xb8;
	[tilespmem:$0x1D300] =	vst v63  }
0x2d4: {  	_ =	swait.ge [sflag:s29], $0x4000  }
0x2d5: {  	[sflag:s29] =	ssyncset.done $0x0  }
0x2d6: {  	[sflag:s29] =	ssyncadd.s32 $0xFFFFC000  }
0x2d7: {  	_ =	swait.ge [sflag:s30], $0x80  }
0x2d8: {  	[sflag:s30] =	ssyncset.done $0x0  }
0x2d9: {  	s28 =	rddreg [dreg:$0x13];
	[sflag:s30] =	ssyncadd.s32 $0xFFFFFF80  }
0x2da: {  	[tilespmem:s19], [sflag:$0x1] =	stream.indirect.gather [hbm4b:s1+s22], $0x80, s28, s22, $0xb8;
	[tilespmem:$0x1D300] =	vst v63  }
0x2db: {  	_ =	swait.ge [sflag:s23], $0x4000  }
0x2dc: {  	[sflag:s23] =	ssyncset.done $0x0  }
0x2dd: {  	s5 =	simm.s32 $0xF00;
	[sflag:s23] =	ssyncadd.s32 $0xFFFFC000  }
0x2de: {  	[spmem:s3] =	stream.indirect.scatter.add.f32 [tilespmem:s19], [sflag:$0x3], $0x80, s5, s22, $0xb8;
	[tilespmem:$0x1D300] =	vst v63  }
0x2df: {  	_ = 	snop  }
0x2e0: {  	[spmem:s4] =	stream.indirect.scatter.add.f32 [tilespmem:s24], [sflag:$0x5], $0x1, s5, s22, $0xb8;
	[tilespmem:$0x1D300] =	vst v63  }
0x2e1: {  	_ =	swait.ge [sflag:s2], $0x4000  }
0x2e2: {  	[sflag:s2] =	ssyncset.done $0x0  }
0x2e3: {  	[sflag:s2] =	ssyncadd.s32 $0xFFFFC000  }
0x2e4: {  	_ =	swait.ge [sflag:s30], $0x80  }
0x2e5: {  	[sflag:s30] =	ssyncset.done $0x0  }
0x2e6: {  	s6 =	rddreg [dreg:$0x14];
	[sflag:s30] =	ssyncadd.s32 $0xFFFFFF80  }
0x2e7: {  	[tilespmem:s25], [sflag:$0x2] =	stream.indirect.gather [hbm4b:s1+s22], $0x80, s6, s22, $0xb8;
	[tilespmem:$0x1D300] =	vst v63  }
0x2e8: {  	_ =	swait.ge [sflag:s26], $0x4000  }
0x2e9: {  	[sflag:s26] =	ssyncset.done $0x0  }
0x2ea: {  	s7 =	simm.s32 $0xF80;
	[sflag:s26] =	ssyncadd.s32 $0xFFFFC000  }
0x2eb: {  	[spmem:s3] =	stream.indirect.scatter.add.f32 [tilespmem:s25], [sflag:$0x4], $0x80, s7, s22, $0xb8;
	[tilespmem:$0x1D300] =	vst v63  }
0x2ec: {  	_ = 	snop  }
0x2ed: {  	[spmem:s4] =	stream.indirect.scatter.add.f32 [tilespmem:s24], [sflag:$0x5], $0x1, s7, s22, $0xb8;
	[tilespmem:$0x1D300] =	vst v63  }
0x2ee: {  	_ =	swait.ge [sflag:s29], $0x4000  }
0x2ef: {  	[sflag:s29] =	ssyncset.done $0x0  }
0x2f0: {  	[sflag:s29] =	ssyncadd.s32 $0xFFFFC000  }
0x2f1: {  	_ =	swait.ge [sflag:s30], $0x80  }
0x2f2: {  	[sflag:s30] =	ssyncset.done $0x0  }
0x2f3: {  	[sflag:s30] =	ssyncadd.s32 $0xFFFFFF80  }
0x2f4: {  	_ =	swait.ge [sflag:s2], $0x4000  }
0x2f5: {  	[sflag:s2] =	ssyncset.done $0x0  }
0x2f6: {  	[sflag:s2] =	ssyncadd.s32 $0xFFFFC000  }
0x2f7: {  	_ =	swait.ge [sflag:s30], $0x80  }
0x2f8: {  	[sflag:s30] =	ssyncset.done $0x0  }
0x2f9: {  	[sflag:s30] =	ssyncadd.s32 $0xFFFFFF80  }
0x2fa: {  	s28 =	stileid.u32;
	[bflag:$0x0] =	sbarrier.arrive $0xFFFF  }
0x2fb: {  	s0 =	sshll.u32 s28, $0x6;
	s31 =	rddreg [dreg:$0x15]  }
0x2fc: {  	s0 =	sor.u32 $0x1C06, s0;
	s28 =	rddreg [dreg:$0x1f];
	s5 =	sshrl.u32 s31, $0x3  }
0x2fd: {  	[hbm:s28], [sflag:s0] =	dma.local [spmem:s5], $0x2800  }
0x2fe: {  	_ =	swait.ge [sflag:s20], $0x2800  }
0x2ff: {  	s28 =	sld [smem:$0x7FC]  }
0x300: {  	s5 =	simm.s32 $0x20;
	[sflag:s20] =	ssyncset.done $0x0;
	s6 =	rddreg [dreg:$0x16]  }
0x301: {  	[sflag:s20] =	ssyncadd.s32 $0xFFFFD800;
	s7 =	sshrl.u32 s6, $0x3;
	s6 =	simm.s32 $0x10  }
0x302: {  	[hbm:s28@s5], [sflag:s0] =	dma.strided [spmem:s7@s6], $0x50, s23, $0x10   }
0x303: {  	_ =	swait.ge [sflag:s20], $0x50  }
0x304: {  	s7 =	sld [smem:$0x7FB]  }
0x305: {  	s28 =	sld [smem:$0x7FD];
	_ =	sdelay $0x1  }
0x306: {  	s5 =	sadd.s32 $0x1, s7  }
0x307: {  	p0 =	sne.s32 s5, s28  }
.Ltmp2:
0x308: {  	_ = 	snop;
	(pc) =	sbr.rel @p0 .LBB2_1-.Ltmp2, $3  }
0x309: {  	_ =	sdelay $0x1  }
0x30a: {  	[sflag:s20] =	ssyncset.done $0x0  }
0x30b: {  	[sflag:s20] =	ssyncadd.s32 $0xFFFFFFB0  }
0x30c: {  	_ =	sfence.sel $0x180000  }
0x30d: {  	[bflag:$0x0] =	sbarrier.arrive $0xFFFF  }
0x30e: {  	_ =	strace $0x9000004A  }
0x30f: {  	s0 =	stileid.u32;
	[bflag:$0x2] =	sbarrier.arrive $0xFFFF  }
0x310: {  	p0 =	sne.s32 s0, $0x0;
	s0 =	rddreg [dreg:$0x4]  }
0x311: {  	s0 =	sadd.s32 @!p0 $0x100000, s0  }
0x312: {  	[sflag:s0] =	ssyncadd.tile.s32 @!p0 $0x1;
	_ =	shalt  }
.Lfunc_end2:
_tile_overlayer_lowered:
.L_overlay_start_2:
0x313: {  	(tag) =	ssettag $0x2  }
0x314: {  	s0 =	rddreg [dreg:$0x0];
	s2 =	stileid.u32  }
0x315: {  	s1 =	rddreg [dreg:$0x1];
	p0 =	sne.s32 s2, $0x0  }
0x316: {  	s3 =	rddreg [dreg:$0x2];
	[bflag:$0x3] =	sbarrier.arrive $0xFFFF;
	s2 =	simm.s32 @!p0 $0x1C06  }
0x317: {  	[timem:s3], [sflag:s2] =	dma.local @!p0 [hbm:s0], s1  }
0x318: {  	s0 =	simm.s32 @!p0 $0x6  }
0x319: {  	_ =	swait.ge @!p0 [sflag:s0], s1  }
0x31a: {  	s1 =	ssub.s32 @!p0 $0x0, s1;
	[sflag:s0] =	ssyncset.done @!p0 $0x0  }
0x31b: {  	[sflag:s0] =	ssyncadd.s32 @!p0 s1  }
0x31c: {  	[bflag:$0x3] =	sbarrier.arrive $0xFFFF  }
0x31d: {  	_ =	shalt  }

// kernel: kernel.7.cloned.1.call-start
scs
__scs_entry_jumppad:
0x0: {  	(pc) =	sbr.rel $0x88, $3  }
0x1: {  	(tag) =	ssettag $0x0;
	lr =	simm.s32 $0x1  }
0x2: {  	[smem:$0x3F99] =	sst lr;
	_ =	strace $0xD0000000  }
0x3: {  	_ = 	snop  }
0x4: {  	_ = 	snop  }
0x5: {  	_ = 	snop  }
0x6: {  	_ = 	snop  }
0x7: {  	_ = 	snop  }
__scs_overlays_trampoline_lowered:
0x8: {  	[smem:$0x3FA8] =	sst s0  }
0x9: {  	[smem:$0x3FA9] =	sst s1  }
0xa: {  	[smem:$0x3FAA] =	sst s2  }
0xb: {  	[smem:$0x3FAB] =	sst s3  }
0xc: {  	[smem:$0x3FAC] =	sst s4  }
0xd: {  	[smem:$0x3FAD] =	sst s5  }
0xe: {  	[smem:$0x3FAE] =	sst s6  }
0xf: {  	[smem:$0x3FAF] =	sst s7  }
0x10: {  	[smem:$0x3FB0] =	sst s8  }
0x11: {  	[smem:$0x3FB1] =	sst s9;
	s0 =	simm.s32 @!p0 $0x0  }
0x12: {  	s1 =	sld [smem:$0x3F97];
	s0 =	simm.s32 @p0 $0x1  }
0x13: {  	[smem:$0x3FB2] =	sst s0;
	s0 =	simm.s32 @!p1 $0x0  }
0x14: {  	s2 =	sld [smem:$0x3F96];
	s0 =	simm.s32 @p1 $0x1  }
0x15: {  	[smem:$0x3FB3] =	sst s0;
	s0 =	simm.s32 @!p2 $0x0  }
0x16: {  	s3 =	sld [smem:$0x3FDB];
	s0 =	simm.s32 @p2 $0x1  }
0x17: {  	s4 =	simm.s32 $0x1BF5;
	[smem:$0x3FB5] =	sst s0  }
0x18: {  	s0 =	sld [smem:$0x3F98];
	_ =	swait.ge [sflag:s4], $0x0  }
0x19: {  	s7 =	sld [smem:$0x3F99]  }
0x1a: {  	s8 =	sadd.s32 $0xFFFFE003, lr  }
0x1b: {  	s9 =	sadd.s32 $0xFFFFFEF7, lr;
	s5 =	simm.s32 $0xFFFFFFFF;
	p2 =	slt.u32 s8, $0xFFFFF086  }
0x1c: {  	p1 =	slt.u32 s9, $0xF7A;
	s5 =	simm.s32 @!p2 $0x0  }
0x1d: {  	s5 =	simm.s32 @p1 $0x1;
	p0 =	seq.s32 s7, s2  }
0x1e: {  	s7 =	smul.u32 @!p0 $0xF7A, s2;
	p2 =	seq.s32 @!p0 s5, $0x0  }
0x1f: {  	s9 =	smul.u32 $0xF7A, s1;
	s8 =	simm.s32 @!p0 $0x1BF5;
	p2 =	por !p2, p0  }
0x20: {  	[sflag:s8] =	ssyncset.s32 @!p0 $0xFFFFF086;
	s6 =	sadd.s32 @!p0 s3, s7;
	s7 =	simm.s32 @!p0 $0x108  }
0x21: {  	s3 =	sadd.s32 s3, s9;
	s6 =	sadd.s32 @!p0 $0x88, s6;
	s7 =	simm.s32 @p2 $0x1082  }
0x22: {  	[simem:s7], [sflag:s8] =	dma.local @!p0 [hbm:s6], $0xF7A  }
0x23: {  	s9 =	sor.u32 $0xD0000000, s2;
	s6 =	simm.s32 $0x108;
	_ =	swait.ge @!p0 [sflag:s8], $0x0  }
0x24: {  	s3 =	sadd.s32 $0x88, s3;
	s6 =	simm.s32 @!p1 $0x1082;
	[sflag:s4] =	ssyncset.s32 $0xFFFFF086  }
0x25: {  	[simem:s6], [sflag:s4] =	dma.local [hbm:s3], $0xF7A  }
0x26: {  	[smem:$0x3F99] =	sst s1;
	(tag) =	ssettag s2;
	_ =	strace s9  }
0x27: {  	s1 =	sld [smem:$0x3FA9]  }
0x28: {  	s2 =	sld [smem:$0x3FAA]  }
0x29: {  	s4 =	sld [smem:$0x3FAC]  }
0x2a: {  	p0 =	seq.s32 s5, $0x0;
	s5 =	sld [smem:$0x3FAD]  }
0x2b: {  	s6 =	sld [smem:$0x3FAE]  }
0x2c: {  	s7 =	sld [smem:$0x3FAF]  }
0x2d: {  	s3 =	simm.s32 $0x108;
	s8 =	sld [smem:$0x3FB0]  }
0x2e: {  	s3 =	simm.s32 @!p0 $0x1082;
	s9 =	sld [smem:$0x3FB1]  }
0x2f: {  	lr =	sadd.s32 s0, s3;
	s0 =	sld [smem:$0x3FA8]  }
0x30: {  	s3 =	sld [smem:$0x3FAB]  }
0x31: {  	[smem:$0x3FB4] =	sst s10  }
0x32: {  	s10 =	sld [smem:$0x3FB2];
	_ =	sdelay $0x3  }
0x33: {  	p0 =	seq.s32 s10, $0x1;
	s10 =	sld [smem:$0x3FB4];
	_ =	sdelay $0x3  }
0x34: {  	[smem:$0x3FB4] =	sst s10  }
0x35: {  	s10 =	sld [smem:$0x3FB3];
	_ =	sdelay $0x3  }
0x36: {  	p1 =	seq.s32 s10, $0x1;
	s10 =	sld [smem:$0x3FB4];
	_ =	sdelay $0x3  }
0x37: {  	[smem:$0x3FB4] =	sst s10  }
0x38: {  	s10 =	sld [smem:$0x3FB5]  }
0x39: {  	_ = 	snop;
	(pc) =	sbr.ind lr, $3  }
0x3a: {  	_ = 	snop  }
0x3b: {  	_ = 	snop  }
0x3c: {  	p2 =	seq.s32 s10, $0x1;
	s10 =	sld [smem:$0x3FB4]  }
0x3d: {  	_ =	shalt  }
0x3e: {  	_ =	shalt  }
0x3f: {  	_ =	shalt  }
0x40: {  	_ =	shalt  }
0x41: {  	_ =	shalt  }
0x42: {  	_ =	shalt  }
0x43: {  	_ =	shalt  }
0x44: {  	_ =	shalt  }
0x45: {  	_ =	shalt  }
0x46: {  	_ =	shalt  }
0x47: {  	_ =	shalt  }
0x48: {  	_ =	shalt  }
0x49: {  	_ =	shalt  }
0x4a: {  	_ =	shalt  }
0x4b: {  	_ =	shalt  }
0x4c: {  	_ =	shalt  }
0x4d: {  	_ =	shalt  }
0x4e: {  	_ =	shalt  }
0x4f: {  	_ =	shalt  }
0x50: {  	_ =	shalt  }
0x51: {  	_ =	shalt  }
0x52: {  	_ =	shalt  }
0x53: {  	_ =	shalt  }
0x54: {  	_ =	shalt  }
0x55: {  	_ =	shalt  }
0x56: {  	_ =	shalt  }
0x57: {  	_ =	shalt  }
0x58: {  	_ =	shalt  }
0x59: {  	_ =	shalt  }
0x5a: {  	_ =	shalt  }
0x5b: {  	_ =	shalt  }
0x5c: {  	_ =	shalt  }
0x5d: {  	_ =	shalt  }
0x5e: {  	_ =	shalt  }
0x5f: {  	_ =	shalt  }
0x60: {  	_ =	shalt  }
0x61: {  	_ =	shalt  }
0x62: {  	_ =	shalt  }
0x63: {  	_ =	shalt  }
0x64: {  	_ =	shalt  }
0x65: {  	_ =	shalt  }
0x66: {  	_ =	shalt  }
0x67: {  	_ =	shalt  }
0x68: {  	_ =	shalt  }
0x69: {  	_ =	shalt  }
0x6a: {  	_ =	shalt  }
0x6b: {  	_ =	shalt  }
0x6c: {  	_ =	shalt  }
0x6d: {  	_ =	shalt  }
0x6e: {  	_ =	shalt  }
0x6f: {  	_ =	shalt  }
0x70: {  	_ =	shalt  }
0x71: {  	_ =	shalt  }
0x72: {  	_ =	shalt  }
0x73: {  	_ =	shalt  }
0x74: {  	_ =	shalt  }
0x75: {  	_ =	shalt  }
0x76: {  	_ =	shalt  }
0x77: {  	_ =	shalt  }
0x78: {  	_ =	shalt  }
0x79: {  	_ =	shalt  }
0x7a: {  	_ =	shalt  }
0x7b: {  	_ =	shalt  }
0x7c: {  	_ =	shalt  }
0x7d: {  	_ =	shalt  }
0x7e: {  	_ =	shalt  }
0x7f: {  	_ =	shalt  }
0x80: {  	_ =	shalt  }
0x81: {  	_ =	shalt  }
0x82: {  	_ =	shalt  }
0x83: {  	_ =	shalt  }
0x84: {  	_ =	shalt  }
0x85: {  	_ =	shalt  }
0x86: {  	_ =	shalt  }
0x87: {  	_ =	shalt  }
.Lfunc_end0:
.L_simem_size_0:
called_computation_lowered:
.L_overlay_start_0:
0x88: {  	s2 =	sld [smem:$0x3FD9]  }
0x89: {  	s3 =	sld [smem:$0x3FFE];
	_ =	sdelay $0x1  }
0x8a: {  	s1 =	srdreg.scid  }
0x8b: {  	s0 =	sand.u32 $0x1, s1  }
0x8c: {  	s17 =	sshll.u32 s0, $0xA;
	s2 =	sadd.s32 s3, s2  }
0x8d: {  	s2 =	sadd.s32 s2, s17  }
0x8e: {  	[smem:$0x3FC0] =	sst s2  }
0x8f: {  	_ = 	snop  }
0x90: {  	s2 =	sld [smem:$0x3FD0];
	(tm) =	ssettm $0x1  }
0x91: {  	s18 =	sld [smem:$0x3FFB];
	_ =	sdelay $0x3  }
0x92: {  	_ =	strace s18  }
0x93: {  	s3 =	sld [smem:$0x3FFC];
	_ =	sdelay $0x3  }
0x94: {  	_ =	strace s3  }
0x95: {  	s3 =	sld [smem:$0x3FFD];
	_ =	sdelay $0x3  }
0x96: {  	_ =	strace s3  }
0x97: {  	_ =	strace $0x8FFFFFFF  }
0x98: {  	s19 =	sld [smem:$0x3FDB];
	_ =	sdelay $0x1  }
0x99: {  	s4 =	simm.s32 $_scs_section_size  }
0x9a: {  	s5 =	simm.s32 $_size__tile_overlayer_lowered;
	s6 =	simm.s32 $_tile_overlayer_lowered  }
0x9b: {  	s22 =	simm.s32 $0x1BFF;
	s21 =	sshll.u32 s6, $0x1;
	s3 =	sadd.s32 s4, s19  }
0x9c: {  	s7 =	simm.s32 $0x0;
	s20 =	sshll.u32 s5, $0x1;
	s5 =	sadd.s32 s21, s3  }
0x9d: {  	[timem:s7], [sflag:s22] =	dma.local [hbm:s5], s20  }
0x9e: {  	_ =	swait.ge [sflag:s22], s20  }
0x9f: {  	s4 =	ssub.s32 $0x0, s20;
	[sflag:s22] =	ssyncset.done $0x0  }
0xa0: {  	[sflag:s22] =	ssyncadd.s32 s4;
	_ =	sdelay $0x1  }
0xa1: {  	s23 =	simm.s32 $0x1B8B  }
0xa2: {  	_ =	swait.ge [sflag:s23], $0x1  }
0xa3: {  	[sflag:s23] =	ssyncset.done $0x0  }
0xa4: {  	s25 =	simm.s32 $0x1B8E;
	s24 =	sld [smem:$0x3FFE];
	[sflag:s23] =	ssyncadd.s32 $0xFFFFFFFF  }
0xa5: {  	s26 =	simm.s32 $execute0_lowered;
	[smem:$0x3FD2] =	sst s25  }
0xa6: {  	s5 =	sshll.u32 s26, $0x1;
	_ =	strace $0x80000046;
	[dreg:$0x1] =	wrdreg $0xFFFFFFFF  }
0xa7: {  	s28 =	simm.s32 $_size_execute0_lowered;
	s3 =	sadd.s32 s3, s5;
	[dreg:$0x0] =	wrdreg $0x0  }
0xa8: {  	s5 =	sshll.u32 s28, $0x1;
	[dreg:$0x2] =	wrdreg s3  }
0xa9: {  	[dreg:$0x3] =	wrdreg s5  }
0xaa: {  	[dreg:$0x4] =	wrdreg $0xC0  }
0xab: {  	_ =	task [dreg:s7], $0x5FFFF  }
0xac: {  	[dreg:$0x1] =	wrdreg $0xFFFFFFFF  }
0xad: {  	[dreg:$0x0] =	wrdreg $0x60  }
0xae: {  	[dreg:$0x2] =	wrdreg s2  }
0xaf: {  	[dreg:$0x3] =	wrdreg s24  }
0xb0: {  	[dreg:$0x4] =	wrdreg $0x90800  }
0xb1: {  	[dreg:$0x5] =	wrdreg $0x1D0800  }
0xb2: {  	[dreg:$0x6] =	wrdreg $0x9  }
0xb3: {  	_ =	task.clear_ibuf [dreg:s7], $0x7FFFF;
	_ =	strace $0x90000046  }
0xb4: {  	s29 =	simm.s32 $0x9;
	_ =	strace $0x80000048  }
0xb5: {  	_ =	swait.ge [sflag:s29], $0x1  }
0xb6: {  	[sflag:s29] =	ssyncadd.s32 $0xFFFFFFFF  }
0xb7: {  	_ =	strace $0x90000048  }
0xb8: {  	_ =	sfence  }
0xb9: {  	s30 =	sld [smem:$0x0];
	_ =	sdelay $0x2  }
0xba: {  	s31 =	sshll.u32 s1, $0xD;
	s1 =	sshrl.u32 s1, $0x2  }
0xbb: {  	s3 =	sand.u32 $0x4000, s31;
	s1 =	sadd.s32 s1, s30  }
0xbc: {  	s0 =	sor.u32 s3, s0;
	s1 =	sshll.u32 s1, $0x11  }
0xbd: {  	s0 =	sor.u32 s1, s0  }
0xbe: {  	s0 =	sadd.s32 $0x8F2B, s0  }
0xbf: {  	[sflag:s0] =	ssyncadd.remote.s32 $0x1  }
0xc0: {  	_ =	sfence.sel $0xFFFF  }
0xc1: {  	[dreg:$0x0] =	wrdreg $0xFFFFFFFF;
	(pc) =	sbr.abs _section_cstart, $3  }
0xc2: {  	[dreg:$0x1] =	wrdreg $0xFFFFFFFF  }
0xc3: {  	_ =	task.clear_ibuf [dreg:s7], $0x2FFFF;
	_ =	strace $0x9FFFFFFF  }
0xc4: {  	(tm) =	ssettm $0x7FFFFFFF  }
0xc5: {  	_ =	shalt  }
tec
execute0_lowered:
.L_overlay_start_1:
0x0: {  	(tag) =	ssettag $0x1  }
0x1: {  	s1 =	rddreg [dreg:$0x0]  }
0x2: {  	s0 =	rddreg [dreg:$0x1]  }
0x3: {  	s2 =	srdreg.scid;
	s3 =	rddreg [dreg:$0x2]  }
0x4: {  	s10 =	stileid.u32;
	s4 =	rddreg [dreg:$0x3]  }
0x5: {  	s5 =	simm.s32 $0x0;
	s13 =	simm.s32 $0x100;
	s6 =	smul.u32 $0x5000, s10  }
0x6: {  	s15 =	simm.s32 $0x180;
	s16 =	simm.s32 $0x200;
	s19 =	smul.u32 $0x14000, s10  }
0x7: {  	s17 =	simm.s32 $0x280;
	s18 =	simm.s32 $0x300;
	s9 =	smul.u32 $0x500, s10  }
0x8: {  	s2 =	sand.u32 $0x1, s2;
	[smem:$0x7FF] =	sst s5;
	s21 =	smul.u32 $0x280, s10  }
0x9: {  	s10 =	smul.u32 $0x50000, s10;
	_ =	strace $0x80000047;
	[dreg:$0x7] =	wrdreg s13  }
0xa: {  	s29 =	simm.s32 $0x3;
	s7 =	smul.u32 $0x2800, s2;
	[dreg:$0x8] =	wrdreg s15  }
0xb: {  	s30 =	simm.s32 $0x5;
	s8 =	smul.u32 $0x140000, s2;
	[dreg:$0x9] =	wrdreg s16  }
0xc: {  	s20 =	sshll.u32 s2, $0x7;
	s2 =	ssub.s32 $0x2, s2;
	[dreg:$0xa] =	wrdreg s17  }
0xd: {  	[dreg:$0xb] =	wrdreg s18;
	s13 =	simm.s32 $0xB00;
	s15 =	simm.s32 $0xC00  }
0xe: {  	s16 =	simm.s32 $0xC80;
	s17 =	simm.s32 $0xD00;
	s18 =	simm.s32 $0xD80  }
0xf: {  	s22 =	sshrl.u32 s2, $0x1;
	s23 =	sshrl.u32 s10, $0x2;
	s24 =	sadd.s32 $0x80, s21  }
0x10: {  	s11 =	sadd.s32 $0x100, s21;
	s12 =	sadd.s32 s21, s4;
	s28 =	sadd.s32 $0x180, s21  }
0x11: {  	s14 =	sadd.s32 $0x200, s21;
	s21 =	simm.s32 $0x480;
	s6 =	sadd.s32 s7, s6  }
0x12: {  	s7 =	sadd.s32 s19, s8;
	s8 =	sor.u32 s20, s9;
	s2 =	ssub.s32 s2, s22  }
0x13: {  	s31 =	sadd.s32 s23, s3;
	s25 =	sshll.u32 s24, $0x7;
	[dreg:$0x16] =	wrdreg s12  }
0x14: {  	s26 =	sshll.u32 s11, $0x7;
	s10 =	sadd.s32 s24, s4;
	[dreg:$0xe] =	wrdreg s21  }
0x15: {  	s5 =	sadd.s32 s11, s4;
	s11 =	sshll.u32 s28, $0x7;
	[dreg:$0x18] =	wrdreg s10  }
0x16: {  	s9 =	sshll.u32 s14, $0x7;
	s19 =	simm.s32 $0x380;
	[dreg:$0x1a] =	wrdreg s5  }
0x17: {  	s20 =	simm.s32 $0x400;
	s22 =	simm.s32 $0x500;
	[dreg:$0xc] =	wrdreg s19  }
0x18: {  	s23 =	simm.s32 $0x580;
	s24 =	simm.s32 $0x600;
	[dreg:$0xd] =	wrdreg s20  }
0x19: {  	s21 =	simm.s32 $0x0;
	s6 =	sshrl.u32 s6, $0x3;
	[dreg:$0xf] =	wrdreg s22  }
0x1a: {  	s7 =	sshrl.u32 s7, $0x3;
	s8 =	sshrl.u32 s8, $0x3;
	[dreg:$0x10] =	wrdreg s23  }
0x1b: {  	s10 =	sadd.s32 s11, s3;
	s9 =	sadd.s32 s9, s3;
	[dreg:$0x11] =	wrdreg s24  }
0x1c: {  	s2 =	smax.u32 s2, $0x1;
	s19 =	simm.s32 $0x1000;
	[dreg:$0x15] =	wrdreg s31  }
0x1d: {  	s20 =	simm.s32 $0x6;
	s22 =	simm.s32 $0x80;
	[dreg:$0x1b] =	wrdreg s10  }
0x1e: {  	s6 =	sadd.s32 s6, s0;
	s7 =	sadd.s32 s7, s0;
	[dreg:$0x1d] =	wrdreg s9  }
0x1f: {  	s0 =	sadd.s32 s8, s0;
	s8 =	sadd.s32 s25, s3;
	[smem:$0x7FD] =	sst s2  }
0x20: {  	s23 =	simm.s32 $0x1;
	s25 =	simm.s32 $0x680;
	[dreg:$0x17] =	wrdreg s8  }
0x21: {  	s24 =	simm.s32 $0x9000;
	s8 =	sadd.s32 s26, s3;
	[dreg:$0x12] =	wrdreg s25  }
0x22: {  	s5 =	simm.s32 $0x0;
	s12 =	sadd.s32 $0x2000, s6;
	[dreg:$0x19] =	wrdreg s8  }
0x23: {  	s11 =	simm.s32 $0xA00;
	s6 =	sadd.s32 $0xC000, s6;
	[dreg:$0x5] =	wrdreg s12  }
0x24: {  	s2 =	simm.s32 $0x4;
	s7 =	sadd.s32 $0x16A00, s7;
	[dreg:$0x6] =	wrdreg s6  }
0x25: {  	s9 =	simm.s32 $0x900;
	s0 =	sadd.s32 $0x16000, s0;
	[dreg:$0x1f] =	wrdreg s7  }
0x26: {  	s10 =	simm.s32 $0x980;
	s26 =	simm.s32 $0x700;
	[smem:$0x7FC] =	sst s0  }
0x27: {  	s25 =	simm.s32 $0x5000;
	s8 =	sadd.s32 s28, s4;
	[dreg:$0x13] =	wrdreg s26  }
0x28: {  	s28 =	simm.s32 $0x780;
	s26 =	simm.s32 $0x2;
	[dreg:$0x1c] =	wrdreg s8  }
0x29: {  	s12 =	simm.s32 $0xA80;
	s8 =	sadd.s32 s14, s4;
	[dreg:$0x14] =	wrdreg s28  }
0x2a: {  	v0 =	vimm.f32 $0.0e+00;
	v1 =	vimm.f32 $1.000000000e+00;
	s14 =	simm.s32 $0xB80;
	[dreg:$0x1e] =	wrdreg s8;
	s8 =	simm.s32 $0x880  }
.LBB2_1:
0x2b: {  	[smem:$0x7FB] =	sst s5;
	s7 =	simm.s32 $0x0;
	s28 =	simm.s32 $0x200  }
.LBB2_2:
0x2c: {  	p0 =	sne.s32 s28, $0xFE00;
	[tilespmem:s7+$0x1070] =	vst v0  }
0x2d: {  	[tilespmem:s7+$0x1000] =	vst v0  }
0x2e: {  	[tilespmem:s7+$0x1010] =	vst v0  }
.Ltmp0:
0x2f: {  	[tilespmem:s7+$0x1020] =	vst v0;
	(pc) =	sbr.rel @p0 .LBB2_2-.Ltmp0, $4  }
0x30: {  	[tilespmem:s7+$0x1030] =	vst v0  }
0x31: {  	[tilespmem:s7+$0x1040] =	vst v0  }
0x32: {  	[tilespmem:s7+$0x1050] =	vst v0  }
0x33: {  	[tilespmem:s7+$0x1060] =	vst v0;
	s7 =	sshra.s32 s28, $0x2;
	s28 =	sadd.s32 $0x200, s28  }
0x34: {  	[tilespmem:s7+$0x1070] =	vst v0  }
0x35: {  	[tilespmem:s7+$0x1000] =	vst v0  }
0x36: {  	[tilespmem:s7+$0x1010] =	vst v0  }
0x37: {  	[tilespmem:s7+$0x1020] =	vst v0  }
0x38: {  	[tilespmem:s7+$0x1030] =	vst v0  }
0x39: {  	[tilespmem:s7+$0x1040] =	vst v0  }
0x3a: {  	[tilespmem:s7+$0x1050] =	vst v0  }
0x3b: {  	[tilespmem:s7+$0x1060] =	vst v0  }
0x3c: {  	[tilespmem:$0x9000] =	vst v1  }
0x3d: {  	[tilespmem:$0x9010] =	vst v1  }
0x3e: {  	[tilespmem:$0x9020] =	vst v1  }
0x3f: {  	[tilespmem:$0x9030] =	vst v1  }
0x40: {  	[tilespmem:$0x9040] =	vst v1  }
0x41: {  	[tilespmem:$0x9050] =	vst v1  }
0x42: {  	[tilespmem:$0x9060] =	vst v1  }
0x43: {  	[tilespmem:$0x9070] =	vst v1  }
0x44: {  	[spmem:s31] =	stream.linear.scatter [tilespmem:s19], [sflag:$0x6], $0x4000, $0x38;
	[tilespmem:$0x1D300] =	vst v63  }
0x45: {  	_ =	swait.ge [sflag:s20], $0x4000  }
0x46: {  	[sflag:s20] =	ssyncset.done $0x0  }
0x47: {  	s0 =	rddreg [dreg:$0x16];
	[sflag:s20] =	ssyncadd.s32 $0xFFFFC000  }
0x48: {  	[spmem:s0] =	stream.linear.scatter [tilespmem:s19], [sflag:$0x6], $0x80, $0x38;
	[tilespmem:$0x1D300] =	vst v63  }
0x49: {  	_ =	swait.ge [sflag:s20], $0x80  }
0x4a: {  	[sflag:s20] =	ssyncset.done $0x0  }
0x4b: {  	s6 =	rddreg [dreg:$0x17];
	[sflag:s20] =	ssyncadd.s32 $0xFFFFFF80  }
0x4c: {  	[spmem:s6] =	stream.linear.scatter [tilespmem:s19], [sflag:$0x6], $0x4000, $0x38;
	[tilespmem:$0x1D300] =	vst v63  }
0x4d: {  	_ =	swait.ge [sflag:s20], $0x4000  }
0x4e: {  	[sflag:s20] =	ssyncset.done $0x0  }
0x4f: {  	s7 =	rddreg [dreg:$0x18];
	[sflag:s20] =	ssyncadd.s32 $0xFFFFC000  }
0x50: {  	[spmem:s7] =	stream.linear.scatter [tilespmem:s19], [sflag:$0x6], $0x80, $0x38;
	[tilespmem:$0x1D300] =	vst v63  }
0x51: {  	_ =	swait.ge [sflag:s20], $0x80  }
0x52: {  	[sflag:s20] =	ssyncset.done $0x0  }
0x53: {  	s5 =	rddreg [dreg:$0x19];
	[sflag:s20] =	ssyncadd.s32 $0xFFFFFF80  }
0x54: {  	[spmem:s5] =	stream.linear.scatter [tilespmem:s19], [sflag:$0x6], $0x4000, $0x38;
	[tilespmem:$0x1D300] =	vst v63  }
0x55: {  	_ =	swait.ge [sflag:s20], $0x4000  }
0x56: {  	[sflag:s20] =	ssyncset.done $0x0  }
0x57: {  	s6 =	rddreg [dreg:$0x1a];
	[sflag:s20] =	ssyncadd.s32 $0xFFFFC000  }
0x58: {  	[spmem:s6] =	stream.linear.scatter [tilespmem:s19], [sflag:$0x6], $0x80, $0x38;
	[tilespmem:$0x1D300] =	vst v63  }
0x59: {  	_ =	swait.ge [sflag:s20], $0x80  }
0x5a: {  	[sflag:s20] =	ssyncset.done $0x0  }
0x5b: {  	s7 =	rddreg [dreg:$0x1b];
	[sflag:s20] =	ssyncadd.s32 $0xFFFFFF80  }
0x5c: {  	[spmem:s7] =	stream.linear.scatter [tilespmem:s19], [sflag:$0x6], $0x4000, $0x38;
	[tilespmem:$0x1D300] =	vst v63  }
0x5d: {  	_ =	swait.ge [sflag:s20], $0x4000  }
0x5e: {  	[sflag:s20] =	ssyncset.done $0x0  }
0x5f: {  	s5 =	rddreg [dreg:$0x1c];
	[sflag:s20] =	ssyncadd.s32 $0xFFFFC000  }
0x60: {  	[spmem:s5] =	stream.linear.scatter [tilespmem:s19], [sflag:$0x6], $0x80, $0x38;
	[tilespmem:$0x1D300] =	vst v63  }
0x61: {  	_ =	swait.ge [sflag:s20], $0x80  }
0x62: {  	[sflag:s20] =	ssyncset.done $0x0  }
0x63: {  	s6 =	rddreg [dreg:$0x1d];
	[sflag:s20] =	ssyncadd.s32 $0xFFFFFF80  }
0x64: {  	[spmem:s6] =	stream.linear.scatter [tilespmem:s19], [sflag:$0x6], $0x4000, $0x38;
	[tilespmem:$0x1D300] =	vst v63  }
0x65: {  	_ =	swait.ge [sflag:s20], $0x4000  }
0x66: {  	[sflag:s20] =	ssyncset.done $0x0  }
0x67: {  	s7 =	rddreg [dreg:$0x1e];
	[sflag:s20] =	ssyncadd.s32 $0xFFFFC000  }
0x68: {  	[spmem:s7] =	stream.linear.scatter [tilespmem:s19], [sflag:$0x6], $0x80, $0x38;
	[tilespmem:$0x1D300] =	vst v63  }
0x69: {  	_ =	swait.ge [sflag:s20], $0x80  }
0x6a: {  	[sflag:s20] =	ssyncset.done $0x0  }
0x6b: {  	[sflag:s20] =	ssyncadd.s32 $0xFFFFFF80  }
0x6c: {  	[bflag:$0x0] =	sbarrier.arrive $0xFFFF  }
0x6d: {  	s0 =	rddreg [dreg:$0x6]  }
0x6e: {  	s7 =	sadd.s32 $0x0, s0  }
0x6f: {  	[tilespmem:s21], [sflag:$0x6] =	stream.linear.gather [hbm4b:s7+s21], $0x800, $0x38;
	[tilespmem:$0x1D300] =	vst v63  }
0x70: {  	_ =	swait.ge [sflag:s20], $0x800  }
0x71: {  	s5 =	rddreg [dreg:$0x5];
	[sflag:s20] =	ssyncset.done $0x0  }
0x72: {  	[sflag:s20] =	ssyncadd.s32 $0xFFFFF800;
	s7 =	sadd.s32 $0x0, s5;
	s5 =	simm.s32 $0x800  }
0x73: {  	[tilespmem:s5], [sflag:$0x6] =	stream.linear.gather [hbm4b:s7+s21], $0x800, $0x38;
	[tilespmem:$0x1D300] =	vst v63  }
0x74: {  	_ =	swait.ge [sflag:s20], $0x800  }
0x75: {  	[sflag:s20] =	ssyncset.done $0x0  }
0x76: {  	[sflag:s20] =	ssyncadd.s32 $0xFFFFF800  }
0x77: {  	[tilespmem:s19], [sflag:$0x1] =	stream.indirect.gather [hbm4b:s1+s22], $0x80, s21, s22, $0xb8;
	[tilespmem:$0x1D300] =	vst v63  }
0x78: {  	_ =	swait.ge [sflag:s23], $0x4000  }
0x79: {  	[sflag:s23] =	ssyncset.done $0x0  }
0x7a: {  	[sflag:s23] =	ssyncadd.s32 $0xFFFFC000  }
0x7b: {  	[spmem:s3] =	stream.indirect.scatter.add.f32 [tilespmem:s19], [sflag:$0x3], $0x80, s5, s22, $0xb8;
	[tilespmem:$0x1D300] =	vst v63  }
0x7c: {  	_ = 	snop  }
0x7d: {  	[spmem:s4] =	stream.indirect.scatter.add.f32 [tilespmem:s24], [sflag:$0x5], $0x1, s5, s22, $0xb8;
	[tilespmem:$0x1D300] =	vst v63  }
0x7e: {  	_ = 	snop  }
0x7f: {  	[tilespmem:s25], [sflag:$0x2] =	stream.indirect.gather [hbm4b:s1+s22], $0x80, s22, s22, $0xb8;
	[tilespmem:$0x1D300] =	vst v63  }
0x80: {  	_ =	swait.ge [sflag:s26], $0x4000  }
0x81: {  	[sflag:s26] =	ssyncset.done $0x0  }
0x82: {  	[sflag:s26] =	ssyncadd.s32 $0xFFFFC000  }
0x83: {  	[spmem:s3] =	stream.indirect.scatter.add.f32 [tilespmem:s25], [sflag:$0x4], $0x80, s8, s22, $0xb8;
	[tilespmem:$0x1D300] =	vst v63  }
0x84: {  	_ = 	snop  }
0x85: {  	[spmem:s4] =	stream.indirect.scatter.add.f32 [tilespmem:s24], [sflag:$0x5], $0x1, s8, s22, $0xb8;
	[tilespmem:$0x1D300] =	vst v63  }
0x86: {  	_ =	swait.ge [sflag:s29], $0x4000  }
0x87: {  	[sflag:s29] =	ssyncset.done $0x0  }
0x88: {  	[sflag:s29] =	ssyncadd.s32 $0xFFFFC000  }
0x89: {  	_ =	swait.ge [sflag:s30], $0x80  }
0x8a: {  	[sflag:s30] =	ssyncset.done $0x0  }
0x8b: {  	s6 =	rddreg [dreg:$0x7];
	[sflag:s30] =	ssyncadd.s32 $0xFFFFFF80  }
0x8c: {  	[tilespmem:s19], [sflag:$0x1] =	stream.indirect.gather [hbm4b:s1+s22], $0x80, s6, s22, $0xb8;
	[tilespmem:$0x1D300] =	vst v63  }
0x8d: {  	_ =	swait.ge [sflag:s23], $0x4000  }
0x8e: {  	[sflag:s23] =	ssyncset.done $0x0  }
0x8f: {  	[sflag:s23] =	ssyncadd.s32 $0xFFFFC000  }
0x90: {  	[spmem:s3] =	stream.indirect.scatter.add.f32 [tilespmem:s19], [sflag:$0x3], $0x80, s9, s22, $0xb8;
	[tilespmem:$0x1D300] =	vst v63  }
0x91: {  	_ = 	snop  }
0x92: {  	[spmem:s4] =	stream.indirect.scatter.add.f32 [tilespmem:s24], [sflag:$0x5], $0x1, s9, s22, $0xb8;
	[tilespmem:$0x1D300] =	vst v63  }
0x93: {  	_ =	swait.ge [sflag:s2], $0x4000  }
0x94: {  	[sflag:s2] =	ssyncset.done $0x0  }
0x95: {  	[sflag:s2] =	ssyncadd.s32 $0xFFFFC000  }
0x96: {  	_ =	swait.ge [sflag:s30], $0x80  }
0x97: {  	[sflag:s30] =	ssyncset.done $0x0  }
0x98: {  	s0 =	rddreg [dreg:$0x8];
	[sflag:s30] =	ssyncadd.s32 $0xFFFFFF80  }
0x99: {  	[tilespmem:s25], [sflag:$0x2] =	stream.indirect.gather [hbm4b:s1+s22], $0x80, s0, s22, $0xb8;
	[tilespmem:$0x1D300] =	vst v63  }
0x9a: {  	_ =	swait.ge [sflag:s26], $0x4000  }
0x9b: {  	[sflag:s26] =	ssyncset.done $0x0  }
0x9c: {  	[sflag:s26] =	ssyncadd.s32 $0xFFFFC000  }
0x9d: {  	[spmem:s3] =	stream.indirect.scatter.add.f32 [tilespmem:s25], [sflag:$0x4], $0x80, s10, s22, $0xb8;
	[tilespmem:$0x1D300] =	vst v63  }
0x9e: {  	_ = 	snop  }
0x9f: {  	[spmem:s4] =	stream.indirect.scatter.add.f32 [tilespmem:s24], [sflag:$0x5], $0x1, s10, s22, $0xb8;
	[tilespmem:$0x1D300] =	vst v63  }
0xa0: {  	_ =	swait.ge [sflag:s29], $0x4000  }
0xa1: {  	[sflag:s29] =	ssyncset.done $0x0  }
0xa2: {  	[sflag:s29] =	ssyncadd.s32 $0xFFFFC000  }
0xa3: {  	_ =	swait.ge [sflag:s30], $0x80  }
0xa4: {  	[sflag:s30] =	ssyncset.done $0x0  }
0xa5: {  	s6 =	rddreg [dreg:$0x9];
	[sflag:s30] =	ssyncadd.s32 $0xFFFFFF80  }
0xa6: {  	[tilespmem:s19], [sflag:$0x1] =	stream.indirect.gather [hbm4b:s1+s22], $0x80, s6, s22, $0xb8;
	[tilespmem:$0x1D300] =	vst v63  }
0xa7: {  	_ =	swait.ge [sflag:s23], $0x4000  }
0xa8: {  	[sflag:s23] =	ssyncset.done $0x0  }
0xa9: {  	[sflag:s23] =	ssyncadd.s32 $0xFFFFC000  }
0xaa: {  	[spmem:s3] =	stream.indirect.scatter.add.f32 [tilespmem:s19], [sflag:$0x3], $0x80, s11, s22, $0xb8;
	[tilespmem:$0x1D300] =	vst v63  }
0xab: {  	_ = 	snop  }
0xac: {  	[spmem:s4] =	stream.indirect.scatter.add.f32 [tilespmem:s24], [sflag:$0x5], $0x1, s11, s22, $0xb8;
	[tilespmem:$0x1D300] =	vst v63  }
0xad: {  	_ =	swait.ge [sflag:s2], $0x4000  }
0xae: {  	[sflag:s2] =	ssyncset.done $0x0  }
0xaf: {  	[sflag:s2] =	ssyncadd.s32 $0xFFFFC000  }
0xb0: {  	_ =	swait.ge [sflag:s30], $0x80  }
0xb1: {  	[sflag:s30] =	ssyncset.done $0x0  }
0xb2: {  	s0 =	rddreg [dreg:$0xa];
	[sflag:s30] =	ssyncadd.s32 $0xFFFFFF80  }
0xb3: {  	[tilespmem:s25], [sflag:$0x2] =	stream.indirect.gather [hbm4b:s1+s22], $0x80, s0, s22, $0xb8;
	[tilespmem:$0x1D300] =	vst v63  }
0xb4: {  	_ =	swait.ge [sflag:s26], $0x4000  }
0xb5: {  	[sflag:s26] =	ssyncset.done $0x0  }
0xb6: {  	[sflag:s26] =	ssyncadd.s32 $0xFFFFC000  }
0xb7: {  	[spmem:s3] =	stream.indirect.scatter.add.f32 [tilespmem:s25], [sflag:$0x4], $0x80, s12, s22, $0xb8;
	[tilespmem:$0x1D300] =	vst v63  }
0xb8: {  	_ = 	snop  }
0xb9: {  	[spmem:s4] =	stream.indirect.scatter.add.f32 [tilespmem:s24], [sflag:$0x5], $0x1, s12, s22, $0xb8;
	[tilespmem:$0x1D300] =	vst v63  }
0xba: {  	_ =	swait.ge [sflag:s29], $0x4000  }
0xbb: {  	[sflag:s29] =	ssyncset.done $0x0  }
0xbc: {  	[sflag:s29] =	ssyncadd.s32 $0xFFFFC000  }
0xbd: {  	_ =	swait.ge [sflag:s30], $0x80  }
0xbe: {  	[sflag:s30] =	ssyncset.done $0x0  }
0xbf: {  	s6 =	rddreg [dreg:$0xb];
	[sflag:s30] =	ssyncadd.s32 $0xFFFFFF80  }
0xc0: {  	[tilespmem:s19], [sflag:$0x1] =	stream.indirect.gather [hbm4b:s1+s22], $0x80, s6, s22, $0xb8;
	[tilespmem:$0x1D300] =	vst v63  }
0xc1: {  	_ =	swait.ge [sflag:s23], $0x4000  }
0xc2: {  	[sflag:s23] =	ssyncset.done $0x0  }
0xc3: {  	[sflag:s23] =	ssyncadd.s32 $0xFFFFC000  }
0xc4: {  	[spmem:s3] =	stream.indirect.scatter.add.f32 [tilespmem:s19], [sflag:$0x3], $0x80, s13, s22, $0xb8;
	[tilespmem:$0x1D300] =	vst v63  }
0xc5: {  	_ = 	snop  }
0xc6: {  	[spmem:s4] =	stream.indirect.scatter.add.f32 [tilespmem:s24], [sflag:$0x5], $0x1, s13, s22, $0xb8;
	[tilespmem:$0x1D300] =	vst v63  }
0xc7: {  	_ =	swait.ge [sflag:s2], $0x4000  }
0xc8: {  	[sflag:s2] =	ssyncset.done $0x0  }
0xc9: {  	[sflag:s2] =	ssyncadd.s32 $0xFFFFC000  }
0xca: {  	_ =	swait.ge [sflag:s30], $0x80  }
0xcb: {  	[sflag:s30] =	ssyncset.done $0x0  }
0xcc: {  	s0 =	rddreg [dreg:$0xc];
	[sflag:s30] =	ssyncadd.s32 $0xFFFFFF80  }
0xcd: {  	[tilespmem:s25], [sflag:$0x2] =	stream.indirect.gather [hbm4b:s1+s22], $0x80, s0, s22, $0xb8;
	[tilespmem:$0x1D300] =	vst v63  }
0xce: {  	_ =	swait.ge [sflag:s26], $0x4000  }
0xcf: {  	[sflag:s26] =	ssyncset.done $0x0  }
0xd0: {  	[sflag:s26] =	ssyncadd.s32 $0xFFFFC000  }
0xd1: {  	[spmem:s3] =	stream.indirect.scatter.add.f32 [tilespmem:s25], [sflag:$0x4], $0x80, s14, s22, $0xb8;
	[tilespmem:$0x1D300] =	vst v63  }
0xd2: {  	_ = 	snop  }
0xd3: {  	[spmem:s4] =	stream.indirect.scatter.add.f32 [tilespmem:s24], [sflag:$0x5], $0x1, s14, s22, $0xb8;
	[tilespmem:$0x1D300] =	vst v63  }
0xd4: {  	_ =	swait.ge [sflag:s29], $0x4000  }
0xd5: {  	[sflag:s29] =	ssyncset.done $0x0  }
0xd6: {  	[sflag:s29] =	ssyncadd.s32 $0xFFFFC000  }
0xd7: {  	_ =	swait.ge [sflag:s30], $0x80  }
0xd8: {  	[sflag:s30] =	ssyncset.done $0x0  }
0xd9: {  	s6 =	rddreg [dreg:$0xd];
	[sflag:s30] =	ssyncadd.s32 $0xFFFFFF80  }
0xda: {  	[tilespmem:s19], [sflag:$0x1] =	stream.indirect.gather [hbm4b:s1+s22], $0x80, s6, s22, $0xb8;
	[tilespmem:$0x1D300] =	vst v63  }
0xdb: {  	_ =	swait.ge [sflag:s23], $0x4000  }
0xdc: {  	[sflag:s23] =	ssyncset.done $0x0  }
0xdd: {  	[sflag:s23] =	ssyncadd.s32 $0xFFFFC000  }
0xde: {  	[spmem:s3] =	stream.indirect.scatter.add.f32 [tilespmem:s19], [sflag:$0x3], $0x80, s15, s22, $0xb8;
	[tilespmem:$0x1D300] =	vst v63  }
0xdf: {  	_ = 	snop  }
0xe0: {  	[spmem:s4] =	stream.indirect.scatter.add.f32 [tilespmem:s24], [sflag:$0x5], $0x1, s15, s22, $0xb8;
	[tilespmem:$0x1D300] =	vst v63  }
0xe1: {  	_ =	swait.ge [sflag:s2], $0x4000  }
0xe2: {  	[sflag:s2] =	ssyncset.done $0x0  }
0xe3: {  	[sflag:s2] =	ssyncadd.s32 $0xFFFFC000  }
0xe4: {  	_ =	swait.ge [sflag:s30], $0x80  }
0xe5: {  	[sflag:s30] =	ssyncset.done $0x0  }
0xe6: {  	s0 =	rddreg [dreg:$0xe];
	[sflag:s30] =	ssyncadd.s32 $0xFFFFFF80  }
0xe7: {  	[tilespmem:s25], [sflag:$0x2] =	stream.indirect.gather [hbm4b:s1+s22], $0x80, s0, s22, $0xb8;
	[tilespmem:$0x1D300] =	vst v63  }
0xe8: {  	_ =	swait.ge [sflag:s26], $0x4000  }
0xe9: {  	[sflag:s26] =	ssyncset.done $0x0  }
0xea: {  	[sflag:s26] =	ssyncadd.s32 $0xFFFFC000  }
0xeb: {  	[spmem:s3] =	stream.indirect.scatter.add.f32 [tilespmem:s25], [sflag:$0x4], $0x80, s16, s22, $0xb8;
	[tilespmem:$0x1D300] =	vst v63  }
0xec: {  	_ = 	snop  }
0xed: {  	[spmem:s4] =	stream.indirect.scatter.add.f32 [tilespmem:s24], [sflag:$0x5], $0x1, s16, s22, $0xb8;
	[tilespmem:$0x1D300] =	vst v63  }
0xee: {  	_ =	swait.ge [sflag:s29], $0x4000  }
0xef: {  	[sflag:s29] =	ssyncset.done $0x0  }
0xf0: {  	[sflag:s29] =	ssyncadd.s32 $0xFFFFC000  }
0xf1: {  	_ =	swait.ge [sflag:s30], $0x80  }
0xf2: {  	[sflag:s30] =	ssyncset.done $0x0  }
0xf3: {  	s6 =	rddreg [dreg:$0xf];
	[sflag:s30] =	ssyncadd.s32 $0xFFFFFF80  }
0xf4: {  	[tilespmem:s19], [sflag:$0x1] =	stream.indirect.gather [hbm4b:s1+s22], $0x80, s6, s22, $0xb8;
	[tilespmem:$0x1D300] =	vst v63  }
0xf5: {  	_ =	swait.ge [sflag:s23], $0x4000  }
0xf6: {  	[sflag:s23] =	ssyncset.done $0x0  }
0xf7: {  	[sflag:s23] =	ssyncadd.s32 $0xFFFFC000  }
0xf8: {  	[spmem:s3] =	stream.indirect.scatter.add.f32 [tilespmem:s19], [sflag:$0x3], $0x80, s17, s22, $0xb8;
	[tilespmem:$0x1D300] =	vst v63  }
0xf9: {  	_ = 	snop  }
0xfa: {  	[spmem:s4] =	stream.indirect.scatter.add.f32 [tilespmem:s24], [sflag:$0x5], $0x1, s17, s22, $0xb8;
	[tilespmem:$0x1D300] =	vst v63  }
0xfb: {  	_ =	swait.ge [sflag:s2], $0x4000  }
0xfc: {  	[sflag:s2] =	ssyncset.done $0x0  }
0xfd: {  	[sflag:s2] =	ssyncadd.s32 $0xFFFFC000  }
0xfe: {  	_ =	swait.ge [sflag:s30], $0x80  }
0xff: {  	[sflag:s30] =	ssyncset.done $0x0  }
0x100: {  	s0 =	rddreg [dreg:$0x10];
	[sflag:s30] =	ssyncadd.s32 $0xFFFFFF80  }
0x101: {  	[tilespmem:s25], [sflag:$0x2] =	stream.indirect.gather [hbm4b:s1+s22], $0x80, s0, s22, $0xb8;
	[tilespmem:$0x1D300] =	vst v63  }
0x102: {  	_ =	swait.ge [sflag:s26], $0x4000  }
0x103: {  	[sflag:s26] =	ssyncset.done $0x0  }
0x104: {  	[sflag:s26] =	ssyncadd.s32 $0xFFFFC000  }
0x105: {  	[spmem:s3] =	stream.indirect.scatter.add.f32 [tilespmem:s25], [sflag:$0x4], $0x80, s18, s22, $0xb8;
	[tilespmem:$0x1D300] =	vst v63  }
0x106: {  	_ = 	snop  }
0x107: {  	[spmem:s4] =	stream.indirect.scatter.add.f32 [tilespmem:s24], [sflag:$0x5], $0x1, s18, s22, $0xb8;
	[tilespmem:$0x1D300] =	vst v63  }
0x108: {  	_ =	swait.ge [sflag:s29], $0x4000  }
0x109: {  	[sflag:s29] =	ssyncset.done $0x0  }
0x10a: {  	[sflag:s29] =	ssyncadd.s32 $0xFFFFC000  }
0x10b: {  	_ =	swait.ge [sflag:s30], $0x80  }
0x10c: {  	[sflag:s30] =	ssyncset.done $0x0  }
0x10d: {  	s6 =	rddreg [dreg:$0x11];
	[sflag:s30] =	ssyncadd.s32 $0xFFFFFF80  }
0x10e: {  	[tilespmem:s19], [sflag:$0x1] =	stream.indirect.gather [hbm4b:s1+s22], $0x80, s6, s22, $0xb8;
	[tilespmem:$0x1D300] =	vst v63  }
0x10f: {  	_ =	swait.ge [sflag:s23], $0x4000  }
0x110: {  	[sflag:s23] =	ssyncset.done $0x0  }
0x111: {  	s6 =	simm.s32 $0xE00;
	[sflag:s23] =	ssyncadd.s32 $0xFFFFC000  }
0x112: {  	[spmem:s3] =	stream.indirect.scatter.add.f32 [tilespmem:s19], [sflag:$0x3], $0x80, s6, s22, $0xb8;
	[tilespmem:$0x1D300] =	vst v63  }
0x113: {  	_ = 	snop  }
0x114: {  	[spmem:s4] =	stream.indirect.scatter.add.f32 [tilespmem:s24], [sflag:$0x5], $0x1, s6, s22, $0xb8;
	[tilespmem:$0x1D300] =	vst v63  }
0x115: {  	_ =	swait.ge [sflag:s2], $0x4000  }
0x116: {  	[sflag:s2] =	ssyncset.done $0x0  }
0x117: {  	[sflag:s2] =	ssyncadd.s32 $0xFFFFC000  }
0x118: {  	_ =	swait.ge [sflag:s30], $0x80  }
0x119: {  	[sflag:s30] =	ssyncset.done $0x0  }
0x11a: {  	s0 =	rddreg [dreg:$0x12];
	[sflag:s30] =	ssyncadd.s32 $0xFFFFFF80  }
0x11b: {  	[tilespmem:s25], [sflag:$0x2] =	stream.indirect.gather [hbm4b:s1+s22], $0x80, s0, s22, $0xb8;
	[tilespmem:$0x1D300] =	vst v63  }
0x11c: {  	_ =	swait.ge [sflag:s26], $0x4000  }
0x11d: {  	[sflag:s26] =	ssyncset.done $0x0  }
0x11e: {  	s7 =	simm.s32 $0xE80;
	[sflag:s26] =	ssyncadd.s32 $0xFFFFC000  }
0x11f: {  	[spmem:s3] =	stream.indirect.scatter.add.f32 [tilespmem:s25], [sflag:$0x4], $0x80, s7, s22, $0xb8;
	[tilespmem:$0x1D300] =	vst v63  }
0x120: {  	_ = 	snop  }
0x121: {  	[spmem:s4] =	stream.indirect.scatter.add.f32 [tilespmem:s24], [sflag:$0x5], $0x1, s7, s22, $0xb8;
	[tilespmem:$0x1D300] =	vst v63  }
0x122: {  	_ =	swait.ge [sflag:s29], $0x4000  }
0x123: {  	[sflag:s29] =	ssyncset.done $0x0  }
0x124: {  	[sflag:s29] =	ssyncadd.s32 $0xFFFFC000  }
0x125: {  	_ =	swait.ge [sflag:s30], $0x80  }
0x126: {  	[sflag:s30] =	ssyncset.done $0x0  }
0x127: {  	s0 =	rddreg [dreg:$0x13];
	[sflag:s30] =	ssyncadd.s32 $0xFFFFFF80  }
0x128: {  	[tilespmem:s19], [sflag:$0x1] =	stream.indirect.gather [hbm4b:s1+s22], $0x80, s0, s22, $0xb8;
	[tilespmem:$0x1D300] =	vst v63  }
0x129: {  	_ =	swait.ge [sflag:s23], $0x4000  }
0x12a: {  	[sflag:s23] =	ssyncset.done $0x0  }
0x12b: {  	s7 =	simm.s32 $0xF00;
	[sflag:s23] =	ssyncadd.s32 $0xFFFFC000  }
0x12c: {  	[spmem:s3] =	stream.indirect.scatter.add.f32 [tilespmem:s19], [sflag:$0x3], $0x80, s7, s22, $0xb8;
	[tilespmem:$0x1D300] =	vst v63  }
0x12d: {  	_ = 	snop  }
0x12e: {  	[spmem:s4] =	stream.indirect.scatter.add.f32 [tilespmem:s24], [sflag:$0x5], $0x1, s7, s22, $0xb8;
	[tilespmem:$0x1D300] =	vst v63  }
0x12f: {  	_ =	swait.ge [sflag:s2], $0x4000  }
0x130: {  	[sflag:s2] =	ssyncset.done $0x0  }
0x131: {  	[sflag:s2] =	ssyncadd.s32 $0xFFFFC000  }
0x132: {  	_ =	swait.ge [sflag:s30], $0x80  }
0x133: {  	[sflag:s30] =	ssyncset.done $0x0  }
0x134: {  	s0 =	rddreg [dreg:$0x14];
	[sflag:s30] =	ssyncadd.s32 $0xFFFFFF80  }
0x135: {  	[tilespmem:s25], [sflag:$0x2] =	stream.indirect.gather [hbm4b:s1+s22], $0x80, s0, s22, $0xb8;
	[tilespmem:$0x1D300] =	vst v63  }
0x136: {  	_ =	swait.ge [sflag:s26], $0x4000  }
0x137: {  	[sflag:s26] =	ssyncset.done $0x0  }
0x138: {  	s7 =	simm.s32 $0xF80;
	[sflag:s26] =	ssyncadd.s32 $0xFFFFC000  }
0x139: {  	[spmem:s3] =	stream.indirect.scatter.add.f32 [tilespmem:s25], [sflag:$0x4], $0x80, s7, s22, $0xb8;
	[tilespmem:$0x1D300] =	vst v63  }
0x13a: {  	_ = 	snop  }
0x13b: {  	[spmem:s4] =	stream.indirect.scatter.add.f32 [tilespmem:s24], [sflag:$0x5], $0x1, s7, s22, $0xb8;
	[tilespmem:$0x1D300] =	vst v63  }
0x13c: {  	_ =	swait.ge [sflag:s29], $0x4000  }
0x13d: {  	[sflag:s29] =	ssyncset.done $0x0  }
0x13e: {  	[sflag:s29] =	ssyncadd.s32 $0xFFFFC000  }
0x13f: {  	_ =	swait.ge [sflag:s30], $0x80  }
0x140: {  	[sflag:s30] =	ssyncset.done $0x0  }
0x141: {  	[sflag:s30] =	ssyncadd.s32 $0xFFFFFF80  }
0x142: {  	_ =	swait.ge [sflag:s2], $0x4000  }
0x143: {  	[sflag:s2] =	ssyncset.done $0x0  }
0x144: {  	[sflag:s2] =	ssyncadd.s32 $0xFFFFC000  }
0x145: {  	s28 =	simm.s32 $0x200;
	_ =	swait.ge [sflag:s30], $0x80  }
0x146: {  	s7 =	simm.s32 $0x100;
	s31 =	rddreg [dreg:$0x6];
	[sflag:s30] =	ssyncset.done $0x0  }
.LBB2_4:
0x147: {  	[sflag:s30] =	ssyncadd.s32 $0xFFFFFF80;
	s31 =	sadd.s32 s7, s31  }
0x148: {  	[tilespmem:s21], [sflag:$0x6] =	stream.linear.gather [hbm4b:s31+s21], $0x800, $0x38;
	[tilespmem:$0x1D300] =	vst v63  }
0x149: {  	_ =	swait.ge [sflag:s20], $0x800  }
0x14a: {  	s31 =	rddreg [dreg:$0x5];
	[sflag:s20] =	ssyncset.done $0x0  }
0x14b: {  	[sflag:s20] =	ssyncadd.s32 $0xFFFFF800;
	s31 =	sadd.s32 s7, s31  }
0x14c: {  	[tilespmem:s5], [sflag:$0x6] =	stream.linear.gather [hbm4b:s31+s21], $0x800, $0x38;
	[tilespmem:$0x1D300] =	vst v63  }
0x14d: {  	_ =	swait.ge [sflag:s20], $0x800  }
0x14e: {  	[sflag:s20] =	ssyncset.done $0x0  }
0x14f: {  	[sflag:s20] =	ssyncadd.s32 $0xFFFFF800  }
0x150: {  	[tilespmem:s19], [sflag:$0x1] =	stream.indirect.gather [hbm4b:s1+s22], $0x80, s21, s22, $0xb8;
	[tilespmem:$0x1D300] =	vst v63  }
0x151: {  	_ =	swait.ge [sflag:s23], $0x4000  }
0x152: {  	[sflag:s23] =	ssyncset.done $0x0  }
0x153: {  	[sflag:s23] =	ssyncadd.s32 $0xFFFFC000  }
0x154: {  	[spmem:s3] =	stream.indirect.scatter.add.f32 [tilespmem:s19], [sflag:$0x3], $0x80, s5, s22, $0xb8;
	[tilespmem:$0x1D300] =	vst v63  }
0x155: {  	_ = 	snop  }
0x156: {  	[spmem:s4] =	stream.indirect.scatter.add.f32 [tilespmem:s24], [sflag:$0x5], $0x1, s5, s22, $0xb8;
	[tilespmem:$0x1D300] =	vst v63  }
0x157: {  	_ = 	snop  }
0x158: {  	[tilespmem:s25], [sflag:$0x2] =	stream.indirect.gather [hbm4b:s1+s22], $0x80, s22, s22, $0xb8;
	[tilespmem:$0x1D300] =	vst v63  }
0x159: {  	_ =	swait.ge [sflag:s26], $0x4000  }
0x15a: {  	[sflag:s26] =	ssyncset.done $0x0  }
0x15b: {  	[sflag:s26] =	ssyncadd.s32 $0xFFFFC000  }
0x15c: {  	[spmem:s3] =	stream.indirect.scatter.add.f32 [tilespmem:s25], [sflag:$0x4], $0x80, s8, s22, $0xb8;
	[tilespmem:$0x1D300] =	vst v63  }
0x15d: {  	_ = 	snop  }
0x15e: {  	[spmem:s4] =	stream.indirect.scatter.add.f32 [tilespmem:s24], [sflag:$0x5], $0x1, s8, s22, $0xb8;
	[tilespmem:$0x1D300] =	vst v63  }
0x15f: {  	_ =	swait.ge [sflag:s29], $0x4000  }
0x160: {  	[sflag:s29] =	ssyncset.done $0x0  }
0x161: {  	[sflag:s29] =	ssyncadd.s32 $0xFFFFC000  }
0x162: {  	_ =	swait.ge [sflag:s30], $0x80  }
0x163: {  	s0 =	smov.u32 s28;
	[sflag:s30] =	ssyncset.done $0x0  }
0x164: {  	s7 =	smov.u32 s0;
	s0 =	rddreg [dreg:$0x7];
	[sflag:s30] =	ssyncadd.s32 $0xFFFFFF80  }
0x165: {  	[tilespmem:s19], [sflag:$0x1] =	stream.indirect.gather [hbm4b:s1+s22], $0x80, s0, s22, $0xb8;
	[tilespmem:$0x1D300] =	vst v63  }
0x166: {  	_ =	swait.ge [sflag:s23], $0x4000  }
0x167: {  	[sflag:s23] =	ssyncset.done $0x0  }
0x168: {  	[sflag:s23] =	ssyncadd.s32 $0xFFFFC000  }
0x169: {  	[spmem:s3] =	stream.indirect.scatter.add.f32 [tilespmem:s19], [sflag:$0x3], $0x80, s9, s22, $0xb8;
	[tilespmem:$0x1D300] =	vst v63  }
0x16a: {  	_ = 	snop  }
0x16b: {  	[spmem:s4] =	stream.indirect.scatter.add.f32 [tilespmem:s24], [sflag:$0x5], $0x1, s9, s22, $0xb8;
	[tilespmem:$0x1D300] =	vst v63  }
0x16c: {  	_ =	swait.ge [sflag:s2], $0x4000  }
0x16d: {  	[sflag:s2] =	ssyncset.done $0x0  }
0x16e: {  	[sflag:s2] =	ssyncadd.s32 $0xFFFFC000  }
0x16f: {  	_ =	swait.ge [sflag:s30], $0x80  }
0x170: {  	[sflag:s30] =	ssyncset.done $0x0  }
0x171: {  	s0 =	rddreg [dreg:$0x8];
	[sflag:s30] =	ssyncadd.s32 $0xFFFFFF80  }
0x172: {  	[tilespmem:s25], [sflag:$0x2] =	stream.indirect.gather [hbm4b:s1+s22], $0x80, s0, s22, $0xb8;
	[tilespmem:$0x1D300] =	vst v63  }
0x173: {  	_ =	swait.ge [sflag:s26], $0x4000  }
0x174: {  	[sflag:s26] =	ssyncset.done $0x0  }
0x175: {  	[sflag:s26] =	ssyncadd.s32 $0xFFFFC000  }
0x176: {  	[spmem:s3] =	stream.indirect.scatter.add.f32 [tilespmem:s25], [sflag:$0x4], $0x80, s10, s22, $0xb8;
	[tilespmem:$0x1D300] =	vst v63  }
0x177: {  	_ = 	snop  }
0x178: {  	[spmem:s4] =	stream.indirect.scatter.add.f32 [tilespmem:s24], [sflag:$0x5], $0x1, s10, s22, $0xb8;
	[tilespmem:$0x1D300] =	vst v63  }
0x179: {  	_ =	swait.ge [sflag:s29], $0x4000  }
0x17a: {  	[sflag:s29] =	ssyncset.done $0x0  }
0x17b: {  	[sflag:s29] =	ssyncadd.s32 $0xFFFFC000  }
0x17c: {  	_ =	swait.ge [sflag:s30], $0x80  }
0x17d: {  	[sflag:s30] =	ssyncset.done $0x0  }
0x17e: {  	s0 =	rddreg [dreg:$0x9];
	[sflag:s30] =	ssyncadd.s32 $0xFFFFFF80  }
0x17f: {  	[tilespmem:s19], [sflag:$0x1] =	stream.indirect.gather [hbm4b:s1+s22], $0x80, s0, s22, $0xb8;
	[tilespmem:$0x1D300] =	vst v63  }
0x180: {  	_ =	swait.ge [sflag:s23], $0x4000  }
0x181: {  	[sflag:s23] =	ssyncset.done $0x0  }
0x182: {  	[sflag:s23] =	ssyncadd.s32 $0xFFFFC000  }
0x183: {  	[spmem:s3] =	stream.indirect.scatter.add.f32 [tilespmem:s19], [sflag:$0x3], $0x80, s11, s22, $0xb8;
	[tilespmem:$0x1D300] =	vst v63  }
0x184: {  	_ = 	snop  }
0x185: {  	[spmem:s4] =	stream.indirect.scatter.add.f32 [tilespmem:s24], [sflag:$0x5], $0x1, s11, s22, $0xb8;
	[tilespmem:$0x1D300] =	vst v63  }
0x186: {  	_ =	swait.ge [sflag:s2], $0x4000  }
0x187: {  	[sflag:s2] =	ssyncset.done $0x0  }
0x188: {  	[sflag:s2] =	ssyncadd.s32 $0xFFFFC000  }
0x189: {  	_ =	swait.ge [sflag:s30], $0x80  }
0x18a: {  	[sflag:s30] =	ssyncset.done $0x0  }
0x18b: {  	s0 =	rddreg [dreg:$0xa];
	[sflag:s30] =	ssyncadd.s32 $0xFFFFFF80  }
0x18c: {  	[tilespmem:s25], [sflag:$0x2] =	stream.indirect.gather [hbm4b:s1+s22], $0x80, s0, s22, $0xb8;
	[tilespmem:$0x1D300] =	vst v63  }
0x18d: {  	_ =	swait.ge [sflag:s26], $0x4000  }
0x18e: {  	[sflag:s26] =	ssyncset.done $0x0  }
0x18f: {  	[sflag:s26] =	ssyncadd.s32 $0xFFFFC000  }
0x190: {  	[spmem:s3] =	stream.indirect.scatter.add.f32 [tilespmem:s25], [sflag:$0x4], $0x80, s12, s22, $0xb8;
	[tilespmem:$0x1D300] =	vst v63  }
0x191: {  	_ = 	snop  }
0x192: {  	[spmem:s4] =	stream.indirect.scatter.add.f32 [tilespmem:s24], [sflag:$0x5], $0x1, s12, s22, $0xb8;
	[tilespmem:$0x1D300] =	vst v63  }
0x193: {  	_ =	swait.ge [sflag:s29], $0x4000  }
0x194: {  	[sflag:s29] =	ssyncset.done $0x0  }
0x195: {  	[sflag:s29] =	ssyncadd.s32 $0xFFFFC000  }
0x196: {  	_ =	swait.ge [sflag:s30], $0x80  }
0x197: {  	[sflag:s30] =	ssyncset.done $0x0  }
0x198: {  	s0 =	rddreg [dreg:$0xb];
	[sflag:s30] =	ssyncadd.s32 $0xFFFFFF80  }
0x199: {  	[tilespmem:s19], [sflag:$0x1] =	stream.indirect.gather [hbm4b:s1+s22], $0x80, s0, s22, $0xb8;
	[tilespmem:$0x1D300] =	vst v63  }
0x19a: {  	_ =	swait.ge [sflag:s23], $0x4000  }
0x19b: {  	[sflag:s23] =	ssyncset.done $0x0  }
0x19c: {  	[sflag:s23] =	ssyncadd.s32 $0xFFFFC000  }
0x19d: {  	[spmem:s3] =	stream.indirect.scatter.add.f32 [tilespmem:s19], [sflag:$0x3], $0x80, s13, s22, $0xb8;
	[tilespmem:$0x1D300] =	vst v63  }
0x19e: {  	_ = 	snop  }
0x19f: {  	[spmem:s4] =	stream.indirect.scatter.add.f32 [tilespmem:s24], [sflag:$0x5], $0x1, s13, s22, $0xb8;
	[tilespmem:$0x1D300] =	vst v63  }
0x1a0: {  	_ =	swait.ge [sflag:s2], $0x4000  }
0x1a1: {  	[sflag:s2] =	ssyncset.done $0x0  }
0x1a2: {  	[sflag:s2] =	ssyncadd.s32 $0xFFFFC000  }
0x1a3: {  	_ =	swait.ge [sflag:s30], $0x80  }
0x1a4: {  	[sflag:s30] =	ssyncset.done $0x0  }
0x1a5: {  	s0 =	rddreg [dreg:$0xc];
	[sflag:s30] =	ssyncadd.s32 $0xFFFFFF80  }
0x1a6: {  	[tilespmem:s25], [sflag:$0x2] =	stream.indirect.gather [hbm4b:s1+s22], $0x80, s0, s22, $0xb8;
	[tilespmem:$0x1D300] =	vst v63  }
0x1a7: {  	_ =	swait.ge [sflag:s26], $0x4000  }
0x1a8: {  	[sflag:s26] =	ssyncset.done $0x0  }
0x1a9: {  	[sflag:s26] =	ssyncadd.s32 $0xFFFFC000  }
0x1aa: {  	[spmem:s3] =	stream.indirect.scatter.add.f32 [tilespmem:s25], [sflag:$0x4], $0x80, s14, s22, $0xb8;
	[tilespmem:$0x1D300] =	vst v63  }
0x1ab: {  	_ = 	snop  }
0x1ac: {  	[spmem:s4] =	stream.indirect.scatter.add.f32 [tilespmem:s24], [sflag:$0x5], $0x1, s14, s22, $0xb8;
	[tilespmem:$0x1D300] =	vst v63  }
0x1ad: {  	_ =	swait.ge [sflag:s29], $0x4000  }
0x1ae: {  	[sflag:s29] =	ssyncset.done $0x0  }
0x1af: {  	[sflag:s29] =	ssyncadd.s32 $0xFFFFC000  }
0x1b0: {  	_ =	swait.ge [sflag:s30], $0x80  }
0x1b1: {  	[sflag:s30] =	ssyncset.done $0x0  }
0x1b2: {  	s0 =	rddreg [dreg:$0xd];
	[sflag:s30] =	ssyncadd.s32 $0xFFFFFF80  }
0x1b3: {  	[tilespmem:s19], [sflag:$0x1] =	stream.indirect.gather [hbm4b:s1+s22], $0x80, s0, s22, $0xb8;
	[tilespmem:$0x1D300] =	vst v63  }
0x1b4: {  	_ =	swait.ge [sflag:s23], $0x4000  }
0x1b5: {  	[sflag:s23] =	ssyncset.done $0x0  }
0x1b6: {  	[sflag:s23] =	ssyncadd.s32 $0xFFFFC000  }
0x1b7: {  	[spmem:s3] =	stream.indirect.scatter.add.f32 [tilespmem:s19], [sflag:$0x3], $0x80, s15, s22, $0xb8;
	[tilespmem:$0x1D300] =	vst v63  }
0x1b8: {  	_ = 	snop  }
0x1b9: {  	[spmem:s4] =	stream.indirect.scatter.add.f32 [tilespmem:s24], [sflag:$0x5], $0x1, s15, s22, $0xb8;
	[tilespmem:$0x1D300] =	vst v63  }
0x1ba: {  	_ =	swait.ge [sflag:s2], $0x4000  }
0x1bb: {  	[sflag:s2] =	ssyncset.done $0x0  }
0x1bc: {  	[sflag:s2] =	ssyncadd.s32 $0xFFFFC000  }
0x1bd: {  	_ =	swait.ge [sflag:s30], $0x80  }
0x1be: {  	[sflag:s30] =	ssyncset.done $0x0  }
0x1bf: {  	s0 =	rddreg [dreg:$0xe];
	[sflag:s30] =	ssyncadd.s32 $0xFFFFFF80  }
0x1c0: {  	[tilespmem:s25], [sflag:$0x2] =	stream.indirect.gather [hbm4b:s1+s22], $0x80, s0, s22, $0xb8;
	[tilespmem:$0x1D300] =	vst v63  }
0x1c1: {  	_ =	swait.ge [sflag:s26], $0x4000  }
0x1c2: {  	[sflag:s26] =	ssyncset.done $0x0  }
0x1c3: {  	[sflag:s26] =	ssyncadd.s32 $0xFFFFC000  }
0x1c4: {  	[spmem:s3] =	stream.indirect.scatter.add.f32 [tilespmem:s25], [sflag:$0x4], $0x80, s16, s22, $0xb8;
	[tilespmem:$0x1D300] =	vst v63  }
0x1c5: {  	_ = 	snop  }
0x1c6: {  	[spmem:s4] =	stream.indirect.scatter.add.f32 [tilespmem:s24], [sflag:$0x5], $0x1, s16, s22, $0xb8;
	[tilespmem:$0x1D300] =	vst v63  }
0x1c7: {  	_ =	swait.ge [sflag:s29], $0x4000  }
0x1c8: {  	[sflag:s29] =	ssyncset.done $0x0  }
0x1c9: {  	[sflag:s29] =	ssyncadd.s32 $0xFFFFC000  }
0x1ca: {  	_ =	swait.ge [sflag:s30], $0x80  }
0x1cb: {  	[sflag:s30] =	ssyncset.done $0x0  }
0x1cc: {  	s0 =	rddreg [dreg:$0xf];
	[sflag:s30] =	ssyncadd.s32 $0xFFFFFF80  }
0x1cd: {  	[tilespmem:s19], [sflag:$0x1] =	stream.indirect.gather [hbm4b:s1+s22], $0x80, s0, s22, $0xb8;
	[tilespmem:$0x1D300] =	vst v63  }
0x1ce: {  	_ =	swait.ge [sflag:s23], $0x4000  }
0x1cf: {  	[sflag:s23] =	ssyncset.done $0x0  }
0x1d0: {  	[sflag:s23] =	ssyncadd.s32 $0xFFFFC000  }
0x1d1: {  	[spmem:s3] =	stream.indirect.scatter.add.f32 [tilespmem:s19], [sflag:$0x3], $0x80, s17, s22, $0xb8;
	[tilespmem:$0x1D300] =	vst v63  }
0x1d2: {  	_ = 	snop  }
0x1d3: {  	[spmem:s4] =	stream.indirect.scatter.add.f32 [tilespmem:s24], [sflag:$0x5], $0x1, s17, s22, $0xb8;
	[tilespmem:$0x1D300] =	vst v63  }
0x1d4: {  	_ =	swait.ge [sflag:s2], $0x4000  }
0x1d5: {  	[sflag:s2] =	ssyncset.done $0x0  }
0x1d6: {  	[sflag:s2] =	ssyncadd.s32 $0xFFFFC000  }
0x1d7: {  	_ =	swait.ge [sflag:s30], $0x80  }
0x1d8: {  	[sflag:s30] =	ssyncset.done $0x0  }
0x1d9: {  	s0 =	rddreg [dreg:$0x10];
	[sflag:s30] =	ssyncadd.s32 $0xFFFFFF80  }
0x1da: {  	[tilespmem:s25], [sflag:$0x2] =	stream.indirect.gather [hbm4b:s1+s22], $0x80, s0, s22, $0xb8;
	[tilespmem:$0x1D300] =	vst v63  }
0x1db: {  	_ =	swait.ge [sflag:s26], $0x4000  }
0x1dc: {  	[sflag:s26] =	ssyncset.done $0x0  }
0x1dd: {  	[sflag:s26] =	ssyncadd.s32 $0xFFFFC000  }
0x1de: {  	[spmem:s3] =	stream.indirect.scatter.add.f32 [tilespmem:s25], [sflag:$0x4], $0x80, s18, s22, $0xb8;
	[tilespmem:$0x1D300] =	vst v63  }
0x1df: {  	_ = 	snop  }
0x1e0: {  	[spmem:s4] =	stream.indirect.scatter.add.f32 [tilespmem:s24], [sflag:$0x5], $0x1, s18, s22, $0xb8;
	[tilespmem:$0x1D300] =	vst v63  }
0x1e1: {  	_ =	swait.ge [sflag:s29], $0x4000  }
0x1e2: {  	[sflag:s29] =	ssyncset.done $0x0  }
0x1e3: {  	[sflag:s29] =	ssyncadd.s32 $0xFFFFC000  }
0x1e4: {  	_ =	swait.ge [sflag:s30], $0x80  }
0x1e5: {  	[sflag:s30] =	ssyncset.done $0x0  }
0x1e6: {  	s0 =	rddreg [dreg:$0x11];
	[sflag:s30] =	ssyncadd.s32 $0xFFFFFF80  }
0x1e7: {  	[tilespmem:s19], [sflag:$0x1] =	stream.indirect.gather [hbm4b:s1+s22], $0x80, s0, s22, $0xb8;
	[tilespmem:$0x1D300] =	vst v63  }
0x1e8: {  	_ =	swait.ge [sflag:s23], $0x4000  }
0x1e9: {  	[sflag:s23] =	ssyncset.done $0x0  }
0x1ea: {  	[sflag:s23] =	ssyncadd.s32 $0xFFFFC000  }
0x1eb: {  	[spmem:s3] =	stream.indirect.scatter.add.f32 [tilespmem:s19], [sflag:$0x3], $0x80, s6, s22, $0xb8;
	[tilespmem:$0x1D300] =	vst v63  }
0x1ec: {  	_ = 	snop  }
0x1ed: {  	[spmem:s4] =	stream.indirect.scatter.add.f32 [tilespmem:s24], [sflag:$0x5], $0x1, s6, s22, $0xb8;
	[tilespmem:$0x1D300] =	vst v63  }
0x1ee: {  	_ =	swait.ge [sflag:s2], $0x4000  }
0x1ef: {  	[sflag:s2] =	ssyncset.done $0x0  }
0x1f0: {  	[sflag:s2] =	ssyncadd.s32 $0xFFFFC000  }
0x1f1: {  	_ =	swait.ge [sflag:s30], $0x80  }
0x1f2: {  	[sflag:s30] =	ssyncset.done $0x0  }
0x1f3: {  	s0 =	rddreg [dreg:$0x12];
	[sflag:s30] =	ssyncadd.s32 $0xFFFFFF80  }
0x1f4: {  	[tilespmem:s25], [sflag:$0x2] =	stream.indirect.gather [hbm4b:s1+s22], $0x80, s0, s22, $0xb8;
	[tilespmem:$0x1D300] =	vst v63  }
0x1f5: {  	_ =	swait.ge [sflag:s26], $0x4000  }
0x1f6: {  	[sflag:s26] =	ssyncset.done $0x0  }
0x1f7: {  	s0 =	simm.s32 $0xE80;
	[sflag:s26] =	ssyncadd.s32 $0xFFFFC000  }
0x1f8: {  	[spmem:s3] =	stream.indirect.scatter.add.f32 [tilespmem:s25], [sflag:$0x4], $0x80, s0, s22, $0xb8;
	[tilespmem:$0x1D300] =	vst v63  }
0x1f9: {  	_ = 	snop  }
0x1fa: {  	[spmem:s4] =	stream.indirect.scatter.add.f32 [tilespmem:s24], [sflag:$0x5], $0x1, s0, s22, $0xb8;
	[tilespmem:$0x1D300] =	vst v63  }
0x1fb: {  	_ =	swait.ge [sflag:s29], $0x4000  }
0x1fc: {  	[sflag:s29] =	ssyncset.done $0x0  }
0x1fd: {  	[sflag:s29] =	ssyncadd.s32 $0xFFFFC000  }
0x1fe: {  	_ =	swait.ge [sflag:s30], $0x80  }
0x1ff: {  	[sflag:s30] =	ssyncset.done $0x0  }
0x200: {  	s0 =	rddreg [dreg:$0x13];
	[sflag:s30] =	ssyncadd.s32 $0xFFFFFF80  }
0x201: {  	[tilespmem:s19], [sflag:$0x1] =	stream.indirect.gather [hbm4b:s1+s22], $0x80, s0, s22, $0xb8;
	[tilespmem:$0x1D300] =	vst v63  }
0x202: {  	_ =	swait.ge [sflag:s23], $0x4000  }
0x203: {  	[sflag:s23] =	ssyncset.done $0x0  }
0x204: {  	s0 =	simm.s32 $0xF00;
	[sflag:s23] =	ssyncadd.s32 $0xFFFFC000  }
0x205: {  	[spmem:s3] =	stream.indirect.scatter.add.f32 [tilespmem:s19], [sflag:$0x3], $0x80, s0, s22, $0xb8;
	[tilespmem:$0x1D300] =	vst v63  }
0x206: {  	_ = 	snop  }
0x207: {  	[spmem:s4] =	stream.indirect.scatter.add.f32 [tilespmem:s24], [sflag:$0x5], $0x1, s0, s22, $0xb8;
	[tilespmem:$0x1D300] =	vst v63  }
0x208: {  	_ =	swait.ge [sflag:s2], $0x4000  }
0x209: {  	[sflag:s2] =	ssyncset.done $0x0  }
0x20a: {  	[sflag:s2] =	ssyncadd.s32 $0xFFFFC000  }
0x20b: {  	_ =	swait.ge [sflag:s30], $0x80  }
0x20c: {  	[sflag:s30] =	ssyncset.done $0x0  }
0x20d: {  	s0 =	rddreg [dreg:$0x14];
	[sflag:s30] =	ssyncadd.s32 $0xFFFFFF80  }
0x20e: {  	[tilespmem:s25], [sflag:$0x2] =	stream.indirect.gather [hbm4b:s1+s22], $0x80, s0, s22, $0xb8;
	[tilespmem:$0x1D300] =	vst v63  }
0x20f: {  	_ =	swait.ge [sflag:s26], $0x4000  }
0x210: {  	[sflag:s26] =	ssyncset.done $0x0  }
0x211: {  	s0 =	simm.s32 $0xF80;
	[sflag:s26] =	ssyncadd.s32 $0xFFFFC000  }
0x212: {  	[spmem:s3] =	stream.indirect.scatter.add.f32 [tilespmem:s25], [sflag:$0x4], $0x80, s0, s22, $0xb8;
	[tilespmem:$0x1D300] =	vst v63  }
0x213: {  	_ = 	snop  }
0x214: {  	[spmem:s4] =	stream.indirect.scatter.add.f32 [tilespmem:s24], [sflag:$0x5], $0x1, s0, s22, $0xb8;
	[tilespmem:$0x1D300] =	vst v63  }
0x215: {  	_ =	swait.ge [sflag:s29], $0x4000  }
0x216: {  	[sflag:s29] =	ssyncset.done $0x0  }
0x217: {  	[sflag:s29] =	ssyncadd.s32 $0xFFFFC000  }
0x218: {  	_ =	swait.ge [sflag:s30], $0x80  }
0x219: {  	[sflag:s30] =	ssyncset.done $0x0  }
0x21a: {  	p0 =	sne.s32 s28, $0x400;
	[sflag:s30] =	ssyncadd.s32 $0xFFFFFF80  }
.Ltmp1:
0x21b: {  	_ =	swait.ge [sflag:s2], $0x4000;
	(pc) =	sbr.rel @p0 .LBB2_4-.Ltmp1, $4  }
0x21c: {  	[sflag:s2] =	ssyncset.done $0x0  }
0x21d: {  	[sflag:s2] =	ssyncadd.s32 $0xFFFFC000  }
0x21e: {  	_ =	swait.ge [sflag:s30], $0x80  }
0x21f: {  	s28 =	sadd.s32 $0x100, s28;
	s31 =	rddreg [dreg:$0x6];
	[sflag:s30] =	ssyncset.done $0x0  }
0x220: {  	[sflag:s30] =	ssyncadd.s32 $0xFFFFFF80;
	s0 =	sadd.s32 s7, s31  }
0x221: {  	[tilespmem:s21], [sflag:$0x6] =	stream.linear.gather [hbm4b:s0+s21], $0x800, $0x38;
	[tilespmem:$0x1D300] =	vst v63  }
0x222: {  	_ =	swait.ge [sflag:s20], $0x800  }
0x223: {  	s28 =	rddreg [dreg:$0x5];
	[sflag:s20] =	ssyncset.done $0x0  }
0x224: {  	[sflag:s20] =	ssyncadd.s32 $0xFFFFF800;
	s0 =	sadd.s32 s7, s28  }
0x225: {  	[tilespmem:s5], [sflag:$0x6] =	stream.linear.gather [hbm4b:s0+s21], $0x800, $0x38;
	[tilespmem:$0x1D300] =	vst v63  }
0x226: {  	_ =	swait.ge [sflag:s20], $0x800  }
0x227: {  	[sflag:s20] =	ssyncset.done $0x0  }
0x228: {  	[sflag:s20] =	ssyncadd.s32 $0xFFFFF800  }
0x229: {  	[tilespmem:s19], [sflag:$0x1] =	stream.indirect.gather [hbm4b:s1+s22], $0x80, s21, s22, $0xb8;
	[tilespmem:$0x1D300] =	vst v63  }
0x22a: {  	_ =	swait.ge [sflag:s23], $0x4000  }
0x22b: {  	[sflag:s23] =	ssyncset.done $0x0  }
0x22c: {  	[sflag:s23] =	ssyncadd.s32 $0xFFFFC000  }
0x22d: {  	[spmem:s3] =	stream.indirect.scatter.add.f32 [tilespmem:s19], [sflag:$0x3], $0x80, s5, s22, $0xb8;
	[tilespmem:$0x1D300] =	vst v63  }
0x22e: {  	_ = 	snop  }
0x22f: {  	[spmem:s4] =	stream.indirect.scatter.add.f32 [tilespmem:s24], [sflag:$0x5], $0x1, s5, s22, $0xb8;
	[tilespmem:$0x1D300] =	vst v63  }
0x230: {  	_ = 	snop  }
0x231: {  	[tilespmem:s25], [sflag:$0x2] =	stream.indirect.gather [hbm4b:s1+s22], $0x80, s22, s22, $0xb8;
	[tilespmem:$0x1D300] =	vst v63  }
0x232: {  	_ =	swait.ge [sflag:s26], $0x4000  }
0x233: {  	[sflag:s26] =	ssyncset.done $0x0  }
0x234: {  	[sflag:s26] =	ssyncadd.s32 $0xFFFFC000  }
0x235: {  	[spmem:s3] =	stream.indirect.scatter.add.f32 [tilespmem:s25], [sflag:$0x4], $0x80, s8, s22, $0xb8;
	[tilespmem:$0x1D300] =	vst v63  }
0x236: {  	_ = 	snop  }
0x237: {  	[spmem:s4] =	stream.indirect.scatter.add.f32 [tilespmem:s24], [sflag:$0x5], $0x1, s8, s22, $0xb8;
	[tilespmem:$0x1D300] =	vst v63  }
0x238: {  	_ =	swait.ge [sflag:s29], $0x4000  }
0x239: {  	[sflag:s29] =	ssyncset.done $0x0  }
0x23a: {  	[sflag:s29] =	ssyncadd.s32 $0xFFFFC000  }
0x23b: {  	_ =	swait.ge [sflag:s30], $0x80  }
0x23c: {  	[sflag:s30] =	ssyncset.done $0x0  }
0x23d: {  	s28 =	rddreg [dreg:$0x7];
	[sflag:s30] =	ssyncadd.s32 $0xFFFFFF80  }
0x23e: {  	[tilespmem:s19], [sflag:$0x1] =	stream.indirect.gather [hbm4b:s1+s22], $0x80, s28, s22, $0xb8;
	[tilespmem:$0x1D300] =	vst v63  }
0x23f: {  	_ =	swait.ge [sflag:s23], $0x4000  }
0x240: {  	[sflag:s23] =	ssyncset.done $0x0  }
0x241: {  	[sflag:s23] =	ssyncadd.s32 $0xFFFFC000  }
0x242: {  	[spmem:s3] =	stream.indirect.scatter.add.f32 [tilespmem:s19], [sflag:$0x3], $0x80, s9, s22, $0xb8;
	[tilespmem:$0x1D300] =	vst v63  }
0x243: {  	_ = 	snop  }
0x244: {  	[spmem:s4] =	stream.indirect.scatter.add.f32 [tilespmem:s24], [sflag:$0x5], $0x1, s9, s22, $0xb8;
	[tilespmem:$0x1D300] =	vst v63  }
0x245: {  	_ =	swait.ge [sflag:s2], $0x4000  }
0x246: {  	[sflag:s2] =	ssyncset.done $0x0  }
0x247: {  	[sflag:s2] =	ssyncadd.s32 $0xFFFFC000  }
0x248: {  	_ =	swait.ge [sflag:s30], $0x80  }
0x249: {  	[sflag:s30] =	ssyncset.done $0x0  }
0x24a: {  	s5 =	rddreg [dreg:$0x8];
	[sflag:s30] =	ssyncadd.s32 $0xFFFFFF80  }
0x24b: {  	[tilespmem:s25], [sflag:$0x2] =	stream.indirect.gather [hbm4b:s1+s22], $0x80, s5, s22, $0xb8;
	[tilespmem:$0x1D300] =	vst v63  }
0x24c: {  	_ =	swait.ge [sflag:s26], $0x4000  }
0x24d: {  	[sflag:s26] =	ssyncset.done $0x0  }
0x24e: {  	[sflag:s26] =	ssyncadd.s32 $0xFFFFC000  }
0x24f: {  	[spmem:s3] =	stream.indirect.scatter.add.f32 [tilespmem:s25], [sflag:$0x4], $0x80, s10, s22, $0xb8;
	[tilespmem:$0x1D300] =	vst v63  }
0x250: {  	_ = 	snop  }
0x251: {  	[spmem:s4] =	stream.indirect.scatter.add.f32 [tilespmem:s24], [sflag:$0x5], $0x1, s10, s22, $0xb8;
	[tilespmem:$0x1D300] =	vst v63  }
0x252: {  	_ =	swait.ge [sflag:s29], $0x4000  }
0x253: {  	[sflag:s29] =	ssyncset.done $0x0  }
0x254: {  	[sflag:s29] =	ssyncadd.s32 $0xFFFFC000  }
0x255: {  	_ =	swait.ge [sflag:s30], $0x80  }
0x256: {  	[sflag:s30] =	ssyncset.done $0x0  }
0x257: {  	s7 =	rddreg [dreg:$0x9];
	[sflag:s30] =	ssyncadd.s32 $0xFFFFFF80  }
0x258: {  	[tilespmem:s19], [sflag:$0x1] =	stream.indirect.gather [hbm4b:s1+s22], $0x80, s7, s22, $0xb8;
	[tilespmem:$0x1D300] =	vst v63  }
0x259: {  	_ =	swait.ge [sflag:s23], $0x4000  }
0x25a: {  	[sflag:s23] =	ssyncset.done $0x0  }
0x25b: {  	[sflag:s23] =	ssyncadd.s32 $0xFFFFC000  }
0x25c: {  	[spmem:s3] =	stream.indirect.scatter.add.f32 [tilespmem:s19], [sflag:$0x3], $0x80, s11, s22, $0xb8;
	[tilespmem:$0x1D300] =	vst v63  }
0x25d: {  	_ = 	snop  }
0x25e: {  	[spmem:s4] =	stream.indirect.scatter.add.f32 [tilespmem:s24], [sflag:$0x5], $0x1, s11, s22, $0xb8;
	[tilespmem:$0x1D300] =	vst v63  }
0x25f: {  	_ =	swait.ge [sflag:s2], $0x4000  }
0x260: {  	[sflag:s2] =	ssyncset.done $0x0  }
0x261: {  	[sflag:s2] =	ssyncadd.s32 $0xFFFFC000  }
0x262: {  	_ =	swait.ge [sflag:s30], $0x80  }
0x263: {  	[sflag:s30] =	ssyncset.done $0x0  }
0x264: {  	s28 =	rddreg [dreg:$0xa];
	[sflag:s30] =	ssyncadd.s32 $0xFFFFFF80  }
0x265: {  	[tilespmem:s25], [sflag:$0x2] =	stream.indirect.gather [hbm4b:s1+s22], $0x80, s28, s22, $0xb8;
	[tilespmem:$0x1D300] =	vst v63  }
0x266: {  	_ =	swait.ge [sflag:s26], $0x4000  }
0x267: {  	[sflag:s26] =	ssyncset.done $0x0  }
0x268: {  	[sflag:s26] =	ssyncadd.s32 $0xFFFFC000  }
0x269: {  	[spmem:s3] =	stream.indirect.scatter.add.f32 [tilespmem:s25], [sflag:$0x4], $0x80, s12, s22, $0xb8;
	[tilespmem:$0x1D300] =	vst v63  }
0x26a: {  	_ = 	snop  }
0x26b: {  	[spmem:s4] =	stream.indirect.scatter.add.f32 [tilespmem:s24], [sflag:$0x5], $0x1, s12, s22, $0xb8;
	[tilespmem:$0x1D300] =	vst v63  }
0x26c: {  	_ =	swait.ge [sflag:s29], $0x4000  }
0x26d: {  	[sflag:s29] =	ssyncset.done $0x0  }
0x26e: {  	[sflag:s29] =	ssyncadd.s32 $0xFFFFC000  }
0x26f: {  	_ =	swait.ge [sflag:s30], $0x80  }
0x270: {  	[sflag:s30] =	ssyncset.done $0x0  }
0x271: {  	s5 =	rddreg [dreg:$0xb];
	[sflag:s30] =	ssyncadd.s32 $0xFFFFFF80  }
0x272: {  	[tilespmem:s19], [sflag:$0x1] =	stream.indirect.gather [hbm4b:s1+s22], $0x80, s5, s22, $0xb8;
	[tilespmem:$0x1D300] =	vst v63  }
0x273: {  	_ =	swait.ge [sflag:s23], $0x4000  }
0x274: {  	[sflag:s23] =	ssyncset.done $0x0  }
0x275: {  	[sflag:s23] =	ssyncadd.s32 $0xFFFFC000  }
0x276: {  	[spmem:s3] =	stream.indirect.scatter.add.f32 [tilespmem:s19], [sflag:$0x3], $0x80, s13, s22, $0xb8;
	[tilespmem:$0x1D300] =	vst v63  }
0x277: {  	_ = 	snop  }
0x278: {  	[spmem:s4] =	stream.indirect.scatter.add.f32 [tilespmem:s24], [sflag:$0x5], $0x1, s13, s22, $0xb8;
	[tilespmem:$0x1D300] =	vst v63  }
0x279: {  	_ =	swait.ge [sflag:s2], $0x4000  }
0x27a: {  	[sflag:s2] =	ssyncset.done $0x0  }
0x27b: {  	[sflag:s2] =	ssyncadd.s32 $0xFFFFC000  }
0x27c: {  	_ =	swait.ge [sflag:s30], $0x80  }
0x27d: {  	[sflag:s30] =	ssyncset.done $0x0  }
0x27e: {  	s7 =	rddreg [dreg:$0xc];
	[sflag:s30] =	ssyncadd.s32 $0xFFFFFF80  }
0x27f: {  	[tilespmem:s25], [sflag:$0x2] =	stream.indirect.gather [hbm4b:s1+s22], $0x80, s7, s22, $0xb8;
	[tilespmem:$0x1D300] =	vst v63  }
0x280: {  	_ =	swait.ge [sflag:s26], $0x4000  }
0x281: {  	[sflag:s26] =	ssyncset.done $0x0  }
0x282: {  	[sflag:s26] =	ssyncadd.s32 $0xFFFFC000  }
0x283: {  	[spmem:s3] =	stream.indirect.scatter.add.f32 [tilespmem:s25], [sflag:$0x4], $0x80, s14, s22, $0xb8;
	[tilespmem:$0x1D300] =	vst v63  }
0x284: {  	_ = 	snop  }
0x285: {  	[spmem:s4] =	stream.indirect.scatter.add.f32 [tilespmem:s24], [sflag:$0x5], $0x1, s14, s22, $0xb8;
	[tilespmem:$0x1D300] =	vst v63  }
0x286: {  	_ =	swait.ge [sflag:s29], $0x4000  }
0x287: {  	[sflag:s29] =	ssyncset.done $0x0  }
0x288: {  	[sflag:s29] =	ssyncadd.s32 $0xFFFFC000  }
0x289: {  	_ =	swait.ge [sflag:s30], $0x80  }
0x28a: {  	[sflag:s30] =	ssyncset.done $0x0  }
0x28b: {  	s28 =	rddreg [dreg:$0xd];
	[sflag:s30] =	ssyncadd.s32 $0xFFFFFF80  }
0x28c: {  	[tilespmem:s19], [sflag:$0x1] =	stream.indirect.gather [hbm4b:s1+s22], $0x80, s28, s22, $0xb8;
	[tilespmem:$0x1D300] =	vst v63  }
0x28d: {  	_ =	swait.ge [sflag:s23], $0x4000  }
0x28e: {  	[sflag:s23] =	ssyncset.done $0x0  }
0x28f: {  	[sflag:s23] =	ssyncadd.s32 $0xFFFFC000  }
0x290: {  	[spmem:s3] =	stream.indirect.scatter.add.f32 [tilespmem:s19], [sflag:$0x3], $0x80, s15, s22, $0xb8;
	[tilespmem:$0x1D300] =	vst v63  }
0x291: {  	_ = 	snop  }
0x292: {  	[spmem:s4] =	stream.indirect.scatter.add.f32 [tilespmem:s24], [sflag:$0x5], $0x1, s15, s22, $0xb8;
	[tilespmem:$0x1D300] =	vst v63  }
0x293: {  	_ =	swait.ge [sflag:s2], $0x4000  }
0x294: {  	[sflag:s2] =	ssyncset.done $0x0  }
0x295: {  	[sflag:s2] =	ssyncadd.s32 $0xFFFFC000  }
0x296: {  	_ =	swait.ge [sflag:s30], $0x80  }
0x297: {  	[sflag:s30] =	ssyncset.done $0x0  }
0x298: {  	s5 =	rddreg [dreg:$0xe];
	[sflag:s30] =	ssyncadd.s32 $0xFFFFFF80  }
0x299: {  	[tilespmem:s25], [sflag:$0x2] =	stream.indirect.gather [hbm4b:s1+s22], $0x80, s5, s22, $0xb8;
	[tilespmem:$0x1D300] =	vst v63  }
0x29a: {  	_ =	swait.ge [sflag:s26], $0x4000  }
0x29b: {  	[sflag:s26] =	ssyncset.done $0x0  }
0x29c: {  	[sflag:s26] =	ssyncadd.s32 $0xFFFFC000  }
0x29d: {  	[spmem:s3] =	stream.indirect.scatter.add.f32 [tilespmem:s25], [sflag:$0x4], $0x80, s16, s22, $0xb8;
	[tilespmem:$0x1D300] =	vst v63  }
0x29e: {  	_ = 	snop  }
0x29f: {  	[spmem:s4] =	stream.indirect.scatter.add.f32 [tilespmem:s24], [sflag:$0x5], $0x1, s16, s22, $0xb8;
	[tilespmem:$0x1D300] =	vst v63  }
0x2a0: {  	_ =	swait.ge [sflag:s29], $0x4000  }
0x2a1: {  	[sflag:s29] =	ssyncset.done $0x0  }
0x2a2: {  	[sflag:s29] =	ssyncadd.s32 $0xFFFFC000  }
0x2a3: {  	_ =	swait.ge [sflag:s30], $0x80  }
0x2a4: {  	[sflag:s30] =	ssyncset.done $0x0  }
0x2a5: {  	s7 =	rddreg [dreg:$0xf];
	[sflag:s30] =	ssyncadd.s32 $0xFFFFFF80  }
0x2a6: {  	[tilespmem:s19], [sflag:$0x1] =	stream.indirect.gather [hbm4b:s1+s22], $0x80, s7, s22, $0xb8;
	[tilespmem:$0x1D300] =	vst v63  }
0x2a7: {  	_ =	swait.ge [sflag:s23], $0x4000  }
0x2a8: {  	[sflag:s23] =	ssyncset.done $0x0  }
0x2a9: {  	[sflag:s23] =	ssyncadd.s32 $0xFFFFC000  }
0x2aa: {  	[spmem:s3] =	stream.indirect.scatter.add.f32 [tilespmem:s19], [sflag:$0x3], $0x80, s17, s22, $0xb8;
	[tilespmem:$0x1D300] =	vst v63  }
0x2ab: {  	_ = 	snop  }
0x2ac: {  	[spmem:s4] =	stream.indirect.scatter.add.f32 [tilespmem:s24], [sflag:$0x5], $0x1, s17, s22, $0xb8;
	[tilespmem:$0x1D300] =	vst v63  }
0x2ad: {  	_ =	swait.ge [sflag:s2], $0x4000  }
0x2ae: {  	[sflag:s2] =	ssyncset.done $0x0  }
0x2af: {  	[sflag:s2] =	ssyncadd.s32 $0xFFFFC000  }
0x2b0: {  	_ =	swait.ge [sflag:s30], $0x80  }
0x2b1: {  	[sflag:s30] =	ssyncset.done $0x0  }
0x2b2: {  	s28 =	rddreg [dreg:$0x10];
	[sflag:s30] =	ssyncadd.s32 $0xFFFFFF80  }
0x2b3: {  	[tilespmem:s25], [sflag:$0x2] =	stream.indirect.gather [hbm4b:s1+s22], $0x80, s28, s22, $0xb8;
	[tilespmem:$0x1D300] =	vst v63  }
0x2b4: {  	_ =	swait.ge [sflag:s26], $0x4000  }
0x2b5: {  	[sflag:s26] =	ssyncset.done $0x0  }
0x2b6: {  	[sflag:s26] =	ssyncadd.s32 $0xFFFFC000  }
0x2b7: {  	[spmem:s3] =	stream.indirect.scatter.add.f32 [tilespmem:s25], [sflag:$0x4], $0x80, s18, s22, $0xb8;
	[tilespmem:$0x1D300] =	vst v63  }
0x2b8: {  	_ = 	snop  }
0x2b9: {  	[spmem:s4] =	stream.indirect.scatter.add.f32 [tilespmem:s24], [sflag:$0x5], $0x1, s18, s22, $0xb8;
	[tilespmem:$0x1D300] =	vst v63  }
0x2ba: {  	_ =	swait.ge [sflag:s29], $0x4000  }
0x2bb: {  	[sflag:s29] =	ssyncset.done $0x0  }
0x2bc: {  	[sflag:s29] =	ssyncadd.s32 $0xFFFFC000  }
0x2bd: {  	_ =	swait.ge [sflag:s30], $0x80  }
0x2be: {  	[sflag:s30] =	ssyncset.done $0x0  }
0x2bf: {  	s5 =	rddreg [dreg:$0x11];
	[sflag:s30] =	ssyncadd.s32 $0xFFFFFF80  }
0x2c0: {  	[tilespmem:s19], [sflag:$0x1] =	stream.indirect.gather [hbm4b:s1+s22], $0x80, s5, s22, $0xb8;
	[tilespmem:$0x1D300] =	vst v63  }
0x2c1: {  	_ =	swait.ge [sflag:s23], $0x4000  }
0x2c2: {  	[sflag:s23] =	ssyncset.done $0x0  }
0x2c3: {  	[sflag:s23] =	ssyncadd.s32 $0xFFFFC000  }
0x2c4: {  	[spmem:s3] =	stream.indirect.scatter.add.f32 [tilespmem:s19], [sflag:$0x3], $0x80, s6, s22, $0xb8;
	[tilespmem:$0x1D300] =	vst v63  }
0x2c5: {  	_ = 	snop  }
0x2c6: {  	[spmem:s4] =	stream.indirect.scatter.add.f32 [tilespmem:s24], [sflag:$0x5], $0x1, s6, s22, $0xb8;
	[tilespmem:$0x1D300] =	vst v63  }
0x2c7: {  	_ =	swait.ge [sflag:s2], $0x4000  }
0x2c8: {  	[sflag:s2] =	ssyncset.done $0x0  }
0x2c9: {  	[sflag:s2] =	ssyncadd.s32 $0xFFFFC000  }
0x2ca: {  	_ =	swait.ge [sflag:s30], $0x80  }
0x2cb: {  	[sflag:s30] =	ssyncset.done $0x0  }
0x2cc: {  	s6 =	rddreg [dreg:$0x12];
	[sflag:s30] =	ssyncadd.s32 $0xFFFFFF80  }
0x2cd: {  	[tilespmem:s25], [sflag:$0x2] =	stream.indirect.gather [hbm4b:s1+s22], $0x80, s6, s22, $0xb8;
	[tilespmem:$0x1D300] =	vst v63  }
0x2ce: {  	_ =	swait.ge [sflag:s26], $0x4000  }
0x2cf: {  	[sflag:s26] =	ssyncset.done $0x0  }
0x2d0: {  	s7 =	simm.s32 $0xE80;
	[sflag:s26] =	ssyncadd.s32 $0xFFFFC000  }
0x2d1: {  	[spmem:s3] =	stream.indirect.scatter.add.f32 [tilespmem:s25], [sflag:$0x4], $0x80, s7, s22, $0xb8;
	[tilespmem:$0x1D300] =	vst v63  }
0x2d2: {  	_ = 	snop  }
0x2d3: {  	[spmem:s4] =	stream.indirect.scatter.add.f32 [tilespmem:s24], [sflag:$0x5], $0x1, s7, s22, $0xb8;
	[tilespmem:$0x1D300] =	vst v63  }
0x2d4: {  	_ =	swait.ge [sflag:s29], $0x4000  }
0x2d5: {  	[sflag:s29] =	ssyncset.done $0x0  }
0x2d6: {  	[sflag:s29] =	ssyncadd.s32 $0xFFFFC000  }
0x2d7: {  	_ =	swait.ge [sflag:s30], $0x80  }
0x2d8: {  	[sflag:s30] =	ssyncset.done $0x0  }
0x2d9: {  	s28 =	rddreg [dreg:$0x13];
	[sflag:s30] =	ssyncadd.s32 $0xFFFFFF80  }
0x2da: {  	[tilespmem:s19], [sflag:$0x1] =	stream.indirect.gather [hbm4b:s1+s22], $0x80, s28, s22, $0xb8;
	[tilespmem:$0x1D300] =	vst v63  }
0x2db: {  	_ =	swait.ge [sflag:s23], $0x4000  }
0x2dc: {  	[sflag:s23] =	ssyncset.done $0x0  }
0x2dd: {  	s5 =	simm.s32 $0xF00;
	[sflag:s23] =	ssyncadd.s32 $0xFFFFC000  }
0x2de: {  	[spmem:s3] =	stream.indirect.scatter.add.f32 [tilespmem:s19], [sflag:$0x3], $0x80, s5, s22, $0xb8;
	[tilespmem:$0x1D300] =	vst v63  }
0x2df: {  	_ = 	snop  }
0x2e0: {  	[spmem:s4] =	stream.indirect.scatter.add.f32 [tilespmem:s24], [sflag:$0x5], $0x1, s5, s22, $0xb8;
	[tilespmem:$0x1D300] =	vst v63  }
0x2e1: {  	_ =	swait.ge [sflag:s2], $0x4000  }
0x2e2: {  	[sflag:s2] =	ssyncset.done $0x0  }
0x2e3: {  	[sflag:s2] =	ssyncadd.s32 $0xFFFFC000  }
0x2e4: {  	_ =	swait.ge [sflag:s30], $0x80  }
0x2e5: {  	[sflag:s30] =	ssyncset.done $0x0  }
0x2e6: {  	s6 =	rddreg [dreg:$0x14];
	[sflag:s30] =	ssyncadd.s32 $0xFFFFFF80  }
0x2e7: {  	[tilespmem:s25], [sflag:$0x2] =	stream.indirect.gather [hbm4b:s1+s22], $0x80, s6, s22, $0xb8;
	[tilespmem:$0x1D300] =	vst v63  }
0x2e8: {  	_ =	swait.ge [sflag:s26], $0x4000  }
0x2e9: {  	[sflag:s26] =	ssyncset.done $0x0  }
0x2ea: {  	s7 =	simm.s32 $0xF80;
	[sflag:s26] =	ssyncadd.s32 $0xFFFFC000  }
0x2eb: {  	[spmem:s3] =	stream.indirect.scatter.add.f32 [tilespmem:s25], [sflag:$0x4], $0x80, s7, s22, $0xb8;
	[tilespmem:$0x1D300] =	vst v63  }
0x2ec: {  	_ = 	snop  }
0x2ed: {  	[spmem:s4] =	stream.indirect.scatter.add.f32 [tilespmem:s24], [sflag:$0x5], $0x1, s7, s22, $0xb8;
	[tilespmem:$0x1D300] =	vst v63  }
0x2ee: {  	_ =	swait.ge [sflag:s29], $0x4000  }
0x2ef: {  	[sflag:s29] =	ssyncset.done $0x0  }
0x2f0: {  	[sflag:s29] =	ssyncadd.s32 $0xFFFFC000  }
0x2f1: {  	_ =	swait.ge [sflag:s30], $0x80  }
0x2f2: {  	[sflag:s30] =	ssyncset.done $0x0  }
0x2f3: {  	[sflag:s30] =	ssyncadd.s32 $0xFFFFFF80  }
0x2f4: {  	_ =	swait.ge [sflag:s2], $0x4000  }
0x2f5: {  	[sflag:s2] =	ssyncset.done $0x0  }
0x2f6: {  	[sflag:s2] =	ssyncadd.s32 $0xFFFFC000  }
0x2f7: {  	_ =	swait.ge [sflag:s30], $0x80  }
0x2f8: {  	[sflag:s30] =	ssyncset.done $0x0  }
0x2f9: {  	[sflag:s30] =	ssyncadd.s32 $0xFFFFFF80  }
0x2fa: {  	s28 =	stileid.u32;
	[bflag:$0x0] =	sbarrier.arrive $0xFFFF  }
0x2fb: {  	s0 =	sshll.u32 s28, $0x6;
	s31 =	rddreg [dreg:$0x15]  }
0x2fc: {  	s0 =	sor.u32 $0x1C06, s0;
	s28 =	rddreg [dreg:$0x1f];
	s5 =	sshrl.u32 s31, $0x3  }
0x2fd: {  	[hbm:s28], [sflag:s0] =	dma.local [spmem:s5], $0x2800  }
0x2fe: {  	_ =	swait.ge [sflag:s20], $0x2800  }
0x2ff: {  	s28 =	sld [smem:$0x7FC]  }
0x300: {  	s5 =	simm.s32 $0x20;
	[sflag:s20] =	ssyncset.done $0x0;
	s6 =	rddreg [dreg:$0x16]  }
0x301: {  	[sflag:s20] =	ssyncadd.s32 $0xFFFFD800;
	s7 =	sshrl.u32 s6, $0x3;
	s6 =	simm.s32 $0x10  }
0x302: {  	[hbm:s28@s5], [sflag:s0] =	dma.strided [spmem:s7@s6], $0x50, s23, $0x10   }
0x303: {  	_ =	swait.ge [sflag:s20], $0x50  }
0x304: {  	s7 =	sld [smem:$0x7FB]  }
0x305: {  	s28 =	sld [smem:$0x7FD];
	_ =	sdelay $0x1  }
0x306: {  	s5 =	sadd.s32 $0x1, s7  }
0x307: {  	p0 =	sne.s32 s5, s28  }
.Ltmp2:
0x308: {  	_ = 	snop;
	(pc) =	sbr.rel @p0 .LBB2_1-.Ltmp2, $3  }
0x309: {  	_ =	sdelay $0x1  }
0x30a: {  	[sflag:s20] =	ssyncset.done $0x0  }
0x30b: {  	[sflag:s20] =	ssyncadd.s32 $0xFFFFFFB0  }
0x30c: {  	_ =	sfence.sel $0x180000  }
0x30d: {  	[bflag:$0x0] =	sbarrier.arrive $0xFFFF  }
0x30e: {  	_ =	strace $0x90000047  }
0x30f: {  	s0 =	stileid.u32;
	[bflag:$0x2] =	sbarrier.arrive $0xFFFF  }
0x310: {  	p0 =	sne.s32 s0, $0x0;
	s0 =	rddreg [dreg:$0x4]  }
0x311: {  	s0 =	sadd.s32 @!p0 $0x100000, s0  }
0x312: {  	[sflag:s0] =	ssyncadd.tile.s32 @!p0 $0x1;
	_ =	shalt  }
.Lfunc_end2:
_tile_overlayer_lowered:
.L_overlay_start_2:
0x313: {  	(tag) =	ssettag $0x2  }
0x314: {  	s0 =	rddreg [dreg:$0x0];
	s2 =	stileid.u32  }
0x315: {  	s1 =	rddreg [dreg:$0x1];
	p0 =	sne.s32 s2, $0x0  }
0x316: {  	s3 =	rddreg [dreg:$0x2];
	[bflag:$0x3] =	sbarrier.arrive $0xFFFF;
	s2 =	simm.s32 @!p0 $0x1C06  }
0x317: {  	[timem:s3], [sflag:s2] =	dma.local @!p0 [hbm:s0], s1  }
0x318: {  	s0 =	simm.s32 @!p0 $0x6  }
0x319: {  	_ =	swait.ge @!p0 [sflag:s0], s1  }
0x31a: {  	s1 =	ssub.s32 @!p0 $0x0, s1;
	[sflag:s0] =	ssyncset.done @!p0 $0x0  }
0x31b: {  	[sflag:s0] =	ssyncadd.s32 @!p0 s1  }
0x31c: {  	[bflag:$0x3] =	sbarrier.arrive $0xFFFF  }
0x31d: {  	_ =	shalt  }

</sc_bundles>
